<compile_context>
chip_gen: v7x
topology: tpu7x:2x2x1
jax: 0.10.2.dev20260603
libtpu: 0.0.44.dev20260713+nightly
codegen_flags: <defaults>
</compile_context>

<pallas_src>
import functools

import jax
import jax.numpy as jnp
from jax import lax
from jax.experimental import pallas as pl
from jax.experimental.pallas import tpu as pltpu
from jax.experimental.pallas import tpu_sc as plsc

DIM = 32
EPS = 1e-08
NW = 32
BB = 128
NBUF = 3


def _rsqrt16(x):
    i = lax.bitcast_convert_type(x, jnp.int32)
    y = lax.bitcast_convert_type(
        jnp.int32(0x5F3759DF) - lax.shift_right_logical(i, 1), jnp.float32
    )
    for _ in range(2):
        y = y * (1.5 - 0.5 * x * y * y)
    return jnp.where(x < jnp.float32(EPS * EPS), jnp.float32(1.0 / EPS), y)


def _make_kernel(n_seq, n_batch):
    mesh = plsc.VectorSubcoreMesh(core_axis_name="c", subcore_axis_name="s")

    @functools.partial(
        pl.kernel,
        out_type=(
            jax.ShapeDtypeStruct((n_seq, DIM // 8, NW, 8, BB), jnp.float32),
            jax.ShapeDtypeStruct((n_seq, DIM // 8, NW, 8, BB), jnp.float32),
            jax.ShapeDtypeStruct((n_seq, 2 * DIM // 8, NW, 8, BB), jnp.float32),
        ),
        mesh=mesh,
        scratch_types=[
            pltpu.VMEM((NBUF, BB), jnp.int32),
            pltpu.VMEM((NBUF, BB, DIM), jnp.float32),
            pltpu.VMEM((NBUF, BB, DIM), jnp.float32),
            pltpu.VMEM((NBUF, DIM, BB), jnp.float32),
            pltpu.VMEM((NBUF, DIM, BB), jnp.float32),
            pltpu.VMEM((NBUF, 2 * DIM, BB), jnp.float32),
            pltpu.SemaphoreType.DMA((NBUF,)),
            pltpu.SemaphoreType.DMA((NBUF,)),
        ],
        compiler_params=pltpu.CompilerParams(
            needs_layout_passes=False, use_tc_tiling_on_sc=False
        ),
    )
    def kern(ids_hbm, base_hbm, ctx_hbm, qb_hbm, qc_hbm, qt_hbm,
             idx_v, base_v, ctx_v, tb_v, tc_v, tt_v, gsem, osem):
        wid = lax.axis_index("s") * 2 + lax.axis_index("c")
        col0 = wid * BB
        lanes = lax.iota(jnp.int32, 16)

        def issue_gathers(s, slot):
            pltpu.sync_copy(ids_hbm.at[s, wid], idx_v.at[slot])
            pltpu.async_copy(
                base_hbm.at[idx_v.at[slot]], base_v.at[slot], gsem.at[slot])
            pltpu.async_copy(
                ctx_hbm.at[idx_v.at[slot]], ctx_v.at[slot], gsem.at[slot])

        def wait_gathers(s, slot):
            pltpu.make_async_copy(
                base_hbm.at[idx_v.at[slot]], base_v.at[slot],
                gsem.at[slot]).wait()
            pltpu.make_async_copy(
                ctx_hbm.at[idx_v.at[slot]], ctx_v.at[slot],
                gsem.at[slot]).wait()

        def issue_outputs(s, slot):
            for t0 in range(DIM // 8):
                pltpu.async_copy(
                    tb_v.at[slot, pl.ds(8 * t0, 8)],
                    qb_hbm.at[s, t0, wid], osem.at[slot])
                pltpu.async_copy(
                    tc_v.at[slot, pl.ds(8 * t0, 8)],
                    qc_hbm.at[s, t0, wid], osem.at[slot])
            for t0 in range(2 * DIM // 8):
                pltpu.async_copy(
                    tt_v.at[slot, pl.ds(8 * t0, 8)],
                    qt_hbm.at[s, t0, wid], osem.at[slot])

        def drain_outputs(s, slot):
            for t0 in range(DIM // 8):
                pltpu.make_async_copy(
                    tb_v.at[slot, pl.ds(8 * t0, 8)],
                    qb_hbm.at[s, t0, wid], osem.at[slot]).wait()
                pltpu.make_async_copy(
                    tc_v.at[slot, pl.ds(8 * t0, 8)],
                    qc_hbm.at[s, t0, wid], osem.at[slot]).wait()
            for t0 in range(2 * DIM // 8):
                pltpu.make_async_copy(
                    tt_v.at[slot, pl.ds(8 * t0, 8)],
                    qt_hbm.at[s, t0, wid], osem.at[slot]).wait()

        def compute(slot):
            def group_body(g, _):
                r0 = g * 16
                ridx = r0 + lanes
                acc = [jnp.zeros((16,), jnp.float32) for _ in range(4)]
                for d in range(DIM):
                    didx = (lanes + d) & (DIM - 1)
                    vb = plsc.load_gather(base_v.at[slot], [ridx, didx])
                    plsc.store_scatter(tb_v.at[slot], [didx, ridx], vb)
                    acc[d % 4] = acc[d % 4] + vb * vb
                for d in range(DIM):
                    didx = (lanes + d) & (DIM - 1)
                    vc = plsc.load_gather(ctx_v.at[slot], [ridx, didx])
                    plsc.store_scatter(tc_v.at[slot], [didx, ridx], vc)
                    acc[d % 4] = acc[d % 4] + vc * vc
                inv = _rsqrt16((acc[0] + acc[1]) + (acc[2] + acc[3]))
                for d in range(DIM):
                    tt_v[slot, d, pl.ds(r0, 16)] = (
                        tb_v[slot, d, pl.ds(r0, 16)] * inv)
                    tt_v[slot, DIM + d, pl.ds(r0, 16)] = (
                        tc_v[slot, d, pl.ds(r0, 16)] * inv)
                return 0

            lax.fori_loop(0, BB // 16, group_body, 0)

        issue_gathers(0, 0)

        def tile_body(s, _):
            slot = lax.rem(s, NBUF)
            nslot = lax.rem(s + 1, NBUF)

            @pl.when(s >= 2)
            def _():
                drain_outputs(s - 2, nslot)

            @pl.when(s + 1 < n_seq)
            def _():
                issue_gathers(s + 1, nslot)

            wait_gathers(s, slot)
            compute(slot)
            issue_outputs(s, slot)
            return 0

        lax.fori_loop(0, n_seq, tile_body, 0)
        drain_outputs(n_seq - 2, lax.rem(n_seq - 2, NBUF))
        drain_outputs(n_seq - 1, lax.rem(n_seq - 1, NBUF))

    return kern


def kernel(concept_ids, base_table, context_table):
    b, s = concept_ids.shape
    ids_t = concept_ids.T.reshape(s, NW, BB).astype(jnp.int32)
    qb_t, qc_t, qt_t = _make_kernel(s, b)(ids_t, base_table, context_table)

    def detile(x, d):
        return x.transpose(2, 4, 0, 1, 3).reshape(b, s, d)

    return (detile(qb_t, DIM), detile(qc_t, DIM), detile(qt_t, 2 * DIM))

# --- scband reference (transcript-rebuilt; emitter-appended) ---
"""Pipeline reference for scband-word-space-85959475462598 (READ-ONLY COPY).

The authoritative reference and input builder live on the scoring server;
editing this copy changes nothing except your own understanding.
"""

import jax, jax.numpy as jnp
import numpy as np

CONCEPT_COUNT = 1000000
DIM_BASE = 32
DIM_CONTEXT = 32
EPS = 1e-08


def setup_inputs(seed: int = 0) -> dict:
    key = jax.random.key(seed)
    k_ids, k_base, k_ctx = jax.random.split(key, 3)
    concept_ids = jax.random.randint(k_ids, (4096, 200), 0, CONCEPT_COUNT, dtype=jnp.int64 if jax.config.jax_enable_x64 else jnp.int32)
    base_table = jax.random.normal(k_base, (CONCEPT_COUNT, DIM_BASE), dtype=jnp.float32) * 0.02
    context_table = jax.random.normal(k_ctx, (CONCEPT_COUNT, DIM_CONTEXT), dtype=jnp.float32) * 0.02
    return {"concept_ids": concept_ids, "base_table": base_table, "context_table": context_table}


def reference(concept_ids, base_table, context_table):
    # q_base = base_embedding(concept_ids)
    q_base = jnp.take(base_table, concept_ids, axis=0)
    # wave_enabled=False, so no modulation
    # q_context = context_embedding(concept_ids)
    q_context = jnp.take(context_table, concept_ids, axis=0)
    # q_total = cat([q_base, q_context], dim=-1)
    q_total = jnp.concatenate([q_base, q_context], axis=-1)
    # F.normalize(q_total, p=2, dim=-1, eps=EPS): x / max(||x||_2, eps)
    norm = jnp.linalg.norm(q_total, axis=-1, keepdims=True)
    q_total = q_total / jnp.maximum(norm, EPS)
    return (q_base, q_context, q_total)

if __name__ == "__main__":
    import jax
    _d = setup_inputs()
    print(jax.jit(kernel)(*tuple(_d.values())))

</pallas_src>

<mosaic_0001>
#map = affine_map<(d0, d1) -> (0, 0, 0)>
#map1 = affine_map<(d0, d1) -> (0, 0)>
#map2 = affine_map<(d0, d1) -> (0, 0, 0, 0, 0)>
module attributes {stable_mosaic.version = 14 : i64} {
  func.func @kern(%arg0: i32, %arg1: i32, %arg2: memref<200x32x128xi32, #tpu.memory_space<hbm>>, %arg3: memref<1000000x32xf32, #tpu.memory_space<hbm>>, %arg4: memref<1000000x32xf32, #tpu.memory_space<hbm>>, %arg5: memref<200x4x32x8x128xf32, #tpu.memory_space<hbm>>, %arg6: memref<200x4x32x8x128xf32, #tpu.memory_space<hbm>>, %arg7: memref<200x8x32x8x128xf32, #tpu.memory_space<hbm>>, %arg8: memref<3x128xi32, #tpu.memory_space<vmem>>, %arg9: memref<3x128x32xf32, #tpu.memory_space<vmem>>, %arg10: memref<3x128x32xf32, #tpu.memory_space<vmem>>, %arg11: memref<3x32x128xf32, #tpu.memory_space<vmem>>, %arg12: memref<3x32x128xf32, #tpu.memory_space<vmem>>, %arg13: memref<3x64x128xf32, #tpu.memory_space<vmem>>, %arg14: memref<3x!tpu.dma_semaphore, #tpu.memory_space<semaphore_mem>>, %arg15: memref<3x!tpu.dma_semaphore, #tpu.memory_space<semaphore_mem>>) attributes {dimension_semantics = [#tpu.dimension_semantics<core_parallel>, #tpu.dimension_semantics<subcore_parallel>], iteration_bounds = array<i64: 2, 16>, scalar_prefetch = 0 : i64, scratch_operands = 8 : i64, tpu.core_type = #tpu.core_type<sc_vector_subcore>, window_params = [{transform_indices = #map}, {transform_indices = #map1}, {transform_indices = #map1}, {transform_indices = #map2}, {transform_indices = #map2}, {transform_indices = #map2}]} {
    %mul3A = arith.constant 2 : i32
    %mul3A_0 = arith.muli %arg1, %mul3A : i32
    %add3A = arith.addi %mul3A_0, %arg0 : i32
    %mul3A_1 = arith.constant 128 : i32
    %mul3A_2 = arith.muli %add3A, %mul3A_1 : i32
    %iota3A = tpu.iota {dimensions = array<i32: 0>} : vector<16xi32>
    %run_scoped3A = arith.constant 0 : i32
    %run_scoped3A_3 = arith.constant 0 : i32
    "tpu.region"() ({
      %run_scoped3A_683 = tpu.sem_alloc : memref<!tpu.dma_semaphore, #tpu.memory_space<semaphore_mem>>
      %dma_start3A_684 = arith.constant 0 : i32
      %dma_start3A_685 = tpu.memref_slice %arg8[%run_scoped3A_3, %dma_start3A_684] : memref<3x128xi32, #tpu.memory_space<vmem>> -> memref<1x128xi32, #tpu.memory_space<vmem>>
      %dma_start3A_686 = tpu.memref_squeeze %dma_start3A_685 : memref<1x128xi32, #tpu.memory_space<vmem>> -> memref<128xi32, #tpu.memory_space<vmem>>
      %dma_start3A_687 = arith.constant 0 : i32
      %dma_start3A_688 = tpu.memref_slice %arg2[%run_scoped3A, %add3A, %dma_start3A_687] : memref<200x32x128xi32, #tpu.memory_space<hbm>> -> memref<1x1x128xi32, #tpu.memory_space<hbm>>
      %dma_start3A_689 = tpu.memref_squeeze %dma_start3A_688 : memref<1x1x128xi32, #tpu.memory_space<hbm>> -> memref<128xi32, #tpu.memory_space<hbm>>
      %dma_start3A_690 = arith.constant 0 : i32
      %dma_start3A_691 = tpu.memref_slice %arg8[%run_scoped3A_3, %dma_start3A_690] : memref<3x128xi32, #tpu.memory_space<vmem>> -> memref<1x128xi32, #tpu.memory_space<vmem>>
      %dma_start3A_692 = tpu.memref_squeeze %dma_start3A_691 : memref<1x128xi32, #tpu.memory_space<vmem>> -> memref<128xi32, #tpu.memory_space<vmem>>
      %dma_start3A_693 = arith.constant 0 : i32
      %dma_start3A_694 = tpu.memref_slice %arg2[%run_scoped3A, %add3A, %dma_start3A_693] : memref<200x32x128xi32, #tpu.memory_space<hbm>> -> memref<1x1x128xi32, #tpu.memory_space<hbm>>
      %dma_start3A_695 = tpu.memref_squeeze %dma_start3A_694 : memref<1x1x128xi32, #tpu.memory_space<hbm>> -> memref<128xi32, #tpu.memory_space<hbm>>
      tpu.enqueue_dma source(%dma_start3A_695 : memref<128xi32, #tpu.memory_space<hbm>>) target(%dma_start3A_692 : memref<128xi32, #tpu.memory_space<vmem>>) target_semaphore(%run_scoped3A_683 : memref<!tpu.dma_semaphore, #tpu.memory_space<semaphore_mem>>)
      %dma_wait3A_696 = arith.constant 0 : i32
      %dma_wait3A_697 = tpu.memref_slice %arg8[%run_scoped3A_3, %dma_wait3A_696] : memref<3x128xi32, #tpu.memory_space<vmem>> -> memref<1x128xi32, #tpu.memory_space<vmem>>
      %dma_wait3A_698 = tpu.memref_squeeze %dma_wait3A_697 : memref<1x128xi32, #tpu.memory_space<vmem>> -> memref<128xi32, #tpu.memory_space<vmem>>
      %dma_wait3A_699 = arith.constant 0 : i32
      %dma_wait3A_700 = tpu.memref_slice %arg2[%run_scoped3A, %add3A, %dma_wait3A_699] : memref<200x32x128xi32, #tpu.memory_space<hbm>> -> memref<1x1x128xi32, #tpu.memory_space<hbm>>
      %dma_wait3A_701 = tpu.memref_squeeze %dma_wait3A_700 : memref<1x1x128xi32, #tpu.memory_space<hbm>> -> memref<128xi32, #tpu.memory_space<hbm>>
      %dma_wait3A_702 = arith.constant 0 : i32
      %dma_wait3A_703 = tpu.memref_slice %arg8[%run_scoped3A_3, %dma_wait3A_702] : memref<3x128xi32, #tpu.memory_space<vmem>> -> memref<1x128xi32, #tpu.memory_space<vmem>>
      %dma_wait3A_704 = tpu.memref_squeeze %dma_wait3A_703 : memref<1x128xi32, #tpu.memory_space<vmem>> -> memref<128xi32, #tpu.memory_space<vmem>>
      %dma_wait3A_705 = arith.constant 0 : i32
      %dma_wait3A_706 = tpu.memref_slice %arg2[%run_scoped3A, %add3A, %dma_wait3A_705] : memref<200x32x128xi32, #tpu.memory_space<hbm>> -> memref<1x1x128xi32, #tpu.memory_space<hbm>>
      %dma_wait3A_707 = tpu.memref_squeeze %dma_wait3A_706 : memref<1x1x128xi32, #tpu.memory_space<hbm>> -> memref<128xi32, #tpu.memory_space<hbm>>
      tpu.wait_dma2 semaphore(%run_scoped3A_683 : memref<!tpu.dma_semaphore, #tpu.memory_space<semaphore_mem>>) src(%dma_wait3A_707 : memref<128xi32, #tpu.memory_space<hbm>>) dst(%dma_wait3A_704 : memref<128xi32, #tpu.memory_space<vmem>>)
      tpu.yield
    }) : () -> ()
    %dma_start3A = arith.constant 0 : i32
    %dma_start3A_4 = arith.constant 0 : i32
    %dma_start3A_5 = arith.constant 0 : i32
    %dma_start3A_6 = arith.constant 0 : i32
    %dma_start3A_7 = arith.constant 0 : i32
    %dma_start3A_8 = tpu.memref_slice %arg9[%dma_start3A_4, %dma_start3A_6, %dma_start3A_7] : memref<3x128x32xf32, #tpu.memory_space<vmem>> -> memref<1x128x32xf32, #tpu.memory_space<vmem>>
    %dma_start3A_9 = tpu.memref_squeeze %dma_start3A_8 : memref<1x128x32xf32, #tpu.memory_space<vmem>> -> memref<128x32xf32, #tpu.memory_space<vmem>>
    %dma_start3A_10 = arith.constant 0 : i32
    %dma_start3A_11 = tpu.memref_slice %arg8[%dma_start3A, %dma_start3A_10] : memref<3x128xi32, #tpu.memory_space<vmem>> -> memref<1x128xi32, #tpu.memory_space<vmem>>
    %dma_start3A_12 = tpu.memref_squeeze %dma_start3A_11 : memref<1x128xi32, #tpu.memory_space<vmem>> -> memref<128xi32, #tpu.memory_space<vmem>>
    %dma_start3A_13 = arith.constant 0 : i32
    %dma_start3A_14 = arith.constant 0 : i32
    %dma_start3A_15 = tpu.memref_slice %arg3[%dma_start3A_13, %dma_start3A_14] : memref<1000000x32xf32, #tpu.memory_space<hbm>> -> memref<1000000x32xf32, #tpu.memory_space<hbm>>
    %dma_start3A_16 = tpu.memref_slice %arg14[%dma_start3A_5] : memref<3x!tpu.dma_semaphore, #tpu.memory_space<semaphore_mem>> -> memref<1x!tpu.dma_semaphore, #tpu.memory_space<semaphore_mem>>
    %dma_start3A_17 = tpu.memref_squeeze %dma_start3A_16 : memref<1x!tpu.dma_semaphore, #tpu.memory_space<semaphore_mem>> -> memref<!tpu.dma_semaphore, #tpu.memory_space<semaphore_mem>>
    tpu.enqueue_indirect_dma source(%dma_start3A_15 : memref<1000000x32xf32, #tpu.memory_space<hbm>>) target(%dma_start3A_9 : memref<128x32xf32, #tpu.memory_space<vmem>>) offsets(%dma_start3A_12 : memref<128xi32, #tpu.memory_space<vmem>>) semaphore(%dma_start3A_17 : memref<!tpu.dma_semaphore, #tpu.memory_space<semaphore_mem>>)
    %dma_start3A_18 = arith.constant 0 : i32
    %dma_start3A_19 = arith.constant 0 : i32
    %dma_start3A_20 = arith.constant 0 : i32
    %dma_start3A_21 = arith.constant 0 : i32
    %dma_start3A_22 = arith.constant 0 : i32
    %dma_start3A_23 = tpu.memref_slice %arg10[%dma_start3A_19, %dma_start3A_21, %dma_start3A_22] : memref<3x128x32xf32, #tpu.memory_space<vmem>> -> memref<1x128x32xf32, #tpu.memory_space<vmem>>
    %dma_start3A_24 = tpu.memref_squeeze %dma_start3A_23 : memref<1x128x32xf32, #tpu.memory_space<vmem>> -> memref<128x32xf32, #tpu.memory_space<vmem>>
    %dma_start3A_25 = arith.constant 0 : i32
    %dma_start3A_26 = tpu.memref_slice %arg8[%dma_start3A_18, %dma_start3A_25] : memref<3x128xi32, #tpu.memory_space<vmem>> -> memref<1x128xi32, #tpu.memory_space<vmem>>
    %dma_start3A_27 = tpu.memref_squeeze %dma_start3A_26 : memref<1x128xi32, #tpu.memory_space<vmem>> -> memref<128xi32, #tpu.memory_space<vmem>>
    %dma_start3A_28 = arith.constant 0 : i32
    %dma_start3A_29 = arith.constant 0 : i32
    %dma_start3A_30 = tpu.memref_slice %arg4[%dma_start3A_28, %dma_start3A_29] : memref<1000000x32xf32, #tpu.memory_space<hbm>> -> memref<1000000x32xf32, #tpu.memory_space<hbm>>
    %dma_start3A_31 = tpu.memref_slice %arg14[%dma_start3A_20] : memref<3x!tpu.dma_semaphore, #tpu.memory_space<semaphore_mem>> -> memref<1x!tpu.dma_semaphore, #tpu.memory_space<semaphore_mem>>
    %dma_start3A_32 = tpu.memref_squeeze %dma_start3A_31 : memref<1x!tpu.dma_semaphore, #tpu.memory_space<semaphore_mem>> -> memref<!tpu.dma_semaphore, #tpu.memory_space<semaphore_mem>>
    tpu.enqueue_indirect_dma source(%dma_start3A_30 : memref<1000000x32xf32, #tpu.memory_space<hbm>>) target(%dma_start3A_24 : memref<128x32xf32, #tpu.memory_space<vmem>>) offsets(%dma_start3A_27 : memref<128xi32, #tpu.memory_space<vmem>>) semaphore(%dma_start3A_32 : memref<!tpu.dma_semaphore, #tpu.memory_space<semaphore_mem>>)
    %scan3A = arith.constant 0 : i32
    %scan3A_33 = arith.constant 0 : i32
    %scan3A_34 = arith.constant 200 : i32
    %scan3A_35 = arith.addi %scan3A_33, %scan3A_34 : i32
    %scan3A_36 = arith.constant 1 : i32
    %scan3A_37 = scf.for %scan3A_683 = %scan3A_33 to %scan3A_35 step %scan3A_36 iter_args(%scan3A_684 = %scan3A) -> (i32)  : i32 {
      %rem3A_685 = arith.constant 3 : i32
      %rem3A_686 = arith.remsi %scan3A_683, %rem3A_685 : i32
      %add3A_687 = arith.constant 1 : i32
      %add3A_688 = arith.addi %scan3A_683, %add3A_687 : i32
      %rem3A_689 = arith.constant 3 : i32
      %rem3A_690 = arith.remsi %add3A_688, %rem3A_689 : i32
      %ge3A = arith.constant 2 : i32
      %ge3A_691 = arith.cmpi sge, %scan3A_683, %ge3A : i32
      %convert_element_type3A = arith.extui %ge3A_691 : i1 to i32
      %cond3A = arith.constant 0 : i32
      %cond3A_692 = arith.cmpi ne, %convert_element_type3A, %cond3A : i32
      scf.if %cond3A_692 {
        %sub3A = arith.constant 2 : i32
        %sub3A_1035 = arith.subi %scan3A_683, %sub3A : i32
        %dma_wait3A_1036 = arith.constant 0 : i32
        %dma_wait3A_1037 = arith.constant 0 : i32
        %dma_wait3A_1038 = arith.constant 0 : i32
        %dma_wait3A_1039 = tpu.memref_slice %arg11[%rem3A_690, %dma_wait3A_1037, %dma_wait3A_1038] : memref<3x32x128xf32, #tpu.memory_space<vmem>> -> memref<1x8x128xf32, #tpu.memory_space<vmem>>
        %dma_wait3A_1040 = tpu.memref_squeeze %dma_wait3A_1039 : memref<1x8x128xf32, #tpu.memory_space<vmem>> -> memref<8x128xf32, #tpu.memory_space<vmem>>
        %dma_wait3A_1041 = arith.constant 0 : i32
        %dma_wait3A_1042 = arith.constant 0 : i32
        %dma_wait3A_1043 = tpu.memref_slice %arg5[%sub3A_1035, %dma_wait3A_1036, %add3A, %dma_wait3A_1041, %dma_wait3A_1042] : memref<200x4x32x8x128xf32, #tpu.memory_space<hbm>> -> memref<1x1x1x8x128xf32, #tpu.memory_space<hbm>>
        %dma_wait3A_1044 = tpu.memref_squeeze %dma_wait3A_1043 : memref<1x1x1x8x128xf32, #tpu.memory_space<hbm>> -> memref<8x128xf32, #tpu.memory_space<hbm>>
        %dma_wait3A_1045 = tpu.memref_slice %arg15[%rem3A_690] : memref<3x!tpu.dma_semaphore, #tpu.memory_space<semaphore_mem>> -> memref<1x!tpu.dma_semaphore, #tpu.memory_space<semaphore_mem>>
        %dma_wait3A_1046 = tpu.memref_squeeze %dma_wait3A_1045 : memref<1x!tpu.dma_semaphore, #tpu.memory_space<semaphore_mem>> -> memref<!tpu.dma_semaphore, #tpu.memory_space<semaphore_mem>>
        %dma_wait3A_1047 = arith.constant 0 : i32
        %dma_wait3A_1048 = arith.constant 0 : i32
        %dma_wait3A_1049 = tpu.memref_slice %arg5[%sub3A_1035, %dma_wait3A_1036, %add3A, %dma_wait3A_1047, %dma_wait3A_1048] : memref<200x4x32x8x128xf32, #tpu.memory_space<hbm>> -> memref<1x1x1x8x128xf32, #tpu.memory_space<hbm>>
        %dma_wait3A_1050 = tpu.memref_squeeze %dma_wait3A_1049 : memref<1x1x1x8x128xf32, #tpu.memory_space<hbm>> -> memref<8x128xf32, #tpu.memory_space<hbm>>
        %dma_wait3A_1051 = arith.constant 0 : i32
        %dma_wait3A_1052 = arith.constant 0 : i32
        %dma_wait3A_1053 = tpu.memref_slice %arg11[%rem3A_690, %dma_wait3A_1051, %dma_wait3A_1052] : memref<3x32x128xf32, #tpu.memory_space<vmem>> -> memref<1x8x128xf32, #tpu.memory_space<vmem>>
        %dma_wait3A_1054 = tpu.memref_squeeze %dma_wait3A_1053 : memref<1x8x128xf32, #tpu.memory_space<vmem>> -> memref<8x128xf32, #tpu.memory_space<vmem>>
        tpu.wait_dma2 semaphore(%dma_wait3A_1046 : memref<!tpu.dma_semaphore, #tpu.memory_space<semaphore_mem>>) src(%dma_wait3A_1054 : memref<8x128xf32, #tpu.memory_space<vmem>>) dst(%dma_wait3A_1050 : memref<8x128xf32, #tpu.memory_space<hbm>>)
        %dma_wait3A_1055 = arith.constant 0 : i32
        %dma_wait3A_1056 = arith.constant 0 : i32
        %dma_wait3A_1057 = arith.constant 0 : i32
        %dma_wait3A_1058 = tpu.memref_slice %arg12[%rem3A_690, %dma_wait3A_1056, %dma_wait3A_1057] : memref<3x32x128xf32, #tpu.memory_space<vmem>> -> memref<1x8x128xf32, #tpu.memory_space<vmem>>
        %dma_wait3A_1059 = tpu.memref_squeeze %dma_wait3A_1058 : memref<1x8x128xf32, #tpu.memory_space<vmem>> -> memref<8x128xf32, #tpu.memory_space<vmem>>
        %dma_wait3A_1060 = arith.constant 0 : i32
        %dma_wait3A_1061 = arith.constant 0 : i32
        %dma_wait3A_1062 = tpu.memref_slice %arg6[%sub3A_1035, %dma_wait3A_1055, %add3A, %dma_wait3A_1060, %dma_wait3A_1061] : memref<200x4x32x8x128xf32, #tpu.memory_space<hbm>> -> memref<1x1x1x8x128xf32, #tpu.memory_space<hbm>>
        %dma_wait3A_1063 = tpu.memref_squeeze %dma_wait3A_1062 : memref<1x1x1x8x128xf32, #tpu.memory_space<hbm>> -> memref<8x128xf32, #tpu.memory_space<hbm>>
        %dma_wait3A_1064 = tpu.memref_slice %arg15[%rem3A_690] : memref<3x!tpu.dma_semaphore, #tpu.memory_space<semaphore_mem>> -> memref<1x!tpu.dma_semaphore, #tpu.memory_space<semaphore_mem>>
        %dma_wait3A_1065 = tpu.memref_squeeze %dma_wait3A_1064 : memref<1x!tpu.dma_semaphore, #tpu.memory_space<semaphore_mem>> -> memref<!tpu.dma_semaphore, #tpu.memory_space<semaphore_mem>>
        %dma_wait3A_1066 = arith.constant 0 : i32
        %dma_wait3A_1067 = arith.constant 0 : i32
        %dma_wait3A_1068 = tpu.memref_slice %arg6[%sub3A_1035, %dma_wait3A_1055, %add3A, %dma_wait3A_1066, %dma_wait3A_1067] : memref<200x4x32x8x128xf32, #tpu.memory_space<hbm>> -> memref<1x1x1x8x128xf32, #tpu.memory_space<hbm>>
        %dma_wait3A_1069 = tpu.memref_squeeze %dma_wait3A_1068 : memref<1x1x1x8x128xf32, #tpu.memory_space<hbm>> -> memref<8x128xf32, #tpu.memory_space<hbm>>
        %dma_wait3A_1070 = arith.constant 0 : i32
        %dma_wait3A_1071 = arith.constant 0 : i32
        %dma_wait3A_1072 = tpu.memref_slice %arg12[%rem3A_690, %dma_wait3A_1070, %dma_wait3A_1071] : memref<3x32x128xf32, #tpu.memory_space<vmem>> -> memref<1x8x128xf32, #tpu.memory_space<vmem>>
        %dma_wait3A_1073 = tpu.memref_squeeze %dma_wait3A_1072 : memref<1x8x128xf32, #tpu.memory_space<vmem>> -> memref<8x128xf32, #tpu.memory_space<vmem>>
        tpu.wait_dma2 semaphore(%dma_wait3A_1065 : memref<!tpu.dma_semaphore, #tpu.memory_space<semaphore_mem>>) src(%dma_wait3A_1073 : memref<8x128xf32, #tpu.memory_space<vmem>>) dst(%dma_wait3A_1069 : memref<8x128xf32, #tpu.memory_space<hbm>>)
        %dma_wait3A_1074 = arith.constant 1 : i32
        %dma_wait3A_1075 = arith.constant 8 : i32
        %dma_wait3A_1076 = arith.constant 0 : i32
        %dma_wait3A_1077 = tpu.memref_slice %arg11[%rem3A_690, %dma_wait3A_1075, %dma_wait3A_1076] : memref<3x32x128xf32, #tpu.memory_space<vmem>> -> memref<1x8x128xf32, #tpu.memory_space<vmem>>
        %dma_wait3A_1078 = tpu.memref_squeeze %dma_wait3A_1077 : memref<1x8x128xf32, #tpu.memory_space<vmem>> -> memref<8x128xf32, #tpu.memory_space<vmem>>
        %dma_wait3A_1079 = arith.constant 0 : i32
        %dma_wait3A_1080 = arith.constant 0 : i32
        %dma_wait3A_1081 = tpu.memref_slice %arg5[%sub3A_1035, %dma_wait3A_1074, %add3A, %dma_wait3A_1079, %dma_wait3A_1080] : memref<200x4x32x8x128xf32, #tpu.memory_space<hbm>> -> memref<1x1x1x8x128xf32, #tpu.memory_space<hbm>>
        %dma_wait3A_1082 = tpu.memref_squeeze %dma_wait3A_1081 : memref<1x1x1x8x128xf32, #tpu.memory_space<hbm>> -> memref<8x128xf32, #tpu.memory_space<hbm>>
        %dma_wait3A_1083 = tpu.memref_slice %arg15[%rem3A_690] : memref<3x!tpu.dma_semaphore, #tpu.memory_space<semaphore_mem>> -> memref<1x!tpu.dma_semaphore, #tpu.memory_space<semaphore_mem>>
        %dma_wait3A_1084 = tpu.memref_squeeze %dma_wait3A_1083 : memref<1x!tpu.dma_semaphore, #tpu.memory_space<semaphore_mem>> -> memref<!tpu.dma_semaphore, #tpu.memory_space<semaphore_mem>>
        %dma_wait3A_1085 = arith.constant 0 : i32
        %dma_wait3A_1086 = arith.constant 0 : i32
        %dma_wait3A_1087 = tpu.memref_slice %arg5[%sub3A_1035, %dma_wait3A_1074, %add3A, %dma_wait3A_1085, %dma_wait3A_1086] : memref<200x4x32x8x128xf32, #tpu.memory_space<hbm>> -> memref<1x1x1x8x128xf32, #tpu.memory_space<hbm>>
        %dma_wait3A_1088 = tpu.memref_squeeze %dma_wait3A_1087 : memref<1x1x1x8x128xf32, #tpu.memory_space<hbm>> -> memref<8x128xf32, #tpu.memory_space<hbm>>
        %dma_wait3A_1089 = arith.constant 8 : i32
        %dma_wait3A_1090 = arith.constant 0 : i32
        %dma_wait3A_1091 = tpu.memref_slice %arg11[%rem3A_690, %dma_wait3A_1089, %dma_wait3A_1090] : memref<3x32x128xf32, #tpu.memory_space<vmem>> -> memref<1x8x128xf32, #tpu.memory_space<vmem>>
        %dma_wait3A_1092 = tpu.memref_squeeze %dma_wait3A_1091 : memref<1x8x128xf32, #tpu.memory_space<vmem>> -> memref<8x128xf32, #tpu.memory_space<vmem>>
        tpu.wait_dma2 semaphore(%dma_wait3A_1084 : memref<!tpu.dma_semaphore, #tpu.memory_space<semaphore_mem>>) src(%dma_wait3A_1092 : memref<8x128xf32, #tpu.memory_space<vmem>>) dst(%dma_wait3A_1088 : memref<8x128xf32, #tpu.memory_space<hbm>>)
        %dma_wait3A_1093 = arith.constant 1 : i32
        %dma_wait3A_1094 = arith.constant 8 : i32
        %dma_wait3A_1095 = arith.constant 0 : i32
        %dma_wait3A_1096 = tpu.memref_slice %arg12[%rem3A_690, %dma_wait3A_1094, %dma_wait3A_1095] : memref<3x32x128xf32, #tpu.memory_space<vmem>> -> memref<1x8x128xf32, #tpu.memory_space<vmem>>
        %dma_wait3A_1097 = tpu.memref_squeeze %dma_wait3A_1096 : memref<1x8x128xf32, #tpu.memory_space<vmem>> -> memref<8x128xf32, #tpu.memory_space<vmem>>
        %dma_wait3A_1098 = arith.constant 0 : i32
        %dma_wait3A_1099 = arith.constant 0 : i32
        %dma_wait3A_1100 = tpu.memref_slice %arg6[%sub3A_1035, %dma_wait3A_1093, %add3A, %dma_wait3A_1098, %dma_wait3A_1099] : memref<200x4x32x8x128xf32, #tpu.memory_space<hbm>> -> memref<1x1x1x8x128xf32, #tpu.memory_space<hbm>>
        %dma_wait3A_1101 = tpu.memref_squeeze %dma_wait3A_1100 : memref<1x1x1x8x128xf32, #tpu.memory_space<hbm>> -> memref<8x128xf32, #tpu.memory_space<hbm>>
        %dma_wait3A_1102 = tpu.memref_slice %arg15[%rem3A_690] : memref<3x!tpu.dma_semaphore, #tpu.memory_space<semaphore_mem>> -> memref<1x!tpu.dma_semaphore, #tpu.memory_space<semaphore_mem>>
        %dma_wait3A_1103 = tpu.memref_squeeze %dma_wait3A_1102 : memref<1x!tpu.dma_semaphore, #tpu.memory_space<semaphore_mem>> -> memref<!tpu.dma_semaphore, #tpu.memory_space<semaphore_mem>>
        %dma_wait3A_1104 = arith.constant 0 : i32
        %dma_wait3A_1105 = arith.constant 0 : i32
        %dma_wait3A_1106 = tpu.memref_slice %arg6[%sub3A_1035, %dma_wait3A_1093, %add3A, %dma_wait3A_1104, %dma_wait3A_1105] : memref<200x4x32x8x128xf32, #tpu.memory_space<hbm>> -> memref<1x1x1x8x128xf32, #tpu.memory_space<hbm>>
        %dma_wait3A_1107 = tpu.memref_squeeze %dma_wait3A_1106 : memref<1x1x1x8x128xf32, #tpu.memory_space<hbm>> -> memref<8x128xf32, #tpu.memory_space<hbm>>
        %dma_wait3A_1108 = arith.constant 8 : i32
        %dma_wait3A_1109 = arith.constant 0 : i32
        %dma_wait3A_1110 = tpu.memref_slice %arg12[%rem3A_690, %dma_wait3A_1108, %dma_wait3A_1109] : memref<3x32x128xf32, #tpu.memory_space<vmem>> -> memref<1x8x128xf32, #tpu.memory_space<vmem>>
        %dma_wait3A_1111 = tpu.memref_squeeze %dma_wait3A_1110 : memref<1x8x128xf32, #tpu.memory_space<vmem>> -> memref<8x128xf32, #tpu.memory_space<vmem>>
        tpu.wait_dma2 semaphore(%dma_wait3A_1103 : memref<!tpu.dma_semaphore, #tpu.memory_space<semaphore_mem>>) src(%dma_wait3A_1111 : memref<8x128xf32, #tpu.memory_space<vmem>>) dst(%dma_wait3A_1107 : memref<8x128xf32, #tpu.memory_space<hbm>>)
        %dma_wait3A_1112 = arith.constant 2 : i32
        %dma_wait3A_1113 = arith.constant 16 : i32
        %dma_wait3A_1114 = arith.constant 0 : i32
        %dma_wait3A_1115 = tpu.memref_slice %arg11[%rem3A_690, %dma_wait3A_1113, %dma_wait3A_1114] : memref<3x32x128xf32, #tpu.memory_space<vmem>> -> memref<1x8x128xf32, #tpu.memory_space<vmem>>
        %dma_wait3A_1116 = tpu.memref_squeeze %dma_wait3A_1115 : memref<1x8x128xf32, #tpu.memory_space<vmem>> -> memref<8x128xf32, #tpu.memory_space<vmem>>
        %dma_wait3A_1117 = arith.constant 0 : i32
        %dma_wait3A_1118 = arith.constant 0 : i32
        %dma_wait3A_1119 = tpu.memref_slice %arg5[%sub3A_1035, %dma_wait3A_1112, %add3A, %dma_wait3A_1117, %dma_wait3A_1118] : memref<200x4x32x8x128xf32, #tpu.memory_space<hbm>> -> memref<1x1x1x8x128xf32, #tpu.memory_space<hbm>>
        %dma_wait3A_1120 = tpu.memref_squeeze %dma_wait3A_1119 : memref<1x1x1x8x128xf32, #tpu.memory_space<hbm>> -> memref<8x128xf32, #tpu.memory_space<hbm>>
        %dma_wait3A_1121 = tpu.memref_slice %arg15[%rem3A_690] : memref<3x!tpu.dma_semaphore, #tpu.memory_space<semaphore_mem>> -> memref<1x!tpu.dma_semaphore, #tpu.memory_space<semaphore_mem>>
        %dma_wait3A_1122 = tpu.memref_squeeze %dma_wait3A_1121 : memref<1x!tpu.dma_semaphore, #tpu.memory_space<semaphore_mem>> -> memref<!tpu.dma_semaphore, #tpu.memory_space<semaphore_mem>>
        %dma_wait3A_1123 = arith.constant 0 : i32
        %dma_wait3A_1124 = arith.constant 0 : i32
        %dma_wait3A_1125 = tpu.memref_slice %arg5[%sub3A_1035, %dma_wait3A_1112, %add3A, %dma_wait3A_1123, %dma_wait3A_1124] : memref<200x4x32x8x128xf32, #tpu.memory_space<hbm>> -> memref<1x1x1x8x128xf32, #tpu.memory_space<hbm>>
        %dma_wait3A_1126 = tpu.memref_squeeze %dma_wait3A_1125 : memref<1x1x1x8x128xf32, #tpu.memory_space<hbm>> -> memref<8x128xf32, #tpu.memory_space<hbm>>
        %dma_wait3A_1127 = arith.constant 16 : i32
        %dma_wait3A_1128 = arith.constant 0 : i32
        %dma_wait3A_1129 = tpu.memref_slice %arg11[%rem3A_690, %dma_wait3A_1127, %dma_wait3A_1128] : memref<3x32x128xf32, #tpu.memory_space<vmem>> -> memref<1x8x128xf32, #tpu.memory_space<vmem>>
        %dma_wait3A_1130 = tpu.memref_squeeze %dma_wait3A_1129 : memref<1x8x128xf32, #tpu.memory_space<vmem>> -> memref<8x128xf32, #tpu.memory_space<vmem>>
        tpu.wait_dma2 semaphore(%dma_wait3A_1122 : memref<!tpu.dma_semaphore, #tpu.memory_space<semaphore_mem>>) src(%dma_wait3A_1130 : memref<8x128xf32, #tpu.memory_space<vmem>>) dst(%dma_wait3A_1126 : memref<8x128xf32, #tpu.memory_space<hbm>>)
        %dma_wait3A_1131 = arith.constant 2 : i32
        %dma_wait3A_1132 = arith.constant 16 : i32
        %dma_wait3A_1133 = arith.constant 0 : i32
        %dma_wait3A_1134 = tpu.memref_slice %arg12[%rem3A_690, %dma_wait3A_1132, %dma_wait3A_1133] : memref<3x32x128xf32, #tpu.memory_space<vmem>> -> memref<1x8x128xf32, #tpu.memory_space<vmem>>
        %dma_wait3A_1135 = tpu.memref_squeeze %dma_wait3A_1134 : memref<1x8x128xf32, #tpu.memory_space<vmem>> -> memref<8x128xf32, #tpu.memory_space<vmem>>
        %dma_wait3A_1136 = arith.constant 0 : i32
        %dma_wait3A_1137 = arith.constant 0 : i32
        %dma_wait3A_1138 = tpu.memref_slice %arg6[%sub3A_1035, %dma_wait3A_1131, %add3A, %dma_wait3A_1136, %dma_wait3A_1137] : memref<200x4x32x8x128xf32, #tpu.memory_space<hbm>> -> memref<1x1x1x8x128xf32, #tpu.memory_space<hbm>>
        %dma_wait3A_1139 = tpu.memref_squeeze %dma_wait3A_1138 : memref<1x1x1x8x128xf32, #tpu.memory_space<hbm>> -> memref<8x128xf32, #tpu.memory_space<hbm>>
        %dma_wait3A_1140 = tpu.memref_slice %arg15[%rem3A_690] : memref<3x!tpu.dma_semaphore, #tpu.memory_space<semaphore_mem>> -> memref<1x!tpu.dma_semaphore, #tpu.memory_space<semaphore_mem>>
        %dma_wait3A_1141 = tpu.memref_squeeze %dma_wait3A_1140 : memref<1x!tpu.dma_semaphore, #tpu.memory_space<semaphore_mem>> -> memref<!tpu.dma_semaphore, #tpu.memory_space<semaphore_mem>>
        %dma_wait3A_1142 = arith.constant 0 : i32
        %dma_wait3A_1143 = arith.constant 0 : i32
        %dma_wait3A_1144 = tpu.memref_slice %arg6[%sub3A_1035, %dma_wait3A_1131, %add3A, %dma_wait3A_1142, %dma_wait3A_1143] : memref<200x4x32x8x128xf32, #tpu.memory_space<hbm>> -> memref<1x1x1x8x128xf32, #tpu.memory_space<hbm>>
        %dma_wait3A_1145 = tpu.memref_squeeze %dma_wait3A_1144 : memref<1x1x1x8x128xf32, #tpu.memory_space<hbm>> -> memref<8x128xf32, #tpu.memory_space<hbm>>
        %dma_wait3A_1146 = arith.constant 16 : i32
        %dma_wait3A_1147 = arith.constant 0 : i32
        %dma_wait3A_1148 = tpu.memref_slice %arg12[%rem3A_690, %dma_wait3A_1146, %dma_wait3A_1147] : memref<3x32x128xf32, #tpu.memory_space<vmem>> -> memref<1x8x128xf32, #tpu.memory_space<vmem>>
        %dma_wait3A_1149 = tpu.memref_squeeze %dma_wait3A_1148 : memref<1x8x128xf32, #tpu.memory_space<vmem>> -> memref<8x128xf32, #tpu.memory_space<vmem>>
        tpu.wait_dma2 semaphore(%dma_wait3A_1141 : memref<!tpu.dma_semaphore, #tpu.memory_space<semaphore_mem>>) src(%dma_wait3A_1149 : memref<8x128xf32, #tpu.memory_space<vmem>>) dst(%dma_wait3A_1145 : memref<8x128xf32, #tpu.memory_space<hbm>>)
        %dma_wait3A_1150 = arith.constant 3 : i32
        %dma_wait3A_1151 = arith.constant 24 : i32
        %dma_wait3A_1152 = arith.constant 0 : i32
        %dma_wait3A_1153 = tpu.memref_slice %arg11[%rem3A_690, %dma_wait3A_1151, %dma_wait3A_1152] : memref<3x32x128xf32, #tpu.memory_space<vmem>> -> memref<1x8x128xf32, #tpu.memory_space<vmem>>
        %dma_wait3A_1154 = tpu.memref_squeeze %dma_wait3A_1153 : memref<1x8x128xf32, #tpu.memory_space<vmem>> -> memref<8x128xf32, #tpu.memory_space<vmem>>
        %dma_wait3A_1155 = arith.constant 0 : i32
        %dma_wait3A_1156 = arith.constant 0 : i32
        %dma_wait3A_1157 = tpu.memref_slice %arg5[%sub3A_1035, %dma_wait3A_1150, %add3A, %dma_wait3A_1155, %dma_wait3A_1156] : memref<200x4x32x8x128xf32, #tpu.memory_space<hbm>> -> memref<1x1x1x8x128xf32, #tpu.memory_space<hbm>>
        %dma_wait3A_1158 = tpu.memref_squeeze %dma_wait3A_1157 : memref<1x1x1x8x128xf32, #tpu.memory_space<hbm>> -> memref<8x128xf32, #tpu.memory_space<hbm>>
        %dma_wait3A_1159 = tpu.memref_slice %arg15[%rem3A_690] : memref<3x!tpu.dma_semaphore, #tpu.memory_space<semaphore_mem>> -> memref<1x!tpu.dma_semaphore, #tpu.memory_space<semaphore_mem>>
        %dma_wait3A_1160 = tpu.memref_squeeze %dma_wait3A_1159 : memref<1x!tpu.dma_semaphore, #tpu.memory_space<semaphore_mem>> -> memref<!tpu.dma_semaphore, #tpu.memory_space<semaphore_mem>>
        %dma_wait3A_1161 = arith.constant 0 : i32
        %dma_wait3A_1162 = arith.constant 0 : i32
        %dma_wait3A_1163 = tpu.memref_slice %arg5[%sub3A_1035, %dma_wait3A_1150, %add3A, %dma_wait3A_1161, %dma_wait3A_1162] : memref<200x4x32x8x128xf32, #tpu.memory_space<hbm>> -> memref<1x1x1x8x128xf32, #tpu.memory_space<hbm>>
        %dma_wait3A_1164 = tpu.memref_squeeze %dma_wait3A_1163 : memref<1x1x1x8x128xf32, #tpu.memory_space<hbm>> -> memref<8x128xf32, #tpu.memory_space<hbm>>
        %dma_wait3A_1165 = arith.constant 24 : i32
        %dma_wait3A_1166 = arith.constant 0 : i32
        %dma_wait3A_1167 = tpu.memref_slice %arg11[%rem3A_690, %dma_wait3A_1165, %dma_wait3A_1166] : memref<3x32x128xf32, #tpu.memory_space<vmem>> -> memref<1x8x128xf32, #tpu.memory_space<vmem>>
        %dma_wait3A_1168 = tpu.memref_squeeze %dma_wait3A_1167 : memref<1x8x128xf32, #tpu.memory_space<vmem>> -> memref<8x128xf32, #tpu.memory_space<vmem>>
        tpu.wait_dma2 semaphore(%dma_wait3A_1160 : memref<!tpu.dma_semaphore, #tpu.memory_space<semaphore_mem>>) src(%dma_wait3A_1168 : memref<8x128xf32, #tpu.memory_space<vmem>>) dst(%dma_wait3A_1164 : memref<8x128xf32, #tpu.memory_space<hbm>>)
        %dma_wait3A_1169 = arith.constant 3 : i32
        %dma_wait3A_1170 = arith.constant 24 : i32
        %dma_wait3A_1171 = arith.constant 0 : i32
        %dma_wait3A_1172 = tpu.memref_slice %arg12[%rem3A_690, %dma_wait3A_1170, %dma_wait3A_1171] : memref<3x32x128xf32, #tpu.memory_space<vmem>> -> memref<1x8x128xf32, #tpu.memory_space<vmem>>
        %dma_wait3A_1173 = tpu.memref_squeeze %dma_wait3A_1172 : memref<1x8x128xf32, #tpu.memory_space<vmem>> -> memref<8x128xf32, #tpu.memory_space<vmem>>
        %dma_wait3A_1174 = arith.constant 0 : i32
        %dma_wait3A_1175 = arith.constant 0 : i32
        %dma_wait3A_1176 = tpu.memref_slice %arg6[%sub3A_1035, %dma_wait3A_1169, %add3A, %dma_wait3A_1174, %dma_wait3A_1175] : memref<200x4x32x8x128xf32, #tpu.memory_space<hbm>> -> memref<1x1x1x8x128xf32, #tpu.memory_space<hbm>>
        %dma_wait3A_1177 = tpu.memref_squeeze %dma_wait3A_1176 : memref<1x1x1x8x128xf32, #tpu.memory_space<hbm>> -> memref<8x128xf32, #tpu.memory_space<hbm>>
        %dma_wait3A_1178 = tpu.memref_slice %arg15[%rem3A_690] : memref<3x!tpu.dma_semaphore, #tpu.memory_space<semaphore_mem>> -> memref<1x!tpu.dma_semaphore, #tpu.memory_space<semaphore_mem>>
        %dma_wait3A_1179 = tpu.memref_squeeze %dma_wait3A_1178 : memref<1x!tpu.dma_semaphore, #tpu.memory_space<semaphore_mem>> -> memref<!tpu.dma_semaphore, #tpu.memory_space<semaphore_mem>>
        %dma_wait3A_1180 = arith.constant 0 : i32
        %dma_wait3A_1181 = arith.constant 0 : i32
        %dma_wait3A_1182 = tpu.memref_slice %arg6[%sub3A_1035, %dma_wait3A_1169, %add3A, %dma_wait3A_1180, %dma_wait3A_1181] : memref<200x4x32x8x128xf32, #tpu.memory_space<hbm>> -> memref<1x1x1x8x128xf32, #tpu.memory_space<hbm>>
        %dma_wait3A_1183 = tpu.memref_squeeze %dma_wait3A_1182 : memref<1x1x1x8x128xf32, #tpu.memory_space<hbm>> -> memref<8x128xf32, #tpu.memory_space<hbm>>
        %dma_wait3A_1184 = arith.constant 24 : i32
        %dma_wait3A_1185 = arith.constant 0 : i32
        %dma_wait3A_1186 = tpu.memref_slice %arg12[%rem3A_690, %dma_wait3A_1184, %dma_wait3A_1185] : memref<3x32x128xf32, #tpu.memory_space<vmem>> -> memref<1x8x128xf32, #tpu.memory_space<vmem>>
        %dma_wait3A_1187 = tpu.memref_squeeze %dma_wait3A_1186 : memref<1x8x128xf32, #tpu.memory_space<vmem>> -> memref<8x128xf32, #tpu.memory_space<vmem>>
        tpu.wait_dma2 semaphore(%dma_wait3A_1179 : memref<!tpu.dma_semaphore, #tpu.memory_space<semaphore_mem>>) src(%dma_wait3A_1187 : memref<8x128xf32, #tpu.memory_space<vmem>>) dst(%dma_wait3A_1183 : memref<8x128xf32, #tpu.memory_space<hbm>>)
        %dma_wait3A_1188 = arith.constant 0 : i32
        %dma_wait3A_1189 = arith.constant 0 : i32
        %dma_wait3A_1190 = arith.constant 0 : i32
        %dma_wait3A_1191 = tpu.memref_slice %arg13[%rem3A_690, %dma_wait3A_1189, %dma_wait3A_1190] : memref<3x64x128xf32, #tpu.memory_space<vmem>> -> memref<1x8x128xf32, #tpu.memory_space<vmem>>
        %dma_wait3A_1192 = tpu.memref_squeeze %dma_wait3A_1191 : memref<1x8x128xf32, #tpu.memory_space<vmem>> -> memref<8x128xf32, #tpu.memory_space<vmem>>
        %dma_wait3A_1193 = arith.constant 0 : i32
        %dma_wait3A_1194 = arith.constant 0 : i32
        %dma_wait3A_1195 = tpu.memref_slice %arg7[%sub3A_1035, %dma_wait3A_1188, %add3A, %dma_wait3A_1193, %dma_wait3A_1194] : memref<200x8x32x8x128xf32, #tpu.memory_space<hbm>> -> memref<1x1x1x8x128xf32, #tpu.memory_space<hbm>>
        %dma_wait3A_1196 = tpu.memref_squeeze %dma_wait3A_1195 : memref<1x1x1x8x128xf32, #tpu.memory_space<hbm>> -> memref<8x128xf32, #tpu.memory_space<hbm>>
        %dma_wait3A_1197 = tpu.memref_slice %arg15[%rem3A_690] : memref<3x!tpu.dma_semaphore, #tpu.memory_space<semaphore_mem>> -> memref<1x!tpu.dma_semaphore, #tpu.memory_space<semaphore_mem>>
        %dma_wait3A_1198 = tpu.memref_squeeze %dma_wait3A_1197 : memref<1x!tpu.dma_semaphore, #tpu.memory_space<semaphore_mem>> -> memref<!tpu.dma_semaphore, #tpu.memory_space<semaphore_mem>>
        %dma_wait3A_1199 = arith.constant 0 : i32
        %dma_wait3A_1200 = arith.constant 0 : i32
        %dma_wait3A_1201 = tpu.memref_slice %arg7[%sub3A_1035, %dma_wait3A_1188, %add3A, %dma_wait3A_1199, %dma_wait3A_1200] : memref<200x8x32x8x128xf32, #tpu.memory_space<hbm>> -> memref<1x1x1x8x128xf32, #tpu.memory_space<hbm>>
        %dma_wait3A_1202 = tpu.memref_squeeze %dma_wait3A_1201 : memref<1x1x1x8x128xf32, #tpu.memory_space<hbm>> -> memref<8x128xf32, #tpu.memory_space<hbm>>
        %dma_wait3A_1203 = arith.constant 0 : i32
        %dma_wait3A_1204 = arith.constant 0 : i32
        %dma_wait3A_1205 = tpu.memref_slice %arg13[%rem3A_690, %dma_wait3A_1203, %dma_wait3A_1204] : memref<3x64x128xf32, #tpu.memory_space<vmem>> -> memref<1x8x128xf32, #tpu.memory_space<vmem>>
        %dma_wait3A_1206 = tpu.memref_squeeze %dma_wait3A_1205 : memref<1x8x128xf32, #tpu.memory_space<vmem>> -> memref<8x128xf32, #tpu.memory_space<vmem>>
        tpu.wait_dma2 semaphore(%dma_wait3A_1198 : memref<!tpu.dma_semaphore, #tpu.memory_space<semaphore_mem>>) src(%dma_wait3A_1206 : memref<8x128xf32, #tpu.memory_space<vmem>>) dst(%dma_wait3A_1202 : memref<8x128xf32, #tpu.memory_space<hbm>>)
        %dma_wait3A_1207 = arith.constant 1 : i32
        %dma_wait3A_1208 = arith.constant 8 : i32
        %dma_wait3A_1209 = arith.constant 0 : i32
        %dma_wait3A_1210 = tpu.memref_slice %arg13[%rem3A_690, %dma_wait3A_1208, %dma_wait3A_1209] : memref<3x64x128xf32, #tpu.memory_space<vmem>> -> memref<1x8x128xf32, #tpu.memory_space<vmem>>
        %dma_wait3A_1211 = tpu.memref_squeeze %dma_wait3A_1210 : memref<1x8x128xf32, #tpu.memory_space<vmem>> -> memref<8x128xf32, #tpu.memory_space<vmem>>
        %dma_wait3A_1212 = arith.constant 0 : i32
        %dma_wait3A_1213 = arith.constant 0 : i32
        %dma_wait3A_1214 = tpu.memref_slice %arg7[%sub3A_1035, %dma_wait3A_1207, %add3A, %dma_wait3A_1212, %dma_wait3A_1213] : memref<200x8x32x8x128xf32, #tpu.memory_space<hbm>> -> memref<1x1x1x8x128xf32, #tpu.memory_space<hbm>>
        %dma_wait3A_1215 = tpu.memref_squeeze %dma_wait3A_1214 : memref<1x1x1x8x128xf32, #tpu.memory_space<hbm>> -> memref<8x128xf32, #tpu.memory_space<hbm>>
        %dma_wait3A_1216 = tpu.memref_slice %arg15[%rem3A_690] : memref<3x!tpu.dma_semaphore, #tpu.memory_space<semaphore_mem>> -> memref<1x!tpu.dma_semaphore, #tpu.memory_space<semaphore_mem>>
        %dma_wait3A_1217 = tpu.memref_squeeze %dma_wait3A_1216 : memref<1x!tpu.dma_semaphore, #tpu.memory_space<semaphore_mem>> -> memref<!tpu.dma_semaphore, #tpu.memory_space<semaphore_mem>>
        %dma_wait3A_1218 = arith.constant 0 : i32
        %dma_wait3A_1219 = arith.constant 0 : i32
        %dma_wait3A_1220 = tpu.memref_slice %arg7[%sub3A_1035, %dma_wait3A_1207, %add3A, %dma_wait3A_1218, %dma_wait3A_1219] : memref<200x8x32x8x128xf32, #tpu.memory_space<hbm>> -> memref<1x1x1x8x128xf32, #tpu.memory_space<hbm>>
        %dma_wait3A_1221 = tpu.memref_squeeze %dma_wait3A_1220 : memref<1x1x1x8x128xf32, #tpu.memory_space<hbm>> -> memref<8x128xf32, #tpu.memory_space<hbm>>
        %dma_wait3A_1222 = arith.constant 8 : i32
        %dma_wait3A_1223 = arith.constant 0 : i32
        %dma_wait3A_1224 = tpu.memref_slice %arg13[%rem3A_690, %dma_wait3A_1222, %dma_wait3A_1223] : memref<3x64x128xf32, #tpu.memory_space<vmem>> -> memref<1x8x128xf32, #tpu.memory_space<vmem>>
        %dma_wait3A_1225 = tpu.memref_squeeze %dma_wait3A_1224 : memref<1x8x128xf32, #tpu.memory_space<vmem>> -> memref<8x128xf32, #tpu.memory_space<vmem>>
        tpu.wait_dma2 semaphore(%dma_wait3A_1217 : memref<!tpu.dma_semaphore, #tpu.memory_space<semaphore_mem>>) src(%dma_wait3A_1225 : memref<8x128xf32, #tpu.memory_space<vmem>>) dst(%dma_wait3A_1221 : memref<8x128xf32, #tpu.memory_space<hbm>>)
        %dma_wait3A_1226 = arith.constant 2 : i32
        %dma_wait3A_1227 = arith.constant 16 : i32
        %dma_wait3A_1228 = arith.constant 0 : i32
        %dma_wait3A_1229 = tpu.memref_slice %arg13[%rem3A_690, %dma_wait3A_1227, %dma_wait3A_1228] : memref<3x64x128xf32, #tpu.memory_space<vmem>> -> memref<1x8x128xf32, #tpu.memory_space<vmem>>
        %dma_wait3A_1230 = tpu.memref_squeeze %dma_wait3A_1229 : memref<1x8x128xf32, #tpu.memory_space<vmem>> -> memref<8x128xf32, #tpu.memory_space<vmem>>
        %dma_wait3A_1231 = arith.constant 0 : i32
        %dma_wait3A_1232 = arith.constant 0 : i32
        %dma_wait3A_1233 = tpu.memref_slice %arg7[%sub3A_1035, %dma_wait3A_1226, %add3A, %dma_wait3A_1231, %dma_wait3A_1232] : memref<200x8x32x8x128xf32, #tpu.memory_space<hbm>> -> memref<1x1x1x8x128xf32, #tpu.memory_space<hbm>>
        %dma_wait3A_1234 = tpu.memref_squeeze %dma_wait3A_1233 : memref<1x1x1x8x128xf32, #tpu.memory_space<hbm>> -> memref<8x128xf32, #tpu.memory_space<hbm>>
        %dma_wait3A_1235 = tpu.memref_slice %arg15[%rem3A_690] : memref<3x!tpu.dma_semaphore, #tpu.memory_space<semaphore_mem>> -> memref<1x!tpu.dma_semaphore, #tpu.memory_space<semaphore_mem>>
        %dma_wait3A_1236 = tpu.memref_squeeze %dma_wait3A_1235 : memref<1x!tpu.dma_semaphore, #tpu.memory_space<semaphore_mem>> -> memref<!tpu.dma_semaphore, #tpu.memory_space<semaphore_mem>>
        %dma_wait3A_1237 = arith.constant 0 : i32
        %dma_wait3A_1238 = arith.constant 0 : i32
        %dma_wait3A_1239 = tpu.memref_slice %arg7[%sub3A_1035, %dma_wait3A_1226, %add3A, %dma_wait3A_1237, %dma_wait3A_1238] : memref<200x8x32x8x128xf32, #tpu.memory_space<hbm>> -> memref<1x1x1x8x128xf32, #tpu.memory_space<hbm>>
        %dma_wait3A_1240 = tpu.memref_squeeze %dma_wait3A_1239 : memref<1x1x1x8x128xf32, #tpu.memory_space<hbm>> -> memref<8x128xf32, #tpu.memory_space<hbm>>
        %dma_wait3A_1241 = arith.constant 16 : i32
        %dma_wait3A_1242 = arith.constant 0 : i32
        %dma_wait3A_1243 = tpu.memref_slice %arg13[%rem3A_690, %dma_wait3A_1241, %dma_wait3A_1242] : memref<3x64x128xf32, #tpu.memory_space<vmem>> -> memref<1x8x128xf32, #tpu.memory_space<vmem>>
        %dma_wait3A_1244 = tpu.memref_squeeze %dma_wait3A_1243 : memref<1x8x128xf32, #tpu.memory_space<vmem>> -> memref<8x128xf32, #tpu.memory_space<vmem>>
        tpu.wait_dma2 semaphore(%dma_wait3A_1236 : memref<!tpu.dma_semaphore, #tpu.memory_space<semaphore_mem>>) src(%dma_wait3A_1244 : memref<8x128xf32, #tpu.memory_space<vmem>>) dst(%dma_wait3A_1240 : memref<8x128xf32, #tpu.memory_space<hbm>>)
        %dma_wait3A_1245 = arith.constant 3 : i32
        %dma_wait3A_1246 = arith.constant 24 : i32
        %dma_wait3A_1247 = arith.constant 0 : i32
        %dma_wait3A_1248 = tpu.memref_slice %arg13[%rem3A_690, %dma_wait3A_1246, %dma_wait3A_1247] : memref<3x64x128xf32, #tpu.memory_space<vmem>> -> memref<1x8x128xf32, #tpu.memory_space<vmem>>
        %dma_wait3A_1249 = tpu.memref_squeeze %dma_wait3A_1248 : memref<1x8x128xf32, #tpu.memory_space<vmem>> -> memref<8x128xf32, #tpu.memory_space<vmem>>
        %dma_wait3A_1250 = arith.constant 0 : i32
        %dma_wait3A_1251 = arith.constant 0 : i32
        %dma_wait3A_1252 = tpu.memref_slice %arg7[%sub3A_1035, %dma_wait3A_1245, %add3A, %dma_wait3A_1250, %dma_wait3A_1251] : memref<200x8x32x8x128xf32, #tpu.memory_space<hbm>> -> memref<1x1x1x8x128xf32, #tpu.memory_space<hbm>>
        %dma_wait3A_1253 = tpu.memref_squeeze %dma_wait3A_1252 : memref<1x1x1x8x128xf32, #tpu.memory_space<hbm>> -> memref<8x128xf32, #tpu.memory_space<hbm>>
        %dma_wait3A_1254 = tpu.memref_slice %arg15[%rem3A_690] : memref<3x!tpu.dma_semaphore, #tpu.memory_space<semaphore_mem>> -> memref<1x!tpu.dma_semaphore, #tpu.memory_space<semaphore_mem>>
        %dma_wait3A_1255 = tpu.memref_squeeze %dma_wait3A_1254 : memref<1x!tpu.dma_semaphore, #tpu.memory_space<semaphore_mem>> -> memref<!tpu.dma_semaphore, #tpu.memory_space<semaphore_mem>>
        %dma_wait3A_1256 = arith.constant 0 : i32
        %dma_wait3A_1257 = arith.constant 0 : i32
        %dma_wait3A_1258 = tpu.memref_slice %arg7[%sub3A_1035, %dma_wait3A_1245, %add3A, %dma_wait3A_1256, %dma_wait3A_1257] : memref<200x8x32x8x128xf32, #tpu.memory_space<hbm>> -> memref<1x1x1x8x128xf32, #tpu.memory_space<hbm>>
        %dma_wait3A_1259 = tpu.memref_squeeze %dma_wait3A_1258 : memref<1x1x1x8x128xf32, #tpu.memory_space<hbm>> -> memref<8x128xf32, #tpu.memory_space<hbm>>
        %dma_wait3A_1260 = arith.constant 24 : i32
        %dma_wait3A_1261 = arith.constant 0 : i32
        %dma_wait3A_1262 = tpu.memref_slice %arg13[%rem3A_690, %dma_wait3A_1260, %dma_wait3A_1261] : memref<3x64x128xf32, #tpu.memory_space<vmem>> -> memref<1x8x128xf32, #tpu.memory_space<vmem>>
        %dma_wait3A_1263 = tpu.memref_squeeze %dma_wait3A_1262 : memref<1x8x128xf32, #tpu.memory_space<vmem>> -> memref<8x128xf32, #tpu.memory_space<vmem>>
        tpu.wait_dma2 semaphore(%dma_wait3A_1255 : memref<!tpu.dma_semaphore, #tpu.memory_space<semaphore_mem>>) src(%dma_wait3A_1263 : memref<8x128xf32, #tpu.memory_space<vmem>>) dst(%dma_wait3A_1259 : memref<8x128xf32, #tpu.memory_space<hbm>>)
        %dma_wait3A_1264 = arith.constant 4 : i32
        %dma_wait3A_1265 = arith.constant 32 : i32
        %dma_wait3A_1266 = arith.constant 0 : i32
        %dma_wait3A_1267 = tpu.memref_slice %arg13[%rem3A_690, %dma_wait3A_1265, %dma_wait3A_1266] : memref<3x64x128xf32, #tpu.memory_space<vmem>> -> memref<1x8x128xf32, #tpu.memory_space<vmem>>
        %dma_wait3A_1268 = tpu.memref_squeeze %dma_wait3A_1267 : memref<1x8x128xf32, #tpu.memory_space<vmem>> -> memref<8x128xf32, #tpu.memory_space<vmem>>
        %dma_wait3A_1269 = arith.constant 0 : i32
        %dma_wait3A_1270 = arith.constant 0 : i32
        %dma_wait3A_1271 = tpu.memref_slice %arg7[%sub3A_1035, %dma_wait3A_1264, %add3A, %dma_wait3A_1269, %dma_wait3A_1270] : memref<200x8x32x8x128xf32, #tpu.memory_space<hbm>> -> memref<1x1x1x8x128xf32, #tpu.memory_space<hbm>>
        %dma_wait3A_1272 = tpu.memref_squeeze %dma_wait3A_1271 : memref<1x1x1x8x128xf32, #tpu.memory_space<hbm>> -> memref<8x128xf32, #tpu.memory_space<hbm>>
        %dma_wait3A_1273 = tpu.memref_slice %arg15[%rem3A_690] : memref<3x!tpu.dma_semaphore, #tpu.memory_space<semaphore_mem>> -> memref<1x!tpu.dma_semaphore, #tpu.memory_space<semaphore_mem>>
        %dma_wait3A_1274 = tpu.memref_squeeze %dma_wait3A_1273 : memref<1x!tpu.dma_semaphore, #tpu.memory_space<semaphore_mem>> -> memref<!tpu.dma_semaphore, #tpu.memory_space<semaphore_mem>>
        %dma_wait3A_1275 = arith.constant 0 : i32
        %dma_wait3A_1276 = arith.constant 0 : i32
        %dma_wait3A_1277 = tpu.memref_slice %arg7[%sub3A_1035, %dma_wait3A_1264, %add3A, %dma_wait3A_1275, %dma_wait3A_1276] : memref<200x8x32x8x128xf32, #tpu.memory_space<hbm>> -> memref<1x1x1x8x128xf32, #tpu.memory_space<hbm>>
        %dma_wait3A_1278 = tpu.memref_squeeze %dma_wait3A_1277 : memref<1x1x1x8x128xf32, #tpu.memory_space<hbm>> -> memref<8x128xf32, #tpu.memory_space<hbm>>
        %dma_wait3A_1279 = arith.constant 32 : i32
        %dma_wait3A_1280 = arith.constant 0 : i32
        %dma_wait3A_1281 = tpu.memref_slice %arg13[%rem3A_690, %dma_wait3A_1279, %dma_wait3A_1280] : memref<3x64x128xf32, #tpu.memory_space<vmem>> -> memref<1x8x128xf32, #tpu.memory_space<vmem>>
        %dma_wait3A_1282 = tpu.memref_squeeze %dma_wait3A_1281 : memref<1x8x128xf32, #tpu.memory_space<vmem>> -> memref<8x128xf32, #tpu.memory_space<vmem>>
        tpu.wait_dma2 semaphore(%dma_wait3A_1274 : memref<!tpu.dma_semaphore, #tpu.memory_space<semaphore_mem>>) src(%dma_wait3A_1282 : memref<8x128xf32, #tpu.memory_space<vmem>>) dst(%dma_wait3A_1278 : memref<8x128xf32, #tpu.memory_space<hbm>>)
        %dma_wait3A_1283 = arith.constant 5 : i32
        %dma_wait3A_1284 = arith.constant 40 : i32
        %dma_wait3A_1285 = arith.constant 0 : i32
        %dma_wait3A_1286 = tpu.memref_slice %arg13[%rem3A_690, %dma_wait3A_1284, %dma_wait3A_1285] : memref<3x64x128xf32, #tpu.memory_space<vmem>> -> memref<1x8x128xf32, #tpu.memory_space<vmem>>
        %dma_wait3A_1287 = tpu.memref_squeeze %dma_wait3A_1286 : memref<1x8x128xf32, #tpu.memory_space<vmem>> -> memref<8x128xf32, #tpu.memory_space<vmem>>
        %dma_wait3A_1288 = arith.constant 0 : i32
        %dma_wait3A_1289 = arith.constant 0 : i32
        %dma_wait3A_1290 = tpu.memref_slice %arg7[%sub3A_1035, %dma_wait3A_1283, %add3A, %dma_wait3A_1288, %dma_wait3A_1289] : memref<200x8x32x8x128xf32, #tpu.memory_space<hbm>> -> memref<1x1x1x8x128xf32, #tpu.memory_space<hbm>>
        %dma_wait3A_1291 = tpu.memref_squeeze %dma_wait3A_1290 : memref<1x1x1x8x128xf32, #tpu.memory_space<hbm>> -> memref<8x128xf32, #tpu.memory_space<hbm>>
        %dma_wait3A_1292 = tpu.memref_slice %arg15[%rem3A_690] : memref<3x!tpu.dma_semaphore, #tpu.memory_space<semaphore_mem>> -> memref<1x!tpu.dma_semaphore, #tpu.memory_space<semaphore_mem>>
        %dma_wait3A_1293 = tpu.memref_squeeze %dma_wait3A_1292 : memref<1x!tpu.dma_semaphore, #tpu.memory_space<semaphore_mem>> -> memref<!tpu.dma_semaphore, #tpu.memory_space<semaphore_mem>>
        %dma_wait3A_1294 = arith.constant 0 : i32
        %dma_wait3A_1295 = arith.constant 0 : i32
        %dma_wait3A_1296 = tpu.memref_slice %arg7[%sub3A_1035, %dma_wait3A_1283, %add3A, %dma_wait3A_1294, %dma_wait3A_1295] : memref<200x8x32x8x128xf32, #tpu.memory_space<hbm>> -> memref<1x1x1x8x128xf32, #tpu.memory_space<hbm>>
        %dma_wait3A_1297 = tpu.memref_squeeze %dma_wait3A_1296 : memref<1x1x1x8x128xf32, #tpu.memory_space<hbm>> -> memref<8x128xf32, #tpu.memory_space<hbm>>
        %dma_wait3A_1298 = arith.constant 40 : i32
        %dma_wait3A_1299 = arith.constant 0 : i32
        %dma_wait3A_1300 = tpu.memref_slice %arg13[%rem3A_690, %dma_wait3A_1298, %dma_wait3A_1299] : memref<3x64x128xf32, #tpu.memory_space<vmem>> -> memref<1x8x128xf32, #tpu.memory_space<vmem>>
        %dma_wait3A_1301 = tpu.memref_squeeze %dma_wait3A_1300 : memref<1x8x128xf32, #tpu.memory_space<vmem>> -> memref<8x128xf32, #tpu.memory_space<vmem>>
        tpu.wait_dma2 semaphore(%dma_wait3A_1293 : memref<!tpu.dma_semaphore, #tpu.memory_space<semaphore_mem>>) src(%dma_wait3A_1301 : memref<8x128xf32, #tpu.memory_space<vmem>>) dst(%dma_wait3A_1297 : memref<8x128xf32, #tpu.memory_space<hbm>>)
        %dma_wait3A_1302 = arith.constant 6 : i32
        %dma_wait3A_1303 = arith.constant 48 : i32
        %dma_wait3A_1304 = arith.constant 0 : i32
        %dma_wait3A_1305 = tpu.memref_slice %arg13[%rem3A_690, %dma_wait3A_1303, %dma_wait3A_1304] : memref<3x64x128xf32, #tpu.memory_space<vmem>> -> memref<1x8x128xf32, #tpu.memory_space<vmem>>
        %dma_wait3A_1306 = tpu.memref_squeeze %dma_wait3A_1305 : memref<1x8x128xf32, #tpu.memory_space<vmem>> -> memref<8x128xf32, #tpu.memory_space<vmem>>
        %dma_wait3A_1307 = arith.constant 0 : i32
        %dma_wait3A_1308 = arith.constant 0 : i32
        %dma_wait3A_1309 = tpu.memref_slice %arg7[%sub3A_1035, %dma_wait3A_1302, %add3A, %dma_wait3A_1307, %dma_wait3A_1308] : memref<200x8x32x8x128xf32, #tpu.memory_space<hbm>> -> memref<1x1x1x8x128xf32, #tpu.memory_space<hbm>>
        %dma_wait3A_1310 = tpu.memref_squeeze %dma_wait3A_1309 : memref<1x1x1x8x128xf32, #tpu.memory_space<hbm>> -> memref<8x128xf32, #tpu.memory_space<hbm>>
        %dma_wait3A_1311 = tpu.memref_slice %arg15[%rem3A_690] : memref<3x!tpu.dma_semaphore, #tpu.memory_space<semaphore_mem>> -> memref<1x!tpu.dma_semaphore, #tpu.memory_space<semaphore_mem>>
        %dma_wait3A_1312 = tpu.memref_squeeze %dma_wait3A_1311 : memref<1x!tpu.dma_semaphore, #tpu.memory_space<semaphore_mem>> -> memref<!tpu.dma_semaphore, #tpu.memory_space<semaphore_mem>>
        %dma_wait3A_1313 = arith.constant 0 : i32
        %dma_wait3A_1314 = arith.constant 0 : i32
        %dma_wait3A_1315 = tpu.memref_slice %arg7[%sub3A_1035, %dma_wait3A_1302, %add3A, %dma_wait3A_1313, %dma_wait3A_1314] : memref<200x8x32x8x128xf32, #tpu.memory_space<hbm>> -> memref<1x1x1x8x128xf32, #tpu.memory_space<hbm>>
        %dma_wait3A_1316 = tpu.memref_squeeze %dma_wait3A_1315 : memref<1x1x1x8x128xf32, #tpu.memory_space<hbm>> -> memref<8x128xf32, #tpu.memory_space<hbm>>
        %dma_wait3A_1317 = arith.constant 48 : i32
        %dma_wait3A_1318 = arith.constant 0 : i32
        %dma_wait3A_1319 = tpu.memref_slice %arg13[%rem3A_690, %dma_wait3A_1317, %dma_wait3A_1318] : memref<3x64x128xf32, #tpu.memory_space<vmem>> -> memref<1x8x128xf32, #tpu.memory_space<vmem>>
        %dma_wait3A_1320 = tpu.memref_squeeze %dma_wait3A_1319 : memref<1x8x128xf32, #tpu.memory_space<vmem>> -> memref<8x128xf32, #tpu.memory_space<vmem>>
        tpu.wait_dma2 semaphore(%dma_wait3A_1312 : memref<!tpu.dma_semaphore, #tpu.memory_space<semaphore_mem>>) src(%dma_wait3A_1320 : memref<8x128xf32, #tpu.memory_space<vmem>>) dst(%dma_wait3A_1316 : memref<8x128xf32, #tpu.memory_space<hbm>>)
        %dma_wait3A_1321 = arith.constant 7 : i32
        %dma_wait3A_1322 = arith.constant 56 : i32
        %dma_wait3A_1323 = arith.constant 0 : i32
        %dma_wait3A_1324 = tpu.memref_slice %arg13[%rem3A_690, %dma_wait3A_1322, %dma_wait3A_1323] : memref<3x64x128xf32, #tpu.memory_space<vmem>> -> memref<1x8x128xf32, #tpu.memory_space<vmem>>
        %dma_wait3A_1325 = tpu.memref_squeeze %dma_wait3A_1324 : memref<1x8x128xf32, #tpu.memory_space<vmem>> -> memref<8x128xf32, #tpu.memory_space<vmem>>
        %dma_wait3A_1326 = arith.constant 0 : i32
        %dma_wait3A_1327 = arith.constant 0 : i32
        %dma_wait3A_1328 = tpu.memref_slice %arg7[%sub3A_1035, %dma_wait3A_1321, %add3A, %dma_wait3A_1326, %dma_wait3A_1327] : memref<200x8x32x8x128xf32, #tpu.memory_space<hbm>> -> memref<1x1x1x8x128xf32, #tpu.memory_space<hbm>>
        %dma_wait3A_1329 = tpu.memref_squeeze %dma_wait3A_1328 : memref<1x1x1x8x128xf32, #tpu.memory_space<hbm>> -> memref<8x128xf32, #tpu.memory_space<hbm>>
        %dma_wait3A_1330 = tpu.memref_slice %arg15[%rem3A_690] : memref<3x!tpu.dma_semaphore, #tpu.memory_space<semaphore_mem>> -> memref<1x!tpu.dma_semaphore, #tpu.memory_space<semaphore_mem>>
        %dma_wait3A_1331 = tpu.memref_squeeze %dma_wait3A_1330 : memref<1x!tpu.dma_semaphore, #tpu.memory_space<semaphore_mem>> -> memref<!tpu.dma_semaphore, #tpu.memory_space<semaphore_mem>>
        %dma_wait3A_1332 = arith.constant 0 : i32
        %dma_wait3A_1333 = arith.constant 0 : i32
        %dma_wait3A_1334 = tpu.memref_slice %arg7[%sub3A_1035, %dma_wait3A_1321, %add3A, %dma_wait3A_1332, %dma_wait3A_1333] : memref<200x8x32x8x128xf32, #tpu.memory_space<hbm>> -> memref<1x1x1x8x128xf32, #tpu.memory_space<hbm>>
        %dma_wait3A_1335 = tpu.memref_squeeze %dma_wait3A_1334 : memref<1x1x1x8x128xf32, #tpu.memory_space<hbm>> -> memref<8x128xf32, #tpu.memory_space<hbm>>
        %dma_wait3A_1336 = arith.constant 56 : i32
        %dma_wait3A_1337 = arith.constant 0 : i32
        %dma_wait3A_1338 = tpu.memref_slice %arg13[%rem3A_690, %dma_wait3A_1336, %dma_wait3A_1337] : memref<3x64x128xf32, #tpu.memory_space<vmem>> -> memref<1x8x128xf32, #tpu.memory_space<vmem>>
        %dma_wait3A_1339 = tpu.memref_squeeze %dma_wait3A_1338 : memref<1x8x128xf32, #tpu.memory_space<vmem>> -> memref<8x128xf32, #tpu.memory_space<vmem>>
        tpu.wait_dma2 semaphore(%dma_wait3A_1331 : memref<!tpu.dma_semaphore, #tpu.memory_space<semaphore_mem>>) src(%dma_wait3A_1339 : memref<8x128xf32, #tpu.memory_space<vmem>>) dst(%dma_wait3A_1335 : memref<8x128xf32, #tpu.memory_space<hbm>>)
      } else {
      }
      %add3A_693 = arith.constant 1 : i32
      %add3A_694 = arith.addi %scan3A_683, %add3A_693 : i32
      %lt3A = arith.constant 200 : i32
      %lt3A_695 = arith.cmpi slt, %add3A_694, %lt3A : i32
      %convert_element_type3A_696 = arith.extui %lt3A_695 : i1 to i32
      %cond3A_697 = arith.constant 0 : i32
      %cond3A_698 = arith.cmpi ne, %convert_element_type3A_696, %cond3A_697 : i32
      scf.if %cond3A_698 {
        %add3A_1035 = arith.constant 1 : i32
        %add3A_1036 = arith.addi %scan3A_683, %add3A_1035 : i32
        "tpu.region"() ({
          %run_scoped3A_1061 = tpu.sem_alloc : memref<!tpu.dma_semaphore, #tpu.memory_space<semaphore_mem>>
          %dma_start3A_1062 = arith.constant 0 : i32
          %dma_start3A_1063 = tpu.memref_slice %arg8[%rem3A_690, %dma_start3A_1062] : memref<3x128xi32, #tpu.memory_space<vmem>> -> memref<1x128xi32, #tpu.memory_space<vmem>>
          %dma_start3A_1064 = tpu.memref_squeeze %dma_start3A_1063 : memref<1x128xi32, #tpu.memory_space<vmem>> -> memref<128xi32, #tpu.memory_space<vmem>>
          %dma_start3A_1065 = arith.constant 0 : i32
          %dma_start3A_1066 = tpu.memref_slice %arg2[%add3A_1036, %add3A, %dma_start3A_1065] : memref<200x32x128xi32, #tpu.memory_space<hbm>> -> memref<1x1x128xi32, #tpu.memory_space<hbm>>
          %dma_start3A_1067 = tpu.memref_squeeze %dma_start3A_1066 : memref<1x1x128xi32, #tpu.memory_space<hbm>> -> memref<128xi32, #tpu.memory_space<hbm>>
          %dma_start3A_1068 = arith.constant 0 : i32
          %dma_start3A_1069 = tpu.memref_slice %arg8[%rem3A_690, %dma_start3A_1068] : memref<3x128xi32, #tpu.memory_space<vmem>> -> memref<1x128xi32, #tpu.memory_space<vmem>>
          %dma_start3A_1070 = tpu.memref_squeeze %dma_start3A_1069 : memref<1x128xi32, #tpu.memory_space<vmem>> -> memref<128xi32, #tpu.memory_space<vmem>>
          %dma_start3A_1071 = arith.constant 0 : i32
          %dma_start3A_1072 = tpu.memref_slice %arg2[%add3A_1036, %add3A, %dma_start3A_1071] : memref<200x32x128xi32, #tpu.memory_space<hbm>> -> memref<1x1x128xi32, #tpu.memory_space<hbm>>
          %dma_start3A_1073 = tpu.memref_squeeze %dma_start3A_1072 : memref<1x1x128xi32, #tpu.memory_space<hbm>> -> memref<128xi32, #tpu.memory_space<hbm>>
          tpu.enqueue_dma source(%dma_start3A_1073 : memref<128xi32, #tpu.memory_space<hbm>>) target(%dma_start3A_1070 : memref<128xi32, #tpu.memory_space<vmem>>) target_semaphore(%run_scoped3A_1061 : memref<!tpu.dma_semaphore, #tpu.memory_space<semaphore_mem>>)
          %dma_wait3A_1074 = arith.constant 0 : i32
          %dma_wait3A_1075 = tpu.memref_slice %arg8[%rem3A_690, %dma_wait3A_1074] : memref<3x128xi32, #tpu.memory_space<vmem>> -> memref<1x128xi32, #tpu.memory_space<vmem>>
          %dma_wait3A_1076 = tpu.memref_squeeze %dma_wait3A_1075 : memref<1x128xi32, #tpu.memory_space<vmem>> -> memref<128xi32, #tpu.memory_space<vmem>>
          %dma_wait3A_1077 = arith.constant 0 : i32
          %dma_wait3A_1078 = tpu.memref_slice %arg2[%add3A_1036, %add3A, %dma_wait3A_1077] : memref<200x32x128xi32, #tpu.memory_space<hbm>> -> memref<1x1x128xi32, #tpu.memory_space<hbm>>
          %dma_wait3A_1079 = tpu.memref_squeeze %dma_wait3A_1078 : memref<1x1x128xi32, #tpu.memory_space<hbm>> -> memref<128xi32, #tpu.memory_space<hbm>>
          %dma_wait3A_1080 = arith.constant 0 : i32
          %dma_wait3A_1081 = tpu.memref_slice %arg8[%rem3A_690, %dma_wait3A_1080] : memref<3x128xi32, #tpu.memory_space<vmem>> -> memref<1x128xi32, #tpu.memory_space<vmem>>
          %dma_wait3A_1082 = tpu.memref_squeeze %dma_wait3A_1081 : memref<1x128xi32, #tpu.memory_space<vmem>> -> memref<128xi32, #tpu.memory_space<vmem>>
          %dma_wait3A_1083 = arith.constant 0 : i32
          %dma_wait3A_1084 = tpu.memref_slice %arg2[%add3A_1036, %add3A, %dma_wait3A_1083] : memref<200x32x128xi32, #tpu.memory_space<hbm>> -> memref<1x1x128xi32, #tpu.memory_space<hbm>>
          %dma_wait3A_1085 = tpu.memref_squeeze %dma_wait3A_1084 : memref<1x1x128xi32, #tpu.memory_space<hbm>> -> memref<128xi32, #tpu.memory_space<hbm>>
          tpu.wait_dma2 semaphore(%run_scoped3A_1061 : memref<!tpu.dma_semaphore, #tpu.memory_space<semaphore_mem>>) src(%dma_wait3A_1085 : memref<128xi32, #tpu.memory_space<hbm>>) dst(%dma_wait3A_1082 : memref<128xi32, #tpu.memory_space<vmem>>)
          tpu.yield
        }) : () -> ()
        %dma_start3A_1037 = arith.constant 0 : i32
        %dma_start3A_1038 = arith.constant 0 : i32
        %dma_start3A_1039 = tpu.memref_slice %arg9[%rem3A_690, %dma_start3A_1037, %dma_start3A_1038] : memref<3x128x32xf32, #tpu.memory_space<vmem>> -> memref<1x128x32xf32, #tpu.memory_space<vmem>>
        %dma_start3A_1040 = tpu.memref_squeeze %dma_start3A_1039 : memref<1x128x32xf32, #tpu.memory_space<vmem>> -> memref<128x32xf32, #tpu.memory_space<vmem>>
        %dma_start3A_1041 = arith.constant 0 : i32
        %dma_start3A_1042 = tpu.memref_slice %arg8[%rem3A_690, %dma_start3A_1041] : memref<3x128xi32, #tpu.memory_space<vmem>> -> memref<1x128xi32, #tpu.memory_space<vmem>>
        %dma_start3A_1043 = tpu.memref_squeeze %dma_start3A_1042 : memref<1x128xi32, #tpu.memory_space<vmem>> -> memref<128xi32, #tpu.memory_space<vmem>>
        %dma_start3A_1044 = arith.constant 0 : i32
        %dma_start3A_1045 = arith.constant 0 : i32
        %dma_start3A_1046 = tpu.memref_slice %arg3[%dma_start3A_1044, %dma_start3A_1045] : memref<1000000x32xf32, #tpu.memory_space<hbm>> -> memref<1000000x32xf32, #tpu.memory_space<hbm>>
        %dma_start3A_1047 = tpu.memref_slice %arg14[%rem3A_690] : memref<3x!tpu.dma_semaphore, #tpu.memory_space<semaphore_mem>> -> memref<1x!tpu.dma_semaphore, #tpu.memory_space<semaphore_mem>>
        %dma_start3A_1048 = tpu.memref_squeeze %dma_start3A_1047 : memref<1x!tpu.dma_semaphore, #tpu.memory_space<semaphore_mem>> -> memref<!tpu.dma_semaphore, #tpu.memory_space<semaphore_mem>>
        tpu.enqueue_indirect_dma source(%dma_start3A_1046 : memref<1000000x32xf32, #tpu.memory_space<hbm>>) target(%dma_start3A_1040 : memref<128x32xf32, #tpu.memory_space<vmem>>) offsets(%dma_start3A_1043 : memref<128xi32, #tpu.memory_space<vmem>>) semaphore(%dma_start3A_1048 : memref<!tpu.dma_semaphore, #tpu.memory_space<semaphore_mem>>)
        %dma_start3A_1049 = arith.constant 0 : i32
        %dma_start3A_1050 = arith.constant 0 : i32
        %dma_start3A_1051 = tpu.memref_slice %arg10[%rem3A_690, %dma_start3A_1049, %dma_start3A_1050] : memref<3x128x32xf32, #tpu.memory_space<vmem>> -> memref<1x128x32xf32, #tpu.memory_space<vmem>>
        %dma_start3A_1052 = tpu.memref_squeeze %dma_start3A_1051 : memref<1x128x32xf32, #tpu.memory_space<vmem>> -> memref<128x32xf32, #tpu.memory_space<vmem>>
        %dma_start3A_1053 = arith.constant 0 : i32
        %dma_start3A_1054 = tpu.memref_slice %arg8[%rem3A_690, %dma_start3A_1053] : memref<3x128xi32, #tpu.memory_space<vmem>> -> memref<1x128xi32, #tpu.memory_space<vmem>>
        %dma_start3A_1055 = tpu.memref_squeeze %dma_start3A_1054 : memref<1x128xi32, #tpu.memory_space<vmem>> -> memref<128xi32, #tpu.memory_space<vmem>>
        %dma_start3A_1056 = arith.constant 0 : i32
        %dma_start3A_1057 = arith.constant 0 : i32
        %dma_start3A_1058 = tpu.memref_slice %arg4[%dma_start3A_1056, %dma_start3A_1057] : memref<1000000x32xf32, #tpu.memory_space<hbm>> -> memref<1000000x32xf32, #tpu.memory_space<hbm>>
        %dma_start3A_1059 = tpu.memref_slice %arg14[%rem3A_690] : memref<3x!tpu.dma_semaphore, #tpu.memory_space<semaphore_mem>> -> memref<1x!tpu.dma_semaphore, #tpu.memory_space<semaphore_mem>>
        %dma_start3A_1060 = tpu.memref_squeeze %dma_start3A_1059 : memref<1x!tpu.dma_semaphore, #tpu.memory_space<semaphore_mem>> -> memref<!tpu.dma_semaphore, #tpu.memory_space<semaphore_mem>>
        tpu.enqueue_indirect_dma source(%dma_start3A_1058 : memref<1000000x32xf32, #tpu.memory_space<hbm>>) target(%dma_start3A_1052 : memref<128x32xf32, #tpu.memory_space<vmem>>) offsets(%dma_start3A_1055 : memref<128xi32, #tpu.memory_space<vmem>>) semaphore(%dma_start3A_1060 : memref<!tpu.dma_semaphore, #tpu.memory_space<semaphore_mem>>)
      } else {
      }
      %dma_wait3A_699 = arith.constant 0 : i32
      %dma_wait3A_700 = arith.constant 0 : i32
      %dma_wait3A_701 = tpu.memref_slice %arg9[%rem3A_686, %dma_wait3A_699, %dma_wait3A_700] : memref<3x128x32xf32, #tpu.memory_space<vmem>> -> memref<1x128x32xf32, #tpu.memory_space<vmem>>
      %dma_wait3A_702 = tpu.memref_squeeze %dma_wait3A_701 : memref<1x128x32xf32, #tpu.memory_space<vmem>> -> memref<128x32xf32, #tpu.memory_space<vmem>>
      %dma_wait3A_703 = arith.constant 0 : i32
      %dma_wait3A_704 = tpu.memref_slice %arg8[%rem3A_686, %dma_wait3A_703] : memref<3x128xi32, #tpu.memory_space<vmem>> -> memref<1x128xi32, #tpu.memory_space<vmem>>
      %dma_wait3A_705 = tpu.memref_squeeze %dma_wait3A_704 : memref<1x128xi32, #tpu.memory_space<vmem>> -> memref<128xi32, #tpu.memory_space<vmem>>
      %dma_wait3A_706 = arith.constant 0 : i32
      %dma_wait3A_707 = arith.constant 0 : i32
      %dma_wait3A_708 = tpu.memref_slice %arg3[%dma_wait3A_706, %dma_wait3A_707] : memref<1000000x32xf32, #tpu.memory_space<hbm>> -> memref<1000000x32xf32, #tpu.memory_space<hbm>>
      %dma_wait3A_709 = tpu.memref_slice %arg14[%rem3A_686] : memref<3x!tpu.dma_semaphore, #tpu.memory_space<semaphore_mem>> -> memref<1x!tpu.dma_semaphore, #tpu.memory_space<semaphore_mem>>
      %dma_wait3A_710 = tpu.memref_squeeze %dma_wait3A_709 : memref<1x!tpu.dma_semaphore, #tpu.memory_space<semaphore_mem>> -> memref<!tpu.dma_semaphore, #tpu.memory_space<semaphore_mem>>
      tpu.wait_indirect_dma semaphore(%dma_wait3A_710 : memref<!tpu.dma_semaphore, #tpu.memory_space<semaphore_mem>>) src(%dma_wait3A_708 : memref<1000000x32xf32, #tpu.memory_space<hbm>>) dst(%dma_wait3A_702 : memref<128x32xf32, #tpu.memory_space<vmem>>)
      %dma_wait3A_711 = arith.constant 0 : i32
      %dma_wait3A_712 = arith.constant 0 : i32
      %dma_wait3A_713 = tpu.memref_slice %arg10[%rem3A_686, %dma_wait3A_711, %dma_wait3A_712] : memref<3x128x32xf32, #tpu.memory_space<vmem>> -> memref<1x128x32xf32, #tpu.memory_space<vmem>>
      %dma_wait3A_714 = tpu.memref_squeeze %dma_wait3A_713 : memref<1x128x32xf32, #tpu.memory_space<vmem>> -> memref<128x32xf32, #tpu.memory_space<vmem>>
      %dma_wait3A_715 = arith.constant 0 : i32
      %dma_wait3A_716 = tpu.memref_slice %arg8[%rem3A_686, %dma_wait3A_715] : memref<3x128xi32, #tpu.memory_space<vmem>> -> memref<1x128xi32, #tpu.memory_space<vmem>>
      %dma_wait3A_717 = tpu.memref_squeeze %dma_wait3A_716 : memref<1x128xi32, #tpu.memory_space<vmem>> -> memref<128xi32, #tpu.memory_space<vmem>>
      %dma_wait3A_718 = arith.constant 0 : i32
      %dma_wait3A_719 = arith.constant 0 : i32
      %dma_wait3A_720 = tpu.memref_slice %arg4[%dma_wait3A_718, %dma_wait3A_719] : memref<1000000x32xf32, #tpu.memory_space<hbm>> -> memref<1000000x32xf32, #tpu.memory_space<hbm>>
      %dma_wait3A_721 = tpu.memref_slice %arg14[%rem3A_686] : memref<3x!tpu.dma_semaphore, #tpu.memory_space<semaphore_mem>> -> memref<1x!tpu.dma_semaphore, #tpu.memory_space<semaphore_mem>>
      %dma_wait3A_722 = tpu.memref_squeeze %dma_wait3A_721 : memref<1x!tpu.dma_semaphore, #tpu.memory_space<semaphore_mem>> -> memref<!tpu.dma_semaphore, #tpu.memory_space<semaphore_mem>>
      tpu.wait_indirect_dma semaphore(%dma_wait3A_722 : memref<!tpu.dma_semaphore, #tpu.memory_space<semaphore_mem>>) src(%dma_wait3A_720 : memref<1000000x32xf32, #tpu.memory_space<hbm>>) dst(%dma_wait3A_714 : memref<128x32xf32, #tpu.memory_space<vmem>>)
      %scan3A_723 = arith.constant 0 : i32
      %scan3A_724 = arith.constant 0 : i32
      %scan3A_725 = arith.constant 8 : i32
      %scan3A_726 = arith.addi %scan3A_724, %scan3A_725 : i32
      %scan3A_727 = arith.constant 1 : i32
      %scan3A_728 = scf.for %scan3A_1035 = %scan3A_724 to %scan3A_726 step %scan3A_727 iter_args(%scan3A_1036 = %scan3A_723) -> (i32)  : i32 {
        %mul3A_1037 = arith.constant 16 : i32
        %mul3A_1038 = arith.muli %scan3A_1035, %mul3A_1037 : i32
        %add3A_1039 = vector.broadcast %mul3A_1038 : i32 to vector<16xi32>
        %add3A_1040 = arith.addi %add3A_1039, %iota3A : vector<16xi32>
        %broadcast_in_dim3A = arith.constant 0.000000e+00 : f32
        %broadcast_in_dim3A_1041 = vector.broadcast %broadcast_in_dim3A : f32 to vector<16xf32>
        %broadcast_in_dim3A_1042 = arith.constant 0.000000e+00 : f32
        %broadcast_in_dim3A_1043 = vector.broadcast %broadcast_in_dim3A_1042 : f32 to vector<16xf32>
        %broadcast_in_dim3A_1044 = arith.constant 0.000000e+00 : f32
        %broadcast_in_dim3A_1045 = vector.broadcast %broadcast_in_dim3A_1044 : f32 to vector<16xf32>
        %broadcast_in_dim3A_1046 = arith.constant 0.000000e+00 : f32
        %broadcast_in_dim3A_1047 = vector.broadcast %broadcast_in_dim3A_1046 : f32 to vector<16xf32>
        %add3A_1048 = arith.constant 0 : i32
        %add3A_1049 = vector.broadcast %add3A_1048 : i32 to vector<16xi32>
        %add3A_1050 = arith.addi %iota3A, %add3A_1049 : vector<16xi32>
        %and3A = arith.constant 31 : i32
        %and3A_1051 = vector.broadcast %and3A : i32 to vector<16xi32>
        %and3A_1052 = arith.andi %add3A_1050, %and3A_1051 : vector<16xi32>
        %gather3A = arith.constant 0 : i32
        %gather3A_1053 = arith.constant 0 : i32
        %gather3A_1054 = tpu.memref_slice %arg9[%rem3A_686, %gather3A, %gather3A_1053] : memref<3x128x32xf32, #tpu.memory_space<vmem>> -> memref<1x128x32xf32, #tpu.memory_space<vmem>>
        %gather3A_1055 = tpu.memref_squeeze %gather3A_1054 : memref<1x128x32xf32, #tpu.memory_space<vmem>> -> memref<128x32xf32, #tpu.memory_space<vmem>>
        %gather3A_1056 = tpu.vector_load_idx %gather3A_1055[%add3A_1040, %and3A_1052] : memref<128x32xf32, #tpu.memory_space<vmem>>[vector<16xi32>, vector<16xi32>], vector<16xf32>,
        %scatter3A = arith.constant 0 : i32
        %scatter3A_1057 = arith.constant 0 : i32
        %scatter3A_1058 = tpu.memref_slice %arg11[%rem3A_686, %scatter3A, %scatter3A_1057] : memref<3x32x128xf32, #tpu.memory_space<vmem>> -> memref<1x32x128xf32, #tpu.memory_space<vmem>>
        %scatter3A_1059 = tpu.memref_squeeze %scatter3A_1058 : memref<1x32x128xf32, #tpu.memory_space<vmem>> -> memref<32x128xf32, #tpu.memory_space<vmem>>
        tpu.vector_store_idx %scatter3A_1059[%and3A_1052, %add3A_1040], %gather3A_1056 : memref<32x128xf32, #tpu.memory_space<vmem>>[vector<16xi32>, vector<16xi32>], vector<16xf32>,
        %mul3A_1060 = arith.mulf %gather3A_1056, %gather3A_1056 : vector<16xf32>
        %add3A_1061 = arith.addf %broadcast_in_dim3A_1041, %mul3A_1060 : vector<16xf32>
        %add3A_1062 = arith.constant 1 : i32
        %add3A_1063 = vector.broadcast %add3A_1062 : i32 to vector<16xi32>
        %add3A_1064 = arith.addi %iota3A, %add3A_1063 : vector<16xi32>
        %and3A_1065 = arith.constant 31 : i32
        %and3A_1066 = vector.broadcast %and3A_1065 : i32 to vector<16xi32>
        %and3A_1067 = arith.andi %add3A_1064, %and3A_1066 : vector<16xi32>
        %gather3A_1068 = arith.constant 0 : i32
        %gather3A_1069 = arith.constant 0 : i32
        %gather3A_1070 = tpu.memref_slice %arg9[%rem3A_686, %gather3A_1068, %gather3A_1069] : memref<3x128x32xf32, #tpu.memory_space<vmem>> -> memref<1x128x32xf32, #tpu.memory_space<vmem>>
        %gather3A_1071 = tpu.memref_squeeze %gather3A_1070 : memref<1x128x32xf32, #tpu.memory_space<vmem>> -> memref<128x32xf32, #tpu.memory_space<vmem>>
        %gather3A_1072 = tpu.vector_load_idx %gather3A_1071[%add3A_1040, %and3A_1067] : memref<128x32xf32, #tpu.memory_space<vmem>>[vector<16xi32>, vector<16xi32>], vector<16xf32>,
        %scatter3A_1073 = arith.constant 0 : i32
        %scatter3A_1074 = arith.constant 0 : i32
        %scatter3A_1075 = tpu.memref_slice %arg11[%rem3A_686, %scatter3A_1073, %scatter3A_1074] : memref<3x32x128xf32, #tpu.memory_space<vmem>> -> memref<1x32x128xf32, #tpu.memory_space<vmem>>
        %scatter3A_1076 = tpu.memref_squeeze %scatter3A_1075 : memref<1x32x128xf32, #tpu.memory_space<vmem>> -> memref<32x128xf32, #tpu.memory_space<vmem>>
        tpu.vector_store_idx %scatter3A_1076[%and3A_1067, %add3A_1040], %gather3A_1072 : memref<32x128xf32, #tpu.memory_space<vmem>>[vector<16xi32>, vector<16xi32>], vector<16xf32>,
        %mul3A_1077 = arith.mulf %gather3A_1072, %gather3A_1072 : vector<16xf32>
        %add3A_1078 = arith.addf %broadcast_in_dim3A_1043, %mul3A_1077 : vector<16xf32>
        %add3A_1079 = arith.constant 2 : i32
        %add3A_1080 = vector.broadcast %add3A_1079 : i32 to vector<16xi32>
        %add3A_1081 = arith.addi %iota3A, %add3A_1080 : vector<16xi32>
        %and3A_1082 = arith.constant 31 : i32
        %and3A_1083 = vector.broadcast %and3A_1082 : i32 to vector<16xi32>
        %and3A_1084 = arith.andi %add3A_1081, %and3A_1083 : vector<16xi32>
        %gather3A_1085 = arith.constant 0 : i32
        %gather3A_1086 = arith.constant 0 : i32
        %gather3A_1087 = tpu.memref_slice %arg9[%rem3A_686, %gather3A_1085, %gather3A_1086] : memref<3x128x32xf32, #tpu.memory_space<vmem>> -> memref<1x128x32xf32, #tpu.memory_space<vmem>>
        %gather3A_1088 = tpu.memref_squeeze %gather3A_1087 : memref<1x128x32xf32, #tpu.memory_space<vmem>> -> memref<128x32xf32, #tpu.memory_space<vmem>>
        %gather3A_1089 = tpu.vector_load_idx %gather3A_1088[%add3A_1040, %and3A_1084] : memref<128x32xf32, #tpu.memory_space<vmem>>[vector<16xi32>, vector<16xi32>], vector<16xf32>,
        %scatter3A_1090 = arith.constant 0 : i32
        %scatter3A_1091 = arith.constant 0 : i32
        %scatter3A_1092 = tpu.memref_slice %arg11[%rem3A_686, %scatter3A_1090, %scatter3A_1091] : memref<3x32x128xf32, #tpu.memory_space<vmem>> -> memref<1x32x128xf32, #tpu.memory_space<vmem>>
        %scatter3A_1093 = tpu.memref_squeeze %scatter3A_1092 : memref<1x32x128xf32, #tpu.memory_space<vmem>> -> memref<32x128xf32, #tpu.memory_space<vmem>>
        tpu.vector_store_idx %scatter3A_1093[%and3A_1084, %add3A_1040], %gather3A_1089 : memref<32x128xf32, #tpu.memory_space<vmem>>[vector<16xi32>, vector<16xi32>], vector<16xf32>,
        %mul3A_1094 = arith.mulf %gather3A_1089, %gather3A_1089 : vector<16xf32>
        %add3A_1095 = arith.addf %broadcast_in_dim3A_1045, %mul3A_1094 : vector<16xf32>
        %add3A_1096 = arith.constant 3 : i32
        %add3A_1097 = vector.broadcast %add3A_1096 : i32 to vector<16xi32>
        %add3A_1098 = arith.addi %iota3A, %add3A_1097 : vector<16xi32>
        %and3A_1099 = arith.constant 31 : i32
        %and3A_1100 = vector.broadcast %and3A_1099 : i32 to vector<16xi32>
        %and3A_1101 = arith.andi %add3A_1098, %and3A_1100 : vector<16xi32>
        %gather3A_1102 = arith.constant 0 : i32
        %gather3A_1103 = arith.constant 0 : i32
        %gather3A_1104 = tpu.memref_slice %arg9[%rem3A_686, %gather3A_1102, %gather3A_1103] : memref<3x128x32xf32, #tpu.memory_space<vmem>> -> memref<1x128x32xf32, #tpu.memory_space<vmem>>
        %gather3A_1105 = tpu.memref_squeeze %gather3A_1104 : memref<1x128x32xf32, #tpu.memory_space<vmem>> -> memref<128x32xf32, #tpu.memory_space<vmem>>
        %gather3A_1106 = tpu.vector_load_idx %gather3A_1105[%add3A_1040, %and3A_1101] : memref<128x32xf32, #tpu.memory_space<vmem>>[vector<16xi32>, vector<16xi32>], vector<16xf32>,
        %scatter3A_1107 = arith.constant 0 : i32
        %scatter3A_1108 = arith.constant 0 : i32
        %scatter3A_1109 = tpu.memref_slice %arg11[%rem3A_686, %scatter3A_1107, %scatter3A_1108] : memref<3x32x128xf32, #tpu.memory_space<vmem>> -> memref<1x32x128xf32, #tpu.memory_space<vmem>>
        %scatter3A_1110 = tpu.memref_squeeze %scatter3A_1109 : memref<1x32x128xf32, #tpu.memory_space<vmem>> -> memref<32x128xf32, #tpu.memory_space<vmem>>
        tpu.vector_store_idx %scatter3A_1110[%and3A_1101, %add3A_1040], %gather3A_1106 : memref<32x128xf32, #tpu.memory_space<vmem>>[vector<16xi32>, vector<16xi32>], vector<16xf32>,
        %mul3A_1111 = arith.mulf %gather3A_1106, %gather3A_1106 : vector<16xf32>
        %add3A_1112 = arith.addf %broadcast_in_dim3A_1047, %mul3A_1111 : vector<16xf32>
        %add3A_1113 = arith.constant 4 : i32
        %add3A_1114 = vector.broadcast %add3A_1113 : i32 to vector<16xi32>
        %add3A_1115 = arith.addi %iota3A, %add3A_1114 : vector<16xi32>
        %and3A_1116 = arith.constant 31 : i32
        %and3A_1117 = vector.broadcast %and3A_1116 : i32 to vector<16xi32>
        %and3A_1118 = arith.andi %add3A_1115, %and3A_1117 : vector<16xi32>
        %gather3A_1119 = arith.constant 0 : i32
        %gather3A_1120 = arith.constant 0 : i32
        %gather3A_1121 = tpu.memref_slice %arg9[%rem3A_686, %gather3A_1119, %gather3A_1120] : memref<3x128x32xf32, #tpu.memory_space<vmem>> -> memref<1x128x32xf32, #tpu.memory_space<vmem>>
        %gather3A_1122 = tpu.memref_squeeze %gather3A_1121 : memref<1x128x32xf32, #tpu.memory_space<vmem>> -> memref<128x32xf32, #tpu.memory_space<vmem>>
        %gather3A_1123 = tpu.vector_load_idx %gather3A_1122[%add3A_1040, %and3A_1118] : memref<128x32xf32, #tpu.memory_space<vmem>>[vector<16xi32>, vector<16xi32>], vector<16xf32>,
        %scatter3A_1124 = arith.constant 0 : i32
        %scatter3A_1125 = arith.constant 0 : i32
        %scatter3A_1126 = tpu.memref_slice %arg11[%rem3A_686, %scatter3A_1124, %scatter3A_1125] : memref<3x32x128xf32, #tpu.memory_space<vmem>> -> memref<1x32x128xf32, #tpu.memory_space<vmem>>
        %scatter3A_1127 = tpu.memref_squeeze %scatter3A_1126 : memref<1x32x128xf32, #tpu.memory_space<vmem>> -> memref<32x128xf32, #tpu.memory_space<vmem>>
        tpu.vector_store_idx %scatter3A_1127[%and3A_1118, %add3A_1040], %gather3A_1123 : memref<32x128xf32, #tpu.memory_space<vmem>>[vector<16xi32>, vector<16xi32>], vector<16xf32>,
        %mul3A_1128 = arith.mulf %gather3A_1123, %gather3A_1123 : vector<16xf32>
        %add3A_1129 = arith.addf %add3A_1061, %mul3A_1128 : vector<16xf32>
        %add3A_1130 = arith.constant 5 : i32
        %add3A_1131 = vector.broadcast %add3A_1130 : i32 to vector<16xi32>
        %add3A_1132 = arith.addi %iota3A, %add3A_1131 : vector<16xi32>
        %and3A_1133 = arith.constant 31 : i32
        %and3A_1134 = vector.broadcast %and3A_1133 : i32 to vector<16xi32>
        %and3A_1135 = arith.andi %add3A_1132, %and3A_1134 : vector<16xi32>
        %gather3A_1136 = arith.constant 0 : i32
        %gather3A_1137 = arith.constant 0 : i32
        %gather3A_1138 = tpu.memref_slice %arg9[%rem3A_686, %gather3A_1136, %gather3A_1137] : memref<3x128x32xf32, #tpu.memory_space<vmem>> -> memref<1x128x32xf32, #tpu.memory_space<vmem>>
        %gather3A_1139 = tpu.memref_squeeze %gather3A_1138 : memref<1x128x32xf32, #tpu.memory_space<vmem>> -> memref<128x32xf32, #tpu.memory_space<vmem>>
        %gather3A_1140 = tpu.vector_load_idx %gather3A_1139[%add3A_1040, %and3A_1135] : memref<128x32xf32, #tpu.memory_space<vmem>>[vector<16xi32>, vector<16xi32>], vector<16xf32>,
        %scatter3A_1141 = arith.constant 0 : i32
        %scatter3A_1142 = arith.constant 0 : i32
        %scatter3A_1143 = tpu.memref_slice %arg11[%rem3A_686, %scatter3A_1141, %scatter3A_1142] : memref<3x32x128xf32, #tpu.memory_space<vmem>> -> memref<1x32x128xf32, #tpu.memory_space<vmem>>
        %scatter3A_1144 = tpu.memref_squeeze %scatter3A_1143 : memref<1x32x128xf32, #tpu.memory_space<vmem>> -> memref<32x128xf32, #tpu.memory_space<vmem>>
        tpu.vector_store_idx %scatter3A_1144[%and3A_1135, %add3A_1040], %gather3A_1140 : memref<32x128xf32, #tpu.memory_space<vmem>>[vector<16xi32>, vector<16xi32>], vector<16xf32>,
        %mul3A_1145 = arith.mulf %gather3A_1140, %gather3A_1140 : vector<16xf32>
        %add3A_1146 = arith.addf %add3A_1078, %mul3A_1145 : vector<16xf32>
        %add3A_1147 = arith.constant 6 : i32
        %add3A_1148 = vector.broadcast %add3A_1147 : i32 to vector<16xi32>
        %add3A_1149 = arith.addi %iota3A, %add3A_1148 : vector<16xi32>
        %and3A_1150 = arith.constant 31 : i32
        %and3A_1151 = vector.broadcast %and3A_1150 : i32 to vector<16xi32>
        %and3A_1152 = arith.andi %add3A_1149, %and3A_1151 : vector<16xi32>
        %gather3A_1153 = arith.constant 0 : i32
        %gather3A_1154 = arith.constant 0 : i32
        %gather3A_1155 = tpu.memref_slice %arg9[%rem3A_686, %gather3A_1153, %gather3A_1154] : memref<3x128x32xf32, #tpu.memory_space<vmem>> -> memref<1x128x32xf32, #tpu.memory_space<vmem>>
        %gather3A_1156 = tpu.memref_squeeze %gather3A_1155 : memref<1x128x32xf32, #tpu.memory_space<vmem>> -> memref<128x32xf32, #tpu.memory_space<vmem>>
        %gather3A_1157 = tpu.vector_load_idx %gather3A_1156[%add3A_1040, %and3A_1152] : memref<128x32xf32, #tpu.memory_space<vmem>>[vector<16xi32>, vector<16xi32>], vector<16xf32>,
        %scatter3A_1158 = arith.constant 0 : i32
        %scatter3A_1159 = arith.constant 0 : i32
        %scatter3A_1160 = tpu.memref_slice %arg11[%rem3A_686, %scatter3A_1158, %scatter3A_1159] : memref<3x32x128xf32, #tpu.memory_space<vmem>> -> memref<1x32x128xf32, #tpu.memory_space<vmem>>
        %scatter3A_1161 = tpu.memref_squeeze %scatter3A_1160 : memref<1x32x128xf32, #tpu.memory_space<vmem>> -> memref<32x128xf32, #tpu.memory_space<vmem>>
        tpu.vector_store_idx %scatter3A_1161[%and3A_1152, %add3A_1040], %gather3A_1157 : memref<32x128xf32, #tpu.memory_space<vmem>>[vector<16xi32>, vector<16xi32>], vector<16xf32>,
        %mul3A_1162 = arith.mulf %gather3A_1157, %gather3A_1157 : vector<16xf32>
        %add3A_1163 = arith.addf %add3A_1095, %mul3A_1162 : vector<16xf32>
        %add3A_1164 = arith.constant 7 : i32
        %add3A_1165 = vector.broadcast %add3A_1164 : i32 to vector<16xi32>
        %add3A_1166 = arith.addi %iota3A, %add3A_1165 : vector<16xi32>
        %and3A_1167 = arith.constant 31 : i32
        %and3A_1168 = vector.broadcast %and3A_1167 : i32 to vector<16xi32>
        %and3A_1169 = arith.andi %add3A_1166, %and3A_1168 : vector<16xi32>
        %gather3A_1170 = arith.constant 0 : i32
        %gather3A_1171 = arith.constant 0 : i32
        %gather3A_1172 = tpu.memref_slice %arg9[%rem3A_686, %gather3A_1170, %gather3A_1171] : memref<3x128x32xf32, #tpu.memory_space<vmem>> -> memref<1x128x32xf32, #tpu.memory_space<vmem>>
        %gather3A_1173 = tpu.memref_squeeze %gather3A_1172 : memref<1x128x32xf32, #tpu.memory_space<vmem>> -> memref<128x32xf32, #tpu.memory_space<vmem>>
        %gather3A_1174 = tpu.vector_load_idx %gather3A_1173[%add3A_1040, %and3A_1169] : memref<128x32xf32, #tpu.memory_space<vmem>>[vector<16xi32>, vector<16xi32>], vector<16xf32>,
        %scatter3A_1175 = arith.constant 0 : i32
        %scatter3A_1176 = arith.constant 0 : i32
        %scatter3A_1177 = tpu.memref_slice %arg11[%rem3A_686, %scatter3A_1175, %scatter3A_1176] : memref<3x32x128xf32, #tpu.memory_space<vmem>> -> memref<1x32x128xf32, #tpu.memory_space<vmem>>
        %scatter3A_1178 = tpu.memref_squeeze %scatter3A_1177 : memref<1x32x128xf32, #tpu.memory_space<vmem>> -> memref<32x128xf32, #tpu.memory_space<vmem>>
        tpu.vector_store_idx %scatter3A_1178[%and3A_1169, %add3A_1040], %gather3A_1174 : memref<32x128xf32, #tpu.memory_space<vmem>>[vector<16xi32>, vector<16xi32>], vector<16xf32>,
        %mul3A_1179 = arith.mulf %gather3A_1174, %gather3A_1174 : vector<16xf32>
        %add3A_1180 = arith.addf %add3A_1112, %mul3A_1179 : vector<16xf32>
        %add3A_1181 = arith.constant 8 : i32
        %add3A_1182 = vector.broadcast %add3A_1181 : i32 to vector<16xi32>
        %add3A_1183 = arith.addi %iota3A, %add3A_1182 : vector<16xi32>
        %and3A_1184 = arith.constant 31 : i32
        %and3A_1185 = vector.broadcast %and3A_1184 : i32 to vector<16xi32>
        %and3A_1186 = arith.andi %add3A_1183, %and3A_1185 : vector<16xi32>
        %gather3A_1187 = arith.constant 0 : i32
        %gather3A_1188 = arith.constant 0 : i32
        %gather3A_1189 = tpu.memref_slice %arg9[%rem3A_686, %gather3A_1187, %gather3A_1188] : memref<3x128x32xf32, #tpu.memory_space<vmem>> -> memref<1x128x32xf32, #tpu.memory_space<vmem>>
        %gather3A_1190 = tpu.memref_squeeze %gather3A_1189 : memref<1x128x32xf32, #tpu.memory_space<vmem>> -> memref<128x32xf32, #tpu.memory_space<vmem>>
        %gather3A_1191 = tpu.vector_load_idx %gather3A_1190[%add3A_1040, %and3A_1186] : memref<128x32xf32, #tpu.memory_space<vmem>>[vector<16xi32>, vector<16xi32>], vector<16xf32>,
        %scatter3A_1192 = arith.constant 0 : i32
        %scatter3A_1193 = arith.constant 0 : i32
        %scatter3A_1194 = tpu.memref_slice %arg11[%rem3A_686, %scatter3A_1192, %scatter3A_1193] : memref<3x32x128xf32, #tpu.memory_space<vmem>> -> memref<1x32x128xf32, #tpu.memory_space<vmem>>
        %scatter3A_1195 = tpu.memref_squeeze %scatter3A_1194 : memref<1x32x128xf32, #tpu.memory_space<vmem>> -> memref<32x128xf32, #tpu.memory_space<vmem>>
        tpu.vector_store_idx %scatter3A_1195[%and3A_1186, %add3A_1040], %gather3A_1191 : memref<32x128xf32, #tpu.memory_space<vmem>>[vector<16xi32>, vector<16xi32>], vector<16xf32>,
        %mul3A_1196 = arith.mulf %gather3A_1191, %gather3A_1191 : vector<16xf32>
        %add3A_1197 = arith.addf %add3A_1129, %mul3A_1196 : vector<16xf32>
        %add3A_1198 = arith.constant 9 : i32
        %add3A_1199 = vector.broadcast %add3A_1198 : i32 to vector<16xi32>
        %add3A_1200 = arith.addi %iota3A, %add3A_1199 : vector<16xi32>
        %and3A_1201 = arith.constant 31 : i32
        %and3A_1202 = vector.broadcast %and3A_1201 : i32 to vector<16xi32>
        %and3A_1203 = arith.andi %add3A_1200, %and3A_1202 : vector<16xi32>
        %gather3A_1204 = arith.constant 0 : i32
        %gather3A_1205 = arith.constant 0 : i32
        %gather3A_1206 = tpu.memref_slice %arg9[%rem3A_686, %gather3A_1204, %gather3A_1205] : memref<3x128x32xf32, #tpu.memory_space<vmem>> -> memref<1x128x32xf32, #tpu.memory_space<vmem>>
        %gather3A_1207 = tpu.memref_squeeze %gather3A_1206 : memref<1x128x32xf32, #tpu.memory_space<vmem>> -> memref<128x32xf32, #tpu.memory_space<vmem>>
        %gather3A_1208 = tpu.vector_load_idx %gather3A_1207[%add3A_1040, %and3A_1203] : memref<128x32xf32, #tpu.memory_space<vmem>>[vector<16xi32>, vector<16xi32>], vector<16xf32>,
        %scatter3A_1209 = arith.constant 0 : i32
        %scatter3A_1210 = arith.constant 0 : i32
        %scatter3A_1211 = tpu.memref_slice %arg11[%rem3A_686, %scatter3A_1209, %scatter3A_1210] : memref<3x32x128xf32, #tpu.memory_space<vmem>> -> memref<1x32x128xf32, #tpu.memory_space<vmem>>
        %scatter3A_1212 = tpu.memref_squeeze %scatter3A_1211 : memref<1x32x128xf32, #tpu.memory_space<vmem>> -> memref<32x128xf32, #tpu.memory_space<vmem>>
        tpu.vector_store_idx %scatter3A_1212[%and3A_1203, %add3A_1040], %gather3A_1208 : memref<32x128xf32, #tpu.memory_space<vmem>>[vector<16xi32>, vector<16xi32>], vector<16xf32>,
        %mul3A_1213 = arith.mulf %gather3A_1208, %gather3A_1208 : vector<16xf32>
        %add3A_1214 = arith.addf %add3A_1146, %mul3A_1213 : vector<16xf32>
        %add3A_1215 = arith.constant 10 : i32
        %add3A_1216 = vector.broadcast %add3A_1215 : i32 to vector<16xi32>
        %add3A_1217 = arith.addi %iota3A, %add3A_1216 : vector<16xi32>
        %and3A_1218 = arith.constant 31 : i32
        %and3A_1219 = vector.broadcast %and3A_1218 : i32 to vector<16xi32>
        %and3A_1220 = arith.andi %add3A_1217, %and3A_1219 : vector<16xi32>
        %gather3A_1221 = arith.constant 0 : i32
        %gather3A_1222 = arith.constant 0 : i32
        %gather3A_1223 = tpu.memref_slice %arg9[%rem3A_686, %gather3A_1221, %gather3A_1222] : memref<3x128x32xf32, #tpu.memory_space<vmem>> -> memref<1x128x32xf32, #tpu.memory_space<vmem>>
        %gather3A_1224 = tpu.memref_squeeze %gather3A_1223 : memref<1x128x32xf32, #tpu.memory_space<vmem>> -> memref<128x32xf32, #tpu.memory_space<vmem>>
        %gather3A_1225 = tpu.vector_load_idx %gather3A_1224[%add3A_1040, %and3A_1220] : memref<128x32xf32, #tpu.memory_space<vmem>>[vector<16xi32>, vector<16xi32>], vector<16xf32>,
        %scatter3A_1226 = arith.constant 0 : i32
        %scatter3A_1227 = arith.constant 0 : i32
        %scatter3A_1228 = tpu.memref_slice %arg11[%rem3A_686, %scatter3A_1226, %scatter3A_1227] : memref<3x32x128xf32, #tpu.memory_space<vmem>> -> memref<1x32x128xf32, #tpu.memory_space<vmem>>
        %scatter3A_1229 = tpu.memref_squeeze %scatter3A_1228 : memref<1x32x128xf32, #tpu.memory_space<vmem>> -> memref<32x128xf32, #tpu.memory_space<vmem>>
        tpu.vector_store_idx %scatter3A_1229[%and3A_1220, %add3A_1040], %gather3A_1225 : memref<32x128xf32, #tpu.memory_space<vmem>>[vector<16xi32>, vector<16xi32>], vector<16xf32>,
        %mul3A_1230 = arith.mulf %gather3A_1225, %gather3A_1225 : vector<16xf32>
        %add3A_1231 = arith.addf %add3A_1163, %mul3A_1230 : vector<16xf32>
        %add3A_1232 = arith.constant 11 : i32
        %add3A_1233 = vector.broadcast %add3A_1232 : i32 to vector<16xi32>
        %add3A_1234 = arith.addi %iota3A, %add3A_1233 : vector<16xi32>
        %and3A_1235 = arith.constant 31 : i32
        %and3A_1236 = vector.broadcast %and3A_1235 : i32 to vector<16xi32>
        %and3A_1237 = arith.andi %add3A_1234, %and3A_1236 : vector<16xi32>
        %gather3A_1238 = arith.constant 0 : i32
        %gather3A_1239 = arith.constant 0 : i32
        %gather3A_1240 = tpu.memref_slice %arg9[%rem3A_686, %gather3A_1238, %gather3A_1239] : memref<3x128x32xf32, #tpu.memory_space<vmem>> -> memref<1x128x32xf32, #tpu.memory_space<vmem>>
        %gather3A_1241 = tpu.memref_squeeze %gather3A_1240 : memref<1x128x32xf32, #tpu.memory_space<vmem>> -> memref<128x32xf32, #tpu.memory_space<vmem>>
        %gather3A_1242 = tpu.vector_load_idx %gather3A_1241[%add3A_1040, %and3A_1237] : memref<128x32xf32, #tpu.memory_space<vmem>>[vector<16xi32>, vector<16xi32>], vector<16xf32>,
        %scatter3A_1243 = arith.constant 0 : i32
        %scatter3A_1244 = arith.constant 0 : i32
        %scatter3A_1245 = tpu.memref_slice %arg11[%rem3A_686, %scatter3A_1243, %scatter3A_1244] : memref<3x32x128xf32, #tpu.memory_space<vmem>> -> memref<1x32x128xf32, #tpu.memory_space<vmem>>
        %scatter3A_1246 = tpu.memref_squeeze %scatter3A_1245 : memref<1x32x128xf32, #tpu.memory_space<vmem>> -> memref<32x128xf32, #tpu.memory_space<vmem>>
        tpu.vector_store_idx %scatter3A_1246[%and3A_1237, %add3A_1040], %gather3A_1242 : memref<32x128xf32, #tpu.memory_space<vmem>>[vector<16xi32>, vector<16xi32>], vector<16xf32>,
        %mul3A_1247 = arith.mulf %gather3A_1242, %gather3A_1242 : vector<16xf32>
        %add3A_1248 = arith.addf %add3A_1180, %mul3A_1247 : vector<16xf32>
        %add3A_1249 = arith.constant 12 : i32
        %add3A_1250 = vector.broadcast %add3A_1249 : i32 to vector<16xi32>
        %add3A_1251 = arith.addi %iota3A, %add3A_1250 : vector<16xi32>
        %and3A_1252 = arith.constant 31 : i32
        %and3A_1253 = vector.broadcast %and3A_1252 : i32 to vector<16xi32>
        %and3A_1254 = arith.andi %add3A_1251, %and3A_1253 : vector<16xi32>
        %gather3A_1255 = arith.constant 0 : i32
        %gather3A_1256 = arith.constant 0 : i32
        %gather3A_1257 = tpu.memref_slice %arg9[%rem3A_686, %gather3A_1255, %gather3A_1256] : memref<3x128x32xf32, #tpu.memory_space<vmem>> -> memref<1x128x32xf32, #tpu.memory_space<vmem>>
        %gather3A_1258 = tpu.memref_squeeze %gather3A_1257 : memref<1x128x32xf32, #tpu.memory_space<vmem>> -> memref<128x32xf32, #tpu.memory_space<vmem>>
        %gather3A_1259 = tpu.vector_load_idx %gather3A_1258[%add3A_1040, %and3A_1254] : memref<128x32xf32, #tpu.memory_space<vmem>>[vector<16xi32>, vector<16xi32>], vector<16xf32>,
        %scatter3A_1260 = arith.constant 0 : i32
        %scatter3A_1261 = arith.constant 0 : i32
        %scatter3A_1262 = tpu.memref_slice %arg11[%rem3A_686, %scatter3A_1260, %scatter3A_1261] : memref<3x32x128xf32, #tpu.memory_space<vmem>> -> memref<1x32x128xf32, #tpu.memory_space<vmem>>
        %scatter3A_1263 = tpu.memref_squeeze %scatter3A_1262 : memref<1x32x128xf32, #tpu.memory_space<vmem>> -> memref<32x128xf32, #tpu.memory_space<vmem>>
        tpu.vector_store_idx %scatter3A_1263[%and3A_1254, %add3A_1040], %gather3A_1259 : memref<32x128xf32, #tpu.memory_space<vmem>>[vector<16xi32>, vector<16xi32>], vector<16xf32>,
        %mul3A_1264 = arith.mulf %gather3A_1259, %gather3A_1259 : vector<16xf32>
        %add3A_1265 = arith.addf %add3A_1197, %mul3A_1264 : vector<16xf32>
        %add3A_1266 = arith.constant 13 : i32
        %add3A_1267 = vector.broadcast %add3A_1266 : i32 to vector<16xi32>
        %add3A_1268 = arith.addi %iota3A, %add3A_1267 : vector<16xi32>
        %and3A_1269 = arith.constant 31 : i32
        %and3A_1270 = vector.broadcast %and3A_1269 : i32 to vector<16xi32>
        %and3A_1271 = arith.andi %add3A_1268, %and3A_1270 : vector<16xi32>
        %gather3A_1272 = arith.constant 0 : i32
        %gather3A_1273 = arith.constant 0 : i32
        %gather3A_1274 = tpu.memref_slice %arg9[%rem3A_686, %gather3A_1272, %gather3A_1273] : memref<3x128x32xf32, #tpu.memory_space<vmem>> -> memref<1x128x32xf32, #tpu.memory_space<vmem>>
        %gather3A_1275 = tpu.memref_squeeze %gather3A_1274 : memref<1x128x32xf32, #tpu.memory_space<vmem>> -> memref<128x32xf32, #tpu.memory_space<vmem>>
        %gather3A_1276 = tpu.vector_load_idx %gather3A_1275[%add3A_1040, %and3A_1271] : memref<128x32xf32, #tpu.memory_space<vmem>>[vector<16xi32>, vector<16xi32>], vector<16xf32>,
        %scatter3A_1277 = arith.constant 0 : i32
        %scatter3A_1278 = arith.constant 0 : i32
        %scatter3A_1279 = tpu.memref_slice %arg11[%rem3A_686, %scatter3A_1277, %scatter3A_1278] : memref<3x32x128xf32, #tpu.memory_space<vmem>> -> memref<1x32x128xf32, #tpu.memory_space<vmem>>
        %scatter3A_1280 = tpu.memref_squeeze %scatter3A_1279 : memref<1x32x128xf32, #tpu.memory_space<vmem>> -> memref<32x128xf32, #tpu.memory_space<vmem>>
        tpu.vector_store_idx %scatter3A_1280[%and3A_1271, %add3A_1040], %gather3A_1276 : memref<32x128xf32, #tpu.memory_space<vmem>>[vector<16xi32>, vector<16xi32>], vector<16xf32>,
        %mul3A_1281 = arith.mulf %gather3A_1276, %gather3A_1276 : vector<16xf32>
        %add3A_1282 = arith.addf %add3A_1214, %mul3A_1281 : vector<16xf32>
        %add3A_1283 = arith.constant 14 : i32
        %add3A_1284 = vector.broadcast %add3A_1283 : i32 to vector<16xi32>
        %add3A_1285 = arith.addi %iota3A, %add3A_1284 : vector<16xi32>
        %and3A_1286 = arith.constant 31 : i32
        %and3A_1287 = vector.broadcast %and3A_1286 : i32 to vector<16xi32>
        %and3A_1288 = arith.andi %add3A_1285, %and3A_1287 : vector<16xi32>
        %gather3A_1289 = arith.constant 0 : i32
        %gather3A_1290 = arith.constant 0 : i32
        %gather3A_1291 = tpu.memref_slice %arg9[%rem3A_686, %gather3A_1289, %gather3A_1290] : memref<3x128x32xf32, #tpu.memory_space<vmem>> -> memref<1x128x32xf32, #tpu.memory_space<vmem>>
        %gather3A_1292 = tpu.memref_squeeze %gather3A_1291 : memref<1x128x32xf32, #tpu.memory_space<vmem>> -> memref<128x32xf32, #tpu.memory_space<vmem>>
        %gather3A_1293 = tpu.vector_load_idx %gather3A_1292[%add3A_1040, %and3A_1288] : memref<128x32xf32, #tpu.memory_space<vmem>>[vector<16xi32>, vector<16xi32>], vector<16xf32>,
        %scatter3A_1294 = arith.constant 0 : i32
        %scatter3A_1295 = arith.constant 0 : i32
        %scatter3A_1296 = tpu.memref_slice %arg11[%rem3A_686, %scatter3A_1294, %scatter3A_1295] : memref<3x32x128xf32, #tpu.memory_space<vmem>> -> memref<1x32x128xf32, #tpu.memory_space<vmem>>
        %scatter3A_1297 = tpu.memref_squeeze %scatter3A_1296 : memref<1x32x128xf32, #tpu.memory_space<vmem>> -> memref<32x128xf32, #tpu.memory_space<vmem>>
        tpu.vector_store_idx %scatter3A_1297[%and3A_1288, %add3A_1040], %gather3A_1293 : memref<32x128xf32, #tpu.memory_space<vmem>>[vector<16xi32>, vector<16xi32>], vector<16xf32>,
        %mul3A_1298 = arith.mulf %gather3A_1293, %gather3A_1293 : vector<16xf32>
        %add3A_1299 = arith.addf %add3A_1231, %mul3A_1298 : vector<16xf32>
        %add3A_1300 = arith.constant 15 : i32
        %add3A_1301 = vector.broadcast %add3A_1300 : i32 to vector<16xi32>
        %add3A_1302 = arith.addi %iota3A, %add3A_1301 : vector<16xi32>
        %and3A_1303 = arith.constant 31 : i32
        %and3A_1304 = vector.broadcast %and3A_1303 : i32 to vector<16xi32>
        %and3A_1305 = arith.andi %add3A_1302, %and3A_1304 : vector<16xi32>
        %gather3A_1306 = arith.constant 0 : i32
        %gather3A_1307 = arith.constant 0 : i32
        %gather3A_1308 = tpu.memref_slice %arg9[%rem3A_686, %gather3A_1306, %gather3A_1307] : memref<3x128x32xf32, #tpu.memory_space<vmem>> -> memref<1x128x32xf32, #tpu.memory_space<vmem>>
        %gather3A_1309 = tpu.memref_squeeze %gather3A_1308 : memref<1x128x32xf32, #tpu.memory_space<vmem>> -> memref<128x32xf32, #tpu.memory_space<vmem>>
        %gather3A_1310 = tpu.vector_load_idx %gather3A_1309[%add3A_1040, %and3A_1305] : memref<128x32xf32, #tpu.memory_space<vmem>>[vector<16xi32>, vector<16xi32>], vector<16xf32>,
        %scatter3A_1311 = arith.constant 0 : i32
        %scatter3A_1312 = arith.constant 0 : i32
        %scatter3A_1313 = tpu.memref_slice %arg11[%rem3A_686, %scatter3A_1311, %scatter3A_1312] : memref<3x32x128xf32, #tpu.memory_space<vmem>> -> memref<1x32x128xf32, #tpu.memory_space<vmem>>
        %scatter3A_1314 = tpu.memref_squeeze %scatter3A_1313 : memref<1x32x128xf32, #tpu.memory_space<vmem>> -> memref<32x128xf32, #tpu.memory_space<vmem>>
        tpu.vector_store_idx %scatter3A_1314[%and3A_1305, %add3A_1040], %gather3A_1310 : memref<32x128xf32, #tpu.memory_space<vmem>>[vector<16xi32>, vector<16xi32>], vector<16xf32>,
        %mul3A_1315 = arith.mulf %gather3A_1310, %gather3A_1310 : vector<16xf32>
        %add3A_1316 = arith.addf %add3A_1248, %mul3A_1315 : vector<16xf32>
        %add3A_1317 = arith.constant 16 : i32
        %add3A_1318 = vector.broadcast %add3A_1317 : i32 to vector<16xi32>
        %add3A_1319 = arith.addi %iota3A, %add3A_1318 : vector<16xi32>
        %and3A_1320 = arith.constant 31 : i32
        %and3A_1321 = vector.broadcast %and3A_1320 : i32 to vector<16xi32>
        %and3A_1322 = arith.andi %add3A_1319, %and3A_1321 : vector<16xi32>
        %gather3A_1323 = arith.constant 0 : i32
        %gather3A_1324 = arith.constant 0 : i32
        %gather3A_1325 = tpu.memref_slice %arg9[%rem3A_686, %gather3A_1323, %gather3A_1324] : memref<3x128x32xf32, #tpu.memory_space<vmem>> -> memref<1x128x32xf32, #tpu.memory_space<vmem>>
        %gather3A_1326 = tpu.memref_squeeze %gather3A_1325 : memref<1x128x32xf32, #tpu.memory_space<vmem>> -> memref<128x32xf32, #tpu.memory_space<vmem>>
        %gather3A_1327 = tpu.vector_load_idx %gather3A_1326[%add3A_1040, %and3A_1322] : memref<128x32xf32, #tpu.memory_space<vmem>>[vector<16xi32>, vector<16xi32>], vector<16xf32>,
        %scatter3A_1328 = arith.constant 0 : i32
        %scatter3A_1329 = arith.constant 0 : i32
        %scatter3A_1330 = tpu.memref_slice %arg11[%rem3A_686, %scatter3A_1328, %scatter3A_1329] : memref<3x32x128xf32, #tpu.memory_space<vmem>> -> memref<1x32x128xf32, #tpu.memory_space<vmem>>
        %scatter3A_1331 = tpu.memref_squeeze %scatter3A_1330 : memref<1x32x128xf32, #tpu.memory_space<vmem>> -> memref<32x128xf32, #tpu.memory_space<vmem>>
        tpu.vector_store_idx %scatter3A_1331[%and3A_1322, %add3A_1040], %gather3A_1327 : memref<32x128xf32, #tpu.memory_space<vmem>>[vector<16xi32>, vector<16xi32>], vector<16xf32>,
        %mul3A_1332 = arith.mulf %gather3A_1327, %gather3A_1327 : vector<16xf32>
        %add3A_1333 = arith.addf %add3A_1265, %mul3A_1332 : vector<16xf32>
        %add3A_1334 = arith.constant 17 : i32
        %add3A_1335 = vector.broadcast %add3A_1334 : i32 to vector<16xi32>
        %add3A_1336 = arith.addi %iota3A, %add3A_1335 : vector<16xi32>
        %and3A_1337 = arith.constant 31 : i32
        %and3A_1338 = vector.broadcast %and3A_1337 : i32 to vector<16xi32>
        %and3A_1339 = arith.andi %add3A_1336, %and3A_1338 : vector<16xi32>
        %gather3A_1340 = arith.constant 0 : i32
        %gather3A_1341 = arith.constant 0 : i32
        %gather3A_1342 = tpu.memref_slice %arg9[%rem3A_686, %gather3A_1340, %gather3A_1341] : memref<3x128x32xf32, #tpu.memory_space<vmem>> -> memref<1x128x32xf32, #tpu.memory_space<vmem>>
        %gather3A_1343 = tpu.memref_squeeze %gather3A_1342 : memref<1x128x32xf32, #tpu.memory_space<vmem>> -> memref<128x32xf32, #tpu.memory_space<vmem>>
        %gather3A_1344 = tpu.vector_load_idx %gather3A_1343[%add3A_1040, %and3A_1339] : memref<128x32xf32, #tpu.memory_space<vmem>>[vector<16xi32>, vector<16xi32>], vector<16xf32>,
        %scatter3A_1345 = arith.constant 0 : i32
        %scatter3A_1346 = arith.constant 0 : i32
        %scatter3A_1347 = tpu.memref_slice %arg11[%rem3A_686, %scatter3A_1345, %scatter3A_1346] : memref<3x32x128xf32, #tpu.memory_space<vmem>> -> memref<1x32x128xf32, #tpu.memory_space<vmem>>
        %scatter3A_1348 = tpu.memref_squeeze %scatter3A_1347 : memref<1x32x128xf32, #tpu.memory_space<vmem>> -> memref<32x128xf32, #tpu.memory_space<vmem>>
        tpu.vector_store_idx %scatter3A_1348[%and3A_1339, %add3A_1040], %gather3A_1344 : memref<32x128xf32, #tpu.memory_space<vmem>>[vector<16xi32>, vector<16xi32>], vector<16xf32>,
        %mul3A_1349 = arith.mulf %gather3A_1344, %gather3A_1344 : vector<16xf32>
        %add3A_1350 = arith.addf %add3A_1282, %mul3A_1349 : vector<16xf32>
        %add3A_1351 = arith.constant 18 : i32
        %add3A_1352 = vector.broadcast %add3A_1351 : i32 to vector<16xi32>
        %add3A_1353 = arith.addi %iota3A, %add3A_1352 : vector<16xi32>
        %and3A_1354 = arith.constant 31 : i32
        %and3A_1355 = vector.broadcast %and3A_1354 : i32 to vector<16xi32>
        %and3A_1356 = arith.andi %add3A_1353, %and3A_1355 : vector<16xi32>
        %gather3A_1357 = arith.constant 0 : i32
        %gather3A_1358 = arith.constant 0 : i32
        %gather3A_1359 = tpu.memref_slice %arg9[%rem3A_686, %gather3A_1357, %gather3A_1358] : memref<3x128x32xf32, #tpu.memory_space<vmem>> -> memref<1x128x32xf32, #tpu.memory_space<vmem>>
        %gather3A_1360 = tpu.memref_squeeze %gather3A_1359 : memref<1x128x32xf32, #tpu.memory_space<vmem>> -> memref<128x32xf32, #tpu.memory_space<vmem>>
        %gather3A_1361 = tpu.vector_load_idx %gather3A_1360[%add3A_1040, %and3A_1356] : memref<128x32xf32, #tpu.memory_space<vmem>>[vector<16xi32>, vector<16xi32>], vector<16xf32>,
        %scatter3A_1362 = arith.constant 0 : i32
        %scatter3A_1363 = arith.constant 0 : i32
        %scatter3A_1364 = tpu.memref_slice %arg11[%rem3A_686, %scatter3A_1362, %scatter3A_1363] : memref<3x32x128xf32, #tpu.memory_space<vmem>> -> memref<1x32x128xf32, #tpu.memory_space<vmem>>
        %scatter3A_1365 = tpu.memref_squeeze %scatter3A_1364 : memref<1x32x128xf32, #tpu.memory_space<vmem>> -> memref<32x128xf32, #tpu.memory_space<vmem>>
        tpu.vector_store_idx %scatter3A_1365[%and3A_1356, %add3A_1040], %gather3A_1361 : memref<32x128xf32, #tpu.memory_space<vmem>>[vector<16xi32>, vector<16xi32>], vector<16xf32>,
        %mul3A_1366 = arith.mulf %gather3A_1361, %gather3A_1361 : vector<16xf32>
        %add3A_1367 = arith.addf %add3A_1299, %mul3A_1366 : vector<16xf32>
        %add3A_1368 = arith.constant 19 : i32
        %add3A_1369 = vector.broadcast %add3A_1368 : i32 to vector<16xi32>
        %add3A_1370 = arith.addi %iota3A, %add3A_1369 : vector<16xi32>
        %and3A_1371 = arith.constant 31 : i32
        %and3A_1372 = vector.broadcast %and3A_1371 : i32 to vector<16xi32>
        %and3A_1373 = arith.andi %add3A_1370, %and3A_1372 : vector<16xi32>
        %gather3A_1374 = arith.constant 0 : i32
        %gather3A_1375 = arith.constant 0 : i32
        %gather3A_1376 = tpu.memref_slice %arg9[%rem3A_686, %gather3A_1374, %gather3A_1375] : memref<3x128x32xf32, #tpu.memory_space<vmem>> -> memref<1x128x32xf32, #tpu.memory_space<vmem>>
        %gather3A_1377 = tpu.memref_squeeze %gather3A_1376 : memref<1x128x32xf32, #tpu.memory_space<vmem>> -> memref<128x32xf32, #tpu.memory_space<vmem>>
        %gather3A_1378 = tpu.vector_load_idx %gather3A_1377[%add3A_1040, %and3A_1373] : memref<128x32xf32, #tpu.memory_space<vmem>>[vector<16xi32>, vector<16xi32>], vector<16xf32>,
        %scatter3A_1379 = arith.constant 0 : i32
        %scatter3A_1380 = arith.constant 0 : i32
        %scatter3A_1381 = tpu.memref_slice %arg11[%rem3A_686, %scatter3A_1379, %scatter3A_1380] : memref<3x32x128xf32, #tpu.memory_space<vmem>> -> memref<1x32x128xf32, #tpu.memory_space<vmem>>
        %scatter3A_1382 = tpu.memref_squeeze %scatter3A_1381 : memref<1x32x128xf32, #tpu.memory_space<vmem>> -> memref<32x128xf32, #tpu.memory_space<vmem>>
        tpu.vector_store_idx %scatter3A_1382[%and3A_1373, %add3A_1040], %gather3A_1378 : memref<32x128xf32, #tpu.memory_space<vmem>>[vector<16xi32>, vector<16xi32>], vector<16xf32>,
        %mul3A_1383 = arith.mulf %gather3A_1378, %gather3A_1378 : vector<16xf32>
        %add3A_1384 = arith.addf %add3A_1316, %mul3A_1383 : vector<16xf32>
        %add3A_1385 = arith.constant 20 : i32
        %add3A_1386 = vector.broadcast %add3A_1385 : i32 to vector<16xi32>
        %add3A_1387 = arith.addi %iota3A, %add3A_1386 : vector<16xi32>
        %and3A_1388 = arith.constant 31 : i32
        %and3A_1389 = vector.broadcast %and3A_1388 : i32 to vector<16xi32>
        %and3A_1390 = arith.andi %add3A_1387, %and3A_1389 : vector<16xi32>
        %gather3A_1391 = arith.constant 0 : i32
        %gather3A_1392 = arith.constant 0 : i32
        %gather3A_1393 = tpu.memref_slice %arg9[%rem3A_686, %gather3A_1391, %gather3A_1392] : memref<3x128x32xf32, #tpu.memory_space<vmem>> -> memref<1x128x32xf32, #tpu.memory_space<vmem>>
        %gather3A_1394 = tpu.memref_squeeze %gather3A_1393 : memref<1x128x32xf32, #tpu.memory_space<vmem>> -> memref<128x32xf32, #tpu.memory_space<vmem>>
        %gather3A_1395 = tpu.vector_load_idx %gather3A_1394[%add3A_1040, %and3A_1390] : memref<128x32xf32, #tpu.memory_space<vmem>>[vector<16xi32>, vector<16xi32>], vector<16xf32>,
        %scatter3A_1396 = arith.constant 0 : i32
        %scatter3A_1397 = arith.constant 0 : i32
        %scatter3A_1398 = tpu.memref_slice %arg11[%rem3A_686, %scatter3A_1396, %scatter3A_1397] : memref<3x32x128xf32, #tpu.memory_space<vmem>> -> memref<1x32x128xf32, #tpu.memory_space<vmem>>
        %scatter3A_1399 = tpu.memref_squeeze %scatter3A_1398 : memref<1x32x128xf32, #tpu.memory_space<vmem>> -> memref<32x128xf32, #tpu.memory_space<vmem>>
        tpu.vector_store_idx %scatter3A_1399[%and3A_1390, %add3A_1040], %gather3A_1395 : memref<32x128xf32, #tpu.memory_space<vmem>>[vector<16xi32>, vector<16xi32>], vector<16xf32>,
        %mul3A_1400 = arith.mulf %gather3A_1395, %gather3A_1395 : vector<16xf32>
        %add3A_1401 = arith.addf %add3A_1333, %mul3A_1400 : vector<16xf32>
        %add3A_1402 = arith.constant 21 : i32
        %add3A_1403 = vector.broadcast %add3A_1402 : i32 to vector<16xi32>
        %add3A_1404 = arith.addi %iota3A, %add3A_1403 : vector<16xi32>
        %and3A_1405 = arith.constant 31 : i32
        %and3A_1406 = vector.broadcast %and3A_1405 : i32 to vector<16xi32>
        %and3A_1407 = arith.andi %add3A_1404, %and3A_1406 : vector<16xi32>
        %gather3A_1408 = arith.constant 0 : i32
        %gather3A_1409 = arith.constant 0 : i32
        %gather3A_1410 = tpu.memref_slice %arg9[%rem3A_686, %gather3A_1408, %gather3A_1409] : memref<3x128x32xf32, #tpu.memory_space<vmem>> -> memref<1x128x32xf32, #tpu.memory_space<vmem>>
        %gather3A_1411 = tpu.memref_squeeze %gather3A_1410 : memref<1x128x32xf32, #tpu.memory_space<vmem>> -> memref<128x32xf32, #tpu.memory_space<vmem>>
        %gather3A_1412 = tpu.vector_load_idx %gather3A_1411[%add3A_1040, %and3A_1407] : memref<128x32xf32, #tpu.memory_space<vmem>>[vector<16xi32>, vector<16xi32>], vector<16xf32>,
        %scatter3A_1413 = arith.constant 0 : i32
        %scatter3A_1414 = arith.constant 0 : i32
        %scatter3A_1415 = tpu.memref_slice %arg11[%rem3A_686, %scatter3A_1413, %scatter3A_1414] : memref<3x32x128xf32, #tpu.memory_space<vmem>> -> memref<1x32x128xf32, #tpu.memory_space<vmem>>
        %scatter3A_1416 = tpu.memref_squeeze %scatter3A_1415 : memref<1x32x128xf32, #tpu.memory_space<vmem>> -> memref<32x128xf32, #tpu.memory_space<vmem>>
        tpu.vector_store_idx %scatter3A_1416[%and3A_1407, %add3A_1040], %gather3A_1412 : memref<32x128xf32, #tpu.memory_space<vmem>>[vector<16xi32>, vector<16xi32>], vector<16xf32>,
        %mul3A_1417 = arith.mulf %gather3A_1412, %gather3A_1412 : vector<16xf32>
        %add3A_1418 = arith.addf %add3A_1350, %mul3A_1417 : vector<16xf32>
        %add3A_1419 = arith.constant 22 : i32
        %add3A_1420 = vector.broadcast %add3A_1419 : i32 to vector<16xi32>
        %add3A_1421 = arith.addi %iota3A, %add3A_1420 : vector<16xi32>
        %and3A_1422 = arith.constant 31 : i32
        %and3A_1423 = vector.broadcast %and3A_1422 : i32 to vector<16xi32>
        %and3A_1424 = arith.andi %add3A_1421, %and3A_1423 : vector<16xi32>
        %gather3A_1425 = arith.constant 0 : i32
        %gather3A_1426 = arith.constant 0 : i32
        %gather3A_1427 = tpu.memref_slice %arg9[%rem3A_686, %gather3A_1425, %gather3A_1426] : memref<3x128x32xf32, #tpu.memory_space<vmem>> -> memref<1x128x32xf32, #tpu.memory_space<vmem>>
        %gather3A_1428 = tpu.memref_squeeze %gather3A_1427 : memref<1x128x32xf32, #tpu.memory_space<vmem>> -> memref<128x32xf32, #tpu.memory_space<vmem>>
        %gather3A_1429 = tpu.vector_load_idx %gather3A_1428[%add3A_1040, %and3A_1424] : memref<128x32xf32, #tpu.memory_space<vmem>>[vector<16xi32>, vector<16xi32>], vector<16xf32>,
        %scatter3A_1430 = arith.constant 0 : i32
        %scatter3A_1431 = arith.constant 0 : i32
        %scatter3A_1432 = tpu.memref_slice %arg11[%rem3A_686, %scatter3A_1430, %scatter3A_1431] : memref<3x32x128xf32, #tpu.memory_space<vmem>> -> memref<1x32x128xf32, #tpu.memory_space<vmem>>
        %scatter3A_1433 = tpu.memref_squeeze %scatter3A_1432 : memref<1x32x128xf32, #tpu.memory_space<vmem>> -> memref<32x128xf32, #tpu.memory_space<vmem>>
        tpu.vector_store_idx %scatter3A_1433[%and3A_1424, %add3A_1040], %gather3A_1429 : memref<32x128xf32, #tpu.memory_space<vmem>>[vector<16xi32>, vector<16xi32>], vector<16xf32>,
        %mul3A_1434 = arith.mulf %gather3A_1429, %gather3A_1429 : vector<16xf32>
        %add3A_1435 = arith.addf %add3A_1367, %mul3A_1434 : vector<16xf32>
        %add3A_1436 = arith.constant 23 : i32
        %add3A_1437 = vector.broadcast %add3A_1436 : i32 to vector<16xi32>
        %add3A_1438 = arith.addi %iota3A, %add3A_1437 : vector<16xi32>
        %and3A_1439 = arith.constant 31 : i32
        %and3A_1440 = vector.broadcast %and3A_1439 : i32 to vector<16xi32>
        %and3A_1441 = arith.andi %add3A_1438, %and3A_1440 : vector<16xi32>
        %gather3A_1442 = arith.constant 0 : i32
        %gather3A_1443 = arith.constant 0 : i32
        %gather3A_1444 = tpu.memref_slice %arg9[%rem3A_686, %gather3A_1442, %gather3A_1443] : memref<3x128x32xf32, #tpu.memory_space<vmem>> -> memref<1x128x32xf32, #tpu.memory_space<vmem>>
        %gather3A_1445 = tpu.memref_squeeze %gather3A_1444 : memref<1x128x32xf32, #tpu.memory_space<vmem>> -> memref<128x32xf32, #tpu.memory_space<vmem>>
        %gather3A_1446 = tpu.vector_load_idx %gather3A_1445[%add3A_1040, %and3A_1441] : memref<128x32xf32, #tpu.memory_space<vmem>>[vector<16xi32>, vector<16xi32>], vector<16xf32>,
        %scatter3A_1447 = arith.constant 0 : i32
        %scatter3A_1448 = arith.constant 0 : i32
        %scatter3A_1449 = tpu.memref_slice %arg11[%rem3A_686, %scatter3A_1447, %scatter3A_1448] : memref<3x32x128xf32, #tpu.memory_space<vmem>> -> memref<1x32x128xf32, #tpu.memory_space<vmem>>
        %scatter3A_1450 = tpu.memref_squeeze %scatter3A_1449 : memref<1x32x128xf32, #tpu.memory_space<vmem>> -> memref<32x128xf32, #tpu.memory_space<vmem>>
        tpu.vector_store_idx %scatter3A_1450[%and3A_1441, %add3A_1040], %gather3A_1446 : memref<32x128xf32, #tpu.memory_space<vmem>>[vector<16xi32>, vector<16xi32>], vector<16xf32>,
        %mul3A_1451 = arith.mulf %gather3A_1446, %gather3A_1446 : vector<16xf32>
        %add3A_1452 = arith.addf %add3A_1384, %mul3A_1451 : vector<16xf32>
        %add3A_1453 = arith.constant 24 : i32
        %add3A_1454 = vector.broadcast %add3A_1453 : i32 to vector<16xi32>
        %add3A_1455 = arith.addi %iota3A, %add3A_1454 : vector<16xi32>
        %and3A_1456 = arith.constant 31 : i32
        %and3A_1457 = vector.broadcast %and3A_1456 : i32 to vector<16xi32>
        %and3A_1458 = arith.andi %add3A_1455, %and3A_1457 : vector<16xi32>
        %gather3A_1459 = arith.constant 0 : i32
        %gather3A_1460 = arith.constant 0 : i32
        %gather3A_1461 = tpu.memref_slice %arg9[%rem3A_686, %gather3A_1459, %gather3A_1460] : memref<3x128x32xf32, #tpu.memory_space<vmem>> -> memref<1x128x32xf32, #tpu.memory_space<vmem>>
        %gather3A_1462 = tpu.memref_squeeze %gather3A_1461 : memref<1x128x32xf32, #tpu.memory_space<vmem>> -> memref<128x32xf32, #tpu.memory_space<vmem>>
        %gather3A_1463 = tpu.vector_load_idx %gather3A_1462[%add3A_1040, %and3A_1458] : memref<128x32xf32, #tpu.memory_space<vmem>>[vector<16xi32>, vector<16xi32>], vector<16xf32>,
        %scatter3A_1464 = arith.constant 0 : i32
        %scatter3A_1465 = arith.constant 0 : i32
        %scatter3A_1466 = tpu.memref_slice %arg11[%rem3A_686, %scatter3A_1464, %scatter3A_1465] : memref<3x32x128xf32, #tpu.memory_space<vmem>> -> memref<1x32x128xf32, #tpu.memory_space<vmem>>
        %scatter3A_1467 = tpu.memref_squeeze %scatter3A_1466 : memref<1x32x128xf32, #tpu.memory_space<vmem>> -> memref<32x128xf32, #tpu.memory_space<vmem>>
        tpu.vector_store_idx %scatter3A_1467[%and3A_1458, %add3A_1040], %gather3A_1463 : memref<32x128xf32, #tpu.memory_space<vmem>>[vector<16xi32>, vector<16xi32>], vector<16xf32>,
        %mul3A_1468 = arith.mulf %gather3A_1463, %gather3A_1463 : vector<16xf32>
        %add3A_1469 = arith.addf %add3A_1401, %mul3A_1468 : vector<16xf32>
        %add3A_1470 = arith.constant 25 : i32
        %add3A_1471 = vector.broadcast %add3A_1470 : i32 to vector<16xi32>
        %add3A_1472 = arith.addi %iota3A, %add3A_1471 : vector<16xi32>
        %and3A_1473 = arith.constant 31 : i32
        %and3A_1474 = vector.broadcast %and3A_1473 : i32 to vector<16xi32>
        %and3A_1475 = arith.andi %add3A_1472, %and3A_1474 : vector<16xi32>
        %gather3A_1476 = arith.constant 0 : i32
        %gather3A_1477 = arith.constant 0 : i32
        %gather3A_1478 = tpu.memref_slice %arg9[%rem3A_686, %gather3A_1476, %gather3A_1477] : memref<3x128x32xf32, #tpu.memory_space<vmem>> -> memref<1x128x32xf32, #tpu.memory_space<vmem>>
        %gather3A_1479 = tpu.memref_squeeze %gather3A_1478 : memref<1x128x32xf32, #tpu.memory_space<vmem>> -> memref<128x32xf32, #tpu.memory_space<vmem>>
        %gather3A_1480 = tpu.vector_load_idx %gather3A_1479[%add3A_1040, %and3A_1475] : memref<128x32xf32, #tpu.memory_space<vmem>>[vector<16xi32>, vector<16xi32>], vector<16xf32>,
        %scatter3A_1481 = arith.constant 0 : i32
        %scatter3A_1482 = arith.constant 0 : i32
        %scatter3A_1483 = tpu.memref_slice %arg11[%rem3A_686, %scatter3A_1481, %scatter3A_1482] : memref<3x32x128xf32, #tpu.memory_space<vmem>> -> memref<1x32x128xf32, #tpu.memory_space<vmem>>
        %scatter3A_1484 = tpu.memref_squeeze %scatter3A_1483 : memref<1x32x128xf32, #tpu.memory_space<vmem>> -> memref<32x128xf32, #tpu.memory_space<vmem>>
        tpu.vector_store_idx %scatter3A_1484[%and3A_1475, %add3A_1040], %gather3A_1480 : memref<32x128xf32, #tpu.memory_space<vmem>>[vector<16xi32>, vector<16xi32>], vector<16xf32>,
        %mul3A_1485 = arith.mulf %gather3A_1480, %gather3A_1480 : vector<16xf32>
        %add3A_1486 = arith.addf %add3A_1418, %mul3A_1485 : vector<16xf32>
        %add3A_1487 = arith.constant 26 : i32
        %add3A_1488 = vector.broadcast %add3A_1487 : i32 to vector<16xi32>
        %add3A_1489 = arith.addi %iota3A, %add3A_1488 : vector<16xi32>
        %and3A_1490 = arith.constant 31 : i32
        %and3A_1491 = vector.broadcast %and3A_1490 : i32 to vector<16xi32>
        %and3A_1492 = arith.andi %add3A_1489, %and3A_1491 : vector<16xi32>
        %gather3A_1493 = arith.constant 0 : i32
        %gather3A_1494 = arith.constant 0 : i32
        %gather3A_1495 = tpu.memref_slice %arg9[%rem3A_686, %gather3A_1493, %gather3A_1494] : memref<3x128x32xf32, #tpu.memory_space<vmem>> -> memref<1x128x32xf32, #tpu.memory_space<vmem>>
        %gather3A_1496 = tpu.memref_squeeze %gather3A_1495 : memref<1x128x32xf32, #tpu.memory_space<vmem>> -> memref<128x32xf32, #tpu.memory_space<vmem>>
        %gather3A_1497 = tpu.vector_load_idx %gather3A_1496[%add3A_1040, %and3A_1492] : memref<128x32xf32, #tpu.memory_space<vmem>>[vector<16xi32>, vector<16xi32>], vector<16xf32>,
        %scatter3A_1498 = arith.constant 0 : i32
        %scatter3A_1499 = arith.constant 0 : i32
        %scatter3A_1500 = tpu.memref_slice %arg11[%rem3A_686, %scatter3A_1498, %scatter3A_1499] : memref<3x32x128xf32, #tpu.memory_space<vmem>> -> memref<1x32x128xf32, #tpu.memory_space<vmem>>
        %scatter3A_1501 = tpu.memref_squeeze %scatter3A_1500 : memref<1x32x128xf32, #tpu.memory_space<vmem>> -> memref<32x128xf32, #tpu.memory_space<vmem>>
        tpu.vector_store_idx %scatter3A_1501[%and3A_1492, %add3A_1040], %gather3A_1497 : memref<32x128xf32, #tpu.memory_space<vmem>>[vector<16xi32>, vector<16xi32>], vector<16xf32>,
        %mul3A_1502 = arith.mulf %gather3A_1497, %gather3A_1497 : vector<16xf32>
        %add3A_1503 = arith.addf %add3A_1435, %mul3A_1502 : vector<16xf32>
        %add3A_1504 = arith.constant 27 : i32
        %add3A_1505 = vector.broadcast %add3A_1504 : i32 to vector<16xi32>
        %add3A_1506 = arith.addi %iota3A, %add3A_1505 : vector<16xi32>
        %and3A_1507 = arith.constant 31 : i32
        %and3A_1508 = vector.broadcast %and3A_1507 : i32 to vector<16xi32>
        %and3A_1509 = arith.andi %add3A_1506, %and3A_1508 : vector<16xi32>
        %gather3A_1510 = arith.constant 0 : i32
        %gather3A_1511 = arith.constant 0 : i32
        %gather3A_1512 = tpu.memref_slice %arg9[%rem3A_686, %gather3A_1510, %gather3A_1511] : memref<3x128x32xf32, #tpu.memory_space<vmem>> -> memref<1x128x32xf32, #tpu.memory_space<vmem>>
        %gather3A_1513 = tpu.memref_squeeze %gather3A_1512 : memref<1x128x32xf32, #tpu.memory_space<vmem>> -> memref<128x32xf32, #tpu.memory_space<vmem>>
        %gather3A_1514 = tpu.vector_load_idx %gather3A_1513[%add3A_1040, %and3A_1509] : memref<128x32xf32, #tpu.memory_space<vmem>>[vector<16xi32>, vector<16xi32>], vector<16xf32>,
        %scatter3A_1515 = arith.constant 0 : i32
        %scatter3A_1516 = arith.constant 0 : i32
        %scatter3A_1517 = tpu.memref_slice %arg11[%rem3A_686, %scatter3A_1515, %scatter3A_1516] : memref<3x32x128xf32, #tpu.memory_space<vmem>> -> memref<1x32x128xf32, #tpu.memory_space<vmem>>
        %scatter3A_1518 = tpu.memref_squeeze %scatter3A_1517 : memref<1x32x128xf32, #tpu.memory_space<vmem>> -> memref<32x128xf32, #tpu.memory_space<vmem>>
        tpu.vector_store_idx %scatter3A_1518[%and3A_1509, %add3A_1040], %gather3A_1514 : memref<32x128xf32, #tpu.memory_space<vmem>>[vector<16xi32>, vector<16xi32>], vector<16xf32>,
        %mul3A_1519 = arith.mulf %gather3A_1514, %gather3A_1514 : vector<16xf32>
        %add3A_1520 = arith.addf %add3A_1452, %mul3A_1519 : vector<16xf32>
        %add3A_1521 = arith.constant 28 : i32
        %add3A_1522 = vector.broadcast %add3A_1521 : i32 to vector<16xi32>
        %add3A_1523 = arith.addi %iota3A, %add3A_1522 : vector<16xi32>
        %and3A_1524 = arith.constant 31 : i32
        %and3A_1525 = vector.broadcast %and3A_1524 : i32 to vector<16xi32>
        %and3A_1526 = arith.andi %add3A_1523, %and3A_1525 : vector<16xi32>
        %gather3A_1527 = arith.constant 0 : i32
        %gather3A_1528 = arith.constant 0 : i32
        %gather3A_1529 = tpu.memref_slice %arg9[%rem3A_686, %gather3A_1527, %gather3A_1528] : memref<3x128x32xf32, #tpu.memory_space<vmem>> -> memref<1x128x32xf32, #tpu.memory_space<vmem>>
        %gather3A_1530 = tpu.memref_squeeze %gather3A_1529 : memref<1x128x32xf32, #tpu.memory_space<vmem>> -> memref<128x32xf32, #tpu.memory_space<vmem>>
        %gather3A_1531 = tpu.vector_load_idx %gather3A_1530[%add3A_1040, %and3A_1526] : memref<128x32xf32, #tpu.memory_space<vmem>>[vector<16xi32>, vector<16xi32>], vector<16xf32>,
        %scatter3A_1532 = arith.constant 0 : i32
        %scatter3A_1533 = arith.constant 0 : i32
        %scatter3A_1534 = tpu.memref_slice %arg11[%rem3A_686, %scatter3A_1532, %scatter3A_1533] : memref<3x32x128xf32, #tpu.memory_space<vmem>> -> memref<1x32x128xf32, #tpu.memory_space<vmem>>
        %scatter3A_1535 = tpu.memref_squeeze %scatter3A_1534 : memref<1x32x128xf32, #tpu.memory_space<vmem>> -> memref<32x128xf32, #tpu.memory_space<vmem>>
        tpu.vector_store_idx %scatter3A_1535[%and3A_1526, %add3A_1040], %gather3A_1531 : memref<32x128xf32, #tpu.memory_space<vmem>>[vector<16xi32>, vector<16xi32>], vector<16xf32>,
        %mul3A_1536 = arith.mulf %gather3A_1531, %gather3A_1531 : vector<16xf32>
        %add3A_1537 = arith.addf %add3A_1469, %mul3A_1536 : vector<16xf32>
        %add3A_1538 = arith.constant 29 : i32
        %add3A_1539 = vector.broadcast %add3A_1538 : i32 to vector<16xi32>
        %add3A_1540 = arith.addi %iota3A, %add3A_1539 : vector<16xi32>
        %and3A_1541 = arith.constant 31 : i32
        %and3A_1542 = vector.broadcast %and3A_1541 : i32 to vector<16xi32>
        %and3A_1543 = arith.andi %add3A_1540, %and3A_1542 : vector<16xi32>
        %gather3A_1544 = arith.constant 0 : i32
        %gather3A_1545 = arith.constant 0 : i32
        %gather3A_1546 = tpu.memref_slice %arg9[%rem3A_686, %gather3A_1544, %gather3A_1545] : memref<3x128x32xf32, #tpu.memory_space<vmem>> -> memref<1x128x32xf32, #tpu.memory_space<vmem>>
        %gather3A_1547 = tpu.memref_squeeze %gather3A_1546 : memref<1x128x32xf32, #tpu.memory_space<vmem>> -> memref<128x32xf32, #tpu.memory_space<vmem>>
        %gather3A_1548 = tpu.vector_load_idx %gather3A_1547[%add3A_1040, %and3A_1543] : memref<128x32xf32, #tpu.memory_space<vmem>>[vector<16xi32>, vector<16xi32>], vector<16xf32>,
        %scatter3A_1549 = arith.constant 0 : i32
        %scatter3A_1550 = arith.constant 0 : i32
        %scatter3A_1551 = tpu.memref_slice %arg11[%rem3A_686, %scatter3A_1549, %scatter3A_1550] : memref<3x32x128xf32, #tpu.memory_space<vmem>> -> memref<1x32x128xf32, #tpu.memory_space<vmem>>
        %scatter3A_1552 = tpu.memref_squeeze %scatter3A_1551 : memref<1x32x128xf32, #tpu.memory_space<vmem>> -> memref<32x128xf32, #tpu.memory_space<vmem>>
        tpu.vector_store_idx %scatter3A_1552[%and3A_1543, %add3A_1040], %gather3A_1548 : memref<32x128xf32, #tpu.memory_space<vmem>>[vector<16xi32>, vector<16xi32>], vector<16xf32>,
        %mul3A_1553 = arith.mulf %gather3A_1548, %gather3A_1548 : vector<16xf32>
        %add3A_1554 = arith.addf %add3A_1486, %mul3A_1553 : vector<16xf32>
        %add3A_1555 = arith.constant 30 : i32
        %add3A_1556 = vector.broadcast %add3A_1555 : i32 to vector<16xi32>
        %add3A_1557 = arith.addi %iota3A, %add3A_1556 : vector<16xi32>
        %and3A_1558 = arith.constant 31 : i32
        %and3A_1559 = vector.broadcast %and3A_1558 : i32 to vector<16xi32>
        %and3A_1560 = arith.andi %add3A_1557, %and3A_1559 : vector<16xi32>
        %gather3A_1561 = arith.constant 0 : i32
        %gather3A_1562 = arith.constant 0 : i32
        %gather3A_1563 = tpu.memref_slice %arg9[%rem3A_686, %gather3A_1561, %gather3A_1562] : memref<3x128x32xf32, #tpu.memory_space<vmem>> -> memref<1x128x32xf32, #tpu.memory_space<vmem>>
        %gather3A_1564 = tpu.memref_squeeze %gather3A_1563 : memref<1x128x32xf32, #tpu.memory_space<vmem>> -> memref<128x32xf32, #tpu.memory_space<vmem>>
        %gather3A_1565 = tpu.vector_load_idx %gather3A_1564[%add3A_1040, %and3A_1560] : memref<128x32xf32, #tpu.memory_space<vmem>>[vector<16xi32>, vector<16xi32>], vector<16xf32>,
        %scatter3A_1566 = arith.constant 0 : i32
        %scatter3A_1567 = arith.constant 0 : i32
        %scatter3A_1568 = tpu.memref_slice %arg11[%rem3A_686, %scatter3A_1566, %scatter3A_1567] : memref<3x32x128xf32, #tpu.memory_space<vmem>> -> memref<1x32x128xf32, #tpu.memory_space<vmem>>
        %scatter3A_1569 = tpu.memref_squeeze %scatter3A_1568 : memref<1x32x128xf32, #tpu.memory_space<vmem>> -> memref<32x128xf32, #tpu.memory_space<vmem>>
        tpu.vector_store_idx %scatter3A_1569[%and3A_1560, %add3A_1040], %gather3A_1565 : memref<32x128xf32, #tpu.memory_space<vmem>>[vector<16xi32>, vector<16xi32>], vector<16xf32>,
        %mul3A_1570 = arith.mulf %gather3A_1565, %gather3A_1565 : vector<16xf32>
        %add3A_1571 = arith.addf %add3A_1503, %mul3A_1570 : vector<16xf32>
        %add3A_1572 = arith.constant 31 : i32
        %add3A_1573 = vector.broadcast %add3A_1572 : i32 to vector<16xi32>
        %add3A_1574 = arith.addi %iota3A, %add3A_1573 : vector<16xi32>
        %and3A_1575 = arith.constant 31 : i32
        %and3A_1576 = vector.broadcast %and3A_1575 : i32 to vector<16xi32>
        %and3A_1577 = arith.andi %add3A_1574, %and3A_1576 : vector<16xi32>
        %gather3A_1578 = arith.constant 0 : i32
        %gather3A_1579 = arith.constant 0 : i32
        %gather3A_1580 = tpu.memref_slice %arg9[%rem3A_686, %gather3A_1578, %gather3A_1579] : memref<3x128x32xf32, #tpu.memory_space<vmem>> -> memref<1x128x32xf32, #tpu.memory_space<vmem>>
        %gather3A_1581 = tpu.memref_squeeze %gather3A_1580 : memref<1x128x32xf32, #tpu.memory_space<vmem>> -> memref<128x32xf32, #tpu.memory_space<vmem>>
        %gather3A_1582 = tpu.vector_load_idx %gather3A_1581[%add3A_1040, %and3A_1577] : memref<128x32xf32, #tpu.memory_space<vmem>>[vector<16xi32>, vector<16xi32>], vector<16xf32>,
        %scatter3A_1583 = arith.constant 0 : i32
        %scatter3A_1584 = arith.constant 0 : i32
        %scatter3A_1585 = tpu.memref_slice %arg11[%rem3A_686, %scatter3A_1583, %scatter3A_1584] : memref<3x32x128xf32, #tpu.memory_space<vmem>> -> memref<1x32x128xf32, #tpu.memory_space<vmem>>
        %scatter3A_1586 = tpu.memref_squeeze %scatter3A_1585 : memref<1x32x128xf32, #tpu.memory_space<vmem>> -> memref<32x128xf32, #tpu.memory_space<vmem>>
        tpu.vector_store_idx %scatter3A_1586[%and3A_1577, %add3A_1040], %gather3A_1582 : memref<32x128xf32, #tpu.memory_space<vmem>>[vector<16xi32>, vector<16xi32>], vector<16xf32>,
        %mul3A_1587 = arith.mulf %gather3A_1582, %gather3A_1582 : vector<16xf32>
        %add3A_1588 = arith.addf %add3A_1520, %mul3A_1587 : vector<16xf32>
        %add3A_1589 = arith.constant 0 : i32
        %add3A_1590 = vector.broadcast %add3A_1589 : i32 to vector<16xi32>
        %add3A_1591 = arith.addi %iota3A, %add3A_1590 : vector<16xi32>
        %and3A_1592 = arith.constant 31 : i32
        %and3A_1593 = vector.broadcast %and3A_1592 : i32 to vector<16xi32>
        %and3A_1594 = arith.andi %add3A_1591, %and3A_1593 : vector<16xi32>
        %gather3A_1595 = arith.constant 0 : i32
        %gather3A_1596 = arith.constant 0 : i32
        %gather3A_1597 = tpu.memref_slice %arg10[%rem3A_686, %gather3A_1595, %gather3A_1596] : memref<3x128x32xf32, #tpu.memory_space<vmem>> -> memref<1x128x32xf32, #tpu.memory_space<vmem>>
        %gather3A_1598 = tpu.memref_squeeze %gather3A_1597 : memref<1x128x32xf32, #tpu.memory_space<vmem>> -> memref<128x32xf32, #tpu.memory_space<vmem>>
        %gather3A_1599 = tpu.vector_load_idx %gather3A_1598[%add3A_1040, %and3A_1594] : memref<128x32xf32, #tpu.memory_space<vmem>>[vector<16xi32>, vector<16xi32>], vector<16xf32>,
        %scatter3A_1600 = arith.constant 0 : i32
        %scatter3A_1601 = arith.constant 0 : i32
        %scatter3A_1602 = tpu.memref_slice %arg12[%rem3A_686, %scatter3A_1600, %scatter3A_1601] : memref<3x32x128xf32, #tpu.memory_space<vmem>> -> memref<1x32x128xf32, #tpu.memory_space<vmem>>
        %scatter3A_1603 = tpu.memref_squeeze %scatter3A_1602 : memref<1x32x128xf32, #tpu.memory_space<vmem>> -> memref<32x128xf32, #tpu.memory_space<vmem>>
        tpu.vector_store_idx %scatter3A_1603[%and3A_1594, %add3A_1040], %gather3A_1599 : memref<32x128xf32, #tpu.memory_space<vmem>>[vector<16xi32>, vector<16xi32>], vector<16xf32>,
        %mul3A_1604 = arith.mulf %gather3A_1599, %gather3A_1599 : vector<16xf32>
        %add3A_1605 = arith.addf %add3A_1537, %mul3A_1604 : vector<16xf32>
        %add3A_1606 = arith.constant 1 : i32
        %add3A_1607 = vector.broadcast %add3A_1606 : i32 to vector<16xi32>
        %add3A_1608 = arith.addi %iota3A, %add3A_1607 : vector<16xi32>
        %and3A_1609 = arith.constant 31 : i32
        %and3A_1610 = vector.broadcast %and3A_1609 : i32 to vector<16xi32>
        %and3A_1611 = arith.andi %add3A_1608, %and3A_1610 : vector<16xi32>
        %gather3A_1612 = arith.constant 0 : i32
        %gather3A_1613 = arith.constant 0 : i32
        %gather3A_1614 = tpu.memref_slice %arg10[%rem3A_686, %gather3A_1612, %gather3A_1613] : memref<3x128x32xf32, #tpu.memory_space<vmem>> -> memref<1x128x32xf32, #tpu.memory_space<vmem>>
        %gather3A_1615 = tpu.memref_squeeze %gather3A_1614 : memref<1x128x32xf32, #tpu.memory_space<vmem>> -> memref<128x32xf32, #tpu.memory_space<vmem>>
        %gather3A_1616 = tpu.vector_load_idx %gather3A_1615[%add3A_1040, %and3A_1611] : memref<128x32xf32, #tpu.memory_space<vmem>>[vector<16xi32>, vector<16xi32>], vector<16xf32>,
        %scatter3A_1617 = arith.constant 0 : i32
        %scatter3A_1618 = arith.constant 0 : i32
        %scatter3A_1619 = tpu.memref_slice %arg12[%rem3A_686, %scatter3A_1617, %scatter3A_1618] : memref<3x32x128xf32, #tpu.memory_space<vmem>> -> memref<1x32x128xf32, #tpu.memory_space<vmem>>
        %scatter3A_1620 = tpu.memref_squeeze %scatter3A_1619 : memref<1x32x128xf32, #tpu.memory_space<vmem>> -> memref<32x128xf32, #tpu.memory_space<vmem>>
        tpu.vector_store_idx %scatter3A_1620[%and3A_1611, %add3A_1040], %gather3A_1616 : memref<32x128xf32, #tpu.memory_space<vmem>>[vector<16xi32>, vector<16xi32>], vector<16xf32>,
        %mul3A_1621 = arith.mulf %gather3A_1616, %gather3A_1616 : vector<16xf32>
        %add3A_1622 = arith.addf %add3A_1554, %mul3A_1621 : vector<16xf32>
        %add3A_1623 = arith.constant 2 : i32
        %add3A_1624 = vector.broadcast %add3A_1623 : i32 to vector<16xi32>
        %add3A_1625 = arith.addi %iota3A, %add3A_1624 : vector<16xi32>
        %and3A_1626 = arith.constant 31 : i32
        %and3A_1627 = vector.broadcast %and3A_1626 : i32 to vector<16xi32>
        %and3A_1628 = arith.andi %add3A_1625, %and3A_1627 : vector<16xi32>
        %gather3A_1629 = arith.constant 0 : i32
        %gather3A_1630 = arith.constant 0 : i32
        %gather3A_1631 = tpu.memref_slice %arg10[%rem3A_686, %gather3A_1629, %gather3A_1630] : memref<3x128x32xf32, #tpu.memory_space<vmem>> -> memref<1x128x32xf32, #tpu.memory_space<vmem>>
        %gather3A_1632 = tpu.memref_squeeze %gather3A_1631 : memref<1x128x32xf32, #tpu.memory_space<vmem>> -> memref<128x32xf32, #tpu.memory_space<vmem>>
        %gather3A_1633 = tpu.vector_load_idx %gather3A_1632[%add3A_1040, %and3A_1628] : memref<128x32xf32, #tpu.memory_space<vmem>>[vector<16xi32>, vector<16xi32>], vector<16xf32>,
        %scatter3A_1634 = arith.constant 0 : i32
        %scatter3A_1635 = arith.constant 0 : i32
        %scatter3A_1636 = tpu.memref_slice %arg12[%rem3A_686, %scatter3A_1634, %scatter3A_1635] : memref<3x32x128xf32, #tpu.memory_space<vmem>> -> memref<1x32x128xf32, #tpu.memory_space<vmem>>
        %scatter3A_1637 = tpu.memref_squeeze %scatter3A_1636 : memref<1x32x128xf32, #tpu.memory_space<vmem>> -> memref<32x128xf32, #tpu.memory_space<vmem>>
        tpu.vector_store_idx %scatter3A_1637[%and3A_1628, %add3A_1040], %gather3A_1633 : memref<32x128xf32, #tpu.memory_space<vmem>>[vector<16xi32>, vector<16xi32>], vector<16xf32>,
        %mul3A_1638 = arith.mulf %gather3A_1633, %gather3A_1633 : vector<16xf32>
        %add3A_1639 = arith.addf %add3A_1571, %mul3A_1638 : vector<16xf32>
        %add3A_1640 = arith.constant 3 : i32
        %add3A_1641 = vector.broadcast %add3A_1640 : i32 to vector<16xi32>
        %add3A_1642 = arith.addi %iota3A, %add3A_1641 : vector<16xi32>
        %and3A_1643 = arith.constant 31 : i32
        %and3A_1644 = vector.broadcast %and3A_1643 : i32 to vector<16xi32>
        %and3A_1645 = arith.andi %add3A_1642, %and3A_1644 : vector<16xi32>
        %gather3A_1646 = arith.constant 0 : i32
        %gather3A_1647 = arith.constant 0 : i32
        %gather3A_1648 = tpu.memref_slice %arg10[%rem3A_686, %gather3A_1646, %gather3A_1647] : memref<3x128x32xf32, #tpu.memory_space<vmem>> -> memref<1x128x32xf32, #tpu.memory_space<vmem>>
        %gather3A_1649 = tpu.memref_squeeze %gather3A_1648 : memref<1x128x32xf32, #tpu.memory_space<vmem>> -> memref<128x32xf32, #tpu.memory_space<vmem>>
        %gather3A_1650 = tpu.vector_load_idx %gather3A_1649[%add3A_1040, %and3A_1645] : memref<128x32xf32, #tpu.memory_space<vmem>>[vector<16xi32>, vector<16xi32>], vector<16xf32>,
        %scatter3A_1651 = arith.constant 0 : i32
        %scatter3A_1652 = arith.constant 0 : i32
        %scatter3A_1653 = tpu.memref_slice %arg12[%rem3A_686, %scatter3A_1651, %scatter3A_1652] : memref<3x32x128xf32, #tpu.memory_space<vmem>> -> memref<1x32x128xf32, #tpu.memory_space<vmem>>
        %scatter3A_1654 = tpu.memref_squeeze %scatter3A_1653 : memref<1x32x128xf32, #tpu.memory_space<vmem>> -> memref<32x128xf32, #tpu.memory_space<vmem>>
        tpu.vector_store_idx %scatter3A_1654[%and3A_1645, %add3A_1040], %gather3A_1650 : memref<32x128xf32, #tpu.memory_space<vmem>>[vector<16xi32>, vector<16xi32>], vector<16xf32>,
        %mul3A_1655 = arith.mulf %gather3A_1650, %gather3A_1650 : vector<16xf32>
        %add3A_1656 = arith.addf %add3A_1588, %mul3A_1655 : vector<16xf32>
        %add3A_1657 = arith.constant 4 : i32
        %add3A_1658 = vector.broadcast %add3A_1657 : i32 to vector<16xi32>
        %add3A_1659 = arith.addi %iota3A, %add3A_1658 : vector<16xi32>
        %and3A_1660 = arith.constant 31 : i32
        %and3A_1661 = vector.broadcast %and3A_1660 : i32 to vector<16xi32>
        %and3A_1662 = arith.andi %add3A_1659, %and3A_1661 : vector<16xi32>
        %gather3A_1663 = arith.constant 0 : i32
        %gather3A_1664 = arith.constant 0 : i32
        %gather3A_1665 = tpu.memref_slice %arg10[%rem3A_686, %gather3A_1663, %gather3A_1664] : memref<3x128x32xf32, #tpu.memory_space<vmem>> -> memref<1x128x32xf32, #tpu.memory_space<vmem>>
        %gather3A_1666 = tpu.memref_squeeze %gather3A_1665 : memref<1x128x32xf32, #tpu.memory_space<vmem>> -> memref<128x32xf32, #tpu.memory_space<vmem>>
        %gather3A_1667 = tpu.vector_load_idx %gather3A_1666[%add3A_1040, %and3A_1662] : memref<128x32xf32, #tpu.memory_space<vmem>>[vector<16xi32>, vector<16xi32>], vector<16xf32>,
        %scatter3A_1668 = arith.constant 0 : i32
        %scatter3A_1669 = arith.constant 0 : i32
        %scatter3A_1670 = tpu.memref_slice %arg12[%rem3A_686, %scatter3A_1668, %scatter3A_1669] : memref<3x32x128xf32, #tpu.memory_space<vmem>> -> memref<1x32x128xf32, #tpu.memory_space<vmem>>
        %scatter3A_1671 = tpu.memref_squeeze %scatter3A_1670 : memref<1x32x128xf32, #tpu.memory_space<vmem>> -> memref<32x128xf32, #tpu.memory_space<vmem>>
        tpu.vector_store_idx %scatter3A_1671[%and3A_1662, %add3A_1040], %gather3A_1667 : memref<32x128xf32, #tpu.memory_space<vmem>>[vector<16xi32>, vector<16xi32>], vector<16xf32>,
        %mul3A_1672 = arith.mulf %gather3A_1667, %gather3A_1667 : vector<16xf32>
        %add3A_1673 = arith.addf %add3A_1605, %mul3A_1672 : vector<16xf32>
        %add3A_1674 = arith.constant 5 : i32
        %add3A_1675 = vector.broadcast %add3A_1674 : i32 to vector<16xi32>
        %add3A_1676 = arith.addi %iota3A, %add3A_1675 : vector<16xi32>
        %and3A_1677 = arith.constant 31 : i32
        %and3A_1678 = vector.broadcast %and3A_1677 : i32 to vector<16xi32>
        %and3A_1679 = arith.andi %add3A_1676, %and3A_1678 : vector<16xi32>
        %gather3A_1680 = arith.constant 0 : i32
        %gather3A_1681 = arith.constant 0 : i32
        %gather3A_1682 = tpu.memref_slice %arg10[%rem3A_686, %gather3A_1680, %gather3A_1681] : memref<3x128x32xf32, #tpu.memory_space<vmem>> -> memref<1x128x32xf32, #tpu.memory_space<vmem>>
        %gather3A_1683 = tpu.memref_squeeze %gather3A_1682 : memref<1x128x32xf32, #tpu.memory_space<vmem>> -> memref<128x32xf32, #tpu.memory_space<vmem>>
        %gather3A_1684 = tpu.vector_load_idx %gather3A_1683[%add3A_1040, %and3A_1679] : memref<128x32xf32, #tpu.memory_space<vmem>>[vector<16xi32>, vector<16xi32>], vector<16xf32>,
        %scatter3A_1685 = arith.constant 0 : i32
        %scatter3A_1686 = arith.constant 0 : i32
        %scatter3A_1687 = tpu.memref_slice %arg12[%rem3A_686, %scatter3A_1685, %scatter3A_1686] : memref<3x32x128xf32, #tpu.memory_space<vmem>> -> memref<1x32x128xf32, #tpu.memory_space<vmem>>
        %scatter3A_1688 = tpu.memref_squeeze %scatter3A_1687 : memref<1x32x128xf32, #tpu.memory_space<vmem>> -> memref<32x128xf32, #tpu.memory_space<vmem>>
        tpu.vector_store_idx %scatter3A_1688[%and3A_1679, %add3A_1040], %gather3A_1684 : memref<32x128xf32, #tpu.memory_space<vmem>>[vector<16xi32>, vector<16xi32>], vector<16xf32>,
        %mul3A_1689 = arith.mulf %gather3A_1684, %gather3A_1684 : vector<16xf32>
        %add3A_1690 = arith.addf %add3A_1622, %mul3A_1689 : vector<16xf32>
        %add3A_1691 = arith.constant 6 : i32
        %add3A_1692 = vector.broadcast %add3A_1691 : i32 to vector<16xi32>
        %add3A_1693 = arith.addi %iota3A, %add3A_1692 : vector<16xi32>
        %and3A_1694 = arith.constant 31 : i32
        %and3A_1695 = vector.broadcast %and3A_1694 : i32 to vector<16xi32>
        %and3A_1696 = arith.andi %add3A_1693, %and3A_1695 : vector<16xi32>
        %gather3A_1697 = arith.constant 0 : i32
        %gather3A_1698 = arith.constant 0 : i32
        %gather3A_1699 = tpu.memref_slice %arg10[%rem3A_686, %gather3A_1697, %gather3A_1698] : memref<3x128x32xf32, #tpu.memory_space<vmem>> -> memref<1x128x32xf32, #tpu.memory_space<vmem>>
        %gather3A_1700 = tpu.memref_squeeze %gather3A_1699 : memref<1x128x32xf32, #tpu.memory_space<vmem>> -> memref<128x32xf32, #tpu.memory_space<vmem>>
        %gather3A_1701 = tpu.vector_load_idx %gather3A_1700[%add3A_1040, %and3A_1696] : memref<128x32xf32, #tpu.memory_space<vmem>>[vector<16xi32>, vector<16xi32>], vector<16xf32>,
        %scatter3A_1702 = arith.constant 0 : i32
        %scatter3A_1703 = arith.constant 0 : i32
        %scatter3A_1704 = tpu.memref_slice %arg12[%rem3A_686, %scatter3A_1702, %scatter3A_1703] : memref<3x32x128xf32, #tpu.memory_space<vmem>> -> memref<1x32x128xf32, #tpu.memory_space<vmem>>
        %scatter3A_1705 = tpu.memref_squeeze %scatter3A_1704 : memref<1x32x128xf32, #tpu.memory_space<vmem>> -> memref<32x128xf32, #tpu.memory_space<vmem>>
        tpu.vector_store_idx %scatter3A_1705[%and3A_1696, %add3A_1040], %gather3A_1701 : memref<32x128xf32, #tpu.memory_space<vmem>>[vector<16xi32>, vector<16xi32>], vector<16xf32>,
        %mul3A_1706 = arith.mulf %gather3A_1701, %gather3A_1701 : vector<16xf32>
        %add3A_1707 = arith.addf %add3A_1639, %mul3A_1706 : vector<16xf32>
        %add3A_1708 = arith.constant 7 : i32
        %add3A_1709 = vector.broadcast %add3A_1708 : i32 to vector<16xi32>
        %add3A_1710 = arith.addi %iota3A, %add3A_1709 : vector<16xi32>
        %and3A_1711 = arith.constant 31 : i32
        %and3A_1712 = vector.broadcast %and3A_1711 : i32 to vector<16xi32>
        %and3A_1713 = arith.andi %add3A_1710, %and3A_1712 : vector<16xi32>
        %gather3A_1714 = arith.constant 0 : i32
        %gather3A_1715 = arith.constant 0 : i32
        %gather3A_1716 = tpu.memref_slice %arg10[%rem3A_686, %gather3A_1714, %gather3A_1715] : memref<3x128x32xf32, #tpu.memory_space<vmem>> -> memref<1x128x32xf32, #tpu.memory_space<vmem>>
        %gather3A_1717 = tpu.memref_squeeze %gather3A_1716 : memref<1x128x32xf32, #tpu.memory_space<vmem>> -> memref<128x32xf32, #tpu.memory_space<vmem>>
        %gather3A_1718 = tpu.vector_load_idx %gather3A_1717[%add3A_1040, %and3A_1713] : memref<128x32xf32, #tpu.memory_space<vmem>>[vector<16xi32>, vector<16xi32>], vector<16xf32>,
        %scatter3A_1719 = arith.constant 0 : i32
        %scatter3A_1720 = arith.constant 0 : i32
        %scatter3A_1721 = tpu.memref_slice %arg12[%rem3A_686, %scatter3A_1719, %scatter3A_1720] : memref<3x32x128xf32, #tpu.memory_space<vmem>> -> memref<1x32x128xf32, #tpu.memory_space<vmem>>
        %scatter3A_1722 = tpu.memref_squeeze %scatter3A_1721 : memref<1x32x128xf32, #tpu.memory_space<vmem>> -> memref<32x128xf32, #tpu.memory_space<vmem>>
        tpu.vector_store_idx %scatter3A_1722[%and3A_1713, %add3A_1040], %gather3A_1718 : memref<32x128xf32, #tpu.memory_space<vmem>>[vector<16xi32>, vector<16xi32>], vector<16xf32>,
        %mul3A_1723 = arith.mulf %gather3A_1718, %gather3A_1718 : vector<16xf32>
        %add3A_1724 = arith.addf %add3A_1656, %mul3A_1723 : vector<16xf32>
        %add3A_1725 = arith.constant 8 : i32
        %add3A_1726 = vector.broadcast %add3A_1725 : i32 to vector<16xi32>
        %add3A_1727 = arith.addi %iota3A, %add3A_1726 : vector<16xi32>
        %and3A_1728 = arith.constant 31 : i32
        %and3A_1729 = vector.broadcast %and3A_1728 : i32 to vector<16xi32>
        %and3A_1730 = arith.andi %add3A_1727, %and3A_1729 : vector<16xi32>
        %gather3A_1731 = arith.constant 0 : i32
        %gather3A_1732 = arith.constant 0 : i32
        %gather3A_1733 = tpu.memref_slice %arg10[%rem3A_686, %gather3A_1731, %gather3A_1732] : memref<3x128x32xf32, #tpu.memory_space<vmem>> -> memref<1x128x32xf32, #tpu.memory_space<vmem>>
        %gather3A_1734 = tpu.memref_squeeze %gather3A_1733 : memref<1x128x32xf32, #tpu.memory_space<vmem>> -> memref<128x32xf32, #tpu.memory_space<vmem>>
        %gather3A_1735 = tpu.vector_load_idx %gather3A_1734[%add3A_1040, %and3A_1730] : memref<128x32xf32, #tpu.memory_space<vmem>>[vector<16xi32>, vector<16xi32>], vector<16xf32>,
        %scatter3A_1736 = arith.constant 0 : i32
        %scatter3A_1737 = arith.constant 0 : i32
        %scatter3A_1738 = tpu.memref_slice %arg12[%rem3A_686, %scatter3A_1736, %scatter3A_1737] : memref<3x32x128xf32, #tpu.memory_space<vmem>> -> memref<1x32x128xf32, #tpu.memory_space<vmem>>
        %scatter3A_1739 = tpu.memref_squeeze %scatter3A_1738 : memref<1x32x128xf32, #tpu.memory_space<vmem>> -> memref<32x128xf32, #tpu.memory_space<vmem>>
        tpu.vector_store_idx %scatter3A_1739[%and3A_1730, %add3A_1040], %gather3A_1735 : memref<32x128xf32, #tpu.memory_space<vmem>>[vector<16xi32>, vector<16xi32>], vector<16xf32>,
        %mul3A_1740 = arith.mulf %gather3A_1735, %gather3A_1735 : vector<16xf32>
        %add3A_1741 = arith.addf %add3A_1673, %mul3A_1740 : vector<16xf32>
        %add3A_1742 = arith.constant 9 : i32
        %add3A_1743 = vector.broadcast %add3A_1742 : i32 to vector<16xi32>
        %add3A_1744 = arith.addi %iota3A, %add3A_1743 : vector<16xi32>
        %and3A_1745 = arith.constant 31 : i32
        %and3A_1746 = vector.broadcast %and3A_1745 : i32 to vector<16xi32>
        %and3A_1747 = arith.andi %add3A_1744, %and3A_1746 : vector<16xi32>
        %gather3A_1748 = arith.constant 0 : i32
        %gather3A_1749 = arith.constant 0 : i32
        %gather3A_1750 = tpu.memref_slice %arg10[%rem3A_686, %gather3A_1748, %gather3A_1749] : memref<3x128x32xf32, #tpu.memory_space<vmem>> -> memref<1x128x32xf32, #tpu.memory_space<vmem>>
        %gather3A_1751 = tpu.memref_squeeze %gather3A_1750 : memref<1x128x32xf32, #tpu.memory_space<vmem>> -> memref<128x32xf32, #tpu.memory_space<vmem>>
        %gather3A_1752 = tpu.vector_load_idx %gather3A_1751[%add3A_1040, %and3A_1747] : memref<128x32xf32, #tpu.memory_space<vmem>>[vector<16xi32>, vector<16xi32>], vector<16xf32>,
        %scatter3A_1753 = arith.constant 0 : i32
        %scatter3A_1754 = arith.constant 0 : i32
        %scatter3A_1755 = tpu.memref_slice %arg12[%rem3A_686, %scatter3A_1753, %scatter3A_1754] : memref<3x32x128xf32, #tpu.memory_space<vmem>> -> memref<1x32x128xf32, #tpu.memory_space<vmem>>
        %scatter3A_1756 = tpu.memref_squeeze %scatter3A_1755 : memref<1x32x128xf32, #tpu.memory_space<vmem>> -> memref<32x128xf32, #tpu.memory_space<vmem>>
        tpu.vector_store_idx %scatter3A_1756[%and3A_1747, %add3A_1040], %gather3A_1752 : memref<32x128xf32, #tpu.memory_space<vmem>>[vector<16xi32>, vector<16xi32>], vector<16xf32>,
        %mul3A_1757 = arith.mulf %gather3A_1752, %gather3A_1752 : vector<16xf32>
        %add3A_1758 = arith.addf %add3A_1690, %mul3A_1757 : vector<16xf32>
        %add3A_1759 = arith.constant 10 : i32
        %add3A_1760 = vector.broadcast %add3A_1759 : i32 to vector<16xi32>
        %add3A_1761 = arith.addi %iota3A, %add3A_1760 : vector<16xi32>
        %and3A_1762 = arith.constant 31 : i32
        %and3A_1763 = vector.broadcast %and3A_1762 : i32 to vector<16xi32>
        %and3A_1764 = arith.andi %add3A_1761, %and3A_1763 : vector<16xi32>
        %gather3A_1765 = arith.constant 0 : i32
        %gather3A_1766 = arith.constant 0 : i32
        %gather3A_1767 = tpu.memref_slice %arg10[%rem3A_686, %gather3A_1765, %gather3A_1766] : memref<3x128x32xf32, #tpu.memory_space<vmem>> -> memref<1x128x32xf32, #tpu.memory_space<vmem>>
        %gather3A_1768 = tpu.memref_squeeze %gather3A_1767 : memref<1x128x32xf32, #tpu.memory_space<vmem>> -> memref<128x32xf32, #tpu.memory_space<vmem>>
        %gather3A_1769 = tpu.vector_load_idx %gather3A_1768[%add3A_1040, %and3A_1764] : memref<128x32xf32, #tpu.memory_space<vmem>>[vector<16xi32>, vector<16xi32>], vector<16xf32>,
        %scatter3A_1770 = arith.constant 0 : i32
        %scatter3A_1771 = arith.constant 0 : i32
        %scatter3A_1772 = tpu.memref_slice %arg12[%rem3A_686, %scatter3A_1770, %scatter3A_1771] : memref<3x32x128xf32, #tpu.memory_space<vmem>> -> memref<1x32x128xf32, #tpu.memory_space<vmem>>
        %scatter3A_1773 = tpu.memref_squeeze %scatter3A_1772 : memref<1x32x128xf32, #tpu.memory_space<vmem>> -> memref<32x128xf32, #tpu.memory_space<vmem>>
        tpu.vector_store_idx %scatter3A_1773[%and3A_1764, %add3A_1040], %gather3A_1769 : memref<32x128xf32, #tpu.memory_space<vmem>>[vector<16xi32>, vector<16xi32>], vector<16xf32>,
        %mul3A_1774 = arith.mulf %gather3A_1769, %gather3A_1769 : vector<16xf32>
        %add3A_1775 = arith.addf %add3A_1707, %mul3A_1774 : vector<16xf32>
        %add3A_1776 = arith.constant 11 : i32
        %add3A_1777 = vector.broadcast %add3A_1776 : i32 to vector<16xi32>
        %add3A_1778 = arith.addi %iota3A, %add3A_1777 : vector<16xi32>
        %and3A_1779 = arith.constant 31 : i32
        %and3A_1780 = vector.broadcast %and3A_1779 : i32 to vector<16xi32>
        %and3A_1781 = arith.andi %add3A_1778, %and3A_1780 : vector<16xi32>
        %gather3A_1782 = arith.constant 0 : i32
        %gather3A_1783 = arith.constant 0 : i32
        %gather3A_1784 = tpu.memref_slice %arg10[%rem3A_686, %gather3A_1782, %gather3A_1783] : memref<3x128x32xf32, #tpu.memory_space<vmem>> -> memref<1x128x32xf32, #tpu.memory_space<vmem>>
        %gather3A_1785 = tpu.memref_squeeze %gather3A_1784 : memref<1x128x32xf32, #tpu.memory_space<vmem>> -> memref<128x32xf32, #tpu.memory_space<vmem>>
        %gather3A_1786 = tpu.vector_load_idx %gather3A_1785[%add3A_1040, %and3A_1781] : memref<128x32xf32, #tpu.memory_space<vmem>>[vector<16xi32>, vector<16xi32>], vector<16xf32>,
        %scatter3A_1787 = arith.constant 0 : i32
        %scatter3A_1788 = arith.constant 0 : i32
        %scatter3A_1789 = tpu.memref_slice %arg12[%rem3A_686, %scatter3A_1787, %scatter3A_1788] : memref<3x32x128xf32, #tpu.memory_space<vmem>> -> memref<1x32x128xf32, #tpu.memory_space<vmem>>
        %scatter3A_1790 = tpu.memref_squeeze %scatter3A_1789 : memref<1x32x128xf32, #tpu.memory_space<vmem>> -> memref<32x128xf32, #tpu.memory_space<vmem>>
        tpu.vector_store_idx %scatter3A_1790[%and3A_1781, %add3A_1040], %gather3A_1786 : memref<32x128xf32, #tpu.memory_space<vmem>>[vector<16xi32>, vector<16xi32>], vector<16xf32>,
        %mul3A_1791 = arith.mulf %gather3A_1786, %gather3A_1786 : vector<16xf32>
        %add3A_1792 = arith.addf %add3A_1724, %mul3A_1791 : vector<16xf32>
        %add3A_1793 = arith.constant 12 : i32
        %add3A_1794 = vector.broadcast %add3A_1793 : i32 to vector<16xi32>
        %add3A_1795 = arith.addi %iota3A, %add3A_1794 : vector<16xi32>
        %and3A_1796 = arith.constant 31 : i32
        %and3A_1797 = vector.broadcast %and3A_1796 : i32 to vector<16xi32>
        %and3A_1798 = arith.andi %add3A_1795, %and3A_1797 : vector<16xi32>
        %gather3A_1799 = arith.constant 0 : i32
        %gather3A_1800 = arith.constant 0 : i32
        %gather3A_1801 = tpu.memref_slice %arg10[%rem3A_686, %gather3A_1799, %gather3A_1800] : memref<3x128x32xf32, #tpu.memory_space<vmem>> -> memref<1x128x32xf32, #tpu.memory_space<vmem>>
        %gather3A_1802 = tpu.memref_squeeze %gather3A_1801 : memref<1x128x32xf32, #tpu.memory_space<vmem>> -> memref<128x32xf32, #tpu.memory_space<vmem>>
        %gather3A_1803 = tpu.vector_load_idx %gather3A_1802[%add3A_1040, %and3A_1798] : memref<128x32xf32, #tpu.memory_space<vmem>>[vector<16xi32>, vector<16xi32>], vector<16xf32>,
        %scatter3A_1804 = arith.constant 0 : i32
        %scatter3A_1805 = arith.constant 0 : i32
        %scatter3A_1806 = tpu.memref_slice %arg12[%rem3A_686, %scatter3A_1804, %scatter3A_1805] : memref<3x32x128xf32, #tpu.memory_space<vmem>> -> memref<1x32x128xf32, #tpu.memory_space<vmem>>
        %scatter3A_1807 = tpu.memref_squeeze %scatter3A_1806 : memref<1x32x128xf32, #tpu.memory_space<vmem>> -> memref<32x128xf32, #tpu.memory_space<vmem>>
        tpu.vector_store_idx %scatter3A_1807[%and3A_1798, %add3A_1040], %gather3A_1803 : memref<32x128xf32, #tpu.memory_space<vmem>>[vector<16xi32>, vector<16xi32>], vector<16xf32>,
        %mul3A_1808 = arith.mulf %gather3A_1803, %gather3A_1803 : vector<16xf32>
        %add3A_1809 = arith.addf %add3A_1741, %mul3A_1808 : vector<16xf32>
        %add3A_1810 = arith.constant 13 : i32
        %add3A_1811 = vector.broadcast %add3A_1810 : i32 to vector<16xi32>
        %add3A_1812 = arith.addi %iota3A, %add3A_1811 : vector<16xi32>
        %and3A_1813 = arith.constant 31 : i32
        %and3A_1814 = vector.broadcast %and3A_1813 : i32 to vector<16xi32>
        %and3A_1815 = arith.andi %add3A_1812, %and3A_1814 : vector<16xi32>
        %gather3A_1816 = arith.constant 0 : i32
        %gather3A_1817 = arith.constant 0 : i32
        %gather3A_1818 = tpu.memref_slice %arg10[%rem3A_686, %gather3A_1816, %gather3A_1817] : memref<3x128x32xf32, #tpu.memory_space<vmem>> -> memref<1x128x32xf32, #tpu.memory_space<vmem>>
        %gather3A_1819 = tpu.memref_squeeze %gather3A_1818 : memref<1x128x32xf32, #tpu.memory_space<vmem>> -> memref<128x32xf32, #tpu.memory_space<vmem>>
        %gather3A_1820 = tpu.vector_load_idx %gather3A_1819[%add3A_1040, %and3A_1815] : memref<128x32xf32, #tpu.memory_space<vmem>>[vector<16xi32>, vector<16xi32>], vector<16xf32>,
        %scatter3A_1821 = arith.constant 0 : i32
        %scatter3A_1822 = arith.constant 0 : i32
        %scatter3A_1823 = tpu.memref_slice %arg12[%rem3A_686, %scatter3A_1821, %scatter3A_1822] : memref<3x32x128xf32, #tpu.memory_space<vmem>> -> memref<1x32x128xf32, #tpu.memory_space<vmem>>
        %scatter3A_1824 = tpu.memref_squeeze %scatter3A_1823 : memref<1x32x128xf32, #tpu.memory_space<vmem>> -> memref<32x128xf32, #tpu.memory_space<vmem>>
        tpu.vector_store_idx %scatter3A_1824[%and3A_1815, %add3A_1040], %gather3A_1820 : memref<32x128xf32, #tpu.memory_space<vmem>>[vector<16xi32>, vector<16xi32>], vector<16xf32>,
        %mul3A_1825 = arith.mulf %gather3A_1820, %gather3A_1820 : vector<16xf32>
        %add3A_1826 = arith.addf %add3A_1758, %mul3A_1825 : vector<16xf32>
        %add3A_1827 = arith.constant 14 : i32
        %add3A_1828 = vector.broadcast %add3A_1827 : i32 to vector<16xi32>
        %add3A_1829 = arith.addi %iota3A, %add3A_1828 : vector<16xi32>
        %and3A_1830 = arith.constant 31 : i32
        %and3A_1831 = vector.broadcast %and3A_1830 : i32 to vector<16xi32>
        %and3A_1832 = arith.andi %add3A_1829, %and3A_1831 : vector<16xi32>
        %gather3A_1833 = arith.constant 0 : i32
        %gather3A_1834 = arith.constant 0 : i32
        %gather3A_1835 = tpu.memref_slice %arg10[%rem3A_686, %gather3A_1833, %gather3A_1834] : memref<3x128x32xf32, #tpu.memory_space<vmem>> -> memref<1x128x32xf32, #tpu.memory_space<vmem>>
        %gather3A_1836 = tpu.memref_squeeze %gather3A_1835 : memref<1x128x32xf32, #tpu.memory_space<vmem>> -> memref<128x32xf32, #tpu.memory_space<vmem>>
        %gather3A_1837 = tpu.vector_load_idx %gather3A_1836[%add3A_1040, %and3A_1832] : memref<128x32xf32, #tpu.memory_space<vmem>>[vector<16xi32>, vector<16xi32>], vector<16xf32>,
        %scatter3A_1838 = arith.constant 0 : i32
        %scatter3A_1839 = arith.constant 0 : i32
        %scatter3A_1840 = tpu.memref_slice %arg12[%rem3A_686, %scatter3A_1838, %scatter3A_1839] : memref<3x32x128xf32, #tpu.memory_space<vmem>> -> memref<1x32x128xf32, #tpu.memory_space<vmem>>
        %scatter3A_1841 = tpu.memref_squeeze %scatter3A_1840 : memref<1x32x128xf32, #tpu.memory_space<vmem>> -> memref<32x128xf32, #tpu.memory_space<vmem>>
        tpu.vector_store_idx %scatter3A_1841[%and3A_1832, %add3A_1040], %gather3A_1837 : memref<32x128xf32, #tpu.memory_space<vmem>>[vector<16xi32>, vector<16xi32>], vector<16xf32>,
        %mul3A_1842 = arith.mulf %gather3A_1837, %gather3A_1837 : vector<16xf32>
        %add3A_1843 = arith.addf %add3A_1775, %mul3A_1842 : vector<16xf32>
        %add3A_1844 = arith.constant 15 : i32
        %add3A_1845 = vector.broadcast %add3A_1844 : i32 to vector<16xi32>
        %add3A_1846 = arith.addi %iota3A, %add3A_1845 : vector<16xi32>
        %and3A_1847 = arith.constant 31 : i32
        %and3A_1848 = vector.broadcast %and3A_1847 : i32 to vector<16xi32>
        %and3A_1849 = arith.andi %add3A_1846, %and3A_1848 : vector<16xi32>
        %gather3A_1850 = arith.constant 0 : i32
        %gather3A_1851 = arith.constant 0 : i32
        %gather3A_1852 = tpu.memref_slice %arg10[%rem3A_686, %gather3A_1850, %gather3A_1851] : memref<3x128x32xf32, #tpu.memory_space<vmem>> -> memref<1x128x32xf32, #tpu.memory_space<vmem>>
        %gather3A_1853 = tpu.memref_squeeze %gather3A_1852 : memref<1x128x32xf32, #tpu.memory_space<vmem>> -> memref<128x32xf32, #tpu.memory_space<vmem>>
        %gather3A_1854 = tpu.vector_load_idx %gather3A_1853[%add3A_1040, %and3A_1849] : memref<128x32xf32, #tpu.memory_space<vmem>>[vector<16xi32>, vector<16xi32>], vector<16xf32>,
        %scatter3A_1855 = arith.constant 0 : i32
        %scatter3A_1856 = arith.constant 0 : i32
        %scatter3A_1857 = tpu.memref_slice %arg12[%rem3A_686, %scatter3A_1855, %scatter3A_1856] : memref<3x32x128xf32, #tpu.memory_space<vmem>> -> memref<1x32x128xf32, #tpu.memory_space<vmem>>
        %scatter3A_1858 = tpu.memref_squeeze %scatter3A_1857 : memref<1x32x128xf32, #tpu.memory_space<vmem>> -> memref<32x128xf32, #tpu.memory_space<vmem>>
        tpu.vector_store_idx %scatter3A_1858[%and3A_1849, %add3A_1040], %gather3A_1854 : memref<32x128xf32, #tpu.memory_space<vmem>>[vector<16xi32>, vector<16xi32>], vector<16xf32>,
        %mul3A_1859 = arith.mulf %gather3A_1854, %gather3A_1854 : vector<16xf32>
        %add3A_1860 = arith.addf %add3A_1792, %mul3A_1859 : vector<16xf32>
        %add3A_1861 = arith.constant 16 : i32
        %add3A_1862 = vector.broadcast %add3A_1861 : i32 to vector<16xi32>
        %add3A_1863 = arith.addi %iota3A, %add3A_1862 : vector<16xi32>
        %and3A_1864 = arith.constant 31 : i32
        %and3A_1865 = vector.broadcast %and3A_1864 : i32 to vector<16xi32>
        %and3A_1866 = arith.andi %add3A_1863, %and3A_1865 : vector<16xi32>
        %gather3A_1867 = arith.constant 0 : i32
        %gather3A_1868 = arith.constant 0 : i32
        %gather3A_1869 = tpu.memref_slice %arg10[%rem3A_686, %gather3A_1867, %gather3A_1868] : memref<3x128x32xf32, #tpu.memory_space<vmem>> -> memref<1x128x32xf32, #tpu.memory_space<vmem>>
        %gather3A_1870 = tpu.memref_squeeze %gather3A_1869 : memref<1x128x32xf32, #tpu.memory_space<vmem>> -> memref<128x32xf32, #tpu.memory_space<vmem>>
        %gather3A_1871 = tpu.vector_load_idx %gather3A_1870[%add3A_1040, %and3A_1866] : memref<128x32xf32, #tpu.memory_space<vmem>>[vector<16xi32>, vector<16xi32>], vector<16xf32>,
        %scatter3A_1872 = arith.constant 0 : i32
        %scatter3A_1873 = arith.constant 0 : i32
        %scatter3A_1874 = tpu.memref_slice %arg12[%rem3A_686, %scatter3A_1872, %scatter3A_1873] : memref<3x32x128xf32, #tpu.memory_space<vmem>> -> memref<1x32x128xf32, #tpu.memory_space<vmem>>
        %scatter3A_1875 = tpu.memref_squeeze %scatter3A_1874 : memref<1x32x128xf32, #tpu.memory_space<vmem>> -> memref<32x128xf32, #tpu.memory_space<vmem>>
        tpu.vector_store_idx %scatter3A_1875[%and3A_1866, %add3A_1040], %gather3A_1871 : memref<32x128xf32, #tpu.memory_space<vmem>>[vector<16xi32>, vector<16xi32>], vector<16xf32>,
        %mul3A_1876 = arith.mulf %gather3A_1871, %gather3A_1871 : vector<16xf32>
        %add3A_1877 = arith.addf %add3A_1809, %mul3A_1876 : vector<16xf32>
        %add3A_1878 = arith.constant 17 : i32
        %add3A_1879 = vector.broadcast %add3A_1878 : i32 to vector<16xi32>
        %add3A_1880 = arith.addi %iota3A, %add3A_1879 : vector<16xi32>
        %and3A_1881 = arith.constant 31 : i32
        %and3A_1882 = vector.broadcast %and3A_1881 : i32 to vector<16xi32>
        %and3A_1883 = arith.andi %add3A_1880, %and3A_1882 : vector<16xi32>
        %gather3A_1884 = arith.constant 0 : i32
        %gather3A_1885 = arith.constant 0 : i32
        %gather3A_1886 = tpu.memref_slice %arg10[%rem3A_686, %gather3A_1884, %gather3A_1885] : memref<3x128x32xf32, #tpu.memory_space<vmem>> -> memref<1x128x32xf32, #tpu.memory_space<vmem>>
        %gather3A_1887 = tpu.memref_squeeze %gather3A_1886 : memref<1x128x32xf32, #tpu.memory_space<vmem>> -> memref<128x32xf32, #tpu.memory_space<vmem>>
        %gather3A_1888 = tpu.vector_load_idx %gather3A_1887[%add3A_1040, %and3A_1883] : memref<128x32xf32, #tpu.memory_space<vmem>>[vector<16xi32>, vector<16xi32>], vector<16xf32>,
        %scatter3A_1889 = arith.constant 0 : i32
        %scatter3A_1890 = arith.constant 0 : i32
        %scatter3A_1891 = tpu.memref_slice %arg12[%rem3A_686, %scatter3A_1889, %scatter3A_1890] : memref<3x32x128xf32, #tpu.memory_space<vmem>> -> memref<1x32x128xf32, #tpu.memory_space<vmem>>
        %scatter3A_1892 = tpu.memref_squeeze %scatter3A_1891 : memref<1x32x128xf32, #tpu.memory_space<vmem>> -> memref<32x128xf32, #tpu.memory_space<vmem>>
        tpu.vector_store_idx %scatter3A_1892[%and3A_1883, %add3A_1040], %gather3A_1888 : memref<32x128xf32, #tpu.memory_space<vmem>>[vector<16xi32>, vector<16xi32>], vector<16xf32>,
        %mul3A_1893 = arith.mulf %gather3A_1888, %gather3A_1888 : vector<16xf32>
        %add3A_1894 = arith.addf %add3A_1826, %mul3A_1893 : vector<16xf32>
        %add3A_1895 = arith.constant 18 : i32
        %add3A_1896 = vector.broadcast %add3A_1895 : i32 to vector<16xi32>
        %add3A_1897 = arith.addi %iota3A, %add3A_1896 : vector<16xi32>
        %and3A_1898 = arith.constant 31 : i32
        %and3A_1899 = vector.broadcast %and3A_1898 : i32 to vector<16xi32>
        %and3A_1900 = arith.andi %add3A_1897, %and3A_1899 : vector<16xi32>
        %gather3A_1901 = arith.constant 0 : i32
        %gather3A_1902 = arith.constant 0 : i32
        %gather3A_1903 = tpu.memref_slice %arg10[%rem3A_686, %gather3A_1901, %gather3A_1902] : memref<3x128x32xf32, #tpu.memory_space<vmem>> -> memref<1x128x32xf32, #tpu.memory_space<vmem>>
        %gather3A_1904 = tpu.memref_squeeze %gather3A_1903 : memref<1x128x32xf32, #tpu.memory_space<vmem>> -> memref<128x32xf32, #tpu.memory_space<vmem>>
        %gather3A_1905 = tpu.vector_load_idx %gather3A_1904[%add3A_1040, %and3A_1900] : memref<128x32xf32, #tpu.memory_space<vmem>>[vector<16xi32>, vector<16xi32>], vector<16xf32>,
        %scatter3A_1906 = arith.constant 0 : i32
        %scatter3A_1907 = arith.constant 0 : i32
        %scatter3A_1908 = tpu.memref_slice %arg12[%rem3A_686, %scatter3A_1906, %scatter3A_1907] : memref<3x32x128xf32, #tpu.memory_space<vmem>> -> memref<1x32x128xf32, #tpu.memory_space<vmem>>
        %scatter3A_1909 = tpu.memref_squeeze %scatter3A_1908 : memref<1x32x128xf32, #tpu.memory_space<vmem>> -> memref<32x128xf32, #tpu.memory_space<vmem>>
        tpu.vector_store_idx %scatter3A_1909[%and3A_1900, %add3A_1040], %gather3A_1905 : memref<32x128xf32, #tpu.memory_space<vmem>>[vector<16xi32>, vector<16xi32>], vector<16xf32>,
        %mul3A_1910 = arith.mulf %gather3A_1905, %gather3A_1905 : vector<16xf32>
        %add3A_1911 = arith.addf %add3A_1843, %mul3A_1910 : vector<16xf32>
        %add3A_1912 = arith.constant 19 : i32
        %add3A_1913 = vector.broadcast %add3A_1912 : i32 to vector<16xi32>
        %add3A_1914 = arith.addi %iota3A, %add3A_1913 : vector<16xi32>
        %and3A_1915 = arith.constant 31 : i32
        %and3A_1916 = vector.broadcast %and3A_1915 : i32 to vector<16xi32>
        %and3A_1917 = arith.andi %add3A_1914, %and3A_1916 : vector<16xi32>
        %gather3A_1918 = arith.constant 0 : i32
        %gather3A_1919 = arith.constant 0 : i32
        %gather3A_1920 = tpu.memref_slice %arg10[%rem3A_686, %gather3A_1918, %gather3A_1919] : memref<3x128x32xf32, #tpu.memory_space<vmem>> -> memref<1x128x32xf32, #tpu.memory_space<vmem>>
        %gather3A_1921 = tpu.memref_squeeze %gather3A_1920 : memref<1x128x32xf32, #tpu.memory_space<vmem>> -> memref<128x32xf32, #tpu.memory_space<vmem>>
        %gather3A_1922 = tpu.vector_load_idx %gather3A_1921[%add3A_1040, %and3A_1917] : memref<128x32xf32, #tpu.memory_space<vmem>>[vector<16xi32>, vector<16xi32>], vector<16xf32>,
        %scatter3A_1923 = arith.constant 0 : i32
        %scatter3A_1924 = arith.constant 0 : i32
        %scatter3A_1925 = tpu.memref_slice %arg12[%rem3A_686, %scatter3A_1923, %scatter3A_1924] : memref<3x32x128xf32, #tpu.memory_space<vmem>> -> memref<1x32x128xf32, #tpu.memory_space<vmem>>
        %scatter3A_1926 = tpu.memref_squeeze %scatter3A_1925 : memref<1x32x128xf32, #tpu.memory_space<vmem>> -> memref<32x128xf32, #tpu.memory_space<vmem>>
        tpu.vector_store_idx %scatter3A_1926[%and3A_1917, %add3A_1040], %gather3A_1922 : memref<32x128xf32, #tpu.memory_space<vmem>>[vector<16xi32>, vector<16xi32>], vector<16xf32>,
        %mul3A_1927 = arith.mulf %gather3A_1922, %gather3A_1922 : vector<16xf32>
        %add3A_1928 = arith.addf %add3A_1860, %mul3A_1927 : vector<16xf32>
        %add3A_1929 = arith.constant 20 : i32
        %add3A_1930 = vector.broadcast %add3A_1929 : i32 to vector<16xi32>
        %add3A_1931 = arith.addi %iota3A, %add3A_1930 : vector<16xi32>
        %and3A_1932 = arith.constant 31 : i32
        %and3A_1933 = vector.broadcast %and3A_1932 : i32 to vector<16xi32>
        %and3A_1934 = arith.andi %add3A_1931, %and3A_1933 : vector<16xi32>
        %gather3A_1935 = arith.constant 0 : i32
        %gather3A_1936 = arith.constant 0 : i32
        %gather3A_1937 = tpu.memref_slice %arg10[%rem3A_686, %gather3A_1935, %gather3A_1936] : memref<3x128x32xf32, #tpu.memory_space<vmem>> -> memref<1x128x32xf32, #tpu.memory_space<vmem>>
        %gather3A_1938 = tpu.memref_squeeze %gather3A_1937 : memref<1x128x32xf32, #tpu.memory_space<vmem>> -> memref<128x32xf32, #tpu.memory_space<vmem>>
        %gather3A_1939 = tpu.vector_load_idx %gather3A_1938[%add3A_1040, %and3A_1934] : memref<128x32xf32, #tpu.memory_space<vmem>>[vector<16xi32>, vector<16xi32>], vector<16xf32>,
        %scatter3A_1940 = arith.constant 0 : i32
        %scatter3A_1941 = arith.constant 0 : i32
        %scatter3A_1942 = tpu.memref_slice %arg12[%rem3A_686, %scatter3A_1940, %scatter3A_1941] : memref<3x32x128xf32, #tpu.memory_space<vmem>> -> memref<1x32x128xf32, #tpu.memory_space<vmem>>
        %scatter3A_1943 = tpu.memref_squeeze %scatter3A_1942 : memref<1x32x128xf32, #tpu.memory_space<vmem>> -> memref<32x128xf32, #tpu.memory_space<vmem>>
        tpu.vector_store_idx %scatter3A_1943[%and3A_1934, %add3A_1040], %gather3A_1939 : memref<32x128xf32, #tpu.memory_space<vmem>>[vector<16xi32>, vector<16xi32>], vector<16xf32>,
        %mul3A_1944 = arith.mulf %gather3A_1939, %gather3A_1939 : vector<16xf32>
        %add3A_1945 = arith.addf %add3A_1877, %mul3A_1944 : vector<16xf32>
        %add3A_1946 = arith.constant 21 : i32
        %add3A_1947 = vector.broadcast %add3A_1946 : i32 to vector<16xi32>
        %add3A_1948 = arith.addi %iota3A, %add3A_1947 : vector<16xi32>
        %and3A_1949 = arith.constant 31 : i32
        %and3A_1950 = vector.broadcast %and3A_1949 : i32 to vector<16xi32>
        %and3A_1951 = arith.andi %add3A_1948, %and3A_1950 : vector<16xi32>
        %gather3A_1952 = arith.constant 0 : i32
        %gather3A_1953 = arith.constant 0 : i32
        %gather3A_1954 = tpu.memref_slice %arg10[%rem3A_686, %gather3A_1952, %gather3A_1953] : memref<3x128x32xf32, #tpu.memory_space<vmem>> -> memref<1x128x32xf32, #tpu.memory_space<vmem>>
        %gather3A_1955 = tpu.memref_squeeze %gather3A_1954 : memref<1x128x32xf32, #tpu.memory_space<vmem>> -> memref<128x32xf32, #tpu.memory_space<vmem>>
        %gather3A_1956 = tpu.vector_load_idx %gather3A_1955[%add3A_1040, %and3A_1951] : memref<128x32xf32, #tpu.memory_space<vmem>>[vector<16xi32>, vector<16xi32>], vector<16xf32>,
        %scatter3A_1957 = arith.constant 0 : i32
        %scatter3A_1958 = arith.constant 0 : i32
        %scatter3A_1959 = tpu.memref_slice %arg12[%rem3A_686, %scatter3A_1957, %scatter3A_1958] : memref<3x32x128xf32, #tpu.memory_space<vmem>> -> memref<1x32x128xf32, #tpu.memory_space<vmem>>
        %scatter3A_1960 = tpu.memref_squeeze %scatter3A_1959 : memref<1x32x128xf32, #tpu.memory_space<vmem>> -> memref<32x128xf32, #tpu.memory_space<vmem>>
        tpu.vector_store_idx %scatter3A_1960[%and3A_1951, %add3A_1040], %gather3A_1956 : memref<32x128xf32, #tpu.memory_space<vmem>>[vector<16xi32>, vector<16xi32>], vector<16xf32>,
        %mul3A_1961 = arith.mulf %gather3A_1956, %gather3A_1956 : vector<16xf32>
        %add3A_1962 = arith.addf %add3A_1894, %mul3A_1961 : vector<16xf32>
        %add3A_1963 = arith.constant 22 : i32
        %add3A_1964 = vector.broadcast %add3A_1963 : i32 to vector<16xi32>
        %add3A_1965 = arith.addi %iota3A, %add3A_1964 : vector<16xi32>
        %and3A_1966 = arith.constant 31 : i32
        %and3A_1967 = vector.broadcast %and3A_1966 : i32 to vector<16xi32>
        %and3A_1968 = arith.andi %add3A_1965, %and3A_1967 : vector<16xi32>
        %gather3A_1969 = arith.constant 0 : i32
        %gather3A_1970 = arith.constant 0 : i32
        %gather3A_1971 = tpu.memref_slice %arg10[%rem3A_686, %gather3A_1969, %gather3A_1970] : memref<3x128x32xf32, #tpu.memory_space<vmem>> -> memref<1x128x32xf32, #tpu.memory_space<vmem>>
        %gather3A_1972 = tpu.memref_squeeze %gather3A_1971 : memref<1x128x32xf32, #tpu.memory_space<vmem>> -> memref<128x32xf32, #tpu.memory_space<vmem>>
        %gather3A_1973 = tpu.vector_load_idx %gather3A_1972[%add3A_1040, %and3A_1968] : memref<128x32xf32, #tpu.memory_space<vmem>>[vector<16xi32>, vector<16xi32>], vector<16xf32>,
        %scatter3A_1974 = arith.constant 0 : i32
        %scatter3A_1975 = arith.constant 0 : i32
        %scatter3A_1976 = tpu.memref_slice %arg12[%rem3A_686, %scatter3A_1974, %scatter3A_1975] : memref<3x32x128xf32, #tpu.memory_space<vmem>> -> memref<1x32x128xf32, #tpu.memory_space<vmem>>
        %scatter3A_1977 = tpu.memref_squeeze %scatter3A_1976 : memref<1x32x128xf32, #tpu.memory_space<vmem>> -> memref<32x128xf32, #tpu.memory_space<vmem>>
        tpu.vector_store_idx %scatter3A_1977[%and3A_1968, %add3A_1040], %gather3A_1973 : memref<32x128xf32, #tpu.memory_space<vmem>>[vector<16xi32>, vector<16xi32>], vector<16xf32>,
        %mul3A_1978 = arith.mulf %gather3A_1973, %gather3A_1973 : vector<16xf32>
        %add3A_1979 = arith.addf %add3A_1911, %mul3A_1978 : vector<16xf32>
        %add3A_1980 = arith.constant 23 : i32
        %add3A_1981 = vector.broadcast %add3A_1980 : i32 to vector<16xi32>
        %add3A_1982 = arith.addi %iota3A, %add3A_1981 : vector<16xi32>
        %and3A_1983 = arith.constant 31 : i32
        %and3A_1984 = vector.broadcast %and3A_1983 : i32 to vector<16xi32>
        %and3A_1985 = arith.andi %add3A_1982, %and3A_1984 : vector<16xi32>
        %gather3A_1986 = arith.constant 0 : i32
        %gather3A_1987 = arith.constant 0 : i32
        %gather3A_1988 = tpu.memref_slice %arg10[%rem3A_686, %gather3A_1986, %gather3A_1987] : memref<3x128x32xf32, #tpu.memory_space<vmem>> -> memref<1x128x32xf32, #tpu.memory_space<vmem>>
        %gather3A_1989 = tpu.memref_squeeze %gather3A_1988 : memref<1x128x32xf32, #tpu.memory_space<vmem>> -> memref<128x32xf32, #tpu.memory_space<vmem>>
        %gather3A_1990 = tpu.vector_load_idx %gather3A_1989[%add3A_1040, %and3A_1985] : memref<128x32xf32, #tpu.memory_space<vmem>>[vector<16xi32>, vector<16xi32>], vector<16xf32>,
        %scatter3A_1991 = arith.constant 0 : i32
        %scatter3A_1992 = arith.constant 0 : i32
        %scatter3A_1993 = tpu.memref_slice %arg12[%rem3A_686, %scatter3A_1991, %scatter3A_1992] : memref<3x32x128xf32, #tpu.memory_space<vmem>> -> memref<1x32x128xf32, #tpu.memory_space<vmem>>
        %scatter3A_1994 = tpu.memref_squeeze %scatter3A_1993 : memref<1x32x128xf32, #tpu.memory_space<vmem>> -> memref<32x128xf32, #tpu.memory_space<vmem>>
        tpu.vector_store_idx %scatter3A_1994[%and3A_1985, %add3A_1040], %gather3A_1990 : memref<32x128xf32, #tpu.memory_space<vmem>>[vector<16xi32>, vector<16xi32>], vector<16xf32>,
        %mul3A_1995 = arith.mulf %gather3A_1990, %gather3A_1990 : vector<16xf32>
        %add3A_1996 = arith.addf %add3A_1928, %mul3A_1995 : vector<16xf32>
        %add3A_1997 = arith.constant 24 : i32
        %add3A_1998 = vector.broadcast %add3A_1997 : i32 to vector<16xi32>
        %add3A_1999 = arith.addi %iota3A, %add3A_1998 : vector<16xi32>
        %and3A_2000 = arith.constant 31 : i32
        %and3A_2001 = vector.broadcast %and3A_2000 : i32 to vector<16xi32>
        %and3A_2002 = arith.andi %add3A_1999, %and3A_2001 : vector<16xi32>
        %gather3A_2003 = arith.constant 0 : i32
        %gather3A_2004 = arith.constant 0 : i32
        %gather3A_2005 = tpu.memref_slice %arg10[%rem3A_686, %gather3A_2003, %gather3A_2004] : memref<3x128x32xf32, #tpu.memory_space<vmem>> -> memref<1x128x32xf32, #tpu.memory_space<vmem>>
        %gather3A_2006 = tpu.memref_squeeze %gather3A_2005 : memref<1x128x32xf32, #tpu.memory_space<vmem>> -> memref<128x32xf32, #tpu.memory_space<vmem>>
        %gather3A_2007 = tpu.vector_load_idx %gather3A_2006[%add3A_1040, %and3A_2002] : memref<128x32xf32, #tpu.memory_space<vmem>>[vector<16xi32>, vector<16xi32>], vector<16xf32>,
        %scatter3A_2008 = arith.constant 0 : i32
        %scatter3A_2009 = arith.constant 0 : i32
        %scatter3A_2010 = tpu.memref_slice %arg12[%rem3A_686, %scatter3A_2008, %scatter3A_2009] : memref<3x32x128xf32, #tpu.memory_space<vmem>> -> memref<1x32x128xf32, #tpu.memory_space<vmem>>
        %scatter3A_2011 = tpu.memref_squeeze %scatter3A_2010 : memref<1x32x128xf32, #tpu.memory_space<vmem>> -> memref<32x128xf32, #tpu.memory_space<vmem>>
        tpu.vector_store_idx %scatter3A_2011[%and3A_2002, %add3A_1040], %gather3A_2007 : memref<32x128xf32, #tpu.memory_space<vmem>>[vector<16xi32>, vector<16xi32>], vector<16xf32>,
        %mul3A_2012 = arith.mulf %gather3A_2007, %gather3A_2007 : vector<16xf32>
        %add3A_2013 = arith.addf %add3A_1945, %mul3A_2012 : vector<16xf32>
        %add3A_2014 = arith.constant 25 : i32
        %add3A_2015 = vector.broadcast %add3A_2014 : i32 to vector<16xi32>
        %add3A_2016 = arith.addi %iota3A, %add3A_2015 : vector<16xi32>
        %and3A_2017 = arith.constant 31 : i32
        %and3A_2018 = vector.broadcast %and3A_2017 : i32 to vector<16xi32>
        %and3A_2019 = arith.andi %add3A_2016, %and3A_2018 : vector<16xi32>
        %gather3A_2020 = arith.constant 0 : i32
        %gather3A_2021 = arith.constant 0 : i32
        %gather3A_2022 = tpu.memref_slice %arg10[%rem3A_686, %gather3A_2020, %gather3A_2021] : memref<3x128x32xf32, #tpu.memory_space<vmem>> -> memref<1x128x32xf32, #tpu.memory_space<vmem>>
        %gather3A_2023 = tpu.memref_squeeze %gather3A_2022 : memref<1x128x32xf32, #tpu.memory_space<vmem>> -> memref<128x32xf32, #tpu.memory_space<vmem>>
        %gather3A_2024 = tpu.vector_load_idx %gather3A_2023[%add3A_1040, %and3A_2019] : memref<128x32xf32, #tpu.memory_space<vmem>>[vector<16xi32>, vector<16xi32>], vector<16xf32>,
        %scatter3A_2025 = arith.constant 0 : i32
        %scatter3A_2026 = arith.constant 0 : i32
        %scatter3A_2027 = tpu.memref_slice %arg12[%rem3A_686, %scatter3A_2025, %scatter3A_2026] : memref<3x32x128xf32, #tpu.memory_space<vmem>> -> memref<1x32x128xf32, #tpu.memory_space<vmem>>
        %scatter3A_2028 = tpu.memref_squeeze %scatter3A_2027 : memref<1x32x128xf32, #tpu.memory_space<vmem>> -> memref<32x128xf32, #tpu.memory_space<vmem>>
        tpu.vector_store_idx %scatter3A_2028[%and3A_2019, %add3A_1040], %gather3A_2024 : memref<32x128xf32, #tpu.memory_space<vmem>>[vector<16xi32>, vector<16xi32>], vector<16xf32>,
        %mul3A_2029 = arith.mulf %gather3A_2024, %gather3A_2024 : vector<16xf32>
        %add3A_2030 = arith.addf %add3A_1962, %mul3A_2029 : vector<16xf32>
        %add3A_2031 = arith.constant 26 : i32
        %add3A_2032 = vector.broadcast %add3A_2031 : i32 to vector<16xi32>
        %add3A_2033 = arith.addi %iota3A, %add3A_2032 : vector<16xi32>
        %and3A_2034 = arith.constant 31 : i32
        %and3A_2035 = vector.broadcast %and3A_2034 : i32 to vector<16xi32>
        %and3A_2036 = arith.andi %add3A_2033, %and3A_2035 : vector<16xi32>
        %gather3A_2037 = arith.constant 0 : i32
        %gather3A_2038 = arith.constant 0 : i32
        %gather3A_2039 = tpu.memref_slice %arg10[%rem3A_686, %gather3A_2037, %gather3A_2038] : memref<3x128x32xf32, #tpu.memory_space<vmem>> -> memref<1x128x32xf32, #tpu.memory_space<vmem>>
        %gather3A_2040 = tpu.memref_squeeze %gather3A_2039 : memref<1x128x32xf32, #tpu.memory_space<vmem>> -> memref<128x32xf32, #tpu.memory_space<vmem>>
        %gather3A_2041 = tpu.vector_load_idx %gather3A_2040[%add3A_1040, %and3A_2036] : memref<128x32xf32, #tpu.memory_space<vmem>>[vector<16xi32>, vector<16xi32>], vector<16xf32>,
        %scatter3A_2042 = arith.constant 0 : i32
        %scatter3A_2043 = arith.constant 0 : i32
        %scatter3A_2044 = tpu.memref_slice %arg12[%rem3A_686, %scatter3A_2042, %scatter3A_2043] : memref<3x32x128xf32, #tpu.memory_space<vmem>> -> memref<1x32x128xf32, #tpu.memory_space<vmem>>
        %scatter3A_2045 = tpu.memref_squeeze %scatter3A_2044 : memref<1x32x128xf32, #tpu.memory_space<vmem>> -> memref<32x128xf32, #tpu.memory_space<vmem>>
        tpu.vector_store_idx %scatter3A_2045[%and3A_2036, %add3A_1040], %gather3A_2041 : memref<32x128xf32, #tpu.memory_space<vmem>>[vector<16xi32>, vector<16xi32>], vector<16xf32>,
        %mul3A_2046 = arith.mulf %gather3A_2041, %gather3A_2041 : vector<16xf32>
        %add3A_2047 = arith.addf %add3A_1979, %mul3A_2046 : vector<16xf32>
        %add3A_2048 = arith.constant 27 : i32
        %add3A_2049 = vector.broadcast %add3A_2048 : i32 to vector<16xi32>
        %add3A_2050 = arith.addi %iota3A, %add3A_2049 : vector<16xi32>
        %and3A_2051 = arith.constant 31 : i32
        %and3A_2052 = vector.broadcast %and3A_2051 : i32 to vector<16xi32>
        %and3A_2053 = arith.andi %add3A_2050, %and3A_2052 : vector<16xi32>
        %gather3A_2054 = arith.constant 0 : i32
        %gather3A_2055 = arith.constant 0 : i32
        %gather3A_2056 = tpu.memref_slice %arg10[%rem3A_686, %gather3A_2054, %gather3A_2055] : memref<3x128x32xf32, #tpu.memory_space<vmem>> -> memref<1x128x32xf32, #tpu.memory_space<vmem>>
        %gather3A_2057 = tpu.memref_squeeze %gather3A_2056 : memref<1x128x32xf32, #tpu.memory_space<vmem>> -> memref<128x32xf32, #tpu.memory_space<vmem>>
        %gather3A_2058 = tpu.vector_load_idx %gather3A_2057[%add3A_1040, %and3A_2053] : memref<128x32xf32, #tpu.memory_space<vmem>>[vector<16xi32>, vector<16xi32>], vector<16xf32>,
        %scatter3A_2059 = arith.constant 0 : i32
        %scatter3A_2060 = arith.constant 0 : i32
        %scatter3A_2061 = tpu.memref_slice %arg12[%rem3A_686, %scatter3A_2059, %scatter3A_2060] : memref<3x32x128xf32, #tpu.memory_space<vmem>> -> memref<1x32x128xf32, #tpu.memory_space<vmem>>
        %scatter3A_2062 = tpu.memref_squeeze %scatter3A_2061 : memref<1x32x128xf32, #tpu.memory_space<vmem>> -> memref<32x128xf32, #tpu.memory_space<vmem>>
        tpu.vector_store_idx %scatter3A_2062[%and3A_2053, %add3A_1040], %gather3A_2058 : memref<32x128xf32, #tpu.memory_space<vmem>>[vector<16xi32>, vector<16xi32>], vector<16xf32>,
        %mul3A_2063 = arith.mulf %gather3A_2058, %gather3A_2058 : vector<16xf32>
        %add3A_2064 = arith.addf %add3A_1996, %mul3A_2063 : vector<16xf32>
        %add3A_2065 = arith.constant 28 : i32
        %add3A_2066 = vector.broadcast %add3A_2065 : i32 to vector<16xi32>
        %add3A_2067 = arith.addi %iota3A, %add3A_2066 : vector<16xi32>
        %and3A_2068 = arith.constant 31 : i32
        %and3A_2069 = vector.broadcast %and3A_2068 : i32 to vector<16xi32>
        %and3A_2070 = arith.andi %add3A_2067, %and3A_2069 : vector<16xi32>
        %gather3A_2071 = arith.constant 0 : i32
        %gather3A_2072 = arith.constant 0 : i32
        %gather3A_2073 = tpu.memref_slice %arg10[%rem3A_686, %gather3A_2071, %gather3A_2072] : memref<3x128x32xf32, #tpu.memory_space<vmem>> -> memref<1x128x32xf32, #tpu.memory_space<vmem>>
        %gather3A_2074 = tpu.memref_squeeze %gather3A_2073 : memref<1x128x32xf32, #tpu.memory_space<vmem>> -> memref<128x32xf32, #tpu.memory_space<vmem>>
        %gather3A_2075 = tpu.vector_load_idx %gather3A_2074[%add3A_1040, %and3A_2070] : memref<128x32xf32, #tpu.memory_space<vmem>>[vector<16xi32>, vector<16xi32>], vector<16xf32>,
        %scatter3A_2076 = arith.constant 0 : i32
        %scatter3A_2077 = arith.constant 0 : i32
        %scatter3A_2078 = tpu.memref_slice %arg12[%rem3A_686, %scatter3A_2076, %scatter3A_2077] : memref<3x32x128xf32, #tpu.memory_space<vmem>> -> memref<1x32x128xf32, #tpu.memory_space<vmem>>
        %scatter3A_2079 = tpu.memref_squeeze %scatter3A_2078 : memref<1x32x128xf32, #tpu.memory_space<vmem>> -> memref<32x128xf32, #tpu.memory_space<vmem>>
        tpu.vector_store_idx %scatter3A_2079[%and3A_2070, %add3A_1040], %gather3A_2075 : memref<32x128xf32, #tpu.memory_space<vmem>>[vector<16xi32>, vector<16xi32>], vector<16xf32>,
        %mul3A_2080 = arith.mulf %gather3A_2075, %gather3A_2075 : vector<16xf32>
        %add3A_2081 = arith.addf %add3A_2013, %mul3A_2080 : vector<16xf32>
        %add3A_2082 = arith.constant 29 : i32
        %add3A_2083 = vector.broadcast %add3A_2082 : i32 to vector<16xi32>
        %add3A_2084 = arith.addi %iota3A, %add3A_2083 : vector<16xi32>
        %and3A_2085 = arith.constant 31 : i32
        %and3A_2086 = vector.broadcast %and3A_2085 : i32 to vector<16xi32>
        %and3A_2087 = arith.andi %add3A_2084, %and3A_2086 : vector<16xi32>
        %gather3A_2088 = arith.constant 0 : i32
        %gather3A_2089 = arith.constant 0 : i32
        %gather3A_2090 = tpu.memref_slice %arg10[%rem3A_686, %gather3A_2088, %gather3A_2089] : memref<3x128x32xf32, #tpu.memory_space<vmem>> -> memref<1x128x32xf32, #tpu.memory_space<vmem>>
        %gather3A_2091 = tpu.memref_squeeze %gather3A_2090 : memref<1x128x32xf32, #tpu.memory_space<vmem>> -> memref<128x32xf32, #tpu.memory_space<vmem>>
        %gather3A_2092 = tpu.vector_load_idx %gather3A_2091[%add3A_1040, %and3A_2087] : memref<128x32xf32, #tpu.memory_space<vmem>>[vector<16xi32>, vector<16xi32>], vector<16xf32>,
        %scatter3A_2093 = arith.constant 0 : i32
        %scatter3A_2094 = arith.constant 0 : i32
        %scatter3A_2095 = tpu.memref_slice %arg12[%rem3A_686, %scatter3A_2093, %scatter3A_2094] : memref<3x32x128xf32, #tpu.memory_space<vmem>> -> memref<1x32x128xf32, #tpu.memory_space<vmem>>
        %scatter3A_2096 = tpu.memref_squeeze %scatter3A_2095 : memref<1x32x128xf32, #tpu.memory_space<vmem>> -> memref<32x128xf32, #tpu.memory_space<vmem>>
        tpu.vector_store_idx %scatter3A_2096[%and3A_2087, %add3A_1040], %gather3A_2092 : memref<32x128xf32, #tpu.memory_space<vmem>>[vector<16xi32>, vector<16xi32>], vector<16xf32>,
        %mul3A_2097 = arith.mulf %gather3A_2092, %gather3A_2092 : vector<16xf32>
        %add3A_2098 = arith.addf %add3A_2030, %mul3A_2097 : vector<16xf32>
        %add3A_2099 = arith.constant 30 : i32
        %add3A_2100 = vector.broadcast %add3A_2099 : i32 to vector<16xi32>
        %add3A_2101 = arith.addi %iota3A, %add3A_2100 : vector<16xi32>
        %and3A_2102 = arith.constant 31 : i32
        %and3A_2103 = vector.broadcast %and3A_2102 : i32 to vector<16xi32>
        %and3A_2104 = arith.andi %add3A_2101, %and3A_2103 : vector<16xi32>
        %gather3A_2105 = arith.constant 0 : i32
        %gather3A_2106 = arith.constant 0 : i32
        %gather3A_2107 = tpu.memref_slice %arg10[%rem3A_686, %gather3A_2105, %gather3A_2106] : memref<3x128x32xf32, #tpu.memory_space<vmem>> -> memref<1x128x32xf32, #tpu.memory_space<vmem>>
        %gather3A_2108 = tpu.memref_squeeze %gather3A_2107 : memref<1x128x32xf32, #tpu.memory_space<vmem>> -> memref<128x32xf32, #tpu.memory_space<vmem>>
        %gather3A_2109 = tpu.vector_load_idx %gather3A_2108[%add3A_1040, %and3A_2104] : memref<128x32xf32, #tpu.memory_space<vmem>>[vector<16xi32>, vector<16xi32>], vector<16xf32>,
        %scatter3A_2110 = arith.constant 0 : i32
        %scatter3A_2111 = arith.constant 0 : i32
        %scatter3A_2112 = tpu.memref_slice %arg12[%rem3A_686, %scatter3A_2110, %scatter3A_2111] : memref<3x32x128xf32, #tpu.memory_space<vmem>> -> memref<1x32x128xf32, #tpu.memory_space<vmem>>
        %scatter3A_2113 = tpu.memref_squeeze %scatter3A_2112 : memref<1x32x128xf32, #tpu.memory_space<vmem>> -> memref<32x128xf32, #tpu.memory_space<vmem>>
        tpu.vector_store_idx %scatter3A_2113[%and3A_2104, %add3A_1040], %gather3A_2109 : memref<32x128xf32, #tpu.memory_space<vmem>>[vector<16xi32>, vector<16xi32>], vector<16xf32>,
        %mul3A_2114 = arith.mulf %gather3A_2109, %gather3A_2109 : vector<16xf32>
        %add3A_2115 = arith.addf %add3A_2047, %mul3A_2114 : vector<16xf32>
        %add3A_2116 = arith.constant 31 : i32
        %add3A_2117 = vector.broadcast %add3A_2116 : i32 to vector<16xi32>
        %add3A_2118 = arith.addi %iota3A, %add3A_2117 : vector<16xi32>
        %and3A_2119 = arith.constant 31 : i32
        %and3A_2120 = vector.broadcast %and3A_2119 : i32 to vector<16xi32>
        %and3A_2121 = arith.andi %add3A_2118, %and3A_2120 : vector<16xi32>
        %gather3A_2122 = arith.constant 0 : i32
        %gather3A_2123 = arith.constant 0 : i32
        %gather3A_2124 = tpu.memref_slice %arg10[%rem3A_686, %gather3A_2122, %gather3A_2123] : memref<3x128x32xf32, #tpu.memory_space<vmem>> -> memref<1x128x32xf32, #tpu.memory_space<vmem>>
        %gather3A_2125 = tpu.memref_squeeze %gather3A_2124 : memref<1x128x32xf32, #tpu.memory_space<vmem>> -> memref<128x32xf32, #tpu.memory_space<vmem>>
        %gather3A_2126 = tpu.vector_load_idx %gather3A_2125[%add3A_1040, %and3A_2121] : memref<128x32xf32, #tpu.memory_space<vmem>>[vector<16xi32>, vector<16xi32>], vector<16xf32>,
        %scatter3A_2127 = arith.constant 0 : i32
        %scatter3A_2128 = arith.constant 0 : i32
        %scatter3A_2129 = tpu.memref_slice %arg12[%rem3A_686, %scatter3A_2127, %scatter3A_2128] : memref<3x32x128xf32, #tpu.memory_space<vmem>> -> memref<1x32x128xf32, #tpu.memory_space<vmem>>
        %scatter3A_2130 = tpu.memref_squeeze %scatter3A_2129 : memref<1x32x128xf32, #tpu.memory_space<vmem>> -> memref<32x128xf32, #tpu.memory_space<vmem>>
        tpu.vector_store_idx %scatter3A_2130[%and3A_2121, %add3A_1040], %gather3A_2126 : memref<32x128xf32, #tpu.memory_space<vmem>>[vector<16xi32>, vector<16xi32>], vector<16xf32>,
        %mul3A_2131 = arith.mulf %gather3A_2126, %gather3A_2126 : vector<16xf32>
        %add3A_2132 = arith.addf %add3A_2064, %mul3A_2131 : vector<16xf32>
        %add3A_2133 = arith.addf %add3A_2081, %add3A_2098 : vector<16xf32>
        %add3A_2134 = arith.addf %add3A_2115, %add3A_2132 : vector<16xf32>
        %add3A_2135 = arith.addf %add3A_2133, %add3A_2134 : vector<16xf32>
        %bitcast_convert_type3A = tpu.bitcast %add3A_2135 : vector<16xf32> -> vector<16xi32>
        %shift_right_logical3A = arith.constant 1 : i32
        %shift_right_logical3A_2136 = vector.broadcast %shift_right_logical3A : i32 to vector<16xi32>
        %shift_right_logical3A_2137 = arith.shrui %bitcast_convert_type3A, %shift_right_logical3A_2136 : vector<16xi32>
        %sub3A = arith.constant 1597463007 : i32
        %sub3A_2138 = vector.broadcast %sub3A : i32 to vector<16xi32>
        %sub3A_2139 = arith.subi %sub3A_2138, %shift_right_logical3A_2137 : vector<16xi32>
        %bitcast_convert_type3A_2140 = tpu.bitcast %sub3A_2139 : vector<16xi32> -> vector<16xf32>
        %mul3A_2141 = arith.constant 5.000000e-01 : f32
        %mul3A_2142 = vector.broadcast %mul3A_2141 : f32 to vector<16xf32>
        %mul3A_2143 = arith.mulf %mul3A_2142, %add3A_2135 : vector<16xf32>
        %mul3A_2144 = arith.mulf %mul3A_2143, %bitcast_convert_type3A_2140 : vector<16xf32>
        %mul3A_2145 = arith.mulf %mul3A_2144, %bitcast_convert_type3A_2140 : vector<16xf32>
        %sub3A_2146 = arith.constant 1.500000e+00 : f32
        %sub3A_2147 = vector.broadcast %sub3A_2146 : f32 to vector<16xf32>
        %sub3A_2148 = arith.subf %sub3A_2147, %mul3A_2145 : vector<16xf32>
        %mul3A_2149 = arith.mulf %bitcast_convert_type3A_2140, %sub3A_2148 : vector<16xf32>
        %mul3A_2150 = arith.constant 5.000000e-01 : f32
        %mul3A_2151 = vector.broadcast %mul3A_2150 : f32 to vector<16xf32>
        %mul3A_2152 = arith.mulf %mul3A_2151, %add3A_2135 : vector<16xf32>
        %mul3A_2153 = arith.mulf %mul3A_2152, %mul3A_2149 : vector<16xf32>
        %mul3A_2154 = arith.mulf %mul3A_2153, %mul3A_2149 : vector<16xf32>
        %sub3A_2155 = arith.constant 1.500000e+00 : f32
        %sub3A_2156 = vector.broadcast %sub3A_2155 : f32 to vector<16xf32>
        %sub3A_2157 = arith.subf %sub3A_2156, %mul3A_2154 : vector<16xf32>
        %mul3A_2158 = arith.mulf %mul3A_2149, %sub3A_2157 : vector<16xf32>
        %lt3A_2159 = arith.constant 1.000000e-16 : f32
        %lt3A_2160 = vector.broadcast %lt3A_2159 : f32 to vector<16xf32>
        %lt3A_2161 = arith.cmpf olt, %add3A_2135, %lt3A_2160 : vector<16xf32>
        %jit3A = arith.constant 1.000000e+08 : f32
        %broadcast_in_dim3A_2162 = vector.broadcast %jit3A : f32 to vector<16xf32>
        %select_n3A = arith.select %lt3A_2161, %broadcast_in_dim3A_2162, %mul3A_2158 : vector<16xi1>, vector<16xf32>
        %get3A = arith.constant 0 : i32
        %get3A_2163 = arith.index_cast %rem3A_686 : i32 to index
        %get3A_2164 = arith.index_cast %get3A : i32 to index
        %get3A_2165 = arith.index_cast %mul3A_1038 : i32 to index
        %get3A_2166 = tpu.vector_load %arg11[%get3A_2163, %get3A_2164, %get3A_2165] {strides = array<i32>} : memref<3x32x128xf32, #tpu.memory_space<vmem>>, vector<16xf32>,
        %mul3A_2167 = arith.mulf %get3A_2166, %select_n3A : vector<16xf32>
        %swap3A = arith.constant 0 : i32
        %swap3A_2168 = arith.index_cast %rem3A_686 : i32 to index
        %swap3A_2169 = arith.index_cast %swap3A : i32 to index
        %swap3A_2170 = arith.index_cast %mul3A_1038 : i32 to index
        %swap3A_2171 = tpu.vector_load %arg13[%swap3A_2168, %swap3A_2169, %swap3A_2170] {strides = array<i32>} : memref<3x64x128xf32, #tpu.memory_space<vmem>>, vector<16xf32>,
        tpu.vector_store %arg13[%swap3A_2168, %swap3A_2169, %swap3A_2170], %mul3A_2167 {strides = array<i32>} : memref<3x64x128xf32, #tpu.memory_space<vmem>>, vector<16xf32>,
        %get3A_2172 = arith.constant 0 : i32
        %get3A_2173 = arith.index_cast %rem3A_686 : i32 to index
        %get3A_2174 = arith.index_cast %get3A_2172 : i32 to index
        %get3A_2175 = arith.index_cast %mul3A_1038 : i32 to index
        %get3A_2176 = tpu.vector_load %arg12[%get3A_2173, %get3A_2174, %get3A_2175] {strides = array<i32>} : memref<3x32x128xf32, #tpu.memory_space<vmem>>, vector<16xf32>,
        %mul3A_2177 = arith.mulf %get3A_2176, %select_n3A : vector<16xf32>
        %swap3A_2178 = arith.constant 32 : i32
        %swap3A_2179 = arith.index_cast %rem3A_686 : i32 to index
        %swap3A_2180 = arith.index_cast %swap3A_2178 : i32 to index
        %swap3A_2181 = arith.index_cast %mul3A_1038 : i32 to index
        %swap3A_2182 = tpu.vector_load %arg13[%swap3A_2179, %swap3A_2180, %swap3A_2181] {strides = array<i32>} : memref<3x64x128xf32, #tpu.memory_space<vmem>>, vector<16xf32>,
        tpu.vector_store %arg13[%swap3A_2179, %swap3A_2180, %swap3A_2181], %mul3A_2177 {strides = array<i32>} : memref<3x64x128xf32, #tpu.memory_space<vmem>>, vector<16xf32>,
        %get3A_2183 = arith.constant 1 : i32
        %get3A_2184 = arith.index_cast %rem3A_686 : i32 to index
        %get3A_2185 = arith.index_cast %get3A_2183 : i32 to index
        %get3A_2186 = arith.index_cast %mul3A_1038 : i32 to index
        %get3A_2187 = tpu.vector_load %arg11[%get3A_2184, %get3A_2185, %get3A_2186] {strides = array<i32>} : memref<3x32x128xf32, #tpu.memory_space<vmem>>, vector<16xf32>,
        %mul3A_2188 = arith.mulf %get3A_2187, %select_n3A : vector<16xf32>
        %swap3A_2189 = arith.constant 1 : i32
        %swap3A_2190 = arith.index_cast %rem3A_686 : i32 to index
        %swap3A_2191 = arith.index_cast %swap3A_2189 : i32 to index
        %swap3A_2192 = arith.index_cast %mul3A_1038 : i32 to index
        %swap3A_2193 = tpu.vector_load %arg13[%swap3A_2190, %swap3A_2191, %swap3A_2192] {strides = array<i32>} : memref<3x64x128xf32, #tpu.memory_space<vmem>>, vector<16xf32>,
        tpu.vector_store %arg13[%swap3A_2190, %swap3A_2191, %swap3A_2192], %mul3A_2188 {strides = array<i32>} : memref<3x64x128xf32, #tpu.memory_space<vmem>>, vector<16xf32>,
        %get3A_2194 = arith.constant 1 : i32
        %get3A_2195 = arith.index_cast %rem3A_686 : i32 to index
        %get3A_2196 = arith.index_cast %get3A_2194 : i32 to index
        %get3A_2197 = arith.index_cast %mul3A_1038 : i32 to index
        %get3A_2198 = tpu.vector_load %arg12[%get3A_2195, %get3A_2196, %get3A_2197] {strides = array<i32>} : memref<3x32x128xf32, #tpu.memory_space<vmem>>, vector<16xf32>,
        %mul3A_2199 = arith.mulf %get3A_2198, %select_n3A : vector<16xf32>
        %swap3A_2200 = arith.constant 33 : i32
        %swap3A_2201 = arith.index_cast %rem3A_686 : i32 to index
        %swap3A_2202 = arith.index_cast %swap3A_2200 : i32 to index
        %swap3A_2203 = arith.index_cast %mul3A_1038 : i32 to index
        %swap3A_2204 = tpu.vector_load %arg13[%swap3A_2201, %swap3A_2202, %swap3A_2203] {strides = array<i32>} : memref<3x64x128xf32, #tpu.memory_space<vmem>>, vector<16xf32>,
        tpu.vector_store %arg13[%swap3A_2201, %swap3A_2202, %swap3A_2203], %mul3A_2199 {strides = array<i32>} : memref<3x64x128xf32, #tpu.memory_space<vmem>>, vector<16xf32>,
        %get3A_2205 = arith.constant 2 : i32
        %get3A_2206 = arith.index_cast %rem3A_686 : i32 to index
        %get3A_2207 = arith.index_cast %get3A_2205 : i32 to index
        %get3A_2208 = arith.index_cast %mul3A_1038 : i32 to index
        %get3A_2209 = tpu.vector_load %arg11[%get3A_2206, %get3A_2207, %get3A_2208] {strides = array<i32>} : memref<3x32x128xf32, #tpu.memory_space<vmem>>, vector<16xf32>,
        %mul3A_2210 = arith.mulf %get3A_2209, %select_n3A : vector<16xf32>
        %swap3A_2211 = arith.constant 2 : i32
        %swap3A_2212 = arith.index_cast %rem3A_686 : i32 to index
        %swap3A_2213 = arith.index_cast %swap3A_2211 : i32 to index
        %swap3A_2214 = arith.index_cast %mul3A_1038 : i32 to index
        %swap3A_2215 = tpu.vector_load %arg13[%swap3A_2212, %swap3A_2213, %swap3A_2214] {strides = array<i32>} : memref<3x64x128xf32, #tpu.memory_space<vmem>>, vector<16xf32>,
        tpu.vector_store %arg13[%swap3A_2212, %swap3A_2213, %swap3A_2214], %mul3A_2210 {strides = array<i32>} : memref<3x64x128xf32, #tpu.memory_space<vmem>>, vector<16xf32>,
        %get3A_2216 = arith.constant 2 : i32
        %get3A_2217 = arith.index_cast %rem3A_686 : i32 to index
        %get3A_2218 = arith.index_cast %get3A_2216 : i32 to index
        %get3A_2219 = arith.index_cast %mul3A_1038 : i32 to index
        %get3A_2220 = tpu.vector_load %arg12[%get3A_2217, %get3A_2218, %get3A_2219] {strides = array<i32>} : memref<3x32x128xf32, #tpu.memory_space<vmem>>, vector<16xf32>,
        %mul3A_2221 = arith.mulf %get3A_2220, %select_n3A : vector<16xf32>
        %swap3A_2222 = arith.constant 34 : i32
        %swap3A_2223 = arith.index_cast %rem3A_686 : i32 to index
        %swap3A_2224 = arith.index_cast %swap3A_2222 : i32 to index
        %swap3A_2225 = arith.index_cast %mul3A_1038 : i32 to index
        %swap3A_2226 = tpu.vector_load %arg13[%swap3A_2223, %swap3A_2224, %swap3A_2225] {strides = array<i32>} : memref<3x64x128xf32, #tpu.memory_space<vmem>>, vector<16xf32>,
        tpu.vector_store %arg13[%swap3A_2223, %swap3A_2224, %swap3A_2225], %mul3A_2221 {strides = array<i32>} : memref<3x64x128xf32, #tpu.memory_space<vmem>>, vector<16xf32>,
        %get3A_2227 = arith.constant 3 : i32
        %get3A_2228 = arith.index_cast %rem3A_686 : i32 to index
        %get3A_2229 = arith.index_cast %get3A_2227 : i32 to index
        %get3A_2230 = arith.index_cast %mul3A_1038 : i32 to index
        %get3A_2231 = tpu.vector_load %arg11[%get3A_2228, %get3A_2229, %get3A_2230] {strides = array<i32>} : memref<3x32x128xf32, #tpu.memory_space<vmem>>, vector<16xf32>,
        %mul3A_2232 = arith.mulf %get3A_2231, %select_n3A : vector<16xf32>
        %swap3A_2233 = arith.constant 3 : i32
        %swap3A_2234 = arith.index_cast %rem3A_686 : i32 to index
        %swap3A_2235 = arith.index_cast %swap3A_2233 : i32 to index
        %swap3A_2236 = arith.index_cast %mul3A_1038 : i32 to index
        %swap3A_2237 = tpu.vector_load %arg13[%swap3A_2234, %swap3A_2235, %swap3A_2236] {strides = array<i32>} : memref<3x64x128xf32, #tpu.memory_space<vmem>>, vector<16xf32>,
        tpu.vector_store %arg13[%swap3A_2234, %swap3A_2235, %swap3A_2236], %mul3A_2232 {strides = array<i32>} : memref<3x64x128xf32, #tpu.memory_space<vmem>>, vector<16xf32>,
        %get3A_2238 = arith.constant 3 : i32
        %get3A_2239 = arith.index_cast %rem3A_686 : i32 to index
        %get3A_2240 = arith.index_cast %get3A_2238 : i32 to index
        %get3A_2241 = arith.index_cast %mul3A_1038 : i32 to index
        %get3A_2242 = tpu.vector_load %arg12[%get3A_2239, %get3A_2240, %get3A_2241] {strides = array<i32>} : memref<3x32x128xf32, #tpu.memory_space<vmem>>, vector<16xf32>,
        %mul3A_2243 = arith.mulf %get3A_2242, %select_n3A : vector<16xf32>
        %swap3A_2244 = arith.constant 35 : i32
        %swap3A_2245 = arith.index_cast %rem3A_686 : i32 to index
        %swap3A_2246 = arith.index_cast %swap3A_2244 : i32 to index
        %swap3A_2247 = arith.index_cast %mul3A_1038 : i32 to index
        %swap3A_2248 = tpu.vector_load %arg13[%swap3A_2245, %swap3A_2246, %swap3A_2247] {strides = array<i32>} : memref<3x64x128xf32, #tpu.memory_space<vmem>>, vector<16xf32>,
        tpu.vector_store %arg13[%swap3A_2245, %swap3A_2246, %swap3A_2247], %mul3A_2243 {strides = array<i32>} : memref<3x64x128xf32, #tpu.memory_space<vmem>>, vector<16xf32>,
        %get3A_2249 = arith.constant 4 : i32
        %get3A_2250 = arith.index_cast %rem3A_686 : i32 to index
        %get3A_2251 = arith.index_cast %get3A_2249 : i32 to index
        %get3A_2252 = arith.index_cast %mul3A_1038 : i32 to index
        %get3A_2253 = tpu.vector_load %arg11[%get3A_2250, %get3A_2251, %get3A_2252] {strides = array<i32>} : memref<3x32x128xf32, #tpu.memory_space<vmem>>, vector<16xf32>,
        %mul3A_2254 = arith.mulf %get3A_2253, %select_n3A : vector<16xf32>
        %swap3A_2255 = arith.constant 4 : i32
        %swap3A_2256 = arith.index_cast %rem3A_686 : i32 to index
        %swap3A_2257 = arith.index_cast %swap3A_2255 : i32 to index
        %swap3A_2258 = arith.index_cast %mul3A_1038 : i32 to index
        %swap3A_2259 = tpu.vector_load %arg13[%swap3A_2256, %swap3A_2257, %swap3A_2258] {strides = array<i32>} : memref<3x64x128xf32, #tpu.memory_space<vmem>>, vector<16xf32>,
        tpu.vector_store %arg13[%swap3A_2256, %swap3A_2257, %swap3A_2258], %mul3A_2254 {strides = array<i32>} : memref<3x64x128xf32, #tpu.memory_space<vmem>>, vector<16xf32>,
        %get3A_2260 = arith.constant 4 : i32
        %get3A_2261 = arith.index_cast %rem3A_686 : i32 to index
        %get3A_2262 = arith.index_cast %get3A_2260 : i32 to index
        %get3A_2263 = arith.index_cast %mul3A_1038 : i32 to index
        %get3A_2264 = tpu.vector_load %arg12[%get3A_2261, %get3A_2262, %get3A_2263] {strides = array<i32>} : memref<3x32x128xf32, #tpu.memory_space<vmem>>, vector<16xf32>,
        %mul3A_2265 = arith.mulf %get3A_2264, %select_n3A : vector<16xf32>
        %swap3A_2266 = arith.constant 36 : i32
        %swap3A_2267 = arith.index_cast %rem3A_686 : i32 to index
        %swap3A_2268 = arith.index_cast %swap3A_2266 : i32 to index
        %swap3A_2269 = arith.index_cast %mul3A_1038 : i32 to index
        %swap3A_2270 = tpu.vector_load %arg13[%swap3A_2267, %swap3A_2268, %swap3A_2269] {strides = array<i32>} : memref<3x64x128xf32, #tpu.memory_space<vmem>>, vector<16xf32>,
        tpu.vector_store %arg13[%swap3A_2267, %swap3A_2268, %swap3A_2269], %mul3A_2265 {strides = array<i32>} : memref<3x64x128xf32, #tpu.memory_space<vmem>>, vector<16xf32>,
        %get3A_2271 = arith.constant 5 : i32
        %get3A_2272 = arith.index_cast %rem3A_686 : i32 to index
        %get3A_2273 = arith.index_cast %get3A_2271 : i32 to index
        %get3A_2274 = arith.index_cast %mul3A_1038 : i32 to index
        %get3A_2275 = tpu.vector_load %arg11[%get3A_2272, %get3A_2273, %get3A_2274] {strides = array<i32>} : memref<3x32x128xf32, #tpu.memory_space<vmem>>, vector<16xf32>,
        %mul3A_2276 = arith.mulf %get3A_2275, %select_n3A : vector<16xf32>
        %swap3A_2277 = arith.constant 5 : i32
        %swap3A_2278 = arith.index_cast %rem3A_686 : i32 to index
        %swap3A_2279 = arith.index_cast %swap3A_2277 : i32 to index
        %swap3A_2280 = arith.index_cast %mul3A_1038 : i32 to index
        %swap3A_2281 = tpu.vector_load %arg13[%swap3A_2278, %swap3A_2279, %swap3A_2280] {strides = array<i32>} : memref<3x64x128xf32, #tpu.memory_space<vmem>>, vector<16xf32>,
        tpu.vector_store %arg13[%swap3A_2278, %swap3A_2279, %swap3A_2280], %mul3A_2276 {strides = array<i32>} : memref<3x64x128xf32, #tpu.memory_space<vmem>>, vector<16xf32>,
        %get3A_2282 = arith.constant 5 : i32
        %get3A_2283 = arith.index_cast %rem3A_686 : i32 to index
        %get3A_2284 = arith.index_cast %get3A_2282 : i32 to index
        %get3A_2285 = arith.index_cast %mul3A_1038 : i32 to index
        %get3A_2286 = tpu.vector_load %arg12[%get3A_2283, %get3A_2284, %get3A_2285] {strides = array<i32>} : memref<3x32x128xf32, #tpu.memory_space<vmem>>, vector<16xf32>,
        %mul3A_2287 = arith.mulf %get3A_2286, %select_n3A : vector<16xf32>
        %swap3A_2288 = arith.constant 37 : i32
        %swap3A_2289 = arith.index_cast %rem3A_686 : i32 to index
        %swap3A_2290 = arith.index_cast %swap3A_2288 : i32 to index
        %swap3A_2291 = arith.index_cast %mul3A_1038 : i32 to index
        %swap3A_2292 = tpu.vector_load %arg13[%swap3A_2289, %swap3A_2290, %swap3A_2291] {strides = array<i32>} : memref<3x64x128xf32, #tpu.memory_space<vmem>>, vector<16xf32>,
        tpu.vector_store %arg13[%swap3A_2289, %swap3A_2290, %swap3A_2291], %mul3A_2287 {strides = array<i32>} : memref<3x64x128xf32, #tpu.memory_space<vmem>>, vector<16xf32>,
        %get3A_2293 = arith.constant 6 : i32
        %get3A_2294 = arith.index_cast %rem3A_686 : i32 to index
        %get3A_2295 = arith.index_cast %get3A_2293 : i32 to index
        %get3A_2296 = arith.index_cast %mul3A_1038 : i32 to index
        %get3A_2297 = tpu.vector_load %arg11[%get3A_2294, %get3A_2295, %get3A_2296] {strides = array<i32>} : memref<3x32x128xf32, #tpu.memory_space<vmem>>, vector<16xf32>,
        %mul3A_2298 = arith.mulf %get3A_2297, %select_n3A : vector<16xf32>
        %swap3A_2299 = arith.constant 6 : i32
        %swap3A_2300 = arith.index_cast %rem3A_686 : i32 to index
        %swap3A_2301 = arith.index_cast %swap3A_2299 : i32 to index
        %swap3A_2302 = arith.index_cast %mul3A_1038 : i32 to index
        %swap3A_2303 = tpu.vector_load %arg13[%swap3A_2300, %swap3A_2301, %swap3A_2302] {strides = array<i32>} : memref<3x64x128xf32, #tpu.memory_space<vmem>>, vector<16xf32>,
        tpu.vector_store %arg13[%swap3A_2300, %swap3A_2301, %swap3A_2302], %mul3A_2298 {strides = array<i32>} : memref<3x64x128xf32, #tpu.memory_space<vmem>>, vector<16xf32>,
        %get3A_2304 = arith.constant 6 : i32
        %get3A_2305 = arith.index_cast %rem3A_686 : i32 to index
        %get3A_2306 = arith.index_cast %get3A_2304 : i32 to index
        %get3A_2307 = arith.index_cast %mul3A_1038 : i32 to index
        %get3A_2308 = tpu.vector_load %arg12[%get3A_2305, %get3A_2306, %get3A_2307] {strides = array<i32>} : memref<3x32x128xf32, #tpu.memory_space<vmem>>, vector<16xf32>,
        %mul3A_2309 = arith.mulf %get3A_2308, %select_n3A : vector<16xf32>
        %swap3A_2310 = arith.constant 38 : i32
        %swap3A_2311 = arith.index_cast %rem3A_686 : i32 to index
        %swap3A_2312 = arith.index_cast %swap3A_2310 : i32 to index
        %swap3A_2313 = arith.index_cast %mul3A_1038 : i32 to index
        %swap3A_2314 = tpu.vector_load %arg13[%swap3A_2311, %swap3A_2312, %swap3A_2313] {strides = array<i32>} : memref<3x64x128xf32, #tpu.memory_space<vmem>>, vector<16xf32>,
        tpu.vector_store %arg13[%swap3A_2311, %swap3A_2312, %swap3A_2313], %mul3A_2309 {strides = array<i32>} : memref<3x64x128xf32, #tpu.memory_space<vmem>>, vector<16xf32>,
        %get3A_2315 = arith.constant 7 : i32
        %get3A_2316 = arith.index_cast %rem3A_686 : i32 to index
        %get3A_2317 = arith.index_cast %get3A_2315 : i32 to index
        %get3A_2318 = arith.index_cast %mul3A_1038 : i32 to index
        %get3A_2319 = tpu.vector_load %arg11[%get3A_2316, %get3A_2317, %get3A_2318] {strides = array<i32>} : memref<3x32x128xf32, #tpu.memory_space<vmem>>, vector<16xf32>,
        %mul3A_2320 = arith.mulf %get3A_2319, %select_n3A : vector<16xf32>
        %swap3A_2321 = arith.constant 7 : i32
        %swap3A_2322 = arith.index_cast %rem3A_686 : i32 to index
        %swap3A_2323 = arith.index_cast %swap3A_2321 : i32 to index
        %swap3A_2324 = arith.index_cast %mul3A_1038 : i32 to index
        %swap3A_2325 = tpu.vector_load %arg13[%swap3A_2322, %swap3A_2323, %swap3A_2324] {strides = array<i32>} : memref<3x64x128xf32, #tpu.memory_space<vmem>>, vector<16xf32>,
        tpu.vector_store %arg13[%swap3A_2322, %swap3A_2323, %swap3A_2324], %mul3A_2320 {strides = array<i32>} : memref<3x64x128xf32, #tpu.memory_space<vmem>>, vector<16xf32>,
        %get3A_2326 = arith.constant 7 : i32
        %get3A_2327 = arith.index_cast %rem3A_686 : i32 to index
        %get3A_2328 = arith.index_cast %get3A_2326 : i32 to index
        %get3A_2329 = arith.index_cast %mul3A_1038 : i32 to index
        %get3A_2330 = tpu.vector_load %arg12[%get3A_2327, %get3A_2328, %get3A_2329] {strides = array<i32>} : memref<3x32x128xf32, #tpu.memory_space<vmem>>, vector<16xf32>,
        %mul3A_2331 = arith.mulf %get3A_2330, %select_n3A : vector<16xf32>
        %swap3A_2332 = arith.constant 39 : i32
        %swap3A_2333 = arith.index_cast %rem3A_686 : i32 to index
        %swap3A_2334 = arith.index_cast %swap3A_2332 : i32 to index
        %swap3A_2335 = arith.index_cast %mul3A_1038 : i32 to index
        %swap3A_2336 = tpu.vector_load %arg13[%swap3A_2333, %swap3A_2334, %swap3A_2335] {strides = array<i32>} : memref<3x64x128xf32, #tpu.memory_space<vmem>>, vector<16xf32>,
        tpu.vector_store %arg13[%swap3A_2333, %swap3A_2334, %swap3A_2335], %mul3A_2331 {strides = array<i32>} : memref<3x64x128xf32, #tpu.memory_space<vmem>>, vector<16xf32>,
        %get3A_2337 = arith.constant 8 : i32
        %get3A_2338 = arith.index_cast %rem3A_686 : i32 to index
        %get3A_2339 = arith.index_cast %get3A_2337 : i32 to index
        %get3A_2340 = arith.index_cast %mul3A_1038 : i32 to index
        %get3A_2341 = tpu.vector_load %arg11[%get3A_2338, %get3A_2339, %get3A_2340] {strides = array<i32>} : memref<3x32x128xf32, #tpu.memory_space<vmem>>, vector<16xf32>,
        %mul3A_2342 = arith.mulf %get3A_2341, %select_n3A : vector<16xf32>
        %swap3A_2343 = arith.constant 8 : i32
        %swap3A_2344 = arith.index_cast %rem3A_686 : i32 to index
        %swap3A_2345 = arith.index_cast %swap3A_2343 : i32 to index
        %swap3A_2346 = arith.index_cast %mul3A_1038 : i32 to index
        %swap3A_2347 = tpu.vector_load %arg13[%swap3A_2344, %swap3A_2345, %swap3A_2346] {strides = array<i32>} : memref<3x64x128xf32, #tpu.memory_space<vmem>>, vector<16xf32>,
        tpu.vector_store %arg13[%swap3A_2344, %swap3A_2345, %swap3A_2346], %mul3A_2342 {strides = array<i32>} : memref<3x64x128xf32, #tpu.memory_space<vmem>>, vector<16xf32>,
        %get3A_2348 = arith.constant 8 : i32
        %get3A_2349 = arith.index_cast %rem3A_686 : i32 to index
        %get3A_2350 = arith.index_cast %get3A_2348 : i32 to index
        %get3A_2351 = arith.index_cast %mul3A_1038 : i32 to index
        %get3A_2352 = tpu.vector_load %arg12[%get3A_2349, %get3A_2350, %get3A_2351] {strides = array<i32>} : memref<3x32x128xf32, #tpu.memory_space<vmem>>, vector<16xf32>,
        %mul3A_2353 = arith.mulf %get3A_2352, %select_n3A : vector<16xf32>
        %swap3A_2354 = arith.constant 40 : i32
        %swap3A_2355 = arith.index_cast %rem3A_686 : i32 to index
        %swap3A_2356 = arith.index_cast %swap3A_2354 : i32 to index
        %swap3A_2357 = arith.index_cast %mul3A_1038 : i32 to index
        %swap3A_2358 = tpu.vector_load %arg13[%swap3A_2355, %swap3A_2356, %swap3A_2357] {strides = array<i32>} : memref<3x64x128xf32, #tpu.memory_space<vmem>>, vector<16xf32>,
        tpu.vector_store %arg13[%swap3A_2355, %swap3A_2356, %swap3A_2357], %mul3A_2353 {strides = array<i32>} : memref<3x64x128xf32, #tpu.memory_space<vmem>>, vector<16xf32>,
        %get3A_2359 = arith.constant 9 : i32
        %get3A_2360 = arith.index_cast %rem3A_686 : i32 to index
        %get3A_2361 = arith.index_cast %get3A_2359 : i32 to index
        %get3A_2362 = arith.index_cast %mul3A_1038 : i32 to index
        %get3A_2363 = tpu.vector_load %arg11[%get3A_2360, %get3A_2361, %get3A_2362] {strides = array<i32>} : memref<3x32x128xf32, #tpu.memory_space<vmem>>, vector<16xf32>,
        %mul3A_2364 = arith.mulf %get3A_2363, %select_n3A : vector<16xf32>
        %swap3A_2365 = arith.constant 9 : i32
        %swap3A_2366 = arith.index_cast %rem3A_686 : i32 to index
        %swap3A_2367 = arith.index_cast %swap3A_2365 : i32 to index
        %swap3A_2368 = arith.index_cast %mul3A_1038 : i32 to index
        %swap3A_2369 = tpu.vector_load %arg13[%swap3A_2366, %swap3A_2367, %swap3A_2368] {strides = array<i32>} : memref<3x64x128xf32, #tpu.memory_space<vmem>>, vector<16xf32>,
        tpu.vector_store %arg13[%swap3A_2366, %swap3A_2367, %swap3A_2368], %mul3A_2364 {strides = array<i32>} : memref<3x64x128xf32, #tpu.memory_space<vmem>>, vector<16xf32>,
        %get3A_2370 = arith.constant 9 : i32
        %get3A_2371 = arith.index_cast %rem3A_686 : i32 to index
        %get3A_2372 = arith.index_cast %get3A_2370 : i32 to index
        %get3A_2373 = arith.index_cast %mul3A_1038 : i32 to index
        %get3A_2374 = tpu.vector_load %arg12[%get3A_2371, %get3A_2372, %get3A_2373] {strides = array<i32>} : memref<3x32x128xf32, #tpu.memory_space<vmem>>, vector<16xf32>,
        %mul3A_2375 = arith.mulf %get3A_2374, %select_n3A : vector<16xf32>
        %swap3A_2376 = arith.constant 41 : i32
        %swap3A_2377 = arith.index_cast %rem3A_686 : i32 to index
        %swap3A_2378 = arith.index_cast %swap3A_2376 : i32 to index
        %swap3A_2379 = arith.index_cast %mul3A_1038 : i32 to index
        %swap3A_2380 = tpu.vector_load %arg13[%swap3A_2377, %swap3A_2378, %swap3A_2379] {strides = array<i32>} : memref<3x64x128xf32, #tpu.memory_space<vmem>>, vector<16xf32>,
        tpu.vector_store %arg13[%swap3A_2377, %swap3A_2378, %swap3A_2379], %mul3A_2375 {strides = array<i32>} : memref<3x64x128xf32, #tpu.memory_space<vmem>>, vector<16xf32>,
        %get3A_2381 = arith.constant 10 : i32
        %get3A_2382 = arith.index_cast %rem3A_686 : i32 to index
        %get3A_2383 = arith.index_cast %get3A_2381 : i32 to index
        %get3A_2384 = arith.index_cast %mul3A_1038 : i32 to index
        %get3A_2385 = tpu.vector_load %arg11[%get3A_2382, %get3A_2383, %get3A_2384] {strides = array<i32>} : memref<3x32x128xf32, #tpu.memory_space<vmem>>, vector<16xf32>,
        %mul3A_2386 = arith.mulf %get3A_2385, %select_n3A : vector<16xf32>
        %swap3A_2387 = arith.constant 10 : i32
        %swap3A_2388 = arith.index_cast %rem3A_686 : i32 to index
        %swap3A_2389 = arith.index_cast %swap3A_2387 : i32 to index
        %swap3A_2390 = arith.index_cast %mul3A_1038 : i32 to index
        %swap3A_2391 = tpu.vector_load %arg13[%swap3A_2388, %swap3A_2389, %swap3A_2390] {strides = array<i32>} : memref<3x64x128xf32, #tpu.memory_space<vmem>>, vector<16xf32>,
        tpu.vector_store %arg13[%swap3A_2388, %swap3A_2389, %swap3A_2390], %mul3A_2386 {strides = array<i32>} : memref<3x64x128xf32, #tpu.memory_space<vmem>>, vector<16xf32>,
        %get3A_2392 = arith.constant 10 : i32
        %get3A_2393 = arith.index_cast %rem3A_686 : i32 to index
        %get3A_2394 = arith.index_cast %get3A_2392 : i32 to index
        %get3A_2395 = arith.index_cast %mul3A_1038 : i32 to index
        %get3A_2396 = tpu.vector_load %arg12[%get3A_2393, %get3A_2394, %get3A_2395] {strides = array<i32>} : memref<3x32x128xf32, #tpu.memory_space<vmem>>, vector<16xf32>,
        %mul3A_2397 = arith.mulf %get3A_2396, %select_n3A : vector<16xf32>
        %swap3A_2398 = arith.constant 42 : i32
        %swap3A_2399 = arith.index_cast %rem3A_686 : i32 to index
        %swap3A_2400 = arith.index_cast %swap3A_2398 : i32 to index
        %swap3A_2401 = arith.index_cast %mul3A_1038 : i32 to index
        %swap3A_2402 = tpu.vector_load %arg13[%swap3A_2399, %swap3A_2400, %swap3A_2401] {strides = array<i32>} : memref<3x64x128xf32, #tpu.memory_space<vmem>>, vector<16xf32>,
        tpu.vector_store %arg13[%swap3A_2399, %swap3A_2400, %swap3A_2401], %mul3A_2397 {strides = array<i32>} : memref<3x64x128xf32, #tpu.memory_space<vmem>>, vector<16xf32>,
        %get3A_2403 = arith.constant 11 : i32
        %get3A_2404 = arith.index_cast %rem3A_686 : i32 to index
        %get3A_2405 = arith.index_cast %get3A_2403 : i32 to index
        %get3A_2406 = arith.index_cast %mul3A_1038 : i32 to index
        %get3A_2407 = tpu.vector_load %arg11[%get3A_2404, %get3A_2405, %get3A_2406] {strides = array<i32>} : memref<3x32x128xf32, #tpu.memory_space<vmem>>, vector<16xf32>,
        %mul3A_2408 = arith.mulf %get3A_2407, %select_n3A : vector<16xf32>
        %swap3A_2409 = arith.constant 11 : i32
        %swap3A_2410 = arith.index_cast %rem3A_686 : i32 to index
        %swap3A_2411 = arith.index_cast %swap3A_2409 : i32 to index
        %swap3A_2412 = arith.index_cast %mul3A_1038 : i32 to index
        %swap3A_2413 = tpu.vector_load %arg13[%swap3A_2410, %swap3A_2411, %swap3A_2412] {strides = array<i32>} : memref<3x64x128xf32, #tpu.memory_space<vmem>>, vector<16xf32>,
        tpu.vector_store %arg13[%swap3A_2410, %swap3A_2411, %swap3A_2412], %mul3A_2408 {strides = array<i32>} : memref<3x64x128xf32, #tpu.memory_space<vmem>>, vector<16xf32>,
        %get3A_2414 = arith.constant 11 : i32
        %get3A_2415 = arith.index_cast %rem3A_686 : i32 to index
        %get3A_2416 = arith.index_cast %get3A_2414 : i32 to index
        %get3A_2417 = arith.index_cast %mul3A_1038 : i32 to index
        %get3A_2418 = tpu.vector_load %arg12[%get3A_2415, %get3A_2416, %get3A_2417] {strides = array<i32>} : memref<3x32x128xf32, #tpu.memory_space<vmem>>, vector<16xf32>,
        %mul3A_2419 = arith.mulf %get3A_2418, %select_n3A : vector<16xf32>
        %swap3A_2420 = arith.constant 43 : i32
        %swap3A_2421 = arith.index_cast %rem3A_686 : i32 to index
        %swap3A_2422 = arith.index_cast %swap3A_2420 : i32 to index
        %swap3A_2423 = arith.index_cast %mul3A_1038 : i32 to index
        %swap3A_2424 = tpu.vector_load %arg13[%swap3A_2421, %swap3A_2422, %swap3A_2423] {strides = array<i32>} : memref<3x64x128xf32, #tpu.memory_space<vmem>>, vector<16xf32>,
        tpu.vector_store %arg13[%swap3A_2421, %swap3A_2422, %swap3A_2423], %mul3A_2419 {strides = array<i32>} : memref<3x64x128xf32, #tpu.memory_space<vmem>>, vector<16xf32>,
        %get3A_2425 = arith.constant 12 : i32
        %get3A_2426 = arith.index_cast %rem3A_686 : i32 to index
        %get3A_2427 = arith.index_cast %get3A_2425 : i32 to index
        %get3A_2428 = arith.index_cast %mul3A_1038 : i32 to index
        %get3A_2429 = tpu.vector_load %arg11[%get3A_2426, %get3A_2427, %get3A_2428] {strides = array<i32>} : memref<3x32x128xf32, #tpu.memory_space<vmem>>, vector<16xf32>,
        %mul3A_2430 = arith.mulf %get3A_2429, %select_n3A : vector<16xf32>
        %swap3A_2431 = arith.constant 12 : i32
        %swap3A_2432 = arith.index_cast %rem3A_686 : i32 to index
        %swap3A_2433 = arith.index_cast %swap3A_2431 : i32 to index
        %swap3A_2434 = arith.index_cast %mul3A_1038 : i32 to index
        %swap3A_2435 = tpu.vector_load %arg13[%swap3A_2432, %swap3A_2433, %swap3A_2434] {strides = array<i32>} : memref<3x64x128xf32, #tpu.memory_space<vmem>>, vector<16xf32>,
        tpu.vector_store %arg13[%swap3A_2432, %swap3A_2433, %swap3A_2434], %mul3A_2430 {strides = array<i32>} : memref<3x64x128xf32, #tpu.memory_space<vmem>>, vector<16xf32>,
        %get3A_2436 = arith.constant 12 : i32
        %get3A_2437 = arith.index_cast %rem3A_686 : i32 to index
        %get3A_2438 = arith.index_cast %get3A_2436 : i32 to index
        %get3A_2439 = arith.index_cast %mul3A_1038 : i32 to index
        %get3A_2440 = tpu.vector_load %arg12[%get3A_2437, %get3A_2438, %get3A_2439] {strides = array<i32>} : memref<3x32x128xf32, #tpu.memory_space<vmem>>, vector<16xf32>,
        %mul3A_2441 = arith.mulf %get3A_2440, %select_n3A : vector<16xf32>
        %swap3A_2442 = arith.constant 44 : i32
        %swap3A_2443 = arith.index_cast %rem3A_686 : i32 to index
        %swap3A_2444 = arith.index_cast %swap3A_2442 : i32 to index
        %swap3A_2445 = arith.index_cast %mul3A_1038 : i32 to index
        %swap3A_2446 = tpu.vector_load %arg13[%swap3A_2443, %swap3A_2444, %swap3A_2445] {strides = array<i32>} : memref<3x64x128xf32, #tpu.memory_space<vmem>>, vector<16xf32>,
        tpu.vector_store %arg13[%swap3A_2443, %swap3A_2444, %swap3A_2445], %mul3A_2441 {strides = array<i32>} : memref<3x64x128xf32, #tpu.memory_space<vmem>>, vector<16xf32>,
        %get3A_2447 = arith.constant 13 : i32
        %get3A_2448 = arith.index_cast %rem3A_686 : i32 to index
        %get3A_2449 = arith.index_cast %get3A_2447 : i32 to index
        %get3A_2450 = arith.index_cast %mul3A_1038 : i32 to index
        %get3A_2451 = tpu.vector_load %arg11[%get3A_2448, %get3A_2449, %get3A_2450] {strides = array<i32>} : memref<3x32x128xf32, #tpu.memory_space<vmem>>, vector<16xf32>,
        %mul3A_2452 = arith.mulf %get3A_2451, %select_n3A : vector<16xf32>
        %swap3A_2453 = arith.constant 13 : i32
        %swap3A_2454 = arith.index_cast %rem3A_686 : i32 to index
        %swap3A_2455 = arith.index_cast %swap3A_2453 : i32 to index
        %swap3A_2456 = arith.index_cast %mul3A_1038 : i32 to index
        %swap3A_2457 = tpu.vector_load %arg13[%swap3A_2454, %swap3A_2455, %swap3A_2456] {strides = array<i32>} : memref<3x64x128xf32, #tpu.memory_space<vmem>>, vector<16xf32>,
        tpu.vector_store %arg13[%swap3A_2454, %swap3A_2455, %swap3A_2456], %mul3A_2452 {strides = array<i32>} : memref<3x64x128xf32, #tpu.memory_space<vmem>>, vector<16xf32>,
        %get3A_2458 = arith.constant 13 : i32
        %get3A_2459 = arith.index_cast %rem3A_686 : i32 to index
        %get3A_2460 = arith.index_cast %get3A_2458 : i32 to index
        %get3A_2461 = arith.index_cast %mul3A_1038 : i32 to index
        %get3A_2462 = tpu.vector_load %arg12[%get3A_2459, %get3A_2460, %get3A_2461] {strides = array<i32>} : memref<3x32x128xf32, #tpu.memory_space<vmem>>, vector<16xf32>,
        %mul3A_2463 = arith.mulf %get3A_2462, %select_n3A : vector<16xf32>
        %swap3A_2464 = arith.constant 45 : i32
        %swap3A_2465 = arith.index_cast %rem3A_686 : i32 to index
        %swap3A_2466 = arith.index_cast %swap3A_2464 : i32 to index
        %swap3A_2467 = arith.index_cast %mul3A_1038 : i32 to index
        %swap3A_2468 = tpu.vector_load %arg13[%swap3A_2465, %swap3A_2466, %swap3A_2467] {strides = array<i32>} : memref<3x64x128xf32, #tpu.memory_space<vmem>>, vector<16xf32>,
        tpu.vector_store %arg13[%swap3A_2465, %swap3A_2466, %swap3A_2467], %mul3A_2463 {strides = array<i32>} : memref<3x64x128xf32, #tpu.memory_space<vmem>>, vector<16xf32>,
        %get3A_2469 = arith.constant 14 : i32
        %get3A_2470 = arith.index_cast %rem3A_686 : i32 to index
        %get3A_2471 = arith.index_cast %get3A_2469 : i32 to index
        %get3A_2472 = arith.index_cast %mul3A_1038 : i32 to index
        %get3A_2473 = tpu.vector_load %arg11[%get3A_2470, %get3A_2471, %get3A_2472] {strides = array<i32>} : memref<3x32x128xf32, #tpu.memory_space<vmem>>, vector<16xf32>,
        %mul3A_2474 = arith.mulf %get3A_2473, %select_n3A : vector<16xf32>
        %swap3A_2475 = arith.constant 14 : i32
        %swap3A_2476 = arith.index_cast %rem3A_686 : i32 to index
        %swap3A_2477 = arith.index_cast %swap3A_2475 : i32 to index
        %swap3A_2478 = arith.index_cast %mul3A_1038 : i32 to index
        %swap3A_2479 = tpu.vector_load %arg13[%swap3A_2476, %swap3A_2477, %swap3A_2478] {strides = array<i32>} : memref<3x64x128xf32, #tpu.memory_space<vmem>>, vector<16xf32>,
        tpu.vector_store %arg13[%swap3A_2476, %swap3A_2477, %swap3A_2478], %mul3A_2474 {strides = array<i32>} : memref<3x64x128xf32, #tpu.memory_space<vmem>>, vector<16xf32>,
        %get3A_2480 = arith.constant 14 : i32
        %get3A_2481 = arith.index_cast %rem3A_686 : i32 to index
        %get3A_2482 = arith.index_cast %get3A_2480 : i32 to index
        %get3A_2483 = arith.index_cast %mul3A_1038 : i32 to index
        %get3A_2484 = tpu.vector_load %arg12[%get3A_2481, %get3A_2482, %get3A_2483] {strides = array<i32>} : memref<3x32x128xf32, #tpu.memory_space<vmem>>, vector<16xf32>,
        %mul3A_2485 = arith.mulf %get3A_2484, %select_n3A : vector<16xf32>
        %swap3A_2486 = arith.constant 46 : i32
        %swap3A_2487 = arith.index_cast %rem3A_686 : i32 to index
        %swap3A_2488 = arith.index_cast %swap3A_2486 : i32 to index
        %swap3A_2489 = arith.index_cast %mul3A_1038 : i32 to index
        %swap3A_2490 = tpu.vector_load %arg13[%swap3A_2487, %swap3A_2488, %swap3A_2489] {strides = array<i32>} : memref<3x64x128xf32, #tpu.memory_space<vmem>>, vector<16xf32>,
        tpu.vector_store %arg13[%swap3A_2487, %swap3A_2488, %swap3A_2489], %mul3A_2485 {strides = array<i32>} : memref<3x64x128xf32, #tpu.memory_space<vmem>>, vector<16xf32>,
        %get3A_2491 = arith.constant 15 : i32
        %get3A_2492 = arith.index_cast %rem3A_686 : i32 to index
        %get3A_2493 = arith.index_cast %get3A_2491 : i32 to index
        %get3A_2494 = arith.index_cast %mul3A_1038 : i32 to index
        %get3A_2495 = tpu.vector_load %arg11[%get3A_2492, %get3A_2493, %get3A_2494] {strides = array<i32>} : memref<3x32x128xf32, #tpu.memory_space<vmem>>, vector<16xf32>,
        %mul3A_2496 = arith.mulf %get3A_2495, %select_n3A : vector<16xf32>
        %swap3A_2497 = arith.constant 15 : i32
        %swap3A_2498 = arith.index_cast %rem3A_686 : i32 to index
        %swap3A_2499 = arith.index_cast %swap3A_2497 : i32 to index
        %swap3A_2500 = arith.index_cast %mul3A_1038 : i32 to index
        %swap3A_2501 = tpu.vector_load %arg13[%swap3A_2498, %swap3A_2499, %swap3A_2500] {strides = array<i32>} : memref<3x64x128xf32, #tpu.memory_space<vmem>>, vector<16xf32>,
        tpu.vector_store %arg13[%swap3A_2498, %swap3A_2499, %swap3A_2500], %mul3A_2496 {strides = array<i32>} : memref<3x64x128xf32, #tpu.memory_space<vmem>>, vector<16xf32>,
        %get3A_2502 = arith.constant 15 : i32
        %get3A_2503 = arith.index_cast %rem3A_686 : i32 to index
        %get3A_2504 = arith.index_cast %get3A_2502 : i32 to index
        %get3A_2505 = arith.index_cast %mul3A_1038 : i32 to index
        %get3A_2506 = tpu.vector_load %arg12[%get3A_2503, %get3A_2504, %get3A_2505] {strides = array<i32>} : memref<3x32x128xf32, #tpu.memory_space<vmem>>, vector<16xf32>,
        %mul3A_2507 = arith.mulf %get3A_2506, %select_n3A : vector<16xf32>
        %swap3A_2508 = arith.constant 47 : i32
        %swap3A_2509 = arith.index_cast %rem3A_686 : i32 to index
        %swap3A_2510 = arith.index_cast %swap3A_2508 : i32 to index
        %swap3A_2511 = arith.index_cast %mul3A_1038 : i32 to index
        %swap3A_2512 = tpu.vector_load %arg13[%swap3A_2509, %swap3A_2510, %swap3A_2511] {strides = array<i32>} : memref<3x64x128xf32, #tpu.memory_space<vmem>>, vector<16xf32>,
        tpu.vector_store %arg13[%swap3A_2509, %swap3A_2510, %swap3A_2511], %mul3A_2507 {strides = array<i32>} : memref<3x64x128xf32, #tpu.memory_space<vmem>>, vector<16xf32>,
        %get3A_2513 = arith.constant 16 : i32
        %get3A_2514 = arith.index_cast %rem3A_686 : i32 to index
        %get3A_2515 = arith.index_cast %get3A_2513 : i32 to index
        %get3A_2516 = arith.index_cast %mul3A_1038 : i32 to index
        %get3A_2517 = tpu.vector_load %arg11[%get3A_2514, %get3A_2515, %get3A_2516] {strides = array<i32>} : memref<3x32x128xf32, #tpu.memory_space<vmem>>, vector<16xf32>,
        %mul3A_2518 = arith.mulf %get3A_2517, %select_n3A : vector<16xf32>
        %swap3A_2519 = arith.constant 16 : i32
        %swap3A_2520 = arith.index_cast %rem3A_686 : i32 to index
        %swap3A_2521 = arith.index_cast %swap3A_2519 : i32 to index
        %swap3A_2522 = arith.index_cast %mul3A_1038 : i32 to index
        %swap3A_2523 = tpu.vector_load %arg13[%swap3A_2520, %swap3A_2521, %swap3A_2522] {strides = array<i32>} : memref<3x64x128xf32, #tpu.memory_space<vmem>>, vector<16xf32>,
        tpu.vector_store %arg13[%swap3A_2520, %swap3A_2521, %swap3A_2522], %mul3A_2518 {strides = array<i32>} : memref<3x64x128xf32, #tpu.memory_space<vmem>>, vector<16xf32>,
        %get3A_2524 = arith.constant 16 : i32
        %get3A_2525 = arith.index_cast %rem3A_686 : i32 to index
        %get3A_2526 = arith.index_cast %get3A_2524 : i32 to index
        %get3A_2527 = arith.index_cast %mul3A_1038 : i32 to index
        %get3A_2528 = tpu.vector_load %arg12[%get3A_2525, %get3A_2526, %get3A_2527] {strides = array<i32>} : memref<3x32x128xf32, #tpu.memory_space<vmem>>, vector<16xf32>,
        %mul3A_2529 = arith.mulf %get3A_2528, %select_n3A : vector<16xf32>
        %swap3A_2530 = arith.constant 48 : i32
        %swap3A_2531 = arith.index_cast %rem3A_686 : i32 to index
        %swap3A_2532 = arith.index_cast %swap3A_2530 : i32 to index
        %swap3A_2533 = arith.index_cast %mul3A_1038 : i32 to index
        %swap3A_2534 = tpu.vector_load %arg13[%swap3A_2531, %swap3A_2532, %swap3A_2533] {strides = array<i32>} : memref<3x64x128xf32, #tpu.memory_space<vmem>>, vector<16xf32>,
        tpu.vector_store %arg13[%swap3A_2531, %swap3A_2532, %swap3A_2533], %mul3A_2529 {strides = array<i32>} : memref<3x64x128xf32, #tpu.memory_space<vmem>>, vector<16xf32>,
        %get3A_2535 = arith.constant 17 : i32
        %get3A_2536 = arith.index_cast %rem3A_686 : i32 to index
        %get3A_2537 = arith.index_cast %get3A_2535 : i32 to index
        %get3A_2538 = arith.index_cast %mul3A_1038 : i32 to index
        %get3A_2539 = tpu.vector_load %arg11[%get3A_2536, %get3A_2537, %get3A_2538] {strides = array<i32>} : memref<3x32x128xf32, #tpu.memory_space<vmem>>, vector<16xf32>,
        %mul3A_2540 = arith.mulf %get3A_2539, %select_n3A : vector<16xf32>
        %swap3A_2541 = arith.constant 17 : i32
        %swap3A_2542 = arith.index_cast %rem3A_686 : i32 to index
        %swap3A_2543 = arith.index_cast %swap3A_2541 : i32 to index
        %swap3A_2544 = arith.index_cast %mul3A_1038 : i32 to index
        %swap3A_2545 = tpu.vector_load %arg13[%swap3A_2542, %swap3A_2543, %swap3A_2544] {strides = array<i32>} : memref<3x64x128xf32, #tpu.memory_space<vmem>>, vector<16xf32>,
        tpu.vector_store %arg13[%swap3A_2542, %swap3A_2543, %swap3A_2544], %mul3A_2540 {strides = array<i32>} : memref<3x64x128xf32, #tpu.memory_space<vmem>>, vector<16xf32>,
        %get3A_2546 = arith.constant 17 : i32
        %get3A_2547 = arith.index_cast %rem3A_686 : i32 to index
        %get3A_2548 = arith.index_cast %get3A_2546 : i32 to index
        %get3A_2549 = arith.index_cast %mul3A_1038 : i32 to index
        %get3A_2550 = tpu.vector_load %arg12[%get3A_2547, %get3A_2548, %get3A_2549] {strides = array<i32>} : memref<3x32x128xf32, #tpu.memory_space<vmem>>, vector<16xf32>,
        %mul3A_2551 = arith.mulf %get3A_2550, %select_n3A : vector<16xf32>
        %swap3A_2552 = arith.constant 49 : i32
        %swap3A_2553 = arith.index_cast %rem3A_686 : i32 to index
        %swap3A_2554 = arith.index_cast %swap3A_2552 : i32 to index
        %swap3A_2555 = arith.index_cast %mul3A_1038 : i32 to index
        %swap3A_2556 = tpu.vector_load %arg13[%swap3A_2553, %swap3A_2554, %swap3A_2555] {strides = array<i32>} : memref<3x64x128xf32, #tpu.memory_space<vmem>>, vector<16xf32>,
        tpu.vector_store %arg13[%swap3A_2553, %swap3A_2554, %swap3A_2555], %mul3A_2551 {strides = array<i32>} : memref<3x64x128xf32, #tpu.memory_space<vmem>>, vector<16xf32>,
        %get3A_2557 = arith.constant 18 : i32
        %get3A_2558 = arith.index_cast %rem3A_686 : i32 to index
        %get3A_2559 = arith.index_cast %get3A_2557 : i32 to index
        %get3A_2560 = arith.index_cast %mul3A_1038 : i32 to index
        %get3A_2561 = tpu.vector_load %arg11[%get3A_2558, %get3A_2559, %get3A_2560] {strides = array<i32>} : memref<3x32x128xf32, #tpu.memory_space<vmem>>, vector<16xf32>,
        %mul3A_2562 = arith.mulf %get3A_2561, %select_n3A : vector<16xf32>
        %swap3A_2563 = arith.constant 18 : i32
        %swap3A_2564 = arith.index_cast %rem3A_686 : i32 to index
        %swap3A_2565 = arith.index_cast %swap3A_2563 : i32 to index
        %swap3A_2566 = arith.index_cast %mul3A_1038 : i32 to index
        %swap3A_2567 = tpu.vector_load %arg13[%swap3A_2564, %swap3A_2565, %swap3A_2566] {strides = array<i32>} : memref<3x64x128xf32, #tpu.memory_space<vmem>>, vector<16xf32>,
        tpu.vector_store %arg13[%swap3A_2564, %swap3A_2565, %swap3A_2566], %mul3A_2562 {strides = array<i32>} : memref<3x64x128xf32, #tpu.memory_space<vmem>>, vector<16xf32>,
        %get3A_2568 = arith.constant 18 : i32
        %get3A_2569 = arith.index_cast %rem3A_686 : i32 to index
        %get3A_2570 = arith.index_cast %get3A_2568 : i32 to index
        %get3A_2571 = arith.index_cast %mul3A_1038 : i32 to index
        %get3A_2572 = tpu.vector_load %arg12[%get3A_2569, %get3A_2570, %get3A_2571] {strides = array<i32>} : memref<3x32x128xf32, #tpu.memory_space<vmem>>, vector<16xf32>,
        %mul3A_2573 = arith.mulf %get3A_2572, %select_n3A : vector<16xf32>
        %swap3A_2574 = arith.constant 50 : i32
        %swap3A_2575 = arith.index_cast %rem3A_686 : i32 to index
        %swap3A_2576 = arith.index_cast %swap3A_2574 : i32 to index
        %swap3A_2577 = arith.index_cast %mul3A_1038 : i32 to index
        %swap3A_2578 = tpu.vector_load %arg13[%swap3A_2575, %swap3A_2576, %swap3A_2577] {strides = array<i32>} : memref<3x64x128xf32, #tpu.memory_space<vmem>>, vector<16xf32>,
        tpu.vector_store %arg13[%swap3A_2575, %swap3A_2576, %swap3A_2577], %mul3A_2573 {strides = array<i32>} : memref<3x64x128xf32, #tpu.memory_space<vmem>>, vector<16xf32>,
        %get3A_2579 = arith.constant 19 : i32
        %get3A_2580 = arith.index_cast %rem3A_686 : i32 to index
        %get3A_2581 = arith.index_cast %get3A_2579 : i32 to index
        %get3A_2582 = arith.index_cast %mul3A_1038 : i32 to index
        %get3A_2583 = tpu.vector_load %arg11[%get3A_2580, %get3A_2581, %get3A_2582] {strides = array<i32>} : memref<3x32x128xf32, #tpu.memory_space<vmem>>, vector<16xf32>,
        %mul3A_2584 = arith.mulf %get3A_2583, %select_n3A : vector<16xf32>
        %swap3A_2585 = arith.constant 19 : i32
        %swap3A_2586 = arith.index_cast %rem3A_686 : i32 to index
        %swap3A_2587 = arith.index_cast %swap3A_2585 : i32 to index
        %swap3A_2588 = arith.index_cast %mul3A_1038 : i32 to index
        %swap3A_2589 = tpu.vector_load %arg13[%swap3A_2586, %swap3A_2587, %swap3A_2588] {strides = array<i32>} : memref<3x64x128xf32, #tpu.memory_space<vmem>>, vector<16xf32>,
        tpu.vector_store %arg13[%swap3A_2586, %swap3A_2587, %swap3A_2588], %mul3A_2584 {strides = array<i32>} : memref<3x64x128xf32, #tpu.memory_space<vmem>>, vector<16xf32>,
        %get3A_2590 = arith.constant 19 : i32
        %get3A_2591 = arith.index_cast %rem3A_686 : i32 to index
        %get3A_2592 = arith.index_cast %get3A_2590 : i32 to index
        %get3A_2593 = arith.index_cast %mul3A_1038 : i32 to index
        %get3A_2594 = tpu.vector_load %arg12[%get3A_2591, %get3A_2592, %get3A_2593] {strides = array<i32>} : memref<3x32x128xf32, #tpu.memory_space<vmem>>, vector<16xf32>,
        %mul3A_2595 = arith.mulf %get3A_2594, %select_n3A : vector<16xf32>
        %swap3A_2596 = arith.constant 51 : i32
        %swap3A_2597 = arith.index_cast %rem3A_686 : i32 to index
        %swap3A_2598 = arith.index_cast %swap3A_2596 : i32 to index
        %swap3A_2599 = arith.index_cast %mul3A_1038 : i32 to index
        %swap3A_2600 = tpu.vector_load %arg13[%swap3A_2597, %swap3A_2598, %swap3A_2599] {strides = array<i32>} : memref<3x64x128xf32, #tpu.memory_space<vmem>>, vector<16xf32>,
        tpu.vector_store %arg13[%swap3A_2597, %swap3A_2598, %swap3A_2599], %mul3A_2595 {strides = array<i32>} : memref<3x64x128xf32, #tpu.memory_space<vmem>>, vector<16xf32>,
        %get3A_2601 = arith.constant 20 : i32
        %get3A_2602 = arith.index_cast %rem3A_686 : i32 to index
        %get3A_2603 = arith.index_cast %get3A_2601 : i32 to index
        %get3A_2604 = arith.index_cast %mul3A_1038 : i32 to index
        %get3A_2605 = tpu.vector_load %arg11[%get3A_2602, %get3A_2603, %get3A_2604] {strides = array<i32>} : memref<3x32x128xf32, #tpu.memory_space<vmem>>, vector<16xf32>,
        %mul3A_2606 = arith.mulf %get3A_2605, %select_n3A : vector<16xf32>
        %swap3A_2607 = arith.constant 20 : i32
        %swap3A_2608 = arith.index_cast %rem3A_686 : i32 to index
        %swap3A_2609 = arith.index_cast %swap3A_2607 : i32 to index
        %swap3A_2610 = arith.index_cast %mul3A_1038 : i32 to index
        %swap3A_2611 = tpu.vector_load %arg13[%swap3A_2608, %swap3A_2609, %swap3A_2610] {strides = array<i32>} : memref<3x64x128xf32, #tpu.memory_space<vmem>>, vector<16xf32>,
        tpu.vector_store %arg13[%swap3A_2608, %swap3A_2609, %swap3A_2610], %mul3A_2606 {strides = array<i32>} : memref<3x64x128xf32, #tpu.memory_space<vmem>>, vector<16xf32>,
        %get3A_2612 = arith.constant 20 : i32
        %get3A_2613 = arith.index_cast %rem3A_686 : i32 to index
        %get3A_2614 = arith.index_cast %get3A_2612 : i32 to index
        %get3A_2615 = arith.index_cast %mul3A_1038 : i32 to index
        %get3A_2616 = tpu.vector_load %arg12[%get3A_2613, %get3A_2614, %get3A_2615] {strides = array<i32>} : memref<3x32x128xf32, #tpu.memory_space<vmem>>, vector<16xf32>,
        %mul3A_2617 = arith.mulf %get3A_2616, %select_n3A : vector<16xf32>
        %swap3A_2618 = arith.constant 52 : i32
        %swap3A_2619 = arith.index_cast %rem3A_686 : i32 to index
        %swap3A_2620 = arith.index_cast %swap3A_2618 : i32 to index
        %swap3A_2621 = arith.index_cast %mul3A_1038 : i32 to index
        %swap3A_2622 = tpu.vector_load %arg13[%swap3A_2619, %swap3A_2620, %swap3A_2621] {strides = array<i32>} : memref<3x64x128xf32, #tpu.memory_space<vmem>>, vector<16xf32>,
        tpu.vector_store %arg13[%swap3A_2619, %swap3A_2620, %swap3A_2621], %mul3A_2617 {strides = array<i32>} : memref<3x64x128xf32, #tpu.memory_space<vmem>>, vector<16xf32>,
        %get3A_2623 = arith.constant 21 : i32
        %get3A_2624 = arith.index_cast %rem3A_686 : i32 to index
        %get3A_2625 = arith.index_cast %get3A_2623 : i32 to index
        %get3A_2626 = arith.index_cast %mul3A_1038 : i32 to index
        %get3A_2627 = tpu.vector_load %arg11[%get3A_2624, %get3A_2625, %get3A_2626] {strides = array<i32>} : memref<3x32x128xf32, #tpu.memory_space<vmem>>, vector<16xf32>,
        %mul3A_2628 = arith.mulf %get3A_2627, %select_n3A : vector<16xf32>
        %swap3A_2629 = arith.constant 21 : i32
        %swap3A_2630 = arith.index_cast %rem3A_686 : i32 to index
        %swap3A_2631 = arith.index_cast %swap3A_2629 : i32 to index
        %swap3A_2632 = arith.index_cast %mul3A_1038 : i32 to index
        %swap3A_2633 = tpu.vector_load %arg13[%swap3A_2630, %swap3A_2631, %swap3A_2632] {strides = array<i32>} : memref<3x64x128xf32, #tpu.memory_space<vmem>>, vector<16xf32>,
        tpu.vector_store %arg13[%swap3A_2630, %swap3A_2631, %swap3A_2632], %mul3A_2628 {strides = array<i32>} : memref<3x64x128xf32, #tpu.memory_space<vmem>>, vector<16xf32>,
        %get3A_2634 = arith.constant 21 : i32
        %get3A_2635 = arith.index_cast %rem3A_686 : i32 to index
        %get3A_2636 = arith.index_cast %get3A_2634 : i32 to index
        %get3A_2637 = arith.index_cast %mul3A_1038 : i32 to index
        %get3A_2638 = tpu.vector_load %arg12[%get3A_2635, %get3A_2636, %get3A_2637] {strides = array<i32>} : memref<3x32x128xf32, #tpu.memory_space<vmem>>, vector<16xf32>,
        %mul3A_2639 = arith.mulf %get3A_2638, %select_n3A : vector<16xf32>
        %swap3A_2640 = arith.constant 53 : i32
        %swap3A_2641 = arith.index_cast %rem3A_686 : i32 to index
        %swap3A_2642 = arith.index_cast %swap3A_2640 : i32 to index
        %swap3A_2643 = arith.index_cast %mul3A_1038 : i32 to index
        %swap3A_2644 = tpu.vector_load %arg13[%swap3A_2641, %swap3A_2642, %swap3A_2643] {strides = array<i32>} : memref<3x64x128xf32, #tpu.memory_space<vmem>>, vector<16xf32>,
        tpu.vector_store %arg13[%swap3A_2641, %swap3A_2642, %swap3A_2643], %mul3A_2639 {strides = array<i32>} : memref<3x64x128xf32, #tpu.memory_space<vmem>>, vector<16xf32>,
        %get3A_2645 = arith.constant 22 : i32
        %get3A_2646 = arith.index_cast %rem3A_686 : i32 to index
        %get3A_2647 = arith.index_cast %get3A_2645 : i32 to index
        %get3A_2648 = arith.index_cast %mul3A_1038 : i32 to index
        %get3A_2649 = tpu.vector_load %arg11[%get3A_2646, %get3A_2647, %get3A_2648] {strides = array<i32>} : memref<3x32x128xf32, #tpu.memory_space<vmem>>, vector<16xf32>,
        %mul3A_2650 = arith.mulf %get3A_2649, %select_n3A : vector<16xf32>
        %swap3A_2651 = arith.constant 22 : i32
        %swap3A_2652 = arith.index_cast %rem3A_686 : i32 to index
        %swap3A_2653 = arith.index_cast %swap3A_2651 : i32 to index
        %swap3A_2654 = arith.index_cast %mul3A_1038 : i32 to index
        %swap3A_2655 = tpu.vector_load %arg13[%swap3A_2652, %swap3A_2653, %swap3A_2654] {strides = array<i32>} : memref<3x64x128xf32, #tpu.memory_space<vmem>>, vector<16xf32>,
        tpu.vector_store %arg13[%swap3A_2652, %swap3A_2653, %swap3A_2654], %mul3A_2650 {strides = array<i32>} : memref<3x64x128xf32, #tpu.memory_space<vmem>>, vector<16xf32>,
        %get3A_2656 = arith.constant 22 : i32
        %get3A_2657 = arith.index_cast %rem3A_686 : i32 to index
        %get3A_2658 = arith.index_cast %get3A_2656 : i32 to index
        %get3A_2659 = arith.index_cast %mul3A_1038 : i32 to index
        %get3A_2660 = tpu.vector_load %arg12[%get3A_2657, %get3A_2658, %get3A_2659] {strides = array<i32>} : memref<3x32x128xf32, #tpu.memory_space<vmem>>, vector<16xf32>,
        %mul3A_2661 = arith.mulf %get3A_2660, %select_n3A : vector<16xf32>
        %swap3A_2662 = arith.constant 54 : i32
        %swap3A_2663 = arith.index_cast %rem3A_686 : i32 to index
        %swap3A_2664 = arith.index_cast %swap3A_2662 : i32 to index
        %swap3A_2665 = arith.index_cast %mul3A_1038 : i32 to index
        %swap3A_2666 = tpu.vector_load %arg13[%swap3A_2663, %swap3A_2664, %swap3A_2665] {strides = array<i32>} : memref<3x64x128xf32, #tpu.memory_space<vmem>>, vector<16xf32>,
        tpu.vector_store %arg13[%swap3A_2663, %swap3A_2664, %swap3A_2665], %mul3A_2661 {strides = array<i32>} : memref<3x64x128xf32, #tpu.memory_space<vmem>>, vector<16xf32>,
        %get3A_2667 = arith.constant 23 : i32
        %get3A_2668 = arith.index_cast %rem3A_686 : i32 to index
        %get3A_2669 = arith.index_cast %get3A_2667 : i32 to index
        %get3A_2670 = arith.index_cast %mul3A_1038 : i32 to index
        %get3A_2671 = tpu.vector_load %arg11[%get3A_2668, %get3A_2669, %get3A_2670] {strides = array<i32>} : memref<3x32x128xf32, #tpu.memory_space<vmem>>, vector<16xf32>,
        %mul3A_2672 = arith.mulf %get3A_2671, %select_n3A : vector<16xf32>
        %swap3A_2673 = arith.constant 23 : i32
        %swap3A_2674 = arith.index_cast %rem3A_686 : i32 to index
        %swap3A_2675 = arith.index_cast %swap3A_2673 : i32 to index
        %swap3A_2676 = arith.index_cast %mul3A_1038 : i32 to index
        %swap3A_2677 = tpu.vector_load %arg13[%swap3A_2674, %swap3A_2675, %swap3A_2676] {strides = array<i32>} : memref<3x64x128xf32, #tpu.memory_space<vmem>>, vector<16xf32>,
        tpu.vector_store %arg13[%swap3A_2674, %swap3A_2675, %swap3A_2676], %mul3A_2672 {strides = array<i32>} : memref<3x64x128xf32, #tpu.memory_space<vmem>>, vector<16xf32>,
        %get3A_2678 = arith.constant 23 : i32
        %get3A_2679 = arith.index_cast %rem3A_686 : i32 to index
        %get3A_2680 = arith.index_cast %get3A_2678 : i32 to index
        %get3A_2681 = arith.index_cast %mul3A_1038 : i32 to index
        %get3A_2682 = tpu.vector_load %arg12[%get3A_2679, %get3A_2680, %get3A_2681] {strides = array<i32>} : memref<3x32x128xf32, #tpu.memory_space<vmem>>, vector<16xf32>,
        %mul3A_2683 = arith.mulf %get3A_2682, %select_n3A : vector<16xf32>
        %swap3A_2684 = arith.constant 55 : i32
        %swap3A_2685 = arith.index_cast %rem3A_686 : i32 to index
        %swap3A_2686 = arith.index_cast %swap3A_2684 : i32 to index
        %swap3A_2687 = arith.index_cast %mul3A_1038 : i32 to index
        %swap3A_2688 = tpu.vector_load %arg13[%swap3A_2685, %swap3A_2686, %swap3A_2687] {strides = array<i32>} : memref<3x64x128xf32, #tpu.memory_space<vmem>>, vector<16xf32>,
        tpu.vector_store %arg13[%swap3A_2685, %swap3A_2686, %swap3A_2687], %mul3A_2683 {strides = array<i32>} : memref<3x64x128xf32, #tpu.memory_space<vmem>>, vector<16xf32>,
        %get3A_2689 = arith.constant 24 : i32
        %get3A_2690 = arith.index_cast %rem3A_686 : i32 to index
        %get3A_2691 = arith.index_cast %get3A_2689 : i32 to index
        %get3A_2692 = arith.index_cast %mul3A_1038 : i32 to index
        %get3A_2693 = tpu.vector_load %arg11[%get3A_2690, %get3A_2691, %get3A_2692] {strides = array<i32>} : memref<3x32x128xf32, #tpu.memory_space<vmem>>, vector<16xf32>,
        %mul3A_2694 = arith.mulf %get3A_2693, %select_n3A : vector<16xf32>
        %swap3A_2695 = arith.constant 24 : i32
        %swap3A_2696 = arith.index_cast %rem3A_686 : i32 to index
        %swap3A_2697 = arith.index_cast %swap3A_2695 : i32 to index
        %swap3A_2698 = arith.index_cast %mul3A_1038 : i32 to index
        %swap3A_2699 = tpu.vector_load %arg13[%swap3A_2696, %swap3A_2697, %swap3A_2698] {strides = array<i32>} : memref<3x64x128xf32, #tpu.memory_space<vmem>>, vector<16xf32>,
        tpu.vector_store %arg13[%swap3A_2696, %swap3A_2697, %swap3A_2698], %mul3A_2694 {strides = array<i32>} : memref<3x64x128xf32, #tpu.memory_space<vmem>>, vector<16xf32>,
        %get3A_2700 = arith.constant 24 : i32
        %get3A_2701 = arith.index_cast %rem3A_686 : i32 to index
        %get3A_2702 = arith.index_cast %get3A_2700 : i32 to index
        %get3A_2703 = arith.index_cast %mul3A_1038 : i32 to index
        %get3A_2704 = tpu.vector_load %arg12[%get3A_2701, %get3A_2702, %get3A_2703] {strides = array<i32>} : memref<3x32x128xf32, #tpu.memory_space<vmem>>, vector<16xf32>,
        %mul3A_2705 = arith.mulf %get3A_2704, %select_n3A : vector<16xf32>
        %swap3A_2706 = arith.constant 56 : i32
        %swap3A_2707 = arith.index_cast %rem3A_686 : i32 to index
        %swap3A_2708 = arith.index_cast %swap3A_2706 : i32 to index
        %swap3A_2709 = arith.index_cast %mul3A_1038 : i32 to index
        %swap3A_2710 = tpu.vector_load %arg13[%swap3A_2707, %swap3A_2708, %swap3A_2709] {strides = array<i32>} : memref<3x64x128xf32, #tpu.memory_space<vmem>>, vector<16xf32>,
        tpu.vector_store %arg13[%swap3A_2707, %swap3A_2708, %swap3A_2709], %mul3A_2705 {strides = array<i32>} : memref<3x64x128xf32, #tpu.memory_space<vmem>>, vector<16xf32>,
        %get3A_2711 = arith.constant 25 : i32
        %get3A_2712 = arith.index_cast %rem3A_686 : i32 to index
        %get3A_2713 = arith.index_cast %get3A_2711 : i32 to index
        %get3A_2714 = arith.index_cast %mul3A_1038 : i32 to index
        %get3A_2715 = tpu.vector_load %arg11[%get3A_2712, %get3A_2713, %get3A_2714] {strides = array<i32>} : memref<3x32x128xf32, #tpu.memory_space<vmem>>, vector<16xf32>,
        %mul3A_2716 = arith.mulf %get3A_2715, %select_n3A : vector<16xf32>
        %swap3A_2717 = arith.constant 25 : i32
        %swap3A_2718 = arith.index_cast %rem3A_686 : i32 to index
        %swap3A_2719 = arith.index_cast %swap3A_2717 : i32 to index
        %swap3A_2720 = arith.index_cast %mul3A_1038 : i32 to index
        %swap3A_2721 = tpu.vector_load %arg13[%swap3A_2718, %swap3A_2719, %swap3A_2720] {strides = array<i32>} : memref<3x64x128xf32, #tpu.memory_space<vmem>>, vector<16xf32>,
        tpu.vector_store %arg13[%swap3A_2718, %swap3A_2719, %swap3A_2720], %mul3A_2716 {strides = array<i32>} : memref<3x64x128xf32, #tpu.memory_space<vmem>>, vector<16xf32>,
        %get3A_2722 = arith.constant 25 : i32
        %get3A_2723 = arith.index_cast %rem3A_686 : i32 to index
        %get3A_2724 = arith.index_cast %get3A_2722 : i32 to index
        %get3A_2725 = arith.index_cast %mul3A_1038 : i32 to index
        %get3A_2726 = tpu.vector_load %arg12[%get3A_2723, %get3A_2724, %get3A_2725] {strides = array<i32>} : memref<3x32x128xf32, #tpu.memory_space<vmem>>, vector<16xf32>,
        %mul3A_2727 = arith.mulf %get3A_2726, %select_n3A : vector<16xf32>
        %swap3A_2728 = arith.constant 57 : i32
        %swap3A_2729 = arith.index_cast %rem3A_686 : i32 to index
        %swap3A_2730 = arith.index_cast %swap3A_2728 : i32 to index
        %swap3A_2731 = arith.index_cast %mul3A_1038 : i32 to index
        %swap3A_2732 = tpu.vector_load %arg13[%swap3A_2729, %swap3A_2730, %swap3A_2731] {strides = array<i32>} : memref<3x64x128xf32, #tpu.memory_space<vmem>>, vector<16xf32>,
        tpu.vector_store %arg13[%swap3A_2729, %swap3A_2730, %swap3A_2731], %mul3A_2727 {strides = array<i32>} : memref<3x64x128xf32, #tpu.memory_space<vmem>>, vector<16xf32>,
        %get3A_2733 = arith.constant 26 : i32
        %get3A_2734 = arith.index_cast %rem3A_686 : i32 to index
        %get3A_2735 = arith.index_cast %get3A_2733 : i32 to index
        %get3A_2736 = arith.index_cast %mul3A_1038 : i32 to index
        %get3A_2737 = tpu.vector_load %arg11[%get3A_2734, %get3A_2735, %get3A_2736] {strides = array<i32>} : memref<3x32x128xf32, #tpu.memory_space<vmem>>, vector<16xf32>,
        %mul3A_2738 = arith.mulf %get3A_2737, %select_n3A : vector<16xf32>
        %swap3A_2739 = arith.constant 26 : i32
        %swap3A_2740 = arith.index_cast %rem3A_686 : i32 to index
        %swap3A_2741 = arith.index_cast %swap3A_2739 : i32 to index
        %swap3A_2742 = arith.index_cast %mul3A_1038 : i32 to index
        %swap3A_2743 = tpu.vector_load %arg13[%swap3A_2740, %swap3A_2741, %swap3A_2742] {strides = array<i32>} : memref<3x64x128xf32, #tpu.memory_space<vmem>>, vector<16xf32>,
        tpu.vector_store %arg13[%swap3A_2740, %swap3A_2741, %swap3A_2742], %mul3A_2738 {strides = array<i32>} : memref<3x64x128xf32, #tpu.memory_space<vmem>>, vector<16xf32>,
        %get3A_2744 = arith.constant 26 : i32
        %get3A_2745 = arith.index_cast %rem3A_686 : i32 to index
        %get3A_2746 = arith.index_cast %get3A_2744 : i32 to index
        %get3A_2747 = arith.index_cast %mul3A_1038 : i32 to index
        %get3A_2748 = tpu.vector_load %arg12[%get3A_2745, %get3A_2746, %get3A_2747] {strides = array<i32>} : memref<3x32x128xf32, #tpu.memory_space<vmem>>, vector<16xf32>,
        %mul3A_2749 = arith.mulf %get3A_2748, %select_n3A : vector<16xf32>
        %swap3A_2750 = arith.constant 58 : i32
        %swap3A_2751 = arith.index_cast %rem3A_686 : i32 to index
        %swap3A_2752 = arith.index_cast %swap3A_2750 : i32 to index
        %swap3A_2753 = arith.index_cast %mul3A_1038 : i32 to index
        %swap3A_2754 = tpu.vector_load %arg13[%swap3A_2751, %swap3A_2752, %swap3A_2753] {strides = array<i32>} : memref<3x64x128xf32, #tpu.memory_space<vmem>>, vector<16xf32>,
        tpu.vector_store %arg13[%swap3A_2751, %swap3A_2752, %swap3A_2753], %mul3A_2749 {strides = array<i32>} : memref<3x64x128xf32, #tpu.memory_space<vmem>>, vector<16xf32>,
        %get3A_2755 = arith.constant 27 : i32
        %get3A_2756 = arith.index_cast %rem3A_686 : i32 to index
        %get3A_2757 = arith.index_cast %get3A_2755 : i32 to index
        %get3A_2758 = arith.index_cast %mul3A_1038 : i32 to index
        %get3A_2759 = tpu.vector_load %arg11[%get3A_2756, %get3A_2757, %get3A_2758] {strides = array<i32>} : memref<3x32x128xf32, #tpu.memory_space<vmem>>, vector<16xf32>,
        %mul3A_2760 = arith.mulf %get3A_2759, %select_n3A : vector<16xf32>
        %swap3A_2761 = arith.constant 27 : i32
        %swap3A_2762 = arith.index_cast %rem3A_686 : i32 to index
        %swap3A_2763 = arith.index_cast %swap3A_2761 : i32 to index
        %swap3A_2764 = arith.index_cast %mul3A_1038 : i32 to index
        %swap3A_2765 = tpu.vector_load %arg13[%swap3A_2762, %swap3A_2763, %swap3A_2764] {strides = array<i32>} : memref<3x64x128xf32, #tpu.memory_space<vmem>>, vector<16xf32>,
        tpu.vector_store %arg13[%swap3A_2762, %swap3A_2763, %swap3A_2764], %mul3A_2760 {strides = array<i32>} : memref<3x64x128xf32, #tpu.memory_space<vmem>>, vector<16xf32>,
        %get3A_2766 = arith.constant 27 : i32
        %get3A_2767 = arith.index_cast %rem3A_686 : i32 to index
        %get3A_2768 = arith.index_cast %get3A_2766 : i32 to index
        %get3A_2769 = arith.index_cast %mul3A_1038 : i32 to index
        %get3A_2770 = tpu.vector_load %arg12[%get3A_2767, %get3A_2768, %get3A_2769] {strides = array<i32>} : memref<3x32x128xf32, #tpu.memory_space<vmem>>, vector<16xf32>,
        %mul3A_2771 = arith.mulf %get3A_2770, %select_n3A : vector<16xf32>
        %swap3A_2772 = arith.constant 59 : i32
        %swap3A_2773 = arith.index_cast %rem3A_686 : i32 to index
        %swap3A_2774 = arith.index_cast %swap3A_2772 : i32 to index
        %swap3A_2775 = arith.index_cast %mul3A_1038 : i32 to index
        %swap3A_2776 = tpu.vector_load %arg13[%swap3A_2773, %swap3A_2774, %swap3A_2775] {strides = array<i32>} : memref<3x64x128xf32, #tpu.memory_space<vmem>>, vector<16xf32>,
        tpu.vector_store %arg13[%swap3A_2773, %swap3A_2774, %swap3A_2775], %mul3A_2771 {strides = array<i32>} : memref<3x64x128xf32, #tpu.memory_space<vmem>>, vector<16xf32>,
        %get3A_2777 = arith.constant 28 : i32
        %get3A_2778 = arith.index_cast %rem3A_686 : i32 to index
        %get3A_2779 = arith.index_cast %get3A_2777 : i32 to index
        %get3A_2780 = arith.index_cast %mul3A_1038 : i32 to index
        %get3A_2781 = tpu.vector_load %arg11[%get3A_2778, %get3A_2779, %get3A_2780] {strides = array<i32>} : memref<3x32x128xf32, #tpu.memory_space<vmem>>, vector<16xf32>,
        %mul3A_2782 = arith.mulf %get3A_2781, %select_n3A : vector<16xf32>
        %swap3A_2783 = arith.constant 28 : i32
        %swap3A_2784 = arith.index_cast %rem3A_686 : i32 to index
        %swap3A_2785 = arith.index_cast %swap3A_2783 : i32 to index
        %swap3A_2786 = arith.index_cast %mul3A_1038 : i32 to index
        %swap3A_2787 = tpu.vector_load %arg13[%swap3A_2784, %swap3A_2785, %swap3A_2786] {strides = array<i32>} : memref<3x64x128xf32, #tpu.memory_space<vmem>>, vector<16xf32>,
        tpu.vector_store %arg13[%swap3A_2784, %swap3A_2785, %swap3A_2786], %mul3A_2782 {strides = array<i32>} : memref<3x64x128xf32, #tpu.memory_space<vmem>>, vector<16xf32>,
        %get3A_2788 = arith.constant 28 : i32
        %get3A_2789 = arith.index_cast %rem3A_686 : i32 to index
        %get3A_2790 = arith.index_cast %get3A_2788 : i32 to index
        %get3A_2791 = arith.index_cast %mul3A_1038 : i32 to index
        %get3A_2792 = tpu.vector_load %arg12[%get3A_2789, %get3A_2790, %get3A_2791] {strides = array<i32>} : memref<3x32x128xf32, #tpu.memory_space<vmem>>, vector<16xf32>,
        %mul3A_2793 = arith.mulf %get3A_2792, %select_n3A : vector<16xf32>
        %swap3A_2794 = arith.constant 60 : i32
        %swap3A_2795 = arith.index_cast %rem3A_686 : i32 to index
        %swap3A_2796 = arith.index_cast %swap3A_2794 : i32 to index
        %swap3A_2797 = arith.index_cast %mul3A_1038 : i32 to index
        %swap3A_2798 = tpu.vector_load %arg13[%swap3A_2795, %swap3A_2796, %swap3A_2797] {strides = array<i32>} : memref<3x64x128xf32, #tpu.memory_space<vmem>>, vector<16xf32>,
        tpu.vector_store %arg13[%swap3A_2795, %swap3A_2796, %swap3A_2797], %mul3A_2793 {strides = array<i32>} : memref<3x64x128xf32, #tpu.memory_space<vmem>>, vector<16xf32>,
        %get3A_2799 = arith.constant 29 : i32
        %get3A_2800 = arith.index_cast %rem3A_686 : i32 to index
        %get3A_2801 = arith.index_cast %get3A_2799 : i32 to index
        %get3A_2802 = arith.index_cast %mul3A_1038 : i32 to index
        %get3A_2803 = tpu.vector_load %arg11[%get3A_2800, %get3A_2801, %get3A_2802] {strides = array<i32>} : memref<3x32x128xf32, #tpu.memory_space<vmem>>, vector<16xf32>,
        %mul3A_2804 = arith.mulf %get3A_2803, %select_n3A : vector<16xf32>
        %swap3A_2805 = arith.constant 29 : i32
        %swap3A_2806 = arith.index_cast %rem3A_686 : i32 to index
        %swap3A_2807 = arith.index_cast %swap3A_2805 : i32 to index
        %swap3A_2808 = arith.index_cast %mul3A_1038 : i32 to index
        %swap3A_2809 = tpu.vector_load %arg13[%swap3A_2806, %swap3A_2807, %swap3A_2808] {strides = array<i32>} : memref<3x64x128xf32, #tpu.memory_space<vmem>>, vector<16xf32>,
        tpu.vector_store %arg13[%swap3A_2806, %swap3A_2807, %swap3A_2808], %mul3A_2804 {strides = array<i32>} : memref<3x64x128xf32, #tpu.memory_space<vmem>>, vector<16xf32>,
        %get3A_2810 = arith.constant 29 : i32
        %get3A_2811 = arith.index_cast %rem3A_686 : i32 to index
        %get3A_2812 = arith.index_cast %get3A_2810 : i32 to index
        %get3A_2813 = arith.index_cast %mul3A_1038 : i32 to index
        %get3A_2814 = tpu.vector_load %arg12[%get3A_2811, %get3A_2812, %get3A_2813] {strides = array<i32>} : memref<3x32x128xf32, #tpu.memory_space<vmem>>, vector<16xf32>,
        %mul3A_2815 = arith.mulf %get3A_2814, %select_n3A : vector<16xf32>
        %swap3A_2816 = arith.constant 61 : i32
        %swap3A_2817 = arith.index_cast %rem3A_686 : i32 to index
        %swap3A_2818 = arith.index_cast %swap3A_2816 : i32 to index
        %swap3A_2819 = arith.index_cast %mul3A_1038 : i32 to index
        %swap3A_2820 = tpu.vector_load %arg13[%swap3A_2817, %swap3A_2818, %swap3A_2819] {strides = array<i32>} : memref<3x64x128xf32, #tpu.memory_space<vmem>>, vector<16xf32>,
        tpu.vector_store %arg13[%swap3A_2817, %swap3A_2818, %swap3A_2819], %mul3A_2815 {strides = array<i32>} : memref<3x64x128xf32, #tpu.memory_space<vmem>>, vector<16xf32>,
        %get3A_2821 = arith.constant 30 : i32
        %get3A_2822 = arith.index_cast %rem3A_686 : i32 to index
        %get3A_2823 = arith.index_cast %get3A_2821 : i32 to index
        %get3A_2824 = arith.index_cast %mul3A_1038 : i32 to index
        %get3A_2825 = tpu.vector_load %arg11[%get3A_2822, %get3A_2823, %get3A_2824] {strides = array<i32>} : memref<3x32x128xf32, #tpu.memory_space<vmem>>, vector<16xf32>,
        %mul3A_2826 = arith.mulf %get3A_2825, %select_n3A : vector<16xf32>
        %swap3A_2827 = arith.constant 30 : i32
        %swap3A_2828 = arith.index_cast %rem3A_686 : i32 to index
        %swap3A_2829 = arith.index_cast %swap3A_2827 : i32 to index
        %swap3A_2830 = arith.index_cast %mul3A_1038 : i32 to index
        %swap3A_2831 = tpu.vector_load %arg13[%swap3A_2828, %swap3A_2829, %swap3A_2830] {strides = array<i32>} : memref<3x64x128xf32, #tpu.memory_space<vmem>>, vector<16xf32>,
        tpu.vector_store %arg13[%swap3A_2828, %swap3A_2829, %swap3A_2830], %mul3A_2826 {strides = array<i32>} : memref<3x64x128xf32, #tpu.memory_space<vmem>>, vector<16xf32>,
        %get3A_2832 = arith.constant 30 : i32
        %get3A_2833 = arith.index_cast %rem3A_686 : i32 to index
        %get3A_2834 = arith.index_cast %get3A_2832 : i32 to index
        %get3A_2835 = arith.index_cast %mul3A_1038 : i32 to index
        %get3A_2836 = tpu.vector_load %arg12[%get3A_2833, %get3A_2834, %get3A_2835] {strides = array<i32>} : memref<3x32x128xf32, #tpu.memory_space<vmem>>, vector<16xf32>,
        %mul3A_2837 = arith.mulf %get3A_2836, %select_n3A : vector<16xf32>
        %swap3A_2838 = arith.constant 62 : i32
        %swap3A_2839 = arith.index_cast %rem3A_686 : i32 to index
        %swap3A_2840 = arith.index_cast %swap3A_2838 : i32 to index
        %swap3A_2841 = arith.index_cast %mul3A_1038 : i32 to index
        %swap3A_2842 = tpu.vector_load %arg13[%swap3A_2839, %swap3A_2840, %swap3A_2841] {strides = array<i32>} : memref<3x64x128xf32, #tpu.memory_space<vmem>>, vector<16xf32>,
        tpu.vector_store %arg13[%swap3A_2839, %swap3A_2840, %swap3A_2841], %mul3A_2837 {strides = array<i32>} : memref<3x64x128xf32, #tpu.memory_space<vmem>>, vector<16xf32>,
        %get3A_2843 = arith.constant 31 : i32
        %get3A_2844 = arith.index_cast %rem3A_686 : i32 to index
        %get3A_2845 = arith.index_cast %get3A_2843 : i32 to index
        %get3A_2846 = arith.index_cast %mul3A_1038 : i32 to index
        %get3A_2847 = tpu.vector_load %arg11[%get3A_2844, %get3A_2845, %get3A_2846] {strides = array<i32>} : memref<3x32x128xf32, #tpu.memory_space<vmem>>, vector<16xf32>,
        %mul3A_2848 = arith.mulf %get3A_2847, %select_n3A : vector<16xf32>
        %swap3A_2849 = arith.constant 31 : i32
        %swap3A_2850 = arith.index_cast %rem3A_686 : i32 to index
        %swap3A_2851 = arith.index_cast %swap3A_2849 : i32 to index
        %swap3A_2852 = arith.index_cast %mul3A_1038 : i32 to index
        %swap3A_2853 = tpu.vector_load %arg13[%swap3A_2850, %swap3A_2851, %swap3A_2852] {strides = array<i32>} : memref<3x64x128xf32, #tpu.memory_space<vmem>>, vector<16xf32>,
        tpu.vector_store %arg13[%swap3A_2850, %swap3A_2851, %swap3A_2852], %mul3A_2848 {strides = array<i32>} : memref<3x64x128xf32, #tpu.memory_space<vmem>>, vector<16xf32>,
        %get3A_2854 = arith.constant 31 : i32
        %get3A_2855 = arith.index_cast %rem3A_686 : i32 to index
        %get3A_2856 = arith.index_cast %get3A_2854 : i32 to index
        %get3A_2857 = arith.index_cast %mul3A_1038 : i32 to index
        %get3A_2858 = tpu.vector_load %arg12[%get3A_2855, %get3A_2856, %get3A_2857] {strides = array<i32>} : memref<3x32x128xf32, #tpu.memory_space<vmem>>, vector<16xf32>,
        %mul3A_2859 = arith.mulf %get3A_2858, %select_n3A : vector<16xf32>
        %swap3A_2860 = arith.constant 63 : i32
        %swap3A_2861 = arith.index_cast %rem3A_686 : i32 to index
        %swap3A_2862 = arith.index_cast %swap3A_2860 : i32 to index
        %swap3A_2863 = arith.index_cast %mul3A_1038 : i32 to index
        %swap3A_2864 = tpu.vector_load %arg13[%swap3A_2861, %swap3A_2862, %swap3A_2863] {strides = array<i32>} : memref<3x64x128xf32, #tpu.memory_space<vmem>>, vector<16xf32>,
        tpu.vector_store %arg13[%swap3A_2861, %swap3A_2862, %swap3A_2863], %mul3A_2859 {strides = array<i32>} : memref<3x64x128xf32, #tpu.memory_space<vmem>>, vector<16xf32>,
        %scan3A_2865 = arith.constant 0 : i32
        scf.yield %scan3A_2865 : i32
      }
      %scan3A_729 = arith.constant 8 : i32
      %dma_start3A_730 = arith.constant 0 : i32
      %dma_start3A_731 = arith.constant 0 : i32
      %dma_start3A_732 = arith.constant 0 : i32
      %dma_start3A_733 = tpu.memref_slice %arg11[%rem3A_686, %dma_start3A_731, %dma_start3A_732] : memref<3x32x128xf32, #tpu.memory_space<vmem>> -> memref<1x8x128xf32, #tpu.memory_space<vmem>>
      %dma_start3A_734 = tpu.memref_squeeze %dma_start3A_733 : memref<1x8x128xf32, #tpu.memory_space<vmem>> -> memref<8x128xf32, #tpu.memory_space<vmem>>
      %dma_start3A_735 = arith.constant 0 : i32
      %dma_start3A_736 = arith.constant 0 : i32
      %dma_start3A_737 = tpu.memref_slice %arg5[%scan3A_683, %dma_start3A_730, %add3A, %dma_start3A_735, %dma_start3A_736] : memref<200x4x32x8x128xf32, #tpu.memory_space<hbm>> -> memref<1x1x1x8x128xf32, #tpu.memory_space<hbm>>
      %dma_start3A_738 = tpu.memref_squeeze %dma_start3A_737 : memref<1x1x1x8x128xf32, #tpu.memory_space<hbm>> -> memref<8x128xf32, #tpu.memory_space<hbm>>
      %dma_start3A_739 = tpu.memref_slice %arg15[%rem3A_686] : memref<3x!tpu.dma_semaphore, #tpu.memory_space<semaphore_mem>> -> memref<1x!tpu.dma_semaphore, #tpu.memory_space<semaphore_mem>>
      %dma_start3A_740 = tpu.memref_squeeze %dma_start3A_739 : memref<1x!tpu.dma_semaphore, #tpu.memory_space<semaphore_mem>> -> memref<!tpu.dma_semaphore, #tpu.memory_space<semaphore_mem>>
      %dma_start3A_741 = arith.constant 0 : i32
      %dma_start3A_742 = arith.constant 0 : i32
      %dma_start3A_743 = tpu.memref_slice %arg5[%scan3A_683, %dma_start3A_730, %add3A, %dma_start3A_741, %dma_start3A_742] : memref<200x4x32x8x128xf32, #tpu.memory_space<hbm>> -> memref<1x1x1x8x128xf32, #tpu.memory_space<hbm>>
      %dma_start3A_744 = tpu.memref_squeeze %dma_start3A_743 : memref<1x1x1x8x128xf32, #tpu.memory_space<hbm>> -> memref<8x128xf32, #tpu.memory_space<hbm>>
      %dma_start3A_745 = arith.constant 0 : i32
      %dma_start3A_746 = arith.constant 0 : i32
      %dma_start3A_747 = tpu.memref_slice %arg11[%rem3A_686, %dma_start3A_745, %dma_start3A_746] : memref<3x32x128xf32, #tpu.memory_space<vmem>> -> memref<1x8x128xf32, #tpu.memory_space<vmem>>
      %dma_start3A_748 = tpu.memref_squeeze %dma_start3A_747 : memref<1x8x128xf32, #tpu.memory_space<vmem>> -> memref<8x128xf32, #tpu.memory_space<vmem>>
      tpu.enqueue_dma source(%dma_start3A_748 : memref<8x128xf32, #tpu.memory_space<vmem>>) target(%dma_start3A_744 : memref<8x128xf32, #tpu.memory_space<hbm>>) target_semaphore(%dma_start3A_740 : memref<!tpu.dma_semaphore, #tpu.memory_space<semaphore_mem>>)
      %dma_start3A_749 = arith.constant 0 : i32
      %dma_start3A_750 = arith.constant 0 : i32
      %dma_start3A_751 = arith.constant 0 : i32
      %dma_start3A_752 = tpu.memref_slice %arg12[%rem3A_686, %dma_start3A_750, %dma_start3A_751] : memref<3x32x128xf32, #tpu.memory_space<vmem>> -> memref<1x8x128xf32, #tpu.memory_space<vmem>>
      %dma_start3A_753 = tpu.memref_squeeze %dma_start3A_752 : memref<1x8x128xf32, #tpu.memory_space<vmem>> -> memref<8x128xf32, #tpu.memory_space<vmem>>
      %dma_start3A_754 = arith.constant 0 : i32
      %dma_start3A_755 = arith.constant 0 : i32
      %dma_start3A_756 = tpu.memref_slice %arg6[%scan3A_683, %dma_start3A_749, %add3A, %dma_start3A_754, %dma_start3A_755] : memref<200x4x32x8x128xf32, #tpu.memory_space<hbm>> -> memref<1x1x1x8x128xf32, #tpu.memory_space<hbm>>
      %dma_start3A_757 = tpu.memref_squeeze %dma_start3A_756 : memref<1x1x1x8x128xf32, #tpu.memory_space<hbm>> -> memref<8x128xf32, #tpu.memory_space<hbm>>
      %dma_start3A_758 = tpu.memref_slice %arg15[%rem3A_686] : memref<3x!tpu.dma_semaphore, #tpu.memory_space<semaphore_mem>> -> memref<1x!tpu.dma_semaphore, #tpu.memory_space<semaphore_mem>>
      %dma_start3A_759 = tpu.memref_squeeze %dma_start3A_758 : memref<1x!tpu.dma_semaphore, #tpu.memory_space<semaphore_mem>> -> memref<!tpu.dma_semaphore, #tpu.memory_space<semaphore_mem>>
      %dma_start3A_760 = arith.constant 0 : i32
      %dma_start3A_761 = arith.constant 0 : i32
      %dma_start3A_762 = tpu.memref_slice %arg6[%scan3A_683, %dma_start3A_749, %add3A, %dma_start3A_760, %dma_start3A_761] : memref<200x4x32x8x128xf32, #tpu.memory_space<hbm>> -> memref<1x1x1x8x128xf32, #tpu.memory_space<hbm>>
      %dma_start3A_763 = tpu.memref_squeeze %dma_start3A_762 : memref<1x1x1x8x128xf32, #tpu.memory_space<hbm>> -> memref<8x128xf32, #tpu.memory_space<hbm>>
      %dma_start3A_764 = arith.constant 0 : i32
      %dma_start3A_765 = arith.constant 0 : i32
      %dma_start3A_766 = tpu.memref_slice %arg12[%rem3A_686, %dma_start3A_764, %dma_start3A_765] : memref<3x32x128xf32, #tpu.memory_space<vmem>> -> memref<1x8x128xf32, #tpu.memory_space<vmem>>
      %dma_start3A_767 = tpu.memref_squeeze %dma_start3A_766 : memref<1x8x128xf32, #tpu.memory_space<vmem>> -> memref<8x128xf32, #tpu.memory_space<vmem>>
      tpu.enqueue_dma source(%dma_start3A_767 : memref<8x128xf32, #tpu.memory_space<vmem>>) target(%dma_start3A_763 : memref<8x128xf32, #tpu.memory_space<hbm>>) target_semaphore(%dma_start3A_759 : memref<!tpu.dma_semaphore, #tpu.memory_space<semaphore_mem>>)
      %dma_start3A_768 = arith.constant 1 : i32
      %dma_start3A_769 = arith.constant 8 : i32
      %dma_start3A_770 = arith.constant 0 : i32
      %dma_start3A_771 = tpu.memref_slice %arg11[%rem3A_686, %dma_start3A_769, %dma_start3A_770] : memref<3x32x128xf32, #tpu.memory_space<vmem>> -> memref<1x8x128xf32, #tpu.memory_space<vmem>>
      %dma_start3A_772 = tpu.memref_squeeze %dma_start3A_771 : memref<1x8x128xf32, #tpu.memory_space<vmem>> -> memref<8x128xf32, #tpu.memory_space<vmem>>
      %dma_start3A_773 = arith.constant 0 : i32
      %dma_start3A_774 = arith.constant 0 : i32
      %dma_start3A_775 = tpu.memref_slice %arg5[%scan3A_683, %dma_start3A_768, %add3A, %dma_start3A_773, %dma_start3A_774] : memref<200x4x32x8x128xf32, #tpu.memory_space<hbm>> -> memref<1x1x1x8x128xf32, #tpu.memory_space<hbm>>
      %dma_start3A_776 = tpu.memref_squeeze %dma_start3A_775 : memref<1x1x1x8x128xf32, #tpu.memory_space<hbm>> -> memref<8x128xf32, #tpu.memory_space<hbm>>
      %dma_start3A_777 = tpu.memref_slice %arg15[%rem3A_686] : memref<3x!tpu.dma_semaphore, #tpu.memory_space<semaphore_mem>> -> memref<1x!tpu.dma_semaphore, #tpu.memory_space<semaphore_mem>>
      %dma_start3A_778 = tpu.memref_squeeze %dma_start3A_777 : memref<1x!tpu.dma_semaphore, #tpu.memory_space<semaphore_mem>> -> memref<!tpu.dma_semaphore, #tpu.memory_space<semaphore_mem>>
      %dma_start3A_779 = arith.constant 0 : i32
      %dma_start3A_780 = arith.constant 0 : i32
      %dma_start3A_781 = tpu.memref_slice %arg5[%scan3A_683, %dma_start3A_768, %add3A, %dma_start3A_779, %dma_start3A_780] : memref<200x4x32x8x128xf32, #tpu.memory_space<hbm>> -> memref<1x1x1x8x128xf32, #tpu.memory_space<hbm>>
      %dma_start3A_782 = tpu.memref_squeeze %dma_start3A_781 : memref<1x1x1x8x128xf32, #tpu.memory_space<hbm>> -> memref<8x128xf32, #tpu.memory_space<hbm>>
      %dma_start3A_783 = arith.constant 8 : i32
      %dma_start3A_784 = arith.constant 0 : i32
      %dma_start3A_785 = tpu.memref_slice %arg11[%rem3A_686, %dma_start3A_783, %dma_start3A_784] : memref<3x32x128xf32, #tpu.memory_space<vmem>> -> memref<1x8x128xf32, #tpu.memory_space<vmem>>
      %dma_start3A_786 = tpu.memref_squeeze %dma_start3A_785 : memref<1x8x128xf32, #tpu.memory_space<vmem>> -> memref<8x128xf32, #tpu.memory_space<vmem>>
      tpu.enqueue_dma source(%dma_start3A_786 : memref<8x128xf32, #tpu.memory_space<vmem>>) target(%dma_start3A_782 : memref<8x128xf32, #tpu.memory_space<hbm>>) target_semaphore(%dma_start3A_778 : memref<!tpu.dma_semaphore, #tpu.memory_space<semaphore_mem>>)
      %dma_start3A_787 = arith.constant 1 : i32
      %dma_start3A_788 = arith.constant 8 : i32
      %dma_start3A_789 = arith.constant 0 : i32
      %dma_start3A_790 = tpu.memref_slice %arg12[%rem3A_686, %dma_start3A_788, %dma_start3A_789] : memref<3x32x128xf32, #tpu.memory_space<vmem>> -> memref<1x8x128xf32, #tpu.memory_space<vmem>>
      %dma_start3A_791 = tpu.memref_squeeze %dma_start3A_790 : memref<1x8x128xf32, #tpu.memory_space<vmem>> -> memref<8x128xf32, #tpu.memory_space<vmem>>
      %dma_start3A_792 = arith.constant 0 : i32
      %dma_start3A_793 = arith.constant 0 : i32
      %dma_start3A_794 = tpu.memref_slice %arg6[%scan3A_683, %dma_start3A_787, %add3A, %dma_start3A_792, %dma_start3A_793] : memref<200x4x32x8x128xf32, #tpu.memory_space<hbm>> -> memref<1x1x1x8x128xf32, #tpu.memory_space<hbm>>
      %dma_start3A_795 = tpu.memref_squeeze %dma_start3A_794 : memref<1x1x1x8x128xf32, #tpu.memory_space<hbm>> -> memref<8x128xf32, #tpu.memory_space<hbm>>
      %dma_start3A_796 = tpu.memref_slice %arg15[%rem3A_686] : memref<3x!tpu.dma_semaphore, #tpu.memory_space<semaphore_mem>> -> memref<1x!tpu.dma_semaphore, #tpu.memory_space<semaphore_mem>>
      %dma_start3A_797 = tpu.memref_squeeze %dma_start3A_796 : memref<1x!tpu.dma_semaphore, #tpu.memory_space<semaphore_mem>> -> memref<!tpu.dma_semaphore, #tpu.memory_space<semaphore_mem>>
      %dma_start3A_798 = arith.constant 0 : i32
      %dma_start3A_799 = arith.constant 0 : i32
      %dma_start3A_800 = tpu.memref_slice %arg6[%scan3A_683, %dma_start3A_787, %add3A, %dma_start3A_798, %dma_start3A_799] : memref<200x4x32x8x128xf32, #tpu.memory_space<hbm>> -> memref<1x1x1x8x128xf32, #tpu.memory_space<hbm>>
      %dma_start3A_801 = tpu.memref_squeeze %dma_start3A_800 : memref<1x1x1x8x128xf32, #tpu.memory_space<hbm>> -> memref<8x128xf32, #tpu.memory_space<hbm>>
      %dma_start3A_802 = arith.constant 8 : i32
      %dma_start3A_803 = arith.constant 0 : i32
      %dma_start3A_804 = tpu.memref_slice %arg12[%rem3A_686, %dma_start3A_802, %dma_start3A_803] : memref<3x32x128xf32, #tpu.memory_space<vmem>> -> memref<1x8x128xf32, #tpu.memory_space<vmem>>
      %dma_start3A_805 = tpu.memref_squeeze %dma_start3A_804 : memref<1x8x128xf32, #tpu.memory_space<vmem>> -> memref<8x128xf32, #tpu.memory_space<vmem>>
      tpu.enqueue_dma source(%dma_start3A_805 : memref<8x128xf32, #tpu.memory_space<vmem>>) target(%dma_start3A_801 : memref<8x128xf32, #tpu.memory_space<hbm>>) target_semaphore(%dma_start3A_797 : memref<!tpu.dma_semaphore, #tpu.memory_space<semaphore_mem>>)
      %dma_start3A_806 = arith.constant 2 : i32
      %dma_start3A_807 = arith.constant 16 : i32
      %dma_start3A_808 = arith.constant 0 : i32
      %dma_start3A_809 = tpu.memref_slice %arg11[%rem3A_686, %dma_start3A_807, %dma_start3A_808] : memref<3x32x128xf32, #tpu.memory_space<vmem>> -> memref<1x8x128xf32, #tpu.memory_space<vmem>>
      %dma_start3A_810 = tpu.memref_squeeze %dma_start3A_809 : memref<1x8x128xf32, #tpu.memory_space<vmem>> -> memref<8x128xf32, #tpu.memory_space<vmem>>
      %dma_start3A_811 = arith.constant 0 : i32
      %dma_start3A_812 = arith.constant 0 : i32
      %dma_start3A_813 = tpu.memref_slice %arg5[%scan3A_683, %dma_start3A_806, %add3A, %dma_start3A_811, %dma_start3A_812] : memref<200x4x32x8x128xf32, #tpu.memory_space<hbm>> -> memref<1x1x1x8x128xf32, #tpu.memory_space<hbm>>
      %dma_start3A_814 = tpu.memref_squeeze %dma_start3A_813 : memref<1x1x1x8x128xf32, #tpu.memory_space<hbm>> -> memref<8x128xf32, #tpu.memory_space<hbm>>
      %dma_start3A_815 = tpu.memref_slice %arg15[%rem3A_686] : memref<3x!tpu.dma_semaphore, #tpu.memory_space<semaphore_mem>> -> memref<1x!tpu.dma_semaphore, #tpu.memory_space<semaphore_mem>>
      %dma_start3A_816 = tpu.memref_squeeze %dma_start3A_815 : memref<1x!tpu.dma_semaphore, #tpu.memory_space<semaphore_mem>> -> memref<!tpu.dma_semaphore, #tpu.memory_space<semaphore_mem>>
      %dma_start3A_817 = arith.constant 0 : i32
      %dma_start3A_818 = arith.constant 0 : i32
      %dma_start3A_819 = tpu.memref_slice %arg5[%scan3A_683, %dma_start3A_806, %add3A, %dma_start3A_817, %dma_start3A_818] : memref<200x4x32x8x128xf32, #tpu.memory_space<hbm>> -> memref<1x1x1x8x128xf32, #tpu.memory_space<hbm>>
      %dma_start3A_820 = tpu.memref_squeeze %dma_start3A_819 : memref<1x1x1x8x128xf32, #tpu.memory_space<hbm>> -> memref<8x128xf32, #tpu.memory_space<hbm>>
      %dma_start3A_821 = arith.constant 16 : i32
      %dma_start3A_822 = arith.constant 0 : i32
      %dma_start3A_823 = tpu.memref_slice %arg11[%rem3A_686, %dma_start3A_821, %dma_start3A_822] : memref<3x32x128xf32, #tpu.memory_space<vmem>> -> memref<1x8x128xf32, #tpu.memory_space<vmem>>
      %dma_start3A_824 = tpu.memref_squeeze %dma_start3A_823 : memref<1x8x128xf32, #tpu.memory_space<vmem>> -> memref<8x128xf32, #tpu.memory_space<vmem>>
      tpu.enqueue_dma source(%dma_start3A_824 : memref<8x128xf32, #tpu.memory_space<vmem>>) target(%dma_start3A_820 : memref<8x128xf32, #tpu.memory_space<hbm>>) target_semaphore(%dma_start3A_816 : memref<!tpu.dma_semaphore, #tpu.memory_space<semaphore_mem>>)
      %dma_start3A_825 = arith.constant 2 : i32
      %dma_start3A_826 = arith.constant 16 : i32
      %dma_start3A_827 = arith.constant 0 : i32
      %dma_start3A_828 = tpu.memref_slice %arg12[%rem3A_686, %dma_start3A_826, %dma_start3A_827] : memref<3x32x128xf32, #tpu.memory_space<vmem>> -> memref<1x8x128xf32, #tpu.memory_space<vmem>>
      %dma_start3A_829 = tpu.memref_squeeze %dma_start3A_828 : memref<1x8x128xf32, #tpu.memory_space<vmem>> -> memref<8x128xf32, #tpu.memory_space<vmem>>
      %dma_start3A_830 = arith.constant 0 : i32
      %dma_start3A_831 = arith.constant 0 : i32
      %dma_start3A_832 = tpu.memref_slice %arg6[%scan3A_683, %dma_start3A_825, %add3A, %dma_start3A_830, %dma_start3A_831] : memref<200x4x32x8x128xf32, #tpu.memory_space<hbm>> -> memref<1x1x1x8x128xf32, #tpu.memory_space<hbm>>
      %dma_start3A_833 = tpu.memref_squeeze %dma_start3A_832 : memref<1x1x1x8x128xf32, #tpu.memory_space<hbm>> -> memref<8x128xf32, #tpu.memory_space<hbm>>
      %dma_start3A_834 = tpu.memref_slice %arg15[%rem3A_686] : memref<3x!tpu.dma_semaphore, #tpu.memory_space<semaphore_mem>> -> memref<1x!tpu.dma_semaphore, #tpu.memory_space<semaphore_mem>>
      %dma_start3A_835 = tpu.memref_squeeze %dma_start3A_834 : memref<1x!tpu.dma_semaphore, #tpu.memory_space<semaphore_mem>> -> memref<!tpu.dma_semaphore, #tpu.memory_space<semaphore_mem>>
      %dma_start3A_836 = arith.constant 0 : i32
      %dma_start3A_837 = arith.constant 0 : i32
      %dma_start3A_838 = tpu.memref_slice %arg6[%scan3A_683, %dma_start3A_825, %add3A, %dma_start3A_836, %dma_start3A_837] : memref<200x4x32x8x128xf32, #tpu.memory_space<hbm>> -> memref<1x1x1x8x128xf32, #tpu.memory_space<hbm>>
      %dma_start3A_839 = tpu.memref_squeeze %dma_start3A_838 : memref<1x1x1x8x128xf32, #tpu.memory_space<hbm>> -> memref<8x128xf32, #tpu.memory_space<hbm>>
      %dma_start3A_840 = arith.constant 16 : i32
      %dma_start3A_841 = arith.constant 0 : i32
      %dma_start3A_842 = tpu.memref_slice %arg12[%rem3A_686, %dma_start3A_840, %dma_start3A_841] : memref<3x32x128xf32, #tpu.memory_space<vmem>> -> memref<1x8x128xf32, #tpu.memory_space<vmem>>
      %dma_start3A_843 = tpu.memref_squeeze %dma_start3A_842 : memref<1x8x128xf32, #tpu.memory_space<vmem>> -> memref<8x128xf32, #tpu.memory_space<vmem>>
      tpu.enqueue_dma source(%dma_start3A_843 : memref<8x128xf32, #tpu.memory_space<vmem>>) target(%dma_start3A_839 : memref<8x128xf32, #tpu.memory_space<hbm>>) target_semaphore(%dma_start3A_835 : memref<!tpu.dma_semaphore, #tpu.memory_space<semaphore_mem>>)
      %dma_start3A_844 = arith.constant 3 : i32
      %dma_start3A_845 = arith.constant 24 : i32
      %dma_start3A_846 = arith.constant 0 : i32
      %dma_start3A_847 = tpu.memref_slice %arg11[%rem3A_686, %dma_start3A_845, %dma_start3A_846] : memref<3x32x128xf32, #tpu.memory_space<vmem>> -> memref<1x8x128xf32, #tpu.memory_space<vmem>>
      %dma_start3A_848 = tpu.memref_squeeze %dma_start3A_847 : memref<1x8x128xf32, #tpu.memory_space<vmem>> -> memref<8x128xf32, #tpu.memory_space<vmem>>
      %dma_start3A_849 = arith.constant 0 : i32
      %dma_start3A_850 = arith.constant 0 : i32
      %dma_start3A_851 = tpu.memref_slice %arg5[%scan3A_683, %dma_start3A_844, %add3A, %dma_start3A_849, %dma_start3A_850] : memref<200x4x32x8x128xf32, #tpu.memory_space<hbm>> -> memref<1x1x1x8x128xf32, #tpu.memory_space<hbm>>
      %dma_start3A_852 = tpu.memref_squeeze %dma_start3A_851 : memref<1x1x1x8x128xf32, #tpu.memory_space<hbm>> -> memref<8x128xf32, #tpu.memory_space<hbm>>
      %dma_start3A_853 = tpu.memref_slice %arg15[%rem3A_686] : memref<3x!tpu.dma_semaphore, #tpu.memory_space<semaphore_mem>> -> memref<1x!tpu.dma_semaphore, #tpu.memory_space<semaphore_mem>>
      %dma_start3A_854 = tpu.memref_squeeze %dma_start3A_853 : memref<1x!tpu.dma_semaphore, #tpu.memory_space<semaphore_mem>> -> memref<!tpu.dma_semaphore, #tpu.memory_space<semaphore_mem>>
      %dma_start3A_855 = arith.constant 0 : i32
      %dma_start3A_856 = arith.constant 0 : i32
      %dma_start3A_857 = tpu.memref_slice %arg5[%scan3A_683, %dma_start3A_844, %add3A, %dma_start3A_855, %dma_start3A_856] : memref<200x4x32x8x128xf32, #tpu.memory_space<hbm>> -> memref<1x1x1x8x128xf32, #tpu.memory_space<hbm>>
      %dma_start3A_858 = tpu.memref_squeeze %dma_start3A_857 : memref<1x1x1x8x128xf32, #tpu.memory_space<hbm>> -> memref<8x128xf32, #tpu.memory_space<hbm>>
      %dma_start3A_859 = arith.constant 24 : i32
      %dma_start3A_860 = arith.constant 0 : i32
      %dma_start3A_861 = tpu.memref_slice %arg11[%rem3A_686, %dma_start3A_859, %dma_start3A_860] : memref<3x32x128xf32, #tpu.memory_space<vmem>> -> memref<1x8x128xf32, #tpu.memory_space<vmem>>
      %dma_start3A_862 = tpu.memref_squeeze %dma_start3A_861 : memref<1x8x128xf32, #tpu.memory_space<vmem>> -> memref<8x128xf32, #tpu.memory_space<vmem>>
      tpu.enqueue_dma source(%dma_start3A_862 : memref<8x128xf32, #tpu.memory_space<vmem>>) target(%dma_start3A_858 : memref<8x128xf32, #tpu.memory_space<hbm>>) target_semaphore(%dma_start3A_854 : memref<!tpu.dma_semaphore, #tpu.memory_space<semaphore_mem>>)
      %dma_start3A_863 = arith.constant 3 : i32
      %dma_start3A_864 = arith.constant 24 : i32
      %dma_start3A_865 = arith.constant 0 : i32
      %dma_start3A_866 = tpu.memref_slice %arg12[%rem3A_686, %dma_start3A_864, %dma_start3A_865] : memref<3x32x128xf32, #tpu.memory_space<vmem>> -> memref<1x8x128xf32, #tpu.memory_space<vmem>>
      %dma_start3A_867 = tpu.memref_squeeze %dma_start3A_866 : memref<1x8x128xf32, #tpu.memory_space<vmem>> -> memref<8x128xf32, #tpu.memory_space<vmem>>
      %dma_start3A_868 = arith.constant 0 : i32
      %dma_start3A_869 = arith.constant 0 : i32
      %dma_start3A_870 = tpu.memref_slice %arg6[%scan3A_683, %dma_start3A_863, %add3A, %dma_start3A_868, %dma_start3A_869] : memref<200x4x32x8x128xf32, #tpu.memory_space<hbm>> -> memref<1x1x1x8x128xf32, #tpu.memory_space<hbm>>
      %dma_start3A_871 = tpu.memref_squeeze %dma_start3A_870 : memref<1x1x1x8x128xf32, #tpu.memory_space<hbm>> -> memref<8x128xf32, #tpu.memory_space<hbm>>
      %dma_start3A_872 = tpu.memref_slice %arg15[%rem3A_686] : memref<3x!tpu.dma_semaphore, #tpu.memory_space<semaphore_mem>> -> memref<1x!tpu.dma_semaphore, #tpu.memory_space<semaphore_mem>>
      %dma_start3A_873 = tpu.memref_squeeze %dma_start3A_872 : memref<1x!tpu.dma_semaphore, #tpu.memory_space<semaphore_mem>> -> memref<!tpu.dma_semaphore, #tpu.memory_space<semaphore_mem>>
      %dma_start3A_874 = arith.constant 0 : i32
      %dma_start3A_875 = arith.constant 0 : i32
      %dma_start3A_876 = tpu.memref_slice %arg6[%scan3A_683, %dma_start3A_863, %add3A, %dma_start3A_874, %dma_start3A_875] : memref<200x4x32x8x128xf32, #tpu.memory_space<hbm>> -> memref<1x1x1x8x128xf32, #tpu.memory_space<hbm>>
      %dma_start3A_877 = tpu.memref_squeeze %dma_start3A_876 : memref<1x1x1x8x128xf32, #tpu.memory_space<hbm>> -> memref<8x128xf32, #tpu.memory_space<hbm>>
      %dma_start3A_878 = arith.constant 24 : i32
      %dma_start3A_879 = arith.constant 0 : i32
      %dma_start3A_880 = tpu.memref_slice %arg12[%rem3A_686, %dma_start3A_878, %dma_start3A_879] : memref<3x32x128xf32, #tpu.memory_space<vmem>> -> memref<1x8x128xf32, #tpu.memory_space<vmem>>
      %dma_start3A_881 = tpu.memref_squeeze %dma_start3A_880 : memref<1x8x128xf32, #tpu.memory_space<vmem>> -> memref<8x128xf32, #tpu.memory_space<vmem>>
      tpu.enqueue_dma source(%dma_start3A_881 : memref<8x128xf32, #tpu.memory_space<vmem>>) target(%dma_start3A_877 : memref<8x128xf32, #tpu.memory_space<hbm>>) target_semaphore(%dma_start3A_873 : memref<!tpu.dma_semaphore, #tpu.memory_space<semaphore_mem>>)
      %dma_start3A_882 = arith.constant 0 : i32
      %dma_start3A_883 = arith.constant 0 : i32
      %dma_start3A_884 = arith.constant 0 : i32
      %dma_start3A_885 = tpu.memref_slice %arg13[%rem3A_686, %dma_start3A_883, %dma_start3A_884] : memref<3x64x128xf32, #tpu.memory_space<vmem>> -> memref<1x8x128xf32, #tpu.memory_space<vmem>>
      %dma_start3A_886 = tpu.memref_squeeze %dma_start3A_885 : memref<1x8x128xf32, #tpu.memory_space<vmem>> -> memref<8x128xf32, #tpu.memory_space<vmem>>
      %dma_start3A_887 = arith.constant 0 : i32
      %dma_start3A_888 = arith.constant 0 : i32
      %dma_start3A_889 = tpu.memref_slice %arg7[%scan3A_683, %dma_start3A_882, %add3A, %dma_start3A_887, %dma_start3A_888] : memref<200x8x32x8x128xf32, #tpu.memory_space<hbm>> -> memref<1x1x1x8x128xf32, #tpu.memory_space<hbm>>
      %dma_start3A_890 = tpu.memref_squeeze %dma_start3A_889 : memref<1x1x1x8x128xf32, #tpu.memory_space<hbm>> -> memref<8x128xf32, #tpu.memory_space<hbm>>
      %dma_start3A_891 = tpu.memref_slice %arg15[%rem3A_686] : memref<3x!tpu.dma_semaphore, #tpu.memory_space<semaphore_mem>> -> memref<1x!tpu.dma_semaphore, #tpu.memory_space<semaphore_mem>>
      %dma_start3A_892 = tpu.memref_squeeze %dma_start3A_891 : memref<1x!tpu.dma_semaphore, #tpu.memory_space<semaphore_mem>> -> memref<!tpu.dma_semaphore, #tpu.memory_space<semaphore_mem>>
      %dma_start3A_893 = arith.constant 0 : i32
      %dma_start3A_894 = arith.constant 0 : i32
      %dma_start3A_895 = tpu.memref_slice %arg7[%scan3A_683, %dma_start3A_882, %add3A, %dma_start3A_893, %dma_start3A_894] : memref<200x8x32x8x128xf32, #tpu.memory_space<hbm>> -> memref<1x1x1x8x128xf32, #tpu.memory_space<hbm>>
      %dma_start3A_896 = tpu.memref_squeeze %dma_start3A_895 : memref<1x1x1x8x128xf32, #tpu.memory_space<hbm>> -> memref<8x128xf32, #tpu.memory_space<hbm>>
      %dma_start3A_897 = arith.constant 0 : i32
      %dma_start3A_898 = arith.constant 0 : i32
      %dma_start3A_899 = tpu.memref_slice %arg13[%rem3A_686, %dma_start3A_897, %dma_start3A_898] : memref<3x64x128xf32, #tpu.memory_space<vmem>> -> memref<1x8x128xf32, #tpu.memory_space<vmem>>
      %dma_start3A_900 = tpu.memref_squeeze %dma_start3A_899 : memref<1x8x128xf32, #tpu.memory_space<vmem>> -> memref<8x128xf32, #tpu.memory_space<vmem>>
      tpu.enqueue_dma source(%dma_start3A_900 : memref<8x128xf32, #tpu.memory_space<vmem>>) target(%dma_start3A_896 : memref<8x128xf32, #tpu.memory_space<hbm>>) target_semaphore(%dma_start3A_892 : memref<!tpu.dma_semaphore, #tpu.memory_space<semaphore_mem>>)
      %dma_start3A_901 = arith.constant 1 : i32
      %dma_start3A_902 = arith.constant 8 : i32
      %dma_start3A_903 = arith.constant 0 : i32
      %dma_start3A_904 = tpu.memref_slice %arg13[%rem3A_686, %dma_start3A_902, %dma_start3A_903] : memref<3x64x128xf32, #tpu.memory_space<vmem>> -> memref<1x8x128xf32, #tpu.memory_space<vmem>>
      %dma_start3A_905 = tpu.memref_squeeze %dma_start3A_904 : memref<1x8x128xf32, #tpu.memory_space<vmem>> -> memref<8x128xf32, #tpu.memory_space<vmem>>
      %dma_start3A_906 = arith.constant 0 : i32
      %dma_start3A_907 = arith.constant 0 : i32
      %dma_start3A_908 = tpu.memref_slice %arg7[%scan3A_683, %dma_start3A_901, %add3A, %dma_start3A_906, %dma_start3A_907] : memref<200x8x32x8x128xf32, #tpu.memory_space<hbm>> -> memref<1x1x1x8x128xf32, #tpu.memory_space<hbm>>
      %dma_start3A_909 = tpu.memref_squeeze %dma_start3A_908 : memref<1x1x1x8x128xf32, #tpu.memory_space<hbm>> -> memref<8x128xf32, #tpu.memory_space<hbm>>
      %dma_start3A_910 = tpu.memref_slice %arg15[%rem3A_686] : memref<3x!tpu.dma_semaphore, #tpu.memory_space<semaphore_mem>> -> memref<1x!tpu.dma_semaphore, #tpu.memory_space<semaphore_mem>>
      %dma_start3A_911 = tpu.memref_squeeze %dma_start3A_910 : memref<1x!tpu.dma_semaphore, #tpu.memory_space<semaphore_mem>> -> memref<!tpu.dma_semaphore, #tpu.memory_space<semaphore_mem>>
      %dma_start3A_912 = arith.constant 0 : i32
      %dma_start3A_913 = arith.constant 0 : i32
      %dma_start3A_914 = tpu.memref_slice %arg7[%scan3A_683, %dma_start3A_901, %add3A, %dma_start3A_912, %dma_start3A_913] : memref<200x8x32x8x128xf32, #tpu.memory_space<hbm>> -> memref<1x1x1x8x128xf32, #tpu.memory_space<hbm>>
      %dma_start3A_915 = tpu.memref_squeeze %dma_start3A_914 : memref<1x1x1x8x128xf32, #tpu.memory_space<hbm>> -> memref<8x128xf32, #tpu.memory_space<hbm>>
      %dma_start3A_916 = arith.constant 8 : i32
      %dma_start3A_917 = arith.constant 0 : i32
      %dma_start3A_918 = tpu.memref_slice %arg13[%rem3A_686, %dma_start3A_916, %dma_start3A_917] : memref<3x64x128xf32, #tpu.memory_space<vmem>> -> memref<1x8x128xf32, #tpu.memory_space<vmem>>
      %dma_start3A_919 = tpu.memref_squeeze %dma_start3A_918 : memref<1x8x128xf32, #tpu.memory_space<vmem>> -> memref<8x128xf32, #tpu.memory_space<vmem>>
      tpu.enqueue_dma source(%dma_start3A_919 : memref<8x128xf32, #tpu.memory_space<vmem>>) target(%dma_start3A_915 : memref<8x128xf32, #tpu.memory_space<hbm>>) target_semaphore(%dma_start3A_911 : memref<!tpu.dma_semaphore, #tpu.memory_space<semaphore_mem>>)
      %dma_start3A_920 = arith.constant 2 : i32
      %dma_start3A_921 = arith.constant 16 : i32
      %dma_start3A_922 = arith.constant 0 : i32
      %dma_start3A_923 = tpu.memref_slice %arg13[%rem3A_686, %dma_start3A_921, %dma_start3A_922] : memref<3x64x128xf32, #tpu.memory_space<vmem>> -> memref<1x8x128xf32, #tpu.memory_space<vmem>>
      %dma_start3A_924 = tpu.memref_squeeze %dma_start3A_923 : memref<1x8x128xf32, #tpu.memory_space<vmem>> -> memref<8x128xf32, #tpu.memory_space<vmem>>
      %dma_start3A_925 = arith.constant 0 : i32
      %dma_start3A_926 = arith.constant 0 : i32
      %dma_start3A_927 = tpu.memref_slice %arg7[%scan3A_683, %dma_start3A_920, %add3A, %dma_start3A_925, %dma_start3A_926] : memref<200x8x32x8x128xf32, #tpu.memory_space<hbm>> -> memref<1x1x1x8x128xf32, #tpu.memory_space<hbm>>
      %dma_start3A_928 = tpu.memref_squeeze %dma_start3A_927 : memref<1x1x1x8x128xf32, #tpu.memory_space<hbm>> -> memref<8x128xf32, #tpu.memory_space<hbm>>
      %dma_start3A_929 = tpu.memref_slice %arg15[%rem3A_686] : memref<3x!tpu.dma_semaphore, #tpu.memory_space<semaphore_mem>> -> memref<1x!tpu.dma_semaphore, #tpu.memory_space<semaphore_mem>>
      %dma_start3A_930 = tpu.memref_squeeze %dma_start3A_929 : memref<1x!tpu.dma_semaphore, #tpu.memory_space<semaphore_mem>> -> memref<!tpu.dma_semaphore, #tpu.memory_space<semaphore_mem>>
      %dma_start3A_931 = arith.constant 0 : i32
      %dma_start3A_932 = arith.constant 0 : i32
      %dma_start3A_933 = tpu.memref_slice %arg7[%scan3A_683, %dma_start3A_920, %add3A, %dma_start3A_931, %dma_start3A_932] : memref<200x8x32x8x128xf32, #tpu.memory_space<hbm>> -> memref<1x1x1x8x128xf32, #tpu.memory_space<hbm>>
      %dma_start3A_934 = tpu.memref_squeeze %dma_start3A_933 : memref<1x1x1x8x128xf32, #tpu.memory_space<hbm>> -> memref<8x128xf32, #tpu.memory_space<hbm>>
      %dma_start3A_935 = arith.constant 16 : i32
      %dma_start3A_936 = arith.constant 0 : i32
      %dma_start3A_937 = tpu.memref_slice %arg13[%rem3A_686, %dma_start3A_935, %dma_start3A_936] : memref<3x64x128xf32, #tpu.memory_space<vmem>> -> memref<1x8x128xf32, #tpu.memory_space<vmem>>
      %dma_start3A_938 = tpu.memref_squeeze %dma_start3A_937 : memref<1x8x128xf32, #tpu.memory_space<vmem>> -> memref<8x128xf32, #tpu.memory_space<vmem>>
      tpu.enqueue_dma source(%dma_start3A_938 : memref<8x128xf32, #tpu.memory_space<vmem>>) target(%dma_start3A_934 : memref<8x128xf32, #tpu.memory_space<hbm>>) target_semaphore(%dma_start3A_930 : memref<!tpu.dma_semaphore, #tpu.memory_space<semaphore_mem>>)
      %dma_start3A_939 = arith.constant 3 : i32
      %dma_start3A_940 = arith.constant 24 : i32
      %dma_start3A_941 = arith.constant 0 : i32
      %dma_start3A_942 = tpu.memref_slice %arg13[%rem3A_686, %dma_start3A_940, %dma_start3A_941] : memref<3x64x128xf32, #tpu.memory_space<vmem>> -> memref<1x8x128xf32, #tpu.memory_space<vmem>>
      %dma_start3A_943 = tpu.memref_squeeze %dma_start3A_942 : memref<1x8x128xf32, #tpu.memory_space<vmem>> -> memref<8x128xf32, #tpu.memory_space<vmem>>
      %dma_start3A_944 = arith.constant 0 : i32
      %dma_start3A_945 = arith.constant 0 : i32
      %dma_start3A_946 = tpu.memref_slice %arg7[%scan3A_683, %dma_start3A_939, %add3A, %dma_start3A_944, %dma_start3A_945] : memref<200x8x32x8x128xf32, #tpu.memory_space<hbm>> -> memref<1x1x1x8x128xf32, #tpu.memory_space<hbm>>
      %dma_start3A_947 = tpu.memref_squeeze %dma_start3A_946 : memref<1x1x1x8x128xf32, #tpu.memory_space<hbm>> -> memref<8x128xf32, #tpu.memory_space<hbm>>
      %dma_start3A_948 = tpu.memref_slice %arg15[%rem3A_686] : memref<3x!tpu.dma_semaphore, #tpu.memory_space<semaphore_mem>> -> memref<1x!tpu.dma_semaphore, #tpu.memory_space<semaphore_mem>>
      %dma_start3A_949 = tpu.memref_squeeze %dma_start3A_948 : memref<1x!tpu.dma_semaphore, #tpu.memory_space<semaphore_mem>> -> memref<!tpu.dma_semaphore, #tpu.memory_space<semaphore_mem>>
      %dma_start3A_950 = arith.constant 0 : i32
      %dma_start3A_951 = arith.constant 0 : i32
      %dma_start3A_952 = tpu.memref_slice %arg7[%scan3A_683, %dma_start3A_939, %add3A, %dma_start3A_950, %dma_start3A_951] : memref<200x8x32x8x128xf32, #tpu.memory_space<hbm>> -> memref<1x1x1x8x128xf32, #tpu.memory_space<hbm>>
      %dma_start3A_953 = tpu.memref_squeeze %dma_start3A_952 : memref<1x1x1x8x128xf32, #tpu.memory_space<hbm>> -> memref<8x128xf32, #tpu.memory_space<hbm>>
      %dma_start3A_954 = arith.constant 24 : i32
      %dma_start3A_955 = arith.constant 0 : i32
      %dma_start3A_956 = tpu.memref_slice %arg13[%rem3A_686, %dma_start3A_954, %dma_start3A_955] : memref<3x64x128xf32, #tpu.memory_space<vmem>> -> memref<1x8x128xf32, #tpu.memory_space<vmem>>
      %dma_start3A_957 = tpu.memref_squeeze %dma_start3A_956 : memref<1x8x128xf32, #tpu.memory_space<vmem>> -> memref<8x128xf32, #tpu.memory_space<vmem>>
      tpu.enqueue_dma source(%dma_start3A_957 : memref<8x128xf32, #tpu.memory_space<vmem>>) target(%dma_start3A_953 : memref<8x128xf32, #tpu.memory_space<hbm>>) target_semaphore(%dma_start3A_949 : memref<!tpu.dma_semaphore, #tpu.memory_space<semaphore_mem>>)
      %dma_start3A_958 = arith.constant 4 : i32
      %dma_start3A_959 = arith.constant 32 : i32
      %dma_start3A_960 = arith.constant 0 : i32
      %dma_start3A_961 = tpu.memref_slice %arg13[%rem3A_686, %dma_start3A_959, %dma_start3A_960] : memref<3x64x128xf32, #tpu.memory_space<vmem>> -> memref<1x8x128xf32, #tpu.memory_space<vmem>>
      %dma_start3A_962 = tpu.memref_squeeze %dma_start3A_961 : memref<1x8x128xf32, #tpu.memory_space<vmem>> -> memref<8x128xf32, #tpu.memory_space<vmem>>
      %dma_start3A_963 = arith.constant 0 : i32
      %dma_start3A_964 = arith.constant 0 : i32
      %dma_start3A_965 = tpu.memref_slice %arg7[%scan3A_683, %dma_start3A_958, %add3A, %dma_start3A_963, %dma_start3A_964] : memref<200x8x32x8x128xf32, #tpu.memory_space<hbm>> -> memref<1x1x1x8x128xf32, #tpu.memory_space<hbm>>
      %dma_start3A_966 = tpu.memref_squeeze %dma_start3A_965 : memref<1x1x1x8x128xf32, #tpu.memory_space<hbm>> -> memref<8x128xf32, #tpu.memory_space<hbm>>
      %dma_start3A_967 = tpu.memref_slice %arg15[%rem3A_686] : memref<3x!tpu.dma_semaphore, #tpu.memory_space<semaphore_mem>> -> memref<1x!tpu.dma_semaphore, #tpu.memory_space<semaphore_mem>>
      %dma_start3A_968 = tpu.memref_squeeze %dma_start3A_967 : memref<1x!tpu.dma_semaphore, #tpu.memory_space<semaphore_mem>> -> memref<!tpu.dma_semaphore, #tpu.memory_space<semaphore_mem>>
      %dma_start3A_969 = arith.constant 0 : i32
      %dma_start3A_970 = arith.constant 0 : i32
      %dma_start3A_971 = tpu.memref_slice %arg7[%scan3A_683, %dma_start3A_958, %add3A, %dma_start3A_969, %dma_start3A_970] : memref<200x8x32x8x128xf32, #tpu.memory_space<hbm>> -> memref<1x1x1x8x128xf32, #tpu.memory_space<hbm>>
      %dma_start3A_972 = tpu.memref_squeeze %dma_start3A_971 : memref<1x1x1x8x128xf32, #tpu.memory_space<hbm>> -> memref<8x128xf32, #tpu.memory_space<hbm>>
      %dma_start3A_973 = arith.constant 32 : i32
      %dma_start3A_974 = arith.constant 0 : i32
      %dma_start3A_975 = tpu.memref_slice %arg13[%rem3A_686, %dma_start3A_973, %dma_start3A_974] : memref<3x64x128xf32, #tpu.memory_space<vmem>> -> memref<1x8x128xf32, #tpu.memory_space<vmem>>
      %dma_start3A_976 = tpu.memref_squeeze %dma_start3A_975 : memref<1x8x128xf32, #tpu.memory_space<vmem>> -> memref<8x128xf32, #tpu.memory_space<vmem>>
      tpu.enqueue_dma source(%dma_start3A_976 : memref<8x128xf32, #tpu.memory_space<vmem>>) target(%dma_start3A_972 : memref<8x128xf32, #tpu.memory_space<hbm>>) target_semaphore(%dma_start3A_968 : memref<!tpu.dma_semaphore, #tpu.memory_space<semaphore_mem>>)
      %dma_start3A_977 = arith.constant 5 : i32
      %dma_start3A_978 = arith.constant 40 : i32
      %dma_start3A_979 = arith.constant 0 : i32
      %dma_start3A_980 = tpu.memref_slice %arg13[%rem3A_686, %dma_start3A_978, %dma_start3A_979] : memref<3x64x128xf32, #tpu.memory_space<vmem>> -> memref<1x8x128xf32, #tpu.memory_space<vmem>>
      %dma_start3A_981 = tpu.memref_squeeze %dma_start3A_980 : memref<1x8x128xf32, #tpu.memory_space<vmem>> -> memref<8x128xf32, #tpu.memory_space<vmem>>
      %dma_start3A_982 = arith.constant 0 : i32
      %dma_start3A_983 = arith.constant 0 : i32
      %dma_start3A_984 = tpu.memref_slice %arg7[%scan3A_683, %dma_start3A_977, %add3A, %dma_start3A_982, %dma_start3A_983] : memref<200x8x32x8x128xf32, #tpu.memory_space<hbm>> -> memref<1x1x1x8x128xf32, #tpu.memory_space<hbm>>
      %dma_start3A_985 = tpu.memref_squeeze %dma_start3A_984 : memref<1x1x1x8x128xf32, #tpu.memory_space<hbm>> -> memref<8x128xf32, #tpu.memory_space<hbm>>
      %dma_start3A_986 = tpu.memref_slice %arg15[%rem3A_686] : memref<3x!tpu.dma_semaphore, #tpu.memory_space<semaphore_mem>> -> memref<1x!tpu.dma_semaphore, #tpu.memory_space<semaphore_mem>>
      %dma_start3A_987 = tpu.memref_squeeze %dma_start3A_986 : memref<1x!tpu.dma_semaphore, #tpu.memory_space<semaphore_mem>> -> memref<!tpu.dma_semaphore, #tpu.memory_space<semaphore_mem>>
      %dma_start3A_988 = arith.constant 0 : i32
      %dma_start3A_989 = arith.constant 0 : i32
      %dma_start3A_990 = tpu.memref_slice %arg7[%scan3A_683, %dma_start3A_977, %add3A, %dma_start3A_988, %dma_start3A_989] : memref<200x8x32x8x128xf32, #tpu.memory_space<hbm>> -> memref<1x1x1x8x128xf32, #tpu.memory_space<hbm>>
      %dma_start3A_991 = tpu.memref_squeeze %dma_start3A_990 : memref<1x1x1x8x128xf32, #tpu.memory_space<hbm>> -> memref<8x128xf32, #tpu.memory_space<hbm>>
      %dma_start3A_992 = arith.constant 40 : i32
      %dma_start3A_993 = arith.constant 0 : i32
      %dma_start3A_994 = tpu.memref_slice %arg13[%rem3A_686, %dma_start3A_992, %dma_start3A_993] : memref<3x64x128xf32, #tpu.memory_space<vmem>> -> memref<1x8x128xf32, #tpu.memory_space<vmem>>
      %dma_start3A_995 = tpu.memref_squeeze %dma_start3A_994 : memref<1x8x128xf32, #tpu.memory_space<vmem>> -> memref<8x128xf32, #tpu.memory_space<vmem>>
      tpu.enqueue_dma source(%dma_start3A_995 : memref<8x128xf32, #tpu.memory_space<vmem>>) target(%dma_start3A_991 : memref<8x128xf32, #tpu.memory_space<hbm>>) target_semaphore(%dma_start3A_987 : memref<!tpu.dma_semaphore, #tpu.memory_space<semaphore_mem>>)
      %dma_start3A_996 = arith.constant 6 : i32
      %dma_start3A_997 = arith.constant 48 : i32
      %dma_start3A_998 = arith.constant 0 : i32
      %dma_start3A_999 = tpu.memref_slice %arg13[%rem3A_686, %dma_start3A_997, %dma_start3A_998] : memref<3x64x128xf32, #tpu.memory_space<vmem>> -> memref<1x8x128xf32, #tpu.memory_space<vmem>>
      %dma_start3A_1000 = tpu.memref_squeeze %dma_start3A_999 : memref<1x8x128xf32, #tpu.memory_space<vmem>> -> memref<8x128xf32, #tpu.memory_space<vmem>>
      %dma_start3A_1001 = arith.constant 0 : i32
      %dma_start3A_1002 = arith.constant 0 : i32
      %dma_start3A_1003 = tpu.memref_slice %arg7[%scan3A_683, %dma_start3A_996, %add3A, %dma_start3A_1001, %dma_start3A_1002] : memref<200x8x32x8x128xf32, #tpu.memory_space<hbm>> -> memref<1x1x1x8x128xf32, #tpu.memory_space<hbm>>
      %dma_start3A_1004 = tpu.memref_squeeze %dma_start3A_1003 : memref<1x1x1x8x128xf32, #tpu.memory_space<hbm>> -> memref<8x128xf32, #tpu.memory_space<hbm>>
      %dma_start3A_1005 = tpu.memref_slice %arg15[%rem3A_686] : memref<3x!tpu.dma_semaphore, #tpu.memory_space<semaphore_mem>> -> memref<1x!tpu.dma_semaphore, #tpu.memory_space<semaphore_mem>>
      %dma_start3A_1006 = tpu.memref_squeeze %dma_start3A_1005 : memref<1x!tpu.dma_semaphore, #tpu.memory_space<semaphore_mem>> -> memref<!tpu.dma_semaphore, #tpu.memory_space<semaphore_mem>>
      %dma_start3A_1007 = arith.constant 0 : i32
      %dma_start3A_1008 = arith.constant 0 : i32
      %dma_start3A_1009 = tpu.memref_slice %arg7[%scan3A_683, %dma_start3A_996, %add3A, %dma_start3A_1007, %dma_start3A_1008] : memref<200x8x32x8x128xf32, #tpu.memory_space<hbm>> -> memref<1x1x1x8x128xf32, #tpu.memory_space<hbm>>
      %dma_start3A_1010 = tpu.memref_squeeze %dma_start3A_1009 : memref<1x1x1x8x128xf32, #tpu.memory_space<hbm>> -> memref<8x128xf32, #tpu.memory_space<hbm>>
      %dma_start3A_1011 = arith.constant 48 : i32
      %dma_start3A_1012 = arith.constant 0 : i32
      %dma_start3A_1013 = tpu.memref_slice %arg13[%rem3A_686, %dma_start3A_1011, %dma_start3A_1012] : memref<3x64x128xf32, #tpu.memory_space<vmem>> -> memref<1x8x128xf32, #tpu.memory_space<vmem>>
      %dma_start3A_1014 = tpu.memref_squeeze %dma_start3A_1013 : memref<1x8x128xf32, #tpu.memory_space<vmem>> -> memref<8x128xf32, #tpu.memory_space<vmem>>
      tpu.enqueue_dma source(%dma_start3A_1014 : memref<8x128xf32, #tpu.memory_space<vmem>>) target(%dma_start3A_1010 : memref<8x128xf32, #tpu.memory_space<hbm>>) target_semaphore(%dma_start3A_1006 : memref<!tpu.dma_semaphore, #tpu.memory_space<semaphore_mem>>)
      %dma_start3A_1015 = arith.constant 7 : i32
      %dma_start3A_1016 = arith.constant 56 : i32
      %dma_start3A_1017 = arith.constant 0 : i32
      %dma_start3A_1018 = tpu.memref_slice %arg13[%rem3A_686, %dma_start3A_1016, %dma_start3A_1017] : memref<3x64x128xf32, #tpu.memory_space<vmem>> -> memref<1x8x128xf32, #tpu.memory_space<vmem>>
      %dma_start3A_1019 = tpu.memref_squeeze %dma_start3A_1018 : memref<1x8x128xf32, #tpu.memory_space<vmem>> -> memref<8x128xf32, #tpu.memory_space<vmem>>
      %dma_start3A_1020 = arith.constant 0 : i32
      %dma_start3A_1021 = arith.constant 0 : i32
      %dma_start3A_1022 = tpu.memref_slice %arg7[%scan3A_683, %dma_start3A_1015, %add3A, %dma_start3A_1020, %dma_start3A_1021] : memref<200x8x32x8x128xf32, #tpu.memory_space<hbm>> -> memref<1x1x1x8x128xf32, #tpu.memory_space<hbm>>
      %dma_start3A_1023 = tpu.memref_squeeze %dma_start3A_1022 : memref<1x1x1x8x128xf32, #tpu.memory_space<hbm>> -> memref<8x128xf32, #tpu.memory_space<hbm>>
      %dma_start3A_1024 = tpu.memref_slice %arg15[%rem3A_686] : memref<3x!tpu.dma_semaphore, #tpu.memory_space<semaphore_mem>> -> memref<1x!tpu.dma_semaphore, #tpu.memory_space<semaphore_mem>>
      %dma_start3A_1025 = tpu.memref_squeeze %dma_start3A_1024 : memref<1x!tpu.dma_semaphore, #tpu.memory_space<semaphore_mem>> -> memref<!tpu.dma_semaphore, #tpu.memory_space<semaphore_mem>>
      %dma_start3A_1026 = arith.constant 0 : i32
      %dma_start3A_1027 = arith.constant 0 : i32
      %dma_start3A_1028 = tpu.memref_slice %arg7[%scan3A_683, %dma_start3A_1015, %add3A, %dma_start3A_1026, %dma_start3A_1027] : memref<200x8x32x8x128xf32, #tpu.memory_space<hbm>> -> memref<1x1x1x8x128xf32, #tpu.memory_space<hbm>>
      %dma_start3A_1029 = tpu.memref_squeeze %dma_start3A_1028 : memref<1x1x1x8x128xf32, #tpu.memory_space<hbm>> -> memref<8x128xf32, #tpu.memory_space<hbm>>
      %dma_start3A_1030 = arith.constant 56 : i32
      %dma_start3A_1031 = arith.constant 0 : i32
      %dma_start3A_1032 = tpu.memref_slice %arg13[%rem3A_686, %dma_start3A_1030, %dma_start3A_1031] : memref<3x64x128xf32, #tpu.memory_space<vmem>> -> memref<1x8x128xf32, #tpu.memory_space<vmem>>
      %dma_start3A_1033 = tpu.memref_squeeze %dma_start3A_1032 : memref<1x8x128xf32, #tpu.memory_space<vmem>> -> memref<8x128xf32, #tpu.memory_space<vmem>>
      tpu.enqueue_dma source(%dma_start3A_1033 : memref<8x128xf32, #tpu.memory_space<vmem>>) target(%dma_start3A_1029 : memref<8x128xf32, #tpu.memory_space<hbm>>) target_semaphore(%dma_start3A_1025 : memref<!tpu.dma_semaphore, #tpu.memory_space<semaphore_mem>>)
      %scan3A_1034 = arith.constant 0 : i32
      scf.yield %scan3A_1034 : i32
    }
    %scan3A_38 = arith.constant 200 : i32
    %rem3A = arith.constant 198 : i32
    %rem3A_39 = arith.constant 3 : i32
    %rem3A_40 = arith.remsi %rem3A, %rem3A_39 : i32
    %dma_wait3A = arith.constant 198 : i32
    %dma_wait3A_41 = arith.constant 0 : i32
    %dma_wait3A_42 = arith.constant 0 : i32
    %dma_wait3A_43 = arith.constant 0 : i32
    %dma_wait3A_44 = tpu.memref_slice %arg11[%rem3A_40, %dma_wait3A_42, %dma_wait3A_43] : memref<3x32x128xf32, #tpu.memory_space<vmem>> -> memref<1x8x128xf32, #tpu.memory_space<vmem>>
    %dma_wait3A_45 = tpu.memref_squeeze %dma_wait3A_44 : memref<1x8x128xf32, #tpu.memory_space<vmem>> -> memref<8x128xf32, #tpu.memory_space<vmem>>
    %dma_wait3A_46 = arith.constant 0 : i32
    %dma_wait3A_47 = arith.constant 0 : i32
    %dma_wait3A_48 = tpu.memref_slice %arg5[%dma_wait3A, %dma_wait3A_41, %add3A, %dma_wait3A_46, %dma_wait3A_47] : memref<200x4x32x8x128xf32, #tpu.memory_space<hbm>> -> memref<1x1x1x8x128xf32, #tpu.memory_space<hbm>>
    %dma_wait3A_49 = tpu.memref_squeeze %dma_wait3A_48 : memref<1x1x1x8x128xf32, #tpu.memory_space<hbm>> -> memref<8x128xf32, #tpu.memory_space<hbm>>
    %dma_wait3A_50 = tpu.memref_slice %arg15[%rem3A_40] : memref<3x!tpu.dma_semaphore, #tpu.memory_space<semaphore_mem>> -> memref<1x!tpu.dma_semaphore, #tpu.memory_space<semaphore_mem>>
    %dma_wait3A_51 = tpu.memref_squeeze %dma_wait3A_50 : memref<1x!tpu.dma_semaphore, #tpu.memory_space<semaphore_mem>> -> memref<!tpu.dma_semaphore, #tpu.memory_space<semaphore_mem>>
    %dma_wait3A_52 = arith.constant 0 : i32
    %dma_wait3A_53 = arith.constant 0 : i32
    %dma_wait3A_54 = tpu.memref_slice %arg5[%dma_wait3A, %dma_wait3A_41, %add3A, %dma_wait3A_52, %dma_wait3A_53] : memref<200x4x32x8x128xf32, #tpu.memory_space<hbm>> -> memref<1x1x1x8x128xf32, #tpu.memory_space<hbm>>
    %dma_wait3A_55 = tpu.memref_squeeze %dma_wait3A_54 : memref<1x1x1x8x128xf32, #tpu.memory_space<hbm>> -> memref<8x128xf32, #tpu.memory_space<hbm>>
    %dma_wait3A_56 = arith.constant 0 : i32
    %dma_wait3A_57 = arith.constant 0 : i32
    %dma_wait3A_58 = tpu.memref_slice %arg11[%rem3A_40, %dma_wait3A_56, %dma_wait3A_57] : memref<3x32x128xf32, #tpu.memory_space<vmem>> -> memref<1x8x128xf32, #tpu.memory_space<vmem>>
    %dma_wait3A_59 = tpu.memref_squeeze %dma_wait3A_58 : memref<1x8x128xf32, #tpu.memory_space<vmem>> -> memref<8x128xf32, #tpu.memory_space<vmem>>
    tpu.wait_dma2 semaphore(%dma_wait3A_51 : memref<!tpu.dma_semaphore, #tpu.memory_space<semaphore_mem>>) src(%dma_wait3A_59 : memref<8x128xf32, #tpu.memory_space<vmem>>) dst(%dma_wait3A_55 : memref<8x128xf32, #tpu.memory_space<hbm>>)
    %dma_wait3A_60 = arith.constant 198 : i32
    %dma_wait3A_61 = arith.constant 0 : i32
    %dma_wait3A_62 = arith.constant 0 : i32
    %dma_wait3A_63 = arith.constant 0 : i32
    %dma_wait3A_64 = tpu.memref_slice %arg12[%rem3A_40, %dma_wait3A_62, %dma_wait3A_63] : memref<3x32x128xf32, #tpu.memory_space<vmem>> -> memref<1x8x128xf32, #tpu.memory_space<vmem>>
    %dma_wait3A_65 = tpu.memref_squeeze %dma_wait3A_64 : memref<1x8x128xf32, #tpu.memory_space<vmem>> -> memref<8x128xf32, #tpu.memory_space<vmem>>
    %dma_wait3A_66 = arith.constant 0 : i32
    %dma_wait3A_67 = arith.constant 0 : i32
    %dma_wait3A_68 = tpu.memref_slice %arg6[%dma_wait3A_60, %dma_wait3A_61, %add3A, %dma_wait3A_66, %dma_wait3A_67] : memref<200x4x32x8x128xf32, #tpu.memory_space<hbm>> -> memref<1x1x1x8x128xf32, #tpu.memory_space<hbm>>
    %dma_wait3A_69 = tpu.memref_squeeze %dma_wait3A_68 : memref<1x1x1x8x128xf32, #tpu.memory_space<hbm>> -> memref<8x128xf32, #tpu.memory_space<hbm>>
    %dma_wait3A_70 = tpu.memref_slice %arg15[%rem3A_40] : memref<3x!tpu.dma_semaphore, #tpu.memory_space<semaphore_mem>> -> memref<1x!tpu.dma_semaphore, #tpu.memory_space<semaphore_mem>>
    %dma_wait3A_71 = tpu.memref_squeeze %dma_wait3A_70 : memref<1x!tpu.dma_semaphore, #tpu.memory_space<semaphore_mem>> -> memref<!tpu.dma_semaphore, #tpu.memory_space<semaphore_mem>>
    %dma_wait3A_72 = arith.constant 0 : i32
    %dma_wait3A_73 = arith.constant 0 : i32
    %dma_wait3A_74 = tpu.memref_slice %arg6[%dma_wait3A_60, %dma_wait3A_61, %add3A, %dma_wait3A_72, %dma_wait3A_73] : memref<200x4x32x8x128xf32, #tpu.memory_space<hbm>> -> memref<1x1x1x8x128xf32, #tpu.memory_space<hbm>>
    %dma_wait3A_75 = tpu.memref_squeeze %dma_wait3A_74 : memref<1x1x1x8x128xf32, #tpu.memory_space<hbm>> -> memref<8x128xf32, #tpu.memory_space<hbm>>
    %dma_wait3A_76 = arith.constant 0 : i32
    %dma_wait3A_77 = arith.constant 0 : i32
    %dma_wait3A_78 = tpu.memref_slice %arg12[%rem3A_40, %dma_wait3A_76, %dma_wait3A_77] : memref<3x32x128xf32, #tpu.memory_space<vmem>> -> memref<1x8x128xf32, #tpu.memory_space<vmem>>
    %dma_wait3A_79 = tpu.memref_squeeze %dma_wait3A_78 : memref<1x8x128xf32, #tpu.memory_space<vmem>> -> memref<8x128xf32, #tpu.memory_space<vmem>>
    tpu.wait_dma2 semaphore(%dma_wait3A_71 : memref<!tpu.dma_semaphore, #tpu.memory_space<semaphore_mem>>) src(%dma_wait3A_79 : memref<8x128xf32, #tpu.memory_space<vmem>>) dst(%dma_wait3A_75 : memref<8x128xf32, #tpu.memory_space<hbm>>)
    %dma_wait3A_80 = arith.constant 198 : i32
    %dma_wait3A_81 = arith.constant 1 : i32
    %dma_wait3A_82 = arith.constant 8 : i32
    %dma_wait3A_83 = arith.constant 0 : i32
    %dma_wait3A_84 = tpu.memref_slice %arg11[%rem3A_40, %dma_wait3A_82, %dma_wait3A_83] : memref<3x32x128xf32, #tpu.memory_space<vmem>> -> memref<1x8x128xf32, #tpu.memory_space<vmem>>
    %dma_wait3A_85 = tpu.memref_squeeze %dma_wait3A_84 : memref<1x8x128xf32, #tpu.memory_space<vmem>> -> memref<8x128xf32, #tpu.memory_space<vmem>>
    %dma_wait3A_86 = arith.constant 0 : i32
    %dma_wait3A_87 = arith.constant 0 : i32
    %dma_wait3A_88 = tpu.memref_slice %arg5[%dma_wait3A_80, %dma_wait3A_81, %add3A, %dma_wait3A_86, %dma_wait3A_87] : memref<200x4x32x8x128xf32, #tpu.memory_space<hbm>> -> memref<1x1x1x8x128xf32, #tpu.memory_space<hbm>>
    %dma_wait3A_89 = tpu.memref_squeeze %dma_wait3A_88 : memref<1x1x1x8x128xf32, #tpu.memory_space<hbm>> -> memref<8x128xf32, #tpu.memory_space<hbm>>
    %dma_wait3A_90 = tpu.memref_slice %arg15[%rem3A_40] : memref<3x!tpu.dma_semaphore, #tpu.memory_space<semaphore_mem>> -> memref<1x!tpu.dma_semaphore, #tpu.memory_space<semaphore_mem>>
    %dma_wait3A_91 = tpu.memref_squeeze %dma_wait3A_90 : memref<1x!tpu.dma_semaphore, #tpu.memory_space<semaphore_mem>> -> memref<!tpu.dma_semaphore, #tpu.memory_space<semaphore_mem>>
    %dma_wait3A_92 = arith.constant 0 : i32
    %dma_wait3A_93 = arith.constant 0 : i32
    %dma_wait3A_94 = tpu.memref_slice %arg5[%dma_wait3A_80, %dma_wait3A_81, %add3A, %dma_wait3A_92, %dma_wait3A_93] : memref<200x4x32x8x128xf32, #tpu.memory_space<hbm>> -> memref<1x1x1x8x128xf32, #tpu.memory_space<hbm>>
    %dma_wait3A_95 = tpu.memref_squeeze %dma_wait3A_94 : memref<1x1x1x8x128xf32, #tpu.memory_space<hbm>> -> memref<8x128xf32, #tpu.memory_space<hbm>>
    %dma_wait3A_96 = arith.constant 8 : i32
    %dma_wait3A_97 = arith.constant 0 : i32
    %dma_wait3A_98 = tpu.memref_slice %arg11[%rem3A_40, %dma_wait3A_96, %dma_wait3A_97] : memref<3x32x128xf32, #tpu.memory_space<vmem>> -> memref<1x8x128xf32, #tpu.memory_space<vmem>>
    %dma_wait3A_99 = tpu.memref_squeeze %dma_wait3A_98 : memref<1x8x128xf32, #tpu.memory_space<vmem>> -> memref<8x128xf32, #tpu.memory_space<vmem>>
    tpu.wait_dma2 semaphore(%dma_wait3A_91 : memref<!tpu.dma_semaphore, #tpu.memory_space<semaphore_mem>>) src(%dma_wait3A_99 : memref<8x128xf32, #tpu.memory_space<vmem>>) dst(%dma_wait3A_95 : memref<8x128xf32, #tpu.memory_space<hbm>>)
    %dma_wait3A_100 = arith.constant 198 : i32
    %dma_wait3A_101 = arith.constant 1 : i32
    %dma_wait3A_102 = arith.constant 8 : i32
    %dma_wait3A_103 = arith.constant 0 : i32
    %dma_wait3A_104 = tpu.memref_slice %arg12[%rem3A_40, %dma_wait3A_102, %dma_wait3A_103] : memref<3x32x128xf32, #tpu.memory_space<vmem>> -> memref<1x8x128xf32, #tpu.memory_space<vmem>>
    %dma_wait3A_105 = tpu.memref_squeeze %dma_wait3A_104 : memref<1x8x128xf32, #tpu.memory_space<vmem>> -> memref<8x128xf32, #tpu.memory_space<vmem>>
    %dma_wait3A_106 = arith.constant 0 : i32
    %dma_wait3A_107 = arith.constant 0 : i32
    %dma_wait3A_108 = tpu.memref_slice %arg6[%dma_wait3A_100, %dma_wait3A_101, %add3A, %dma_wait3A_106, %dma_wait3A_107] : memref<200x4x32x8x128xf32, #tpu.memory_space<hbm>> -> memref<1x1x1x8x128xf32, #tpu.memory_space<hbm>>
    %dma_wait3A_109 = tpu.memref_squeeze %dma_wait3A_108 : memref<1x1x1x8x128xf32, #tpu.memory_space<hbm>> -> memref<8x128xf32, #tpu.memory_space<hbm>>
    %dma_wait3A_110 = tpu.memref_slice %arg15[%rem3A_40] : memref<3x!tpu.dma_semaphore, #tpu.memory_space<semaphore_mem>> -> memref<1x!tpu.dma_semaphore, #tpu.memory_space<semaphore_mem>>
    %dma_wait3A_111 = tpu.memref_squeeze %dma_wait3A_110 : memref<1x!tpu.dma_semaphore, #tpu.memory_space<semaphore_mem>> -> memref<!tpu.dma_semaphore, #tpu.memory_space<semaphore_mem>>
    %dma_wait3A_112 = arith.constant 0 : i32
    %dma_wait3A_113 = arith.constant 0 : i32
    %dma_wait3A_114 = tpu.memref_slice %arg6[%dma_wait3A_100, %dma_wait3A_101, %add3A, %dma_wait3A_112, %dma_wait3A_113] : memref<200x4x32x8x128xf32, #tpu.memory_space<hbm>> -> memref<1x1x1x8x128xf32, #tpu.memory_space<hbm>>
    %dma_wait3A_115 = tpu.memref_squeeze %dma_wait3A_114 : memref<1x1x1x8x128xf32, #tpu.memory_space<hbm>> -> memref<8x128xf32, #tpu.memory_space<hbm>>
    %dma_wait3A_116 = arith.constant 8 : i32
    %dma_wait3A_117 = arith.constant 0 : i32
    %dma_wait3A_118 = tpu.memref_slice %arg12[%rem3A_40, %dma_wait3A_116, %dma_wait3A_117] : memref<3x32x128xf32, #tpu.memory_space<vmem>> -> memref<1x8x128xf32, #tpu.memory_space<vmem>>
    %dma_wait3A_119 = tpu.memref_squeeze %dma_wait3A_118 : memref<1x8x128xf32, #tpu.memory_space<vmem>> -> memref<8x128xf32, #tpu.memory_space<vmem>>
    tpu.wait_dma2 semaphore(%dma_wait3A_111 : memref<!tpu.dma_semaphore, #tpu.memory_space<semaphore_mem>>) src(%dma_wait3A_119 : memref<8x128xf32, #tpu.memory_space<vmem>>) dst(%dma_wait3A_115 : memref<8x128xf32, #tpu.memory_space<hbm>>)
    %dma_wait3A_120 = arith.constant 198 : i32
    %dma_wait3A_121 = arith.constant 2 : i32
    %dma_wait3A_122 = arith.constant 16 : i32
    %dma_wait3A_123 = arith.constant 0 : i32
    %dma_wait3A_124 = tpu.memref_slice %arg11[%rem3A_40, %dma_wait3A_122, %dma_wait3A_123] : memref<3x32x128xf32, #tpu.memory_space<vmem>> -> memref<1x8x128xf32, #tpu.memory_space<vmem>>
    %dma_wait3A_125 = tpu.memref_squeeze %dma_wait3A_124 : memref<1x8x128xf32, #tpu.memory_space<vmem>> -> memref<8x128xf32, #tpu.memory_space<vmem>>
    %dma_wait3A_126 = arith.constant 0 : i32
    %dma_wait3A_127 = arith.constant 0 : i32
    %dma_wait3A_128 = tpu.memref_slice %arg5[%dma_wait3A_120, %dma_wait3A_121, %add3A, %dma_wait3A_126, %dma_wait3A_127] : memref<200x4x32x8x128xf32, #tpu.memory_space<hbm>> -> memref<1x1x1x8x128xf32, #tpu.memory_space<hbm>>
    %dma_wait3A_129 = tpu.memref_squeeze %dma_wait3A_128 : memref<1x1x1x8x128xf32, #tpu.memory_space<hbm>> -> memref<8x128xf32, #tpu.memory_space<hbm>>
    %dma_wait3A_130 = tpu.memref_slice %arg15[%rem3A_40] : memref<3x!tpu.dma_semaphore, #tpu.memory_space<semaphore_mem>> -> memref<1x!tpu.dma_semaphore, #tpu.memory_space<semaphore_mem>>
    %dma_wait3A_131 = tpu.memref_squeeze %dma_wait3A_130 : memref<1x!tpu.dma_semaphore, #tpu.memory_space<semaphore_mem>> -> memref<!tpu.dma_semaphore, #tpu.memory_space<semaphore_mem>>
    %dma_wait3A_132 = arith.constant 0 : i32
    %dma_wait3A_133 = arith.constant 0 : i32
    %dma_wait3A_134 = tpu.memref_slice %arg5[%dma_wait3A_120, %dma_wait3A_121, %add3A, %dma_wait3A_132, %dma_wait3A_133] : memref<200x4x32x8x128xf32, #tpu.memory_space<hbm>> -> memref<1x1x1x8x128xf32, #tpu.memory_space<hbm>>
    %dma_wait3A_135 = tpu.memref_squeeze %dma_wait3A_134 : memref<1x1x1x8x128xf32, #tpu.memory_space<hbm>> -> memref<8x128xf32, #tpu.memory_space<hbm>>
    %dma_wait3A_136 = arith.constant 16 : i32
    %dma_wait3A_137 = arith.constant 0 : i32
    %dma_wait3A_138 = tpu.memref_slice %arg11[%rem3A_40, %dma_wait3A_136, %dma_wait3A_137] : memref<3x32x128xf32, #tpu.memory_space<vmem>> -> memref<1x8x128xf32, #tpu.memory_space<vmem>>
    %dma_wait3A_139 = tpu.memref_squeeze %dma_wait3A_138 : memref<1x8x128xf32, #tpu.memory_space<vmem>> -> memref<8x128xf32, #tpu.memory_space<vmem>>
    tpu.wait_dma2 semaphore(%dma_wait3A_131 : memref<!tpu.dma_semaphore, #tpu.memory_space<semaphore_mem>>) src(%dma_wait3A_139 : memref<8x128xf32, #tpu.memory_space<vmem>>) dst(%dma_wait3A_135 : memref<8x128xf32, #tpu.memory_space<hbm>>)
    %dma_wait3A_140 = arith.constant 198 : i32
    %dma_wait3A_141 = arith.constant 2 : i32
    %dma_wait3A_142 = arith.constant 16 : i32
    %dma_wait3A_143 = arith.constant 0 : i32
    %dma_wait3A_144 = tpu.memref_slice %arg12[%rem3A_40, %dma_wait3A_142, %dma_wait3A_143] : memref<3x32x128xf32, #tpu.memory_space<vmem>> -> memref<1x8x128xf32, #tpu.memory_space<vmem>>
    %dma_wait3A_145 = tpu.memref_squeeze %dma_wait3A_144 : memref<1x8x128xf32, #tpu.memory_space<vmem>> -> memref<8x128xf32, #tpu.memory_space<vmem>>
    %dma_wait3A_146 = arith.constant 0 : i32
    %dma_wait3A_147 = arith.constant 0 : i32
    %dma_wait3A_148 = tpu.memref_slice %arg6[%dma_wait3A_140, %dma_wait3A_141, %add3A, %dma_wait3A_146, %dma_wait3A_147] : memref<200x4x32x8x128xf32, #tpu.memory_space<hbm>> -> memref<1x1x1x8x128xf32, #tpu.memory_space<hbm>>
    %dma_wait3A_149 = tpu.memref_squeeze %dma_wait3A_148 : memref<1x1x1x8x128xf32, #tpu.memory_space<hbm>> -> memref<8x128xf32, #tpu.memory_space<hbm>>
    %dma_wait3A_150 = tpu.memref_slice %arg15[%rem3A_40] : memref<3x!tpu.dma_semaphore, #tpu.memory_space<semaphore_mem>> -> memref<1x!tpu.dma_semaphore, #tpu.memory_space<semaphore_mem>>
    %dma_wait3A_151 = tpu.memref_squeeze %dma_wait3A_150 : memref<1x!tpu.dma_semaphore, #tpu.memory_space<semaphore_mem>> -> memref<!tpu.dma_semaphore, #tpu.memory_space<semaphore_mem>>
    %dma_wait3A_152 = arith.constant 0 : i32
    %dma_wait3A_153 = arith.constant 0 : i32
    %dma_wait3A_154 = tpu.memref_slice %arg6[%dma_wait3A_140, %dma_wait3A_141, %add3A, %dma_wait3A_152, %dma_wait3A_153] : memref<200x4x32x8x128xf32, #tpu.memory_space<hbm>> -> memref<1x1x1x8x128xf32, #tpu.memory_space<hbm>>
    %dma_wait3A_155 = tpu.memref_squeeze %dma_wait3A_154 : memref<1x1x1x8x128xf32, #tpu.memory_space<hbm>> -> memref<8x128xf32, #tpu.memory_space<hbm>>
    %dma_wait3A_156 = arith.constant 16 : i32
    %dma_wait3A_157 = arith.constant 0 : i32
    %dma_wait3A_158 = tpu.memref_slice %arg12[%rem3A_40, %dma_wait3A_156, %dma_wait3A_157] : memref<3x32x128xf32, #tpu.memory_space<vmem>> -> memref<1x8x128xf32, #tpu.memory_space<vmem>>
    %dma_wait3A_159 = tpu.memref_squeeze %dma_wait3A_158 : memref<1x8x128xf32, #tpu.memory_space<vmem>> -> memref<8x128xf32, #tpu.memory_space<vmem>>
    tpu.wait_dma2 semaphore(%dma_wait3A_151 : memref<!tpu.dma_semaphore, #tpu.memory_space<semaphore_mem>>) src(%dma_wait3A_159 : memref<8x128xf32, #tpu.memory_space<vmem>>) dst(%dma_wait3A_155 : memref<8x128xf32, #tpu.memory_space<hbm>>)
    %dma_wait3A_160 = arith.constant 198 : i32
    %dma_wait3A_161 = arith.constant 3 : i32
    %dma_wait3A_162 = arith.constant 24 : i32
    %dma_wait3A_163 = arith.constant 0 : i32
    %dma_wait3A_164 = tpu.memref_slice %arg11[%rem3A_40, %dma_wait3A_162, %dma_wait3A_163] : memref<3x32x128xf32, #tpu.memory_space<vmem>> -> memref<1x8x128xf32, #tpu.memory_space<vmem>>
    %dma_wait3A_165 = tpu.memref_squeeze %dma_wait3A_164 : memref<1x8x128xf32, #tpu.memory_space<vmem>> -> memref<8x128xf32, #tpu.memory_space<vmem>>
    %dma_wait3A_166 = arith.constant 0 : i32
    %dma_wait3A_167 = arith.constant 0 : i32
    %dma_wait3A_168 = tpu.memref_slice %arg5[%dma_wait3A_160, %dma_wait3A_161, %add3A, %dma_wait3A_166, %dma_wait3A_167] : memref<200x4x32x8x128xf32, #tpu.memory_space<hbm>> -> memref<1x1x1x8x128xf32, #tpu.memory_space<hbm>>
    %dma_wait3A_169 = tpu.memref_squeeze %dma_wait3A_168 : memref<1x1x1x8x128xf32, #tpu.memory_space<hbm>> -> memref<8x128xf32, #tpu.memory_space<hbm>>
    %dma_wait3A_170 = tpu.memref_slice %arg15[%rem3A_40] : memref<3x!tpu.dma_semaphore, #tpu.memory_space<semaphore_mem>> -> memref<1x!tpu.dma_semaphore, #tpu.memory_space<semaphore_mem>>
    %dma_wait3A_171 = tpu.memref_squeeze %dma_wait3A_170 : memref<1x!tpu.dma_semaphore, #tpu.memory_space<semaphore_mem>> -> memref<!tpu.dma_semaphore, #tpu.memory_space<semaphore_mem>>
    %dma_wait3A_172 = arith.constant 0 : i32
    %dma_wait3A_173 = arith.constant 0 : i32
    %dma_wait3A_174 = tpu.memref_slice %arg5[%dma_wait3A_160, %dma_wait3A_161, %add3A, %dma_wait3A_172, %dma_wait3A_173] : memref<200x4x32x8x128xf32, #tpu.memory_space<hbm>> -> memref<1x1x1x8x128xf32, #tpu.memory_space<hbm>>
    %dma_wait3A_175 = tpu.memref_squeeze %dma_wait3A_174 : memref<1x1x1x8x128xf32, #tpu.memory_space<hbm>> -> memref<8x128xf32, #tpu.memory_space<hbm>>
    %dma_wait3A_176 = arith.constant 24 : i32
    %dma_wait3A_177 = arith.constant 0 : i32
    %dma_wait3A_178 = tpu.memref_slice %arg11[%rem3A_40, %dma_wait3A_176, %dma_wait3A_177] : memref<3x32x128xf32, #tpu.memory_space<vmem>> -> memref<1x8x128xf32, #tpu.memory_space<vmem>>
    %dma_wait3A_179 = tpu.memref_squeeze %dma_wait3A_178 : memref<1x8x128xf32, #tpu.memory_space<vmem>> -> memref<8x128xf32, #tpu.memory_space<vmem>>
    tpu.wait_dma2 semaphore(%dma_wait3A_171 : memref<!tpu.dma_semaphore, #tpu.memory_space<semaphore_mem>>) src(%dma_wait3A_179 : memref<8x128xf32, #tpu.memory_space<vmem>>) dst(%dma_wait3A_175 : memref<8x128xf32, #tpu.memory_space<hbm>>)
    %dma_wait3A_180 = arith.constant 198 : i32
    %dma_wait3A_181 = arith.constant 3 : i32
    %dma_wait3A_182 = arith.constant 24 : i32
    %dma_wait3A_183 = arith.constant 0 : i32
    %dma_wait3A_184 = tpu.memref_slice %arg12[%rem3A_40, %dma_wait3A_182, %dma_wait3A_183] : memref<3x32x128xf32, #tpu.memory_space<vmem>> -> memref<1x8x128xf32, #tpu.memory_space<vmem>>
    %dma_wait3A_185 = tpu.memref_squeeze %dma_wait3A_184 : memref<1x8x128xf32, #tpu.memory_space<vmem>> -> memref<8x128xf32, #tpu.memory_space<vmem>>
    %dma_wait3A_186 = arith.constant 0 : i32
    %dma_wait3A_187 = arith.constant 0 : i32
    %dma_wait3A_188 = tpu.memref_slice %arg6[%dma_wait3A_180, %dma_wait3A_181, %add3A, %dma_wait3A_186, %dma_wait3A_187] : memref<200x4x32x8x128xf32, #tpu.memory_space<hbm>> -> memref<1x1x1x8x128xf32, #tpu.memory_space<hbm>>
    %dma_wait3A_189 = tpu.memref_squeeze %dma_wait3A_188 : memref<1x1x1x8x128xf32, #tpu.memory_space<hbm>> -> memref<8x128xf32, #tpu.memory_space<hbm>>
    %dma_wait3A_190 = tpu.memref_slice %arg15[%rem3A_40] : memref<3x!tpu.dma_semaphore, #tpu.memory_space<semaphore_mem>> -> memref<1x!tpu.dma_semaphore, #tpu.memory_space<semaphore_mem>>
    %dma_wait3A_191 = tpu.memref_squeeze %dma_wait3A_190 : memref<1x!tpu.dma_semaphore, #tpu.memory_space<semaphore_mem>> -> memref<!tpu.dma_semaphore, #tpu.memory_space<semaphore_mem>>
    %dma_wait3A_192 = arith.constant 0 : i32
    %dma_wait3A_193 = arith.constant 0 : i32
    %dma_wait3A_194 = tpu.memref_slice %arg6[%dma_wait3A_180, %dma_wait3A_181, %add3A, %dma_wait3A_192, %dma_wait3A_193] : memref<200x4x32x8x128xf32, #tpu.memory_space<hbm>> -> memref<1x1x1x8x128xf32, #tpu.memory_space<hbm>>
    %dma_wait3A_195 = tpu.memref_squeeze %dma_wait3A_194 : memref<1x1x1x8x128xf32, #tpu.memory_space<hbm>> -> memref<8x128xf32, #tpu.memory_space<hbm>>
    %dma_wait3A_196 = arith.constant 24 : i32
    %dma_wait3A_197 = arith.constant 0 : i32
    %dma_wait3A_198 = tpu.memref_slice %arg12[%rem3A_40, %dma_wait3A_196, %dma_wait3A_197] : memref<3x32x128xf32, #tpu.memory_space<vmem>> -> memref<1x8x128xf32, #tpu.memory_space<vmem>>
    %dma_wait3A_199 = tpu.memref_squeeze %dma_wait3A_198 : memref<1x8x128xf32, #tpu.memory_space<vmem>> -> memref<8x128xf32, #tpu.memory_space<vmem>>
    tpu.wait_dma2 semaphore(%dma_wait3A_191 : memref<!tpu.dma_semaphore, #tpu.memory_space<semaphore_mem>>) src(%dma_wait3A_199 : memref<8x128xf32, #tpu.memory_space<vmem>>) dst(%dma_wait3A_195 : memref<8x128xf32, #tpu.memory_space<hbm>>)
    %dma_wait3A_200 = arith.constant 198 : i32
    %dma_wait3A_201 = arith.constant 0 : i32
    %dma_wait3A_202 = arith.constant 0 : i32
    %dma_wait3A_203 = arith.constant 0 : i32
    %dma_wait3A_204 = tpu.memref_slice %arg13[%rem3A_40, %dma_wait3A_202, %dma_wait3A_203] : memref<3x64x128xf32, #tpu.memory_space<vmem>> -> memref<1x8x128xf32, #tpu.memory_space<vmem>>
    %dma_wait3A_205 = tpu.memref_squeeze %dma_wait3A_204 : memref<1x8x128xf32, #tpu.memory_space<vmem>> -> memref<8x128xf32, #tpu.memory_space<vmem>>
    %dma_wait3A_206 = arith.constant 0 : i32
    %dma_wait3A_207 = arith.constant 0 : i32
    %dma_wait3A_208 = tpu.memref_slice %arg7[%dma_wait3A_200, %dma_wait3A_201, %add3A, %dma_wait3A_206, %dma_wait3A_207] : memref<200x8x32x8x128xf32, #tpu.memory_space<hbm>> -> memref<1x1x1x8x128xf32, #tpu.memory_space<hbm>>
    %dma_wait3A_209 = tpu.memref_squeeze %dma_wait3A_208 : memref<1x1x1x8x128xf32, #tpu.memory_space<hbm>> -> memref<8x128xf32, #tpu.memory_space<hbm>>
    %dma_wait3A_210 = tpu.memref_slice %arg15[%rem3A_40] : memref<3x!tpu.dma_semaphore, #tpu.memory_space<semaphore_mem>> -> memref<1x!tpu.dma_semaphore, #tpu.memory_space<semaphore_mem>>
    %dma_wait3A_211 = tpu.memref_squeeze %dma_wait3A_210 : memref<1x!tpu.dma_semaphore, #tpu.memory_space<semaphore_mem>> -> memref<!tpu.dma_semaphore, #tpu.memory_space<semaphore_mem>>
    %dma_wait3A_212 = arith.constant 0 : i32
    %dma_wait3A_213 = arith.constant 0 : i32
    %dma_wait3A_214 = tpu.memref_slice %arg7[%dma_wait3A_200, %dma_wait3A_201, %add3A, %dma_wait3A_212, %dma_wait3A_213] : memref<200x8x32x8x128xf32, #tpu.memory_space<hbm>> -> memref<1x1x1x8x128xf32, #tpu.memory_space<hbm>>
    %dma_wait3A_215 = tpu.memref_squeeze %dma_wait3A_214 : memref<1x1x1x8x128xf32, #tpu.memory_space<hbm>> -> memref<8x128xf32, #tpu.memory_space<hbm>>
    %dma_wait3A_216 = arith.constant 0 : i32
    %dma_wait3A_217 = arith.constant 0 : i32
    %dma_wait3A_218 = tpu.memref_slice %arg13[%rem3A_40, %dma_wait3A_216, %dma_wait3A_217] : memref<3x64x128xf32, #tpu.memory_space<vmem>> -> memref<1x8x128xf32, #tpu.memory_space<vmem>>
    %dma_wait3A_219 = tpu.memref_squeeze %dma_wait3A_218 : memref<1x8x128xf32, #tpu.memory_space<vmem>> -> memref<8x128xf32, #tpu.memory_space<vmem>>
    tpu.wait_dma2 semaphore(%dma_wait3A_211 : memref<!tpu.dma_semaphore, #tpu.memory_space<semaphore_mem>>) src(%dma_wait3A_219 : memref<8x128xf32, #tpu.memory_space<vmem>>) dst(%dma_wait3A_215 : memref<8x128xf32, #tpu.memory_space<hbm>>)
    %dma_wait3A_220 = arith.constant 198 : i32
    %dma_wait3A_221 = arith.constant 1 : i32
    %dma_wait3A_222 = arith.constant 8 : i32
    %dma_wait3A_223 = arith.constant 0 : i32
    %dma_wait3A_224 = tpu.memref_slice %arg13[%rem3A_40, %dma_wait3A_222, %dma_wait3A_223] : memref<3x64x128xf32, #tpu.memory_space<vmem>> -> memref<1x8x128xf32, #tpu.memory_space<vmem>>
    %dma_wait3A_225 = tpu.memref_squeeze %dma_wait3A_224 : memref<1x8x128xf32, #tpu.memory_space<vmem>> -> memref<8x128xf32, #tpu.memory_space<vmem>>
    %dma_wait3A_226 = arith.constant 0 : i32
    %dma_wait3A_227 = arith.constant 0 : i32
    %dma_wait3A_228 = tpu.memref_slice %arg7[%dma_wait3A_220, %dma_wait3A_221, %add3A, %dma_wait3A_226, %dma_wait3A_227] : memref<200x8x32x8x128xf32, #tpu.memory_space<hbm>> -> memref<1x1x1x8x128xf32, #tpu.memory_space<hbm>>
    %dma_wait3A_229 = tpu.memref_squeeze %dma_wait3A_228 : memref<1x1x1x8x128xf32, #tpu.memory_space<hbm>> -> memref<8x128xf32, #tpu.memory_space<hbm>>
    %dma_wait3A_230 = tpu.memref_slice %arg15[%rem3A_40] : memref<3x!tpu.dma_semaphore, #tpu.memory_space<semaphore_mem>> -> memref<1x!tpu.dma_semaphore, #tpu.memory_space<semaphore_mem>>
    %dma_wait3A_231 = tpu.memref_squeeze %dma_wait3A_230 : memref<1x!tpu.dma_semaphore, #tpu.memory_space<semaphore_mem>> -> memref<!tpu.dma_semaphore, #tpu.memory_space<semaphore_mem>>
    %dma_wait3A_232 = arith.constant 0 : i32
    %dma_wait3A_233 = arith.constant 0 : i32
    %dma_wait3A_234 = tpu.memref_slice %arg7[%dma_wait3A_220, %dma_wait3A_221, %add3A, %dma_wait3A_232, %dma_wait3A_233] : memref<200x8x32x8x128xf32, #tpu.memory_space<hbm>> -> memref<1x1x1x8x128xf32, #tpu.memory_space<hbm>>
    %dma_wait3A_235 = tpu.memref_squeeze %dma_wait3A_234 : memref<1x1x1x8x128xf32, #tpu.memory_space<hbm>> -> memref<8x128xf32, #tpu.memory_space<hbm>>
    %dma_wait3A_236 = arith.constant 8 : i32
    %dma_wait3A_237 = arith.constant 0 : i32
    %dma_wait3A_238 = tpu.memref_slice %arg13[%rem3A_40, %dma_wait3A_236, %dma_wait3A_237] : memref<3x64x128xf32, #tpu.memory_space<vmem>> -> memref<1x8x128xf32, #tpu.memory_space<vmem>>
    %dma_wait3A_239 = tpu.memref_squeeze %dma_wait3A_238 : memref<1x8x128xf32, #tpu.memory_space<vmem>> -> memref<8x128xf32, #tpu.memory_space<vmem>>
    tpu.wait_dma2 semaphore(%dma_wait3A_231 : memref<!tpu.dma_semaphore, #tpu.memory_space<semaphore_mem>>) src(%dma_wait3A_239 : memref<8x128xf32, #tpu.memory_space<vmem>>) dst(%dma_wait3A_235 : memref<8x128xf32, #tpu.memory_space<hbm>>)
    %dma_wait3A_240 = arith.constant 198 : i32
    %dma_wait3A_241 = arith.constant 2 : i32
    %dma_wait3A_242 = arith.constant 16 : i32
    %dma_wait3A_243 = arith.constant 0 : i32
    %dma_wait3A_244 = tpu.memref_slice %arg13[%rem3A_40, %dma_wait3A_242, %dma_wait3A_243] : memref<3x64x128xf32, #tpu.memory_space<vmem>> -> memref<1x8x128xf32, #tpu.memory_space<vmem>>
    %dma_wait3A_245 = tpu.memref_squeeze %dma_wait3A_244 : memref<1x8x128xf32, #tpu.memory_space<vmem>> -> memref<8x128xf32, #tpu.memory_space<vmem>>
    %dma_wait3A_246 = arith.constant 0 : i32
    %dma_wait3A_247 = arith.constant 0 : i32
    %dma_wait3A_248 = tpu.memref_slice %arg7[%dma_wait3A_240, %dma_wait3A_241, %add3A, %dma_wait3A_246, %dma_wait3A_247] : memref<200x8x32x8x128xf32, #tpu.memory_space<hbm>> -> memref<1x1x1x8x128xf32, #tpu.memory_space<hbm>>
    %dma_wait3A_249 = tpu.memref_squeeze %dma_wait3A_248 : memref<1x1x1x8x128xf32, #tpu.memory_space<hbm>> -> memref<8x128xf32, #tpu.memory_space<hbm>>
    %dma_wait3A_250 = tpu.memref_slice %arg15[%rem3A_40] : memref<3x!tpu.dma_semaphore, #tpu.memory_space<semaphore_mem>> -> memref<1x!tpu.dma_semaphore, #tpu.memory_space<semaphore_mem>>
    %dma_wait3A_251 = tpu.memref_squeeze %dma_wait3A_250 : memref<1x!tpu.dma_semaphore, #tpu.memory_space<semaphore_mem>> -> memref<!tpu.dma_semaphore, #tpu.memory_space<semaphore_mem>>
    %dma_wait3A_252 = arith.constant 0 : i32
    %dma_wait3A_253 = arith.constant 0 : i32
    %dma_wait3A_254 = tpu.memref_slice %arg7[%dma_wait3A_240, %dma_wait3A_241, %add3A, %dma_wait3A_252, %dma_wait3A_253] : memref<200x8x32x8x128xf32, #tpu.memory_space<hbm>> -> memref<1x1x1x8x128xf32, #tpu.memory_space<hbm>>
    %dma_wait3A_255 = tpu.memref_squeeze %dma_wait3A_254 : memref<1x1x1x8x128xf32, #tpu.memory_space<hbm>> -> memref<8x128xf32, #tpu.memory_space<hbm>>
    %dma_wait3A_256 = arith.constant 16 : i32
    %dma_wait3A_257 = arith.constant 0 : i32
    %dma_wait3A_258 = tpu.memref_slice %arg13[%rem3A_40, %dma_wait3A_256, %dma_wait3A_257] : memref<3x64x128xf32, #tpu.memory_space<vmem>> -> memref<1x8x128xf32, #tpu.memory_space<vmem>>
    %dma_wait3A_259 = tpu.memref_squeeze %dma_wait3A_258 : memref<1x8x128xf32, #tpu.memory_space<vmem>> -> memref<8x128xf32, #tpu.memory_space<vmem>>
    tpu.wait_dma2 semaphore(%dma_wait3A_251 : memref<!tpu.dma_semaphore, #tpu.memory_space<semaphore_mem>>) src(%dma_wait3A_259 : memref<8x128xf32, #tpu.memory_space<vmem>>) dst(%dma_wait3A_255 : memref<8x128xf32, #tpu.memory_space<hbm>>)
    %dma_wait3A_260 = arith.constant 198 : i32
    %dma_wait3A_261 = arith.constant 3 : i32
    %dma_wait3A_262 = arith.constant 24 : i32
    %dma_wait3A_263 = arith.constant 0 : i32
    %dma_wait3A_264 = tpu.memref_slice %arg13[%rem3A_40, %dma_wait3A_262, %dma_wait3A_263] : memref<3x64x128xf32, #tpu.memory_space<vmem>> -> memref<1x8x128xf32, #tpu.memory_space<vmem>>
    %dma_wait3A_265 = tpu.memref_squeeze %dma_wait3A_264 : memref<1x8x128xf32, #tpu.memory_space<vmem>> -> memref<8x128xf32, #tpu.memory_space<vmem>>
    %dma_wait3A_266 = arith.constant 0 : i32
    %dma_wait3A_267 = arith.constant 0 : i32
    %dma_wait3A_268 = tpu.memref_slice %arg7[%dma_wait3A_260, %dma_wait3A_261, %add3A, %dma_wait3A_266, %dma_wait3A_267] : memref<200x8x32x8x128xf32, #tpu.memory_space<hbm>> -> memref<1x1x1x8x128xf32, #tpu.memory_space<hbm>>
    %dma_wait3A_269 = tpu.memref_squeeze %dma_wait3A_268 : memref<1x1x1x8x128xf32, #tpu.memory_space<hbm>> -> memref<8x128xf32, #tpu.memory_space<hbm>>
    %dma_wait3A_270 = tpu.memref_slice %arg15[%rem3A_40] : memref<3x!tpu.dma_semaphore, #tpu.memory_space<semaphore_mem>> -> memref<1x!tpu.dma_semaphore, #tpu.memory_space<semaphore_mem>>
    %dma_wait3A_271 = tpu.memref_squeeze %dma_wait3A_270 : memref<1x!tpu.dma_semaphore, #tpu.memory_space<semaphore_mem>> -> memref<!tpu.dma_semaphore, #tpu.memory_space<semaphore_mem>>
    %dma_wait3A_272 = arith.constant 0 : i32
    %dma_wait3A_273 = arith.constant 0 : i32
    %dma_wait3A_274 = tpu.memref_slice %arg7[%dma_wait3A_260, %dma_wait3A_261, %add3A, %dma_wait3A_272, %dma_wait3A_273] : memref<200x8x32x8x128xf32, #tpu.memory_space<hbm>> -> memref<1x1x1x8x128xf32, #tpu.memory_space<hbm>>
    %dma_wait3A_275 = tpu.memref_squeeze %dma_wait3A_274 : memref<1x1x1x8x128xf32, #tpu.memory_space<hbm>> -> memref<8x128xf32, #tpu.memory_space<hbm>>
    %dma_wait3A_276 = arith.constant 24 : i32
    %dma_wait3A_277 = arith.constant 0 : i32
    %dma_wait3A_278 = tpu.memref_slice %arg13[%rem3A_40, %dma_wait3A_276, %dma_wait3A_277] : memref<3x64x128xf32, #tpu.memory_space<vmem>> -> memref<1x8x128xf32, #tpu.memory_space<vmem>>
    %dma_wait3A_279 = tpu.memref_squeeze %dma_wait3A_278 : memref<1x8x128xf32, #tpu.memory_space<vmem>> -> memref<8x128xf32, #tpu.memory_space<vmem>>
    tpu.wait_dma2 semaphore(%dma_wait3A_271 : memref<!tpu.dma_semaphore, #tpu.memory_space<semaphore_mem>>) src(%dma_wait3A_279 : memref<8x128xf32, #tpu.memory_space<vmem>>) dst(%dma_wait3A_275 : memref<8x128xf32, #tpu.memory_space<hbm>>)
    %dma_wait3A_280 = arith.constant 198 : i32
    %dma_wait3A_281 = arith.constant 4 : i32
    %dma_wait3A_282 = arith.constant 32 : i32
    %dma_wait3A_283 = arith.constant 0 : i32
    %dma_wait3A_284 = tpu.memref_slice %arg13[%rem3A_40, %dma_wait3A_282, %dma_wait3A_283] : memref<3x64x128xf32, #tpu.memory_space<vmem>> -> memref<1x8x128xf32, #tpu.memory_space<vmem>>
    %dma_wait3A_285 = tpu.memref_squeeze %dma_wait3A_284 : memref<1x8x128xf32, #tpu.memory_space<vmem>> -> memref<8x128xf32, #tpu.memory_space<vmem>>
    %dma_wait3A_286 = arith.constant 0 : i32
    %dma_wait3A_287 = arith.constant 0 : i32
    %dma_wait3A_288 = tpu.memref_slice %arg7[%dma_wait3A_280, %dma_wait3A_281, %add3A, %dma_wait3A_286, %dma_wait3A_287] : memref<200x8x32x8x128xf32, #tpu.memory_space<hbm>> -> memref<1x1x1x8x128xf32, #tpu.memory_space<hbm>>
    %dma_wait3A_289 = tpu.memref_squeeze %dma_wait3A_288 : memref<1x1x1x8x128xf32, #tpu.memory_space<hbm>> -> memref<8x128xf32, #tpu.memory_space<hbm>>
    %dma_wait3A_290 = tpu.memref_slice %arg15[%rem3A_40] : memref<3x!tpu.dma_semaphore, #tpu.memory_space<semaphore_mem>> -> memref<1x!tpu.dma_semaphore, #tpu.memory_space<semaphore_mem>>
    %dma_wait3A_291 = tpu.memref_squeeze %dma_wait3A_290 : memref<1x!tpu.dma_semaphore, #tpu.memory_space<semaphore_mem>> -> memref<!tpu.dma_semaphore, #tpu.memory_space<semaphore_mem>>
    %dma_wait3A_292 = arith.constant 0 : i32
    %dma_wait3A_293 = arith.constant 0 : i32
    %dma_wait3A_294 = tpu.memref_slice %arg7[%dma_wait3A_280, %dma_wait3A_281, %add3A, %dma_wait3A_292, %dma_wait3A_293] : memref<200x8x32x8x128xf32, #tpu.memory_space<hbm>> -> memref<1x1x1x8x128xf32, #tpu.memory_space<hbm>>
    %dma_wait3A_295 = tpu.memref_squeeze %dma_wait3A_294 : memref<1x1x1x8x128xf32, #tpu.memory_space<hbm>> -> memref<8x128xf32, #tpu.memory_space<hbm>>
    %dma_wait3A_296 = arith.constant 32 : i32
    %dma_wait3A_297 = arith.constant 0 : i32
    %dma_wait3A_298 = tpu.memref_slice %arg13[%rem3A_40, %dma_wait3A_296, %dma_wait3A_297] : memref<3x64x128xf32, #tpu.memory_space<vmem>> -> memref<1x8x128xf32, #tpu.memory_space<vmem>>
    %dma_wait3A_299 = tpu.memref_squeeze %dma_wait3A_298 : memref<1x8x128xf32, #tpu.memory_space<vmem>> -> memref<8x128xf32, #tpu.memory_space<vmem>>
    tpu.wait_dma2 semaphore(%dma_wait3A_291 : memref<!tpu.dma_semaphore, #tpu.memory_space<semaphore_mem>>) src(%dma_wait3A_299 : memref<8x128xf32, #tpu.memory_space<vmem>>) dst(%dma_wait3A_295 : memref<8x128xf32, #tpu.memory_space<hbm>>)
    %dma_wait3A_300 = arith.constant 198 : i32
    %dma_wait3A_301 = arith.constant 5 : i32
    %dma_wait3A_302 = arith.constant 40 : i32
    %dma_wait3A_303 = arith.constant 0 : i32
    %dma_wait3A_304 = tpu.memref_slice %arg13[%rem3A_40, %dma_wait3A_302, %dma_wait3A_303] : memref<3x64x128xf32, #tpu.memory_space<vmem>> -> memref<1x8x128xf32, #tpu.memory_space<vmem>>
    %dma_wait3A_305 = tpu.memref_squeeze %dma_wait3A_304 : memref<1x8x128xf32, #tpu.memory_space<vmem>> -> memref<8x128xf32, #tpu.memory_space<vmem>>
    %dma_wait3A_306 = arith.constant 0 : i32
    %dma_wait3A_307 = arith.constant 0 : i32
    %dma_wait3A_308 = tpu.memref_slice %arg7[%dma_wait3A_300, %dma_wait3A_301, %add3A, %dma_wait3A_306, %dma_wait3A_307] : memref<200x8x32x8x128xf32, #tpu.memory_space<hbm>> -> memref<1x1x1x8x128xf32, #tpu.memory_space<hbm>>
    %dma_wait3A_309 = tpu.memref_squeeze %dma_wait3A_308 : memref<1x1x1x8x128xf32, #tpu.memory_space<hbm>> -> memref<8x128xf32, #tpu.memory_space<hbm>>
    %dma_wait3A_310 = tpu.memref_slice %arg15[%rem3A_40] : memref<3x!tpu.dma_semaphore, #tpu.memory_space<semaphore_mem>> -> memref<1x!tpu.dma_semaphore, #tpu.memory_space<semaphore_mem>>
    %dma_wait3A_311 = tpu.memref_squeeze %dma_wait3A_310 : memref<1x!tpu.dma_semaphore, #tpu.memory_space<semaphore_mem>> -> memref<!tpu.dma_semaphore, #tpu.memory_space<semaphore_mem>>
    %dma_wait3A_312 = arith.constant 0 : i32
    %dma_wait3A_313 = arith.constant 0 : i32
    %dma_wait3A_314 = tpu.memref_slice %arg7[%dma_wait3A_300, %dma_wait3A_301, %add3A, %dma_wait3A_312, %dma_wait3A_313] : memref<200x8x32x8x128xf32, #tpu.memory_space<hbm>> -> memref<1x1x1x8x128xf32, #tpu.memory_space<hbm>>
    %dma_wait3A_315 = tpu.memref_squeeze %dma_wait3A_314 : memref<1x1x1x8x128xf32, #tpu.memory_space<hbm>> -> memref<8x128xf32, #tpu.memory_space<hbm>>
    %dma_wait3A_316 = arith.constant 40 : i32
    %dma_wait3A_317 = arith.constant 0 : i32
    %dma_wait3A_318 = tpu.memref_slice %arg13[%rem3A_40, %dma_wait3A_316, %dma_wait3A_317] : memref<3x64x128xf32, #tpu.memory_space<vmem>> -> memref<1x8x128xf32, #tpu.memory_space<vmem>>
    %dma_wait3A_319 = tpu.memref_squeeze %dma_wait3A_318 : memref<1x8x128xf32, #tpu.memory_space<vmem>> -> memref<8x128xf32, #tpu.memory_space<vmem>>
    tpu.wait_dma2 semaphore(%dma_wait3A_311 : memref<!tpu.dma_semaphore, #tpu.memory_space<semaphore_mem>>) src(%dma_wait3A_319 : memref<8x128xf32, #tpu.memory_space<vmem>>) dst(%dma_wait3A_315 : memref<8x128xf32, #tpu.memory_space<hbm>>)
    %dma_wait3A_320 = arith.constant 198 : i32
    %dma_wait3A_321 = arith.constant 6 : i32
    %dma_wait3A_322 = arith.constant 48 : i32
    %dma_wait3A_323 = arith.constant 0 : i32
    %dma_wait3A_324 = tpu.memref_slice %arg13[%rem3A_40, %dma_wait3A_322, %dma_wait3A_323] : memref<3x64x128xf32, #tpu.memory_space<vmem>> -> memref<1x8x128xf32, #tpu.memory_space<vmem>>
    %dma_wait3A_325 = tpu.memref_squeeze %dma_wait3A_324 : memref<1x8x128xf32, #tpu.memory_space<vmem>> -> memref<8x128xf32, #tpu.memory_space<vmem>>
    %dma_wait3A_326 = arith.constant 0 : i32
    %dma_wait3A_327 = arith.constant 0 : i32
    %dma_wait3A_328 = tpu.memref_slice %arg7[%dma_wait3A_320, %dma_wait3A_321, %add3A, %dma_wait3A_326, %dma_wait3A_327] : memref<200x8x32x8x128xf32, #tpu.memory_space<hbm>> -> memref<1x1x1x8x128xf32, #tpu.memory_space<hbm>>
    %dma_wait3A_329 = tpu.memref_squeeze %dma_wait3A_328 : memref<1x1x1x8x128xf32, #tpu.memory_space<hbm>> -> memref<8x128xf32, #tpu.memory_space<hbm>>
    %dma_wait3A_330 = tpu.memref_slice %arg15[%rem3A_40] : memref<3x!tpu.dma_semaphore, #tpu.memory_space<semaphore_mem>> -> memref<1x!tpu.dma_semaphore, #tpu.memory_space<semaphore_mem>>
    %dma_wait3A_331 = tpu.memref_squeeze %dma_wait3A_330 : memref<1x!tpu.dma_semaphore, #tpu.memory_space<semaphore_mem>> -> memref<!tpu.dma_semaphore, #tpu.memory_space<semaphore_mem>>
    %dma_wait3A_332 = arith.constant 0 : i32
    %dma_wait3A_333 = arith.constant 0 : i32
    %dma_wait3A_334 = tpu.memref_slice %arg7[%dma_wait3A_320, %dma_wait3A_321, %add3A, %dma_wait3A_332, %dma_wait3A_333] : memref<200x8x32x8x128xf32, #tpu.memory_space<hbm>> -> memref<1x1x1x8x128xf32, #tpu.memory_space<hbm>>
    %dma_wait3A_335 = tpu.memref_squeeze %dma_wait3A_334 : memref<1x1x1x8x128xf32, #tpu.memory_space<hbm>> -> memref<8x128xf32, #tpu.memory_space<hbm>>
    %dma_wait3A_336 = arith.constant 48 : i32
    %dma_wait3A_337 = arith.constant 0 : i32
    %dma_wait3A_338 = tpu.memref_slice %arg13[%rem3A_40, %dma_wait3A_336, %dma_wait3A_337] : memref<3x64x128xf32, #tpu.memory_space<vmem>> -> memref<1x8x128xf32, #tpu.memory_space<vmem>>
    %dma_wait3A_339 = tpu.memref_squeeze %dma_wait3A_338 : memref<1x8x128xf32, #tpu.memory_space<vmem>> -> memref<8x128xf32, #tpu.memory_space<vmem>>
    tpu.wait_dma2 semaphore(%dma_wait3A_331 : memref<!tpu.dma_semaphore, #tpu.memory_space<semaphore_mem>>) src(%dma_wait3A_339 : memref<8x128xf32, #tpu.memory_space<vmem>>) dst(%dma_wait3A_335 : memref<8x128xf32, #tpu.memory_space<hbm>>)
    %dma_wait3A_340 = arith.constant 198 : i32
    %dma_wait3A_341 = arith.constant 7 : i32
    %dma_wait3A_342 = arith.constant 56 : i32
    %dma_wait3A_343 = arith.constant 0 : i32
    %dma_wait3A_344 = tpu.memref_slice %arg13[%rem3A_40, %dma_wait3A_342, %dma_wait3A_343] : memref<3x64x128xf32, #tpu.memory_space<vmem>> -> memref<1x8x128xf32, #tpu.memory_space<vmem>>
    %dma_wait3A_345 = tpu.memref_squeeze %dma_wait3A_344 : memref<1x8x128xf32, #tpu.memory_space<vmem>> -> memref<8x128xf32, #tpu.memory_space<vmem>>
    %dma_wait3A_346 = arith.constant 0 : i32
    %dma_wait3A_347 = arith.constant 0 : i32
    %dma_wait3A_348 = tpu.memref_slice %arg7[%dma_wait3A_340, %dma_wait3A_341, %add3A, %dma_wait3A_346, %dma_wait3A_347] : memref<200x8x32x8x128xf32, #tpu.memory_space<hbm>> -> memref<1x1x1x8x128xf32, #tpu.memory_space<hbm>>
    %dma_wait3A_349 = tpu.memref_squeeze %dma_wait3A_348 : memref<1x1x1x8x128xf32, #tpu.memory_space<hbm>> -> memref<8x128xf32, #tpu.memory_space<hbm>>
    %dma_wait3A_350 = tpu.memref_slice %arg15[%rem3A_40] : memref<3x!tpu.dma_semaphore, #tpu.memory_space<semaphore_mem>> -> memref<1x!tpu.dma_semaphore, #tpu.memory_space<semaphore_mem>>
    %dma_wait3A_351 = tpu.memref_squeeze %dma_wait3A_350 : memref<1x!tpu.dma_semaphore, #tpu.memory_space<semaphore_mem>> -> memref<!tpu.dma_semaphore, #tpu.memory_space<semaphore_mem>>
    %dma_wait3A_352 = arith.constant 0 : i32
    %dma_wait3A_353 = arith.constant 0 : i32
    %dma_wait3A_354 = tpu.memref_slice %arg7[%dma_wait3A_340, %dma_wait3A_341, %add3A, %dma_wait3A_352, %dma_wait3A_353] : memref<200x8x32x8x128xf32, #tpu.memory_space<hbm>> -> memref<1x1x1x8x128xf32, #tpu.memory_space<hbm>>
    %dma_wait3A_355 = tpu.memref_squeeze %dma_wait3A_354 : memref<1x1x1x8x128xf32, #tpu.memory_space<hbm>> -> memref<8x128xf32, #tpu.memory_space<hbm>>
    %dma_wait3A_356 = arith.constant 56 : i32
    %dma_wait3A_357 = arith.constant 0 : i32
    %dma_wait3A_358 = tpu.memref_slice %arg13[%rem3A_40, %dma_wait3A_356, %dma_wait3A_357] : memref<3x64x128xf32, #tpu.memory_space<vmem>> -> memref<1x8x128xf32, #tpu.memory_space<vmem>>
    %dma_wait3A_359 = tpu.memref_squeeze %dma_wait3A_358 : memref<1x8x128xf32, #tpu.memory_space<vmem>> -> memref<8x128xf32, #tpu.memory_space<vmem>>
    tpu.wait_dma2 semaphore(%dma_wait3A_351 : memref<!tpu.dma_semaphore, #tpu.memory_space<semaphore_mem>>) src(%dma_wait3A_359 : memref<8x128xf32, #tpu.memory_space<vmem>>) dst(%dma_wait3A_355 : memref<8x128xf32, #tpu.memory_space<hbm>>)
    %rem3A_360 = arith.constant 199 : i32
    %rem3A_361 = arith.constant 3 : i32
    %rem3A_362 = arith.remsi %rem3A_360, %rem3A_361 : i32
    %dma_wait3A_363 = arith.constant 199 : i32
    %dma_wait3A_364 = arith.constant 0 : i32
    %dma_wait3A_365 = arith.constant 0 : i32
    %dma_wait3A_366 = arith.constant 0 : i32
    %dma_wait3A_367 = tpu.memref_slice %arg11[%rem3A_362, %dma_wait3A_365, %dma_wait3A_366] : memref<3x32x128xf32, #tpu.memory_space<vmem>> -> memref<1x8x128xf32, #tpu.memory_space<vmem>>
    %dma_wait3A_368 = tpu.memref_squeeze %dma_wait3A_367 : memref<1x8x128xf32, #tpu.memory_space<vmem>> -> memref<8x128xf32, #tpu.memory_space<vmem>>
    %dma_wait3A_369 = arith.constant 0 : i32
    %dma_wait3A_370 = arith.constant 0 : i32
    %dma_wait3A_371 = tpu.memref_slice %arg5[%dma_wait3A_363, %dma_wait3A_364, %add3A, %dma_wait3A_369, %dma_wait3A_370] : memref<200x4x32x8x128xf32, #tpu.memory_space<hbm>> -> memref<1x1x1x8x128xf32, #tpu.memory_space<hbm>>
    %dma_wait3A_372 = tpu.memref_squeeze %dma_wait3A_371 : memref<1x1x1x8x128xf32, #tpu.memory_space<hbm>> -> memref<8x128xf32, #tpu.memory_space<hbm>>
    %dma_wait3A_373 = tpu.memref_slice %arg15[%rem3A_362] : memref<3x!tpu.dma_semaphore, #tpu.memory_space<semaphore_mem>> -> memref<1x!tpu.dma_semaphore, #tpu.memory_space<semaphore_mem>>
    %dma_wait3A_374 = tpu.memref_squeeze %dma_wait3A_373 : memref<1x!tpu.dma_semaphore, #tpu.memory_space<semaphore_mem>> -> memref<!tpu.dma_semaphore, #tpu.memory_space<semaphore_mem>>
    %dma_wait3A_375 = arith.constant 0 : i32
    %dma_wait3A_376 = arith.constant 0 : i32
    %dma_wait3A_377 = tpu.memref_slice %arg5[%dma_wait3A_363, %dma_wait3A_364, %add3A, %dma_wait3A_375, %dma_wait3A_376] : memref<200x4x32x8x128xf32, #tpu.memory_space<hbm>> -> memref<1x1x1x8x128xf32, #tpu.memory_space<hbm>>
    %dma_wait3A_378 = tpu.memref_squeeze %dma_wait3A_377 : memref<1x1x1x8x128xf32, #tpu.memory_space<hbm>> -> memref<8x128xf32, #tpu.memory_space<hbm>>
    %dma_wait3A_379 = arith.constant 0 : i32
    %dma_wait3A_380 = arith.constant 0 : i32
    %dma_wait3A_381 = tpu.memref_slice %arg11[%rem3A_362, %dma_wait3A_379, %dma_wait3A_380] : memref<3x32x128xf32, #tpu.memory_space<vmem>> -> memref<1x8x128xf32, #tpu.memory_space<vmem>>
    %dma_wait3A_382 = tpu.memref_squeeze %dma_wait3A_381 : memref<1x8x128xf32, #tpu.memory_space<vmem>> -> memref<8x128xf32, #tpu.memory_space<vmem>>
    tpu.wait_dma2 semaphore(%dma_wait3A_374 : memref<!tpu.dma_semaphore, #tpu.memory_space<semaphore_mem>>) src(%dma_wait3A_382 : memref<8x128xf32, #tpu.memory_space<vmem>>) dst(%dma_wait3A_378 : memref<8x128xf32, #tpu.memory_space<hbm>>)
    %dma_wait3A_383 = arith.constant 199 : i32
    %dma_wait3A_384 = arith.constant 0 : i32
    %dma_wait3A_385 = arith.constant 0 : i32
    %dma_wait3A_386 = arith.constant 0 : i32
    %dma_wait3A_387 = tpu.memref_slice %arg12[%rem3A_362, %dma_wait3A_385, %dma_wait3A_386] : memref<3x32x128xf32, #tpu.memory_space<vmem>> -> memref<1x8x128xf32, #tpu.memory_space<vmem>>
    %dma_wait3A_388 = tpu.memref_squeeze %dma_wait3A_387 : memref<1x8x128xf32, #tpu.memory_space<vmem>> -> memref<8x128xf32, #tpu.memory_space<vmem>>
    %dma_wait3A_389 = arith.constant 0 : i32
    %dma_wait3A_390 = arith.constant 0 : i32
    %dma_wait3A_391 = tpu.memref_slice %arg6[%dma_wait3A_383, %dma_wait3A_384, %add3A, %dma_wait3A_389, %dma_wait3A_390] : memref<200x4x32x8x128xf32, #tpu.memory_space<hbm>> -> memref<1x1x1x8x128xf32, #tpu.memory_space<hbm>>
    %dma_wait3A_392 = tpu.memref_squeeze %dma_wait3A_391 : memref<1x1x1x8x128xf32, #tpu.memory_space<hbm>> -> memref<8x128xf32, #tpu.memory_space<hbm>>
    %dma_wait3A_393 = tpu.memref_slice %arg15[%rem3A_362] : memref<3x!tpu.dma_semaphore, #tpu.memory_space<semaphore_mem>> -> memref<1x!tpu.dma_semaphore, #tpu.memory_space<semaphore_mem>>
    %dma_wait3A_394 = tpu.memref_squeeze %dma_wait3A_393 : memref<1x!tpu.dma_semaphore, #tpu.memory_space<semaphore_mem>> -> memref<!tpu.dma_semaphore, #tpu.memory_space<semaphore_mem>>
    %dma_wait3A_395 = arith.constant 0 : i32
    %dma_wait3A_396 = arith.constant 0 : i32
    %dma_wait3A_397 = tpu.memref_slice %arg6[%dma_wait3A_383, %dma_wait3A_384, %add3A, %dma_wait3A_395, %dma_wait3A_396] : memref<200x4x32x8x128xf32, #tpu.memory_space<hbm>> -> memref<1x1x1x8x128xf32, #tpu.memory_space<hbm>>
    %dma_wait3A_398 = tpu.memref_squeeze %dma_wait3A_397 : memref<1x1x1x8x128xf32, #tpu.memory_space<hbm>> -> memref<8x128xf32, #tpu.memory_space<hbm>>
    %dma_wait3A_399 = arith.constant 0 : i32
    %dma_wait3A_400 = arith.constant 0 : i32
    %dma_wait3A_401 = tpu.memref_slice %arg12[%rem3A_362, %dma_wait3A_399, %dma_wait3A_400] : memref<3x32x128xf32, #tpu.memory_space<vmem>> -> memref<1x8x128xf32, #tpu.memory_space<vmem>>
    %dma_wait3A_402 = tpu.memref_squeeze %dma_wait3A_401 : memref<1x8x128xf32, #tpu.memory_space<vmem>> -> memref<8x128xf32, #tpu.memory_space<vmem>>
    tpu.wait_dma2 semaphore(%dma_wait3A_394 : memref<!tpu.dma_semaphore, #tpu.memory_space<semaphore_mem>>) src(%dma_wait3A_402 : memref<8x128xf32, #tpu.memory_space<vmem>>) dst(%dma_wait3A_398 : memref<8x128xf32, #tpu.memory_space<hbm>>)
    %dma_wait3A_403 = arith.constant 199 : i32
    %dma_wait3A_404 = arith.constant 1 : i32
    %dma_wait3A_405 = arith.constant 8 : i32
    %dma_wait3A_406 = arith.constant 0 : i32
    %dma_wait3A_407 = tpu.memref_slice %arg11[%rem3A_362, %dma_wait3A_405, %dma_wait3A_406] : memref<3x32x128xf32, #tpu.memory_space<vmem>> -> memref<1x8x128xf32, #tpu.memory_space<vmem>>
    %dma_wait3A_408 = tpu.memref_squeeze %dma_wait3A_407 : memref<1x8x128xf32, #tpu.memory_space<vmem>> -> memref<8x128xf32, #tpu.memory_space<vmem>>
    %dma_wait3A_409 = arith.constant 0 : i32
    %dma_wait3A_410 = arith.constant 0 : i32
    %dma_wait3A_411 = tpu.memref_slice %arg5[%dma_wait3A_403, %dma_wait3A_404, %add3A, %dma_wait3A_409, %dma_wait3A_410] : memref<200x4x32x8x128xf32, #tpu.memory_space<hbm>> -> memref<1x1x1x8x128xf32, #tpu.memory_space<hbm>>
    %dma_wait3A_412 = tpu.memref_squeeze %dma_wait3A_411 : memref<1x1x1x8x128xf32, #tpu.memory_space<hbm>> -> memref<8x128xf32, #tpu.memory_space<hbm>>
    %dma_wait3A_413 = tpu.memref_slice %arg15[%rem3A_362] : memref<3x!tpu.dma_semaphore, #tpu.memory_space<semaphore_mem>> -> memref<1x!tpu.dma_semaphore, #tpu.memory_space<semaphore_mem>>
    %dma_wait3A_414 = tpu.memref_squeeze %dma_wait3A_413 : memref<1x!tpu.dma_semaphore, #tpu.memory_space<semaphore_mem>> -> memref<!tpu.dma_semaphore, #tpu.memory_space<semaphore_mem>>
    %dma_wait3A_415 = arith.constant 0 : i32
    %dma_wait3A_416 = arith.constant 0 : i32
    %dma_wait3A_417 = tpu.memref_slice %arg5[%dma_wait3A_403, %dma_wait3A_404, %add3A, %dma_wait3A_415, %dma_wait3A_416] : memref<200x4x32x8x128xf32, #tpu.memory_space<hbm>> -> memref<1x1x1x8x128xf32, #tpu.memory_space<hbm>>
    %dma_wait3A_418 = tpu.memref_squeeze %dma_wait3A_417 : memref<1x1x1x8x128xf32, #tpu.memory_space<hbm>> -> memref<8x128xf32, #tpu.memory_space<hbm>>
    %dma_wait3A_419 = arith.constant 8 : i32
    %dma_wait3A_420 = arith.constant 0 : i32
    %dma_wait3A_421 = tpu.memref_slice %arg11[%rem3A_362, %dma_wait3A_419, %dma_wait3A_420] : memref<3x32x128xf32, #tpu.memory_space<vmem>> -> memref<1x8x128xf32, #tpu.memory_space<vmem>>
    %dma_wait3A_422 = tpu.memref_squeeze %dma_wait3A_421 : memref<1x8x128xf32, #tpu.memory_space<vmem>> -> memref<8x128xf32, #tpu.memory_space<vmem>>
    tpu.wait_dma2 semaphore(%dma_wait3A_414 : memref<!tpu.dma_semaphore, #tpu.memory_space<semaphore_mem>>) src(%dma_wait3A_422 : memref<8x128xf32, #tpu.memory_space<vmem>>) dst(%dma_wait3A_418 : memref<8x128xf32, #tpu.memory_space<hbm>>)
    %dma_wait3A_423 = arith.constant 199 : i32
    %dma_wait3A_424 = arith.constant 1 : i32
    %dma_wait3A_425 = arith.constant 8 : i32
    %dma_wait3A_426 = arith.constant 0 : i32
    %dma_wait3A_427 = tpu.memref_slice %arg12[%rem3A_362, %dma_wait3A_425, %dma_wait3A_426] : memref<3x32x128xf32, #tpu.memory_space<vmem>> -> memref<1x8x128xf32, #tpu.memory_space<vmem>>
    %dma_wait3A_428 = tpu.memref_squeeze %dma_wait3A_427 : memref<1x8x128xf32, #tpu.memory_space<vmem>> -> memref<8x128xf32, #tpu.memory_space<vmem>>
    %dma_wait3A_429 = arith.constant 0 : i32
    %dma_wait3A_430 = arith.constant 0 : i32
    %dma_wait3A_431 = tpu.memref_slice %arg6[%dma_wait3A_423, %dma_wait3A_424, %add3A, %dma_wait3A_429, %dma_wait3A_430] : memref<200x4x32x8x128xf32, #tpu.memory_space<hbm>> -> memref<1x1x1x8x128xf32, #tpu.memory_space<hbm>>
    %dma_wait3A_432 = tpu.memref_squeeze %dma_wait3A_431 : memref<1x1x1x8x128xf32, #tpu.memory_space<hbm>> -> memref<8x128xf32, #tpu.memory_space<hbm>>
    %dma_wait3A_433 = tpu.memref_slice %arg15[%rem3A_362] : memref<3x!tpu.dma_semaphore, #tpu.memory_space<semaphore_mem>> -> memref<1x!tpu.dma_semaphore, #tpu.memory_space<semaphore_mem>>
    %dma_wait3A_434 = tpu.memref_squeeze %dma_wait3A_433 : memref<1x!tpu.dma_semaphore, #tpu.memory_space<semaphore_mem>> -> memref<!tpu.dma_semaphore, #tpu.memory_space<semaphore_mem>>
    %dma_wait3A_435 = arith.constant 0 : i32
    %dma_wait3A_436 = arith.constant 0 : i32
    %dma_wait3A_437 = tpu.memref_slice %arg6[%dma_wait3A_423, %dma_wait3A_424, %add3A, %dma_wait3A_435, %dma_wait3A_436] : memref<200x4x32x8x128xf32, #tpu.memory_space<hbm>> -> memref<1x1x1x8x128xf32, #tpu.memory_space<hbm>>
    %dma_wait3A_438 = tpu.memref_squeeze %dma_wait3A_437 : memref<1x1x1x8x128xf32, #tpu.memory_space<hbm>> -> memref<8x128xf32, #tpu.memory_space<hbm>>
    %dma_wait3A_439 = arith.constant 8 : i32
    %dma_wait3A_440 = arith.constant 0 : i32
    %dma_wait3A_441 = tpu.memref_slice %arg12[%rem3A_362, %dma_wait3A_439, %dma_wait3A_440] : memref<3x32x128xf32, #tpu.memory_space<vmem>> -> memref<1x8x128xf32, #tpu.memory_space<vmem>>
    %dma_wait3A_442 = tpu.memref_squeeze %dma_wait3A_441 : memref<1x8x128xf32, #tpu.memory_space<vmem>> -> memref<8x128xf32, #tpu.memory_space<vmem>>
    tpu.wait_dma2 semaphore(%dma_wait3A_434 : memref<!tpu.dma_semaphore, #tpu.memory_space<semaphore_mem>>) src(%dma_wait3A_442 : memref<8x128xf32, #tpu.memory_space<vmem>>) dst(%dma_wait3A_438 : memref<8x128xf32, #tpu.memory_space<hbm>>)
    %dma_wait3A_443 = arith.constant 199 : i32
    %dma_wait3A_444 = arith.constant 2 : i32
    %dma_wait3A_445 = arith.constant 16 : i32
    %dma_wait3A_446 = arith.constant 0 : i32
    %dma_wait3A_447 = tpu.memref_slice %arg11[%rem3A_362, %dma_wait3A_445, %dma_wait3A_446] : memref<3x32x128xf32, #tpu.memory_space<vmem>> -> memref<1x8x128xf32, #tpu.memory_space<vmem>>
    %dma_wait3A_448 = tpu.memref_squeeze %dma_wait3A_447 : memref<1x8x128xf32, #tpu.memory_space<vmem>> -> memref<8x128xf32, #tpu.memory_space<vmem>>
    %dma_wait3A_449 = arith.constant 0 : i32
    %dma_wait3A_450 = arith.constant 0 : i32
    %dma_wait3A_451 = tpu.memref_slice %arg5[%dma_wait3A_443, %dma_wait3A_444, %add3A, %dma_wait3A_449, %dma_wait3A_450] : memref<200x4x32x8x128xf32, #tpu.memory_space<hbm>> -> memref<1x1x1x8x128xf32, #tpu.memory_space<hbm>>
    %dma_wait3A_452 = tpu.memref_squeeze %dma_wait3A_451 : memref<1x1x1x8x128xf32, #tpu.memory_space<hbm>> -> memref<8x128xf32, #tpu.memory_space<hbm>>
    %dma_wait3A_453 = tpu.memref_slice %arg15[%rem3A_362] : memref<3x!tpu.dma_semaphore, #tpu.memory_space<semaphore_mem>> -> memref<1x!tpu.dma_semaphore, #tpu.memory_space<semaphore_mem>>
    %dma_wait3A_454 = tpu.memref_squeeze %dma_wait3A_453 : memref<1x!tpu.dma_semaphore, #tpu.memory_space<semaphore_mem>> -> memref<!tpu.dma_semaphore, #tpu.memory_space<semaphore_mem>>
    %dma_wait3A_455 = arith.constant 0 : i32
    %dma_wait3A_456 = arith.constant 0 : i32
    %dma_wait3A_457 = tpu.memref_slice %arg5[%dma_wait3A_443, %dma_wait3A_444, %add3A, %dma_wait3A_455, %dma_wait3A_456] : memref<200x4x32x8x128xf32, #tpu.memory_space<hbm>> -> memref<1x1x1x8x128xf32, #tpu.memory_space<hbm>>
    %dma_wait3A_458 = tpu.memref_squeeze %dma_wait3A_457 : memref<1x1x1x8x128xf32, #tpu.memory_space<hbm>> -> memref<8x128xf32, #tpu.memory_space<hbm>>
    %dma_wait3A_459 = arith.constant 16 : i32
    %dma_wait3A_460 = arith.constant 0 : i32
    %dma_wait3A_461 = tpu.memref_slice %arg11[%rem3A_362, %dma_wait3A_459, %dma_wait3A_460] : memref<3x32x128xf32, #tpu.memory_space<vmem>> -> memref<1x8x128xf32, #tpu.memory_space<vmem>>
    %dma_wait3A_462 = tpu.memref_squeeze %dma_wait3A_461 : memref<1x8x128xf32, #tpu.memory_space<vmem>> -> memref<8x128xf32, #tpu.memory_space<vmem>>
    tpu.wait_dma2 semaphore(%dma_wait3A_454 : memref<!tpu.dma_semaphore, #tpu.memory_space<semaphore_mem>>) src(%dma_wait3A_462 : memref<8x128xf32, #tpu.memory_space<vmem>>) dst(%dma_wait3A_458 : memref<8x128xf32, #tpu.memory_space<hbm>>)
    %dma_wait3A_463 = arith.constant 199 : i32
    %dma_wait3A_464 = arith.constant 2 : i32
    %dma_wait3A_465 = arith.constant 16 : i32
    %dma_wait3A_466 = arith.constant 0 : i32
    %dma_wait3A_467 = tpu.memref_slice %arg12[%rem3A_362, %dma_wait3A_465, %dma_wait3A_466] : memref<3x32x128xf32, #tpu.memory_space<vmem>> -> memref<1x8x128xf32, #tpu.memory_space<vmem>>
    %dma_wait3A_468 = tpu.memref_squeeze %dma_wait3A_467 : memref<1x8x128xf32, #tpu.memory_space<vmem>> -> memref<8x128xf32, #tpu.memory_space<vmem>>
    %dma_wait3A_469 = arith.constant 0 : i32
    %dma_wait3A_470 = arith.constant 0 : i32
    %dma_wait3A_471 = tpu.memref_slice %arg6[%dma_wait3A_463, %dma_wait3A_464, %add3A, %dma_wait3A_469, %dma_wait3A_470] : memref<200x4x32x8x128xf32, #tpu.memory_space<hbm>> -> memref<1x1x1x8x128xf32, #tpu.memory_space<hbm>>
    %dma_wait3A_472 = tpu.memref_squeeze %dma_wait3A_471 : memref<1x1x1x8x128xf32, #tpu.memory_space<hbm>> -> memref<8x128xf32, #tpu.memory_space<hbm>>
    %dma_wait3A_473 = tpu.memref_slice %arg15[%rem3A_362] : memref<3x!tpu.dma_semaphore, #tpu.memory_space<semaphore_mem>> -> memref<1x!tpu.dma_semaphore, #tpu.memory_space<semaphore_mem>>
    %dma_wait3A_474 = tpu.memref_squeeze %dma_wait3A_473 : memref<1x!tpu.dma_semaphore, #tpu.memory_space<semaphore_mem>> -> memref<!tpu.dma_semaphore, #tpu.memory_space<semaphore_mem>>
    %dma_wait3A_475 = arith.constant 0 : i32
    %dma_wait3A_476 = arith.constant 0 : i32
    %dma_wait3A_477 = tpu.memref_slice %arg6[%dma_wait3A_463, %dma_wait3A_464, %add3A, %dma_wait3A_475, %dma_wait3A_476] : memref<200x4x32x8x128xf32, #tpu.memory_space<hbm>> -> memref<1x1x1x8x128xf32, #tpu.memory_space<hbm>>
    %dma_wait3A_478 = tpu.memref_squeeze %dma_wait3A_477 : memref<1x1x1x8x128xf32, #tpu.memory_space<hbm>> -> memref<8x128xf32, #tpu.memory_space<hbm>>
    %dma_wait3A_479 = arith.constant 16 : i32
    %dma_wait3A_480 = arith.constant 0 : i32
    %dma_wait3A_481 = tpu.memref_slice %arg12[%rem3A_362, %dma_wait3A_479, %dma_wait3A_480] : memref<3x32x128xf32, #tpu.memory_space<vmem>> -> memref<1x8x128xf32, #tpu.memory_space<vmem>>
    %dma_wait3A_482 = tpu.memref_squeeze %dma_wait3A_481 : memref<1x8x128xf32, #tpu.memory_space<vmem>> -> memref<8x128xf32, #tpu.memory_space<vmem>>
    tpu.wait_dma2 semaphore(%dma_wait3A_474 : memref<!tpu.dma_semaphore, #tpu.memory_space<semaphore_mem>>) src(%dma_wait3A_482 : memref<8x128xf32, #tpu.memory_space<vmem>>) dst(%dma_wait3A_478 : memref<8x128xf32, #tpu.memory_space<hbm>>)
    %dma_wait3A_483 = arith.constant 199 : i32
    %dma_wait3A_484 = arith.constant 3 : i32
    %dma_wait3A_485 = arith.constant 24 : i32
    %dma_wait3A_486 = arith.constant 0 : i32
    %dma_wait3A_487 = tpu.memref_slice %arg11[%rem3A_362, %dma_wait3A_485, %dma_wait3A_486] : memref<3x32x128xf32, #tpu.memory_space<vmem>> -> memref<1x8x128xf32, #tpu.memory_space<vmem>>
    %dma_wait3A_488 = tpu.memref_squeeze %dma_wait3A_487 : memref<1x8x128xf32, #tpu.memory_space<vmem>> -> memref<8x128xf32, #tpu.memory_space<vmem>>
    %dma_wait3A_489 = arith.constant 0 : i32
    %dma_wait3A_490 = arith.constant 0 : i32
    %dma_wait3A_491 = tpu.memref_slice %arg5[%dma_wait3A_483, %dma_wait3A_484, %add3A, %dma_wait3A_489, %dma_wait3A_490] : memref<200x4x32x8x128xf32, #tpu.memory_space<hbm>> -> memref<1x1x1x8x128xf32, #tpu.memory_space<hbm>>
    %dma_wait3A_492 = tpu.memref_squeeze %dma_wait3A_491 : memref<1x1x1x8x128xf32, #tpu.memory_space<hbm>> -> memref<8x128xf32, #tpu.memory_space<hbm>>
    %dma_wait3A_493 = tpu.memref_slice %arg15[%rem3A_362] : memref<3x!tpu.dma_semaphore, #tpu.memory_space<semaphore_mem>> -> memref<1x!tpu.dma_semaphore, #tpu.memory_space<semaphore_mem>>
    %dma_wait3A_494 = tpu.memref_squeeze %dma_wait3A_493 : memref<1x!tpu.dma_semaphore, #tpu.memory_space<semaphore_mem>> -> memref<!tpu.dma_semaphore, #tpu.memory_space<semaphore_mem>>
    %dma_wait3A_495 = arith.constant 0 : i32
    %dma_wait3A_496 = arith.constant 0 : i32
    %dma_wait3A_497 = tpu.memref_slice %arg5[%dma_wait3A_483, %dma_wait3A_484, %add3A, %dma_wait3A_495, %dma_wait3A_496] : memref<200x4x32x8x128xf32, #tpu.memory_space<hbm>> -> memref<1x1x1x8x128xf32, #tpu.memory_space<hbm>>
    %dma_wait3A_498 = tpu.memref_squeeze %dma_wait3A_497 : memref<1x1x1x8x128xf32, #tpu.memory_space<hbm>> -> memref<8x128xf32, #tpu.memory_space<hbm>>
    %dma_wait3A_499 = arith.constant 24 : i32
    %dma_wait3A_500 = arith.constant 0 : i32
    %dma_wait3A_501 = tpu.memref_slice %arg11[%rem3A_362, %dma_wait3A_499, %dma_wait3A_500] : memref<3x32x128xf32, #tpu.memory_space<vmem>> -> memref<1x8x128xf32, #tpu.memory_space<vmem>>
    %dma_wait3A_502 = tpu.memref_squeeze %dma_wait3A_501 : memref<1x8x128xf32, #tpu.memory_space<vmem>> -> memref<8x128xf32, #tpu.memory_space<vmem>>
    tpu.wait_dma2 semaphore(%dma_wait3A_494 : memref<!tpu.dma_semaphore, #tpu.memory_space<semaphore_mem>>) src(%dma_wait3A_502 : memref<8x128xf32, #tpu.memory_space<vmem>>) dst(%dma_wait3A_498 : memref<8x128xf32, #tpu.memory_space<hbm>>)
    %dma_wait3A_503 = arith.constant 199 : i32
    %dma_wait3A_504 = arith.constant 3 : i32
    %dma_wait3A_505 = arith.constant 24 : i32
    %dma_wait3A_506 = arith.constant 0 : i32
    %dma_wait3A_507 = tpu.memref_slice %arg12[%rem3A_362, %dma_wait3A_505, %dma_wait3A_506] : memref<3x32x128xf32, #tpu.memory_space<vmem>> -> memref<1x8x128xf32, #tpu.memory_space<vmem>>
    %dma_wait3A_508 = tpu.memref_squeeze %dma_wait3A_507 : memref<1x8x128xf32, #tpu.memory_space<vmem>> -> memref<8x128xf32, #tpu.memory_space<vmem>>
    %dma_wait3A_509 = arith.constant 0 : i32
    %dma_wait3A_510 = arith.constant 0 : i32
    %dma_wait3A_511 = tpu.memref_slice %arg6[%dma_wait3A_503, %dma_wait3A_504, %add3A, %dma_wait3A_509, %dma_wait3A_510] : memref<200x4x32x8x128xf32, #tpu.memory_space<hbm>> -> memref<1x1x1x8x128xf32, #tpu.memory_space<hbm>>
    %dma_wait3A_512 = tpu.memref_squeeze %dma_wait3A_511 : memref<1x1x1x8x128xf32, #tpu.memory_space<hbm>> -> memref<8x128xf32, #tpu.memory_space<hbm>>
    %dma_wait3A_513 = tpu.memref_slice %arg15[%rem3A_362] : memref<3x!tpu.dma_semaphore, #tpu.memory_space<semaphore_mem>> -> memref<1x!tpu.dma_semaphore, #tpu.memory_space<semaphore_mem>>
    %dma_wait3A_514 = tpu.memref_squeeze %dma_wait3A_513 : memref<1x!tpu.dma_semaphore, #tpu.memory_space<semaphore_mem>> -> memref<!tpu.dma_semaphore, #tpu.memory_space<semaphore_mem>>
    %dma_wait3A_515 = arith.constant 0 : i32
    %dma_wait3A_516 = arith.constant 0 : i32
    %dma_wait3A_517 = tpu.memref_slice %arg6[%dma_wait3A_503, %dma_wait3A_504, %add3A, %dma_wait3A_515, %dma_wait3A_516] : memref<200x4x32x8x128xf32, #tpu.memory_space<hbm>> -> memref<1x1x1x8x128xf32, #tpu.memory_space<hbm>>
    %dma_wait3A_518 = tpu.memref_squeeze %dma_wait3A_517 : memref<1x1x1x8x128xf32, #tpu.memory_space<hbm>> -> memref<8x128xf32, #tpu.memory_space<hbm>>
    %dma_wait3A_519 = arith.constant 24 : i32
    %dma_wait3A_520 = arith.constant 0 : i32
    %dma_wait3A_521 = tpu.memref_slice %arg12[%rem3A_362, %dma_wait3A_519, %dma_wait3A_520] : memref<3x32x128xf32, #tpu.memory_space<vmem>> -> memref<1x8x128xf32, #tpu.memory_space<vmem>>
    %dma_wait3A_522 = tpu.memref_squeeze %dma_wait3A_521 : memref<1x8x128xf32, #tpu.memory_space<vmem>> -> memref<8x128xf32, #tpu.memory_space<vmem>>
    tpu.wait_dma2 semaphore(%dma_wait3A_514 : memref<!tpu.dma_semaphore, #tpu.memory_space<semaphore_mem>>) src(%dma_wait3A_522 : memref<8x128xf32, #tpu.memory_space<vmem>>) dst(%dma_wait3A_518 : memref<8x128xf32, #tpu.memory_space<hbm>>)
    %dma_wait3A_523 = arith.constant 199 : i32
    %dma_wait3A_524 = arith.constant 0 : i32
    %dma_wait3A_525 = arith.constant 0 : i32
    %dma_wait3A_526 = arith.constant 0 : i32
    %dma_wait3A_527 = tpu.memref_slice %arg13[%rem3A_362, %dma_wait3A_525, %dma_wait3A_526] : memref<3x64x128xf32, #tpu.memory_space<vmem>> -> memref<1x8x128xf32, #tpu.memory_space<vmem>>
    %dma_wait3A_528 = tpu.memref_squeeze %dma_wait3A_527 : memref<1x8x128xf32, #tpu.memory_space<vmem>> -> memref<8x128xf32, #tpu.memory_space<vmem>>
    %dma_wait3A_529 = arith.constant 0 : i32
    %dma_wait3A_530 = arith.constant 0 : i32
    %dma_wait3A_531 = tpu.memref_slice %arg7[%dma_wait3A_523, %dma_wait3A_524, %add3A, %dma_wait3A_529, %dma_wait3A_530] : memref<200x8x32x8x128xf32, #tpu.memory_space<hbm>> -> memref<1x1x1x8x128xf32, #tpu.memory_space<hbm>>
    %dma_wait3A_532 = tpu.memref_squeeze %dma_wait3A_531 : memref<1x1x1x8x128xf32, #tpu.memory_space<hbm>> -> memref<8x128xf32, #tpu.memory_space<hbm>>
    %dma_wait3A_533 = tpu.memref_slice %arg15[%rem3A_362] : memref<3x!tpu.dma_semaphore, #tpu.memory_space<semaphore_mem>> -> memref<1x!tpu.dma_semaphore, #tpu.memory_space<semaphore_mem>>
    %dma_wait3A_534 = tpu.memref_squeeze %dma_wait3A_533 : memref<1x!tpu.dma_semaphore, #tpu.memory_space<semaphore_mem>> -> memref<!tpu.dma_semaphore, #tpu.memory_space<semaphore_mem>>
    %dma_wait3A_535 = arith.constant 0 : i32
    %dma_wait3A_536 = arith.constant 0 : i32
    %dma_wait3A_537 = tpu.memref_slice %arg7[%dma_wait3A_523, %dma_wait3A_524, %add3A, %dma_wait3A_535, %dma_wait3A_536] : memref<200x8x32x8x128xf32, #tpu.memory_space<hbm>> -> memref<1x1x1x8x128xf32, #tpu.memory_space<hbm>>
    %dma_wait3A_538 = tpu.memref_squeeze %dma_wait3A_537 : memref<1x1x1x8x128xf32, #tpu.memory_space<hbm>> -> memref<8x128xf32, #tpu.memory_space<hbm>>
    %dma_wait3A_539 = arith.constant 0 : i32
    %dma_wait3A_540 = arith.constant 0 : i32
    %dma_wait3A_541 = tpu.memref_slice %arg13[%rem3A_362, %dma_wait3A_539, %dma_wait3A_540] : memref<3x64x128xf32, #tpu.memory_space<vmem>> -> memref<1x8x128xf32, #tpu.memory_space<vmem>>
    %dma_wait3A_542 = tpu.memref_squeeze %dma_wait3A_541 : memref<1x8x128xf32, #tpu.memory_space<vmem>> -> memref<8x128xf32, #tpu.memory_space<vmem>>
    tpu.wait_dma2 semaphore(%dma_wait3A_534 : memref<!tpu.dma_semaphore, #tpu.memory_space<semaphore_mem>>) src(%dma_wait3A_542 : memref<8x128xf32, #tpu.memory_space<vmem>>) dst(%dma_wait3A_538 : memref<8x128xf32, #tpu.memory_space<hbm>>)
    %dma_wait3A_543 = arith.constant 199 : i32
    %dma_wait3A_544 = arith.constant 1 : i32
    %dma_wait3A_545 = arith.constant 8 : i32
    %dma_wait3A_546 = arith.constant 0 : i32
    %dma_wait3A_547 = tpu.memref_slice %arg13[%rem3A_362, %dma_wait3A_545, %dma_wait3A_546] : memref<3x64x128xf32, #tpu.memory_space<vmem>> -> memref<1x8x128xf32, #tpu.memory_space<vmem>>
    %dma_wait3A_548 = tpu.memref_squeeze %dma_wait3A_547 : memref<1x8x128xf32, #tpu.memory_space<vmem>> -> memref<8x128xf32, #tpu.memory_space<vmem>>
    %dma_wait3A_549 = arith.constant 0 : i32
    %dma_wait3A_550 = arith.constant 0 : i32
    %dma_wait3A_551 = tpu.memref_slice %arg7[%dma_wait3A_543, %dma_wait3A_544, %add3A, %dma_wait3A_549, %dma_wait3A_550] : memref<200x8x32x8x128xf32, #tpu.memory_space<hbm>> -> memref<1x1x1x8x128xf32, #tpu.memory_space<hbm>>
    %dma_wait3A_552 = tpu.memref_squeeze %dma_wait3A_551 : memref<1x1x1x8x128xf32, #tpu.memory_space<hbm>> -> memref<8x128xf32, #tpu.memory_space<hbm>>
    %dma_wait3A_553 = tpu.memref_slice %arg15[%rem3A_362] : memref<3x!tpu.dma_semaphore, #tpu.memory_space<semaphore_mem>> -> memref<1x!tpu.dma_semaphore, #tpu.memory_space<semaphore_mem>>
    %dma_wait3A_554 = tpu.memref_squeeze %dma_wait3A_553 : memref<1x!tpu.dma_semaphore, #tpu.memory_space<semaphore_mem>> -> memref<!tpu.dma_semaphore, #tpu.memory_space<semaphore_mem>>
    %dma_wait3A_555 = arith.constant 0 : i32
    %dma_wait3A_556 = arith.constant 0 : i32
    %dma_wait3A_557 = tpu.memref_slice %arg7[%dma_wait3A_543, %dma_wait3A_544, %add3A, %dma_wait3A_555, %dma_wait3A_556] : memref<200x8x32x8x128xf32, #tpu.memory_space<hbm>> -> memref<1x1x1x8x128xf32, #tpu.memory_space<hbm>>
    %dma_wait3A_558 = tpu.memref_squeeze %dma_wait3A_557 : memref<1x1x1x8x128xf32, #tpu.memory_space<hbm>> -> memref<8x128xf32, #tpu.memory_space<hbm>>
    %dma_wait3A_559 = arith.constant 8 : i32
    %dma_wait3A_560 = arith.constant 0 : i32
    %dma_wait3A_561 = tpu.memref_slice %arg13[%rem3A_362, %dma_wait3A_559, %dma_wait3A_560] : memref<3x64x128xf32, #tpu.memory_space<vmem>> -> memref<1x8x128xf32, #tpu.memory_space<vmem>>
    %dma_wait3A_562 = tpu.memref_squeeze %dma_wait3A_561 : memref<1x8x128xf32, #tpu.memory_space<vmem>> -> memref<8x128xf32, #tpu.memory_space<vmem>>
    tpu.wait_dma2 semaphore(%dma_wait3A_554 : memref<!tpu.dma_semaphore, #tpu.memory_space<semaphore_mem>>) src(%dma_wait3A_562 : memref<8x128xf32, #tpu.memory_space<vmem>>) dst(%dma_wait3A_558 : memref<8x128xf32, #tpu.memory_space<hbm>>)
    %dma_wait3A_563 = arith.constant 199 : i32
    %dma_wait3A_564 = arith.constant 2 : i32
    %dma_wait3A_565 = arith.constant 16 : i32
    %dma_wait3A_566 = arith.constant 0 : i32
    %dma_wait3A_567 = tpu.memref_slice %arg13[%rem3A_362, %dma_wait3A_565, %dma_wait3A_566] : memref<3x64x128xf32, #tpu.memory_space<vmem>> -> memref<1x8x128xf32, #tpu.memory_space<vmem>>
    %dma_wait3A_568 = tpu.memref_squeeze %dma_wait3A_567 : memref<1x8x128xf32, #tpu.memory_space<vmem>> -> memref<8x128xf32, #tpu.memory_space<vmem>>
    %dma_wait3A_569 = arith.constant 0 : i32
    %dma_wait3A_570 = arith.constant 0 : i32
    %dma_wait3A_571 = tpu.memref_slice %arg7[%dma_wait3A_563, %dma_wait3A_564, %add3A, %dma_wait3A_569, %dma_wait3A_570] : memref<200x8x32x8x128xf32, #tpu.memory_space<hbm>> -> memref<1x1x1x8x128xf32, #tpu.memory_space<hbm>>
    %dma_wait3A_572 = tpu.memref_squeeze %dma_wait3A_571 : memref<1x1x1x8x128xf32, #tpu.memory_space<hbm>> -> memref<8x128xf32, #tpu.memory_space<hbm>>
    %dma_wait3A_573 = tpu.memref_slice %arg15[%rem3A_362] : memref<3x!tpu.dma_semaphore, #tpu.memory_space<semaphore_mem>> -> memref<1x!tpu.dma_semaphore, #tpu.memory_space<semaphore_mem>>
    %dma_wait3A_574 = tpu.memref_squeeze %dma_wait3A_573 : memref<1x!tpu.dma_semaphore, #tpu.memory_space<semaphore_mem>> -> memref<!tpu.dma_semaphore, #tpu.memory_space<semaphore_mem>>
    %dma_wait3A_575 = arith.constant 0 : i32
    %dma_wait3A_576 = arith.constant 0 : i32
    %dma_wait3A_577 = tpu.memref_slice %arg7[%dma_wait3A_563, %dma_wait3A_564, %add3A, %dma_wait3A_575, %dma_wait3A_576] : memref<200x8x32x8x128xf32, #tpu.memory_space<hbm>> -> memref<1x1x1x8x128xf32, #tpu.memory_space<hbm>>
    %dma_wait3A_578 = tpu.memref_squeeze %dma_wait3A_577 : memref<1x1x1x8x128xf32, #tpu.memory_space<hbm>> -> memref<8x128xf32, #tpu.memory_space<hbm>>
    %dma_wait3A_579 = arith.constant 16 : i32
    %dma_wait3A_580 = arith.constant 0 : i32
    %dma_wait3A_581 = tpu.memref_slice %arg13[%rem3A_362, %dma_wait3A_579, %dma_wait3A_580] : memref<3x64x128xf32, #tpu.memory_space<vmem>> -> memref<1x8x128xf32, #tpu.memory_space<vmem>>
    %dma_wait3A_582 = tpu.memref_squeeze %dma_wait3A_581 : memref<1x8x128xf32, #tpu.memory_space<vmem>> -> memref<8x128xf32, #tpu.memory_space<vmem>>
    tpu.wait_dma2 semaphore(%dma_wait3A_574 : memref<!tpu.dma_semaphore, #tpu.memory_space<semaphore_mem>>) src(%dma_wait3A_582 : memref<8x128xf32, #tpu.memory_space<vmem>>) dst(%dma_wait3A_578 : memref<8x128xf32, #tpu.memory_space<hbm>>)
    %dma_wait3A_583 = arith.constant 199 : i32
    %dma_wait3A_584 = arith.constant 3 : i32
    %dma_wait3A_585 = arith.constant 24 : i32
    %dma_wait3A_586 = arith.constant 0 : i32
    %dma_wait3A_587 = tpu.memref_slice %arg13[%rem3A_362, %dma_wait3A_585, %dma_wait3A_586] : memref<3x64x128xf32, #tpu.memory_space<vmem>> -> memref<1x8x128xf32, #tpu.memory_space<vmem>>
    %dma_wait3A_588 = tpu.memref_squeeze %dma_wait3A_587 : memref<1x8x128xf32, #tpu.memory_space<vmem>> -> memref<8x128xf32, #tpu.memory_space<vmem>>
    %dma_wait3A_589 = arith.constant 0 : i32
    %dma_wait3A_590 = arith.constant 0 : i32
    %dma_wait3A_591 = tpu.memref_slice %arg7[%dma_wait3A_583, %dma_wait3A_584, %add3A, %dma_wait3A_589, %dma_wait3A_590] : memref<200x8x32x8x128xf32, #tpu.memory_space<hbm>> -> memref<1x1x1x8x128xf32, #tpu.memory_space<hbm>>
    %dma_wait3A_592 = tpu.memref_squeeze %dma_wait3A_591 : memref<1x1x1x8x128xf32, #tpu.memory_space<hbm>> -> memref<8x128xf32, #tpu.memory_space<hbm>>
    %dma_wait3A_593 = tpu.memref_slice %arg15[%rem3A_362] : memref<3x!tpu.dma_semaphore, #tpu.memory_space<semaphore_mem>> -> memref<1x!tpu.dma_semaphore, #tpu.memory_space<semaphore_mem>>
    %dma_wait3A_594 = tpu.memref_squeeze %dma_wait3A_593 : memref<1x!tpu.dma_semaphore, #tpu.memory_space<semaphore_mem>> -> memref<!tpu.dma_semaphore, #tpu.memory_space<semaphore_mem>>
    %dma_wait3A_595 = arith.constant 0 : i32
    %dma_wait3A_596 = arith.constant 0 : i32
    %dma_wait3A_597 = tpu.memref_slice %arg7[%dma_wait3A_583, %dma_wait3A_584, %add3A, %dma_wait3A_595, %dma_wait3A_596] : memref<200x8x32x8x128xf32, #tpu.memory_space<hbm>> -> memref<1x1x1x8x128xf32, #tpu.memory_space<hbm>>
    %dma_wait3A_598 = tpu.memref_squeeze %dma_wait3A_597 : memref<1x1x1x8x128xf32, #tpu.memory_space<hbm>> -> memref<8x128xf32, #tpu.memory_space<hbm>>
    %dma_wait3A_599 = arith.constant 24 : i32
    %dma_wait3A_600 = arith.constant 0 : i32
    %dma_wait3A_601 = tpu.memref_slice %arg13[%rem3A_362, %dma_wait3A_599, %dma_wait3A_600] : memref<3x64x128xf32, #tpu.memory_space<vmem>> -> memref<1x8x128xf32, #tpu.memory_space<vmem>>
    %dma_wait3A_602 = tpu.memref_squeeze %dma_wait3A_601 : memref<1x8x128xf32, #tpu.memory_space<vmem>> -> memref<8x128xf32, #tpu.memory_space<vmem>>
    tpu.wait_dma2 semaphore(%dma_wait3A_594 : memref<!tpu.dma_semaphore, #tpu.memory_space<semaphore_mem>>) src(%dma_wait3A_602 : memref<8x128xf32, #tpu.memory_space<vmem>>) dst(%dma_wait3A_598 : memref<8x128xf32, #tpu.memory_space<hbm>>)
    %dma_wait3A_603 = arith.constant 199 : i32
    %dma_wait3A_604 = arith.constant 4 : i32
    %dma_wait3A_605 = arith.constant 32 : i32
    %dma_wait3A_606 = arith.constant 0 : i32
    %dma_wait3A_607 = tpu.memref_slice %arg13[%rem3A_362, %dma_wait3A_605, %dma_wait3A_606] : memref<3x64x128xf32, #tpu.memory_space<vmem>> -> memref<1x8x128xf32, #tpu.memory_space<vmem>>
    %dma_wait3A_608 = tpu.memref_squeeze %dma_wait3A_607 : memref<1x8x128xf32, #tpu.memory_space<vmem>> -> memref<8x128xf32, #tpu.memory_space<vmem>>
    %dma_wait3A_609 = arith.constant 0 : i32
    %dma_wait3A_610 = arith.constant 0 : i32
    %dma_wait3A_611 = tpu.memref_slice %arg7[%dma_wait3A_603, %dma_wait3A_604, %add3A, %dma_wait3A_609, %dma_wait3A_610] : memref<200x8x32x8x128xf32, #tpu.memory_space<hbm>> -> memref<1x1x1x8x128xf32, #tpu.memory_space<hbm>>
    %dma_wait3A_612 = tpu.memref_squeeze %dma_wait3A_611 : memref<1x1x1x8x128xf32, #tpu.memory_space<hbm>> -> memref<8x128xf32, #tpu.memory_space<hbm>>
    %dma_wait3A_613 = tpu.memref_slice %arg15[%rem3A_362] : memref<3x!tpu.dma_semaphore, #tpu.memory_space<semaphore_mem>> -> memref<1x!tpu.dma_semaphore, #tpu.memory_space<semaphore_mem>>
    %dma_wait3A_614 = tpu.memref_squeeze %dma_wait3A_613 : memref<1x!tpu.dma_semaphore, #tpu.memory_space<semaphore_mem>> -> memref<!tpu.dma_semaphore, #tpu.memory_space<semaphore_mem>>
    %dma_wait3A_615 = arith.constant 0 : i32
    %dma_wait3A_616 = arith.constant 0 : i32
    %dma_wait3A_617 = tpu.memref_slice %arg7[%dma_wait3A_603, %dma_wait3A_604, %add3A, %dma_wait3A_615, %dma_wait3A_616] : memref<200x8x32x8x128xf32, #tpu.memory_space<hbm>> -> memref<1x1x1x8x128xf32, #tpu.memory_space<hbm>>
    %dma_wait3A_618 = tpu.memref_squeeze %dma_wait3A_617 : memref<1x1x1x8x128xf32, #tpu.memory_space<hbm>> -> memref<8x128xf32, #tpu.memory_space<hbm>>
    %dma_wait3A_619 = arith.constant 32 : i32
    %dma_wait3A_620 = arith.constant 0 : i32
    %dma_wait3A_621 = tpu.memref_slice %arg13[%rem3A_362, %dma_wait3A_619, %dma_wait3A_620] : memref<3x64x128xf32, #tpu.memory_space<vmem>> -> memref<1x8x128xf32, #tpu.memory_space<vmem>>
    %dma_wait3A_622 = tpu.memref_squeeze %dma_wait3A_621 : memref<1x8x128xf32, #tpu.memory_space<vmem>> -> memref<8x128xf32, #tpu.memory_space<vmem>>
    tpu.wait_dma2 semaphore(%dma_wait3A_614 : memref<!tpu.dma_semaphore, #tpu.memory_space<semaphore_mem>>) src(%dma_wait3A_622 : memref<8x128xf32, #tpu.memory_space<vmem>>) dst(%dma_wait3A_618 : memref<8x128xf32, #tpu.memory_space<hbm>>)
    %dma_wait3A_623 = arith.constant 199 : i32
    %dma_wait3A_624 = arith.constant 5 : i32
    %dma_wait3A_625 = arith.constant 40 : i32
    %dma_wait3A_626 = arith.constant 0 : i32
    %dma_wait3A_627 = tpu.memref_slice %arg13[%rem3A_362, %dma_wait3A_625, %dma_wait3A_626] : memref<3x64x128xf32, #tpu.memory_space<vmem>> -> memref<1x8x128xf32, #tpu.memory_space<vmem>>
    %dma_wait3A_628 = tpu.memref_squeeze %dma_wait3A_627 : memref<1x8x128xf32, #tpu.memory_space<vmem>> -> memref<8x128xf32, #tpu.memory_space<vmem>>
    %dma_wait3A_629 = arith.constant 0 : i32
    %dma_wait3A_630 = arith.constant 0 : i32
    %dma_wait3A_631 = tpu.memref_slice %arg7[%dma_wait3A_623, %dma_wait3A_624, %add3A, %dma_wait3A_629, %dma_wait3A_630] : memref<200x8x32x8x128xf32, #tpu.memory_space<hbm>> -> memref<1x1x1x8x128xf32, #tpu.memory_space<hbm>>
    %dma_wait3A_632 = tpu.memref_squeeze %dma_wait3A_631 : memref<1x1x1x8x128xf32, #tpu.memory_space<hbm>> -> memref<8x128xf32, #tpu.memory_space<hbm>>
    %dma_wait3A_633 = tpu.memref_slice %arg15[%rem3A_362] : memref<3x!tpu.dma_semaphore, #tpu.memory_space<semaphore_mem>> -> memref<1x!tpu.dma_semaphore, #tpu.memory_space<semaphore_mem>>
    %dma_wait3A_634 = tpu.memref_squeeze %dma_wait3A_633 : memref<1x!tpu.dma_semaphore, #tpu.memory_space<semaphore_mem>> -> memref<!tpu.dma_semaphore, #tpu.memory_space<semaphore_mem>>
    %dma_wait3A_635 = arith.constant 0 : i32
    %dma_wait3A_636 = arith.constant 0 : i32
    %dma_wait3A_637 = tpu.memref_slice %arg7[%dma_wait3A_623, %dma_wait3A_624, %add3A, %dma_wait3A_635, %dma_wait3A_636] : memref<200x8x32x8x128xf32, #tpu.memory_space<hbm>> -> memref<1x1x1x8x128xf32, #tpu.memory_space<hbm>>
    %dma_wait3A_638 = tpu.memref_squeeze %dma_wait3A_637 : memref<1x1x1x8x128xf32, #tpu.memory_space<hbm>> -> memref<8x128xf32, #tpu.memory_space<hbm>>
    %dma_wait3A_639 = arith.constant 40 : i32
    %dma_wait3A_640 = arith.constant 0 : i32
    %dma_wait3A_641 = tpu.memref_slice %arg13[%rem3A_362, %dma_wait3A_639, %dma_wait3A_640] : memref<3x64x128xf32, #tpu.memory_space<vmem>> -> memref<1x8x128xf32, #tpu.memory_space<vmem>>
    %dma_wait3A_642 = tpu.memref_squeeze %dma_wait3A_641 : memref<1x8x128xf32, #tpu.memory_space<vmem>> -> memref<8x128xf32, #tpu.memory_space<vmem>>
    tpu.wait_dma2 semaphore(%dma_wait3A_634 : memref<!tpu.dma_semaphore, #tpu.memory_space<semaphore_mem>>) src(%dma_wait3A_642 : memref<8x128xf32, #tpu.memory_space<vmem>>) dst(%dma_wait3A_638 : memref<8x128xf32, #tpu.memory_space<hbm>>)
    %dma_wait3A_643 = arith.constant 199 : i32
    %dma_wait3A_644 = arith.constant 6 : i32
    %dma_wait3A_645 = arith.constant 48 : i32
    %dma_wait3A_646 = arith.constant 0 : i32
    %dma_wait3A_647 = tpu.memref_slice %arg13[%rem3A_362, %dma_wait3A_645, %dma_wait3A_646] : memref<3x64x128xf32, #tpu.memory_space<vmem>> -> memref<1x8x128xf32, #tpu.memory_space<vmem>>
    %dma_wait3A_648 = tpu.memref_squeeze %dma_wait3A_647 : memref<1x8x128xf32, #tpu.memory_space<vmem>> -> memref<8x128xf32, #tpu.memory_space<vmem>>
    %dma_wait3A_649 = arith.constant 0 : i32
    %dma_wait3A_650 = arith.constant 0 : i32
    %dma_wait3A_651 = tpu.memref_slice %arg7[%dma_wait3A_643, %dma_wait3A_644, %add3A, %dma_wait3A_649, %dma_wait3A_650] : memref<200x8x32x8x128xf32, #tpu.memory_space<hbm>> -> memref<1x1x1x8x128xf32, #tpu.memory_space<hbm>>
    %dma_wait3A_652 = tpu.memref_squeeze %dma_wait3A_651 : memref<1x1x1x8x128xf32, #tpu.memory_space<hbm>> -> memref<8x128xf32, #tpu.memory_space<hbm>>
    %dma_wait3A_653 = tpu.memref_slice %arg15[%rem3A_362] : memref<3x!tpu.dma_semaphore, #tpu.memory_space<semaphore_mem>> -> memref<1x!tpu.dma_semaphore, #tpu.memory_space<semaphore_mem>>
    %dma_wait3A_654 = tpu.memref_squeeze %dma_wait3A_653 : memref<1x!tpu.dma_semaphore, #tpu.memory_space<semaphore_mem>> -> memref<!tpu.dma_semaphore, #tpu.memory_space<semaphore_mem>>
    %dma_wait3A_655 = arith.constant 0 : i32
    %dma_wait3A_656 = arith.constant 0 : i32
    %dma_wait3A_657 = tpu.memref_slice %arg7[%dma_wait3A_643, %dma_wait3A_644, %add3A, %dma_wait3A_655, %dma_wait3A_656] : memref<200x8x32x8x128xf32, #tpu.memory_space<hbm>> -> memref<1x1x1x8x128xf32, #tpu.memory_space<hbm>>
    %dma_wait3A_658 = tpu.memref_squeeze %dma_wait3A_657 : memref<1x1x1x8x128xf32, #tpu.memory_space<hbm>> -> memref<8x128xf32, #tpu.memory_space<hbm>>
    %dma_wait3A_659 = arith.constant 48 : i32
    %dma_wait3A_660 = arith.constant 0 : i32
    %dma_wait3A_661 = tpu.memref_slice %arg13[%rem3A_362, %dma_wait3A_659, %dma_wait3A_660] : memref<3x64x128xf32, #tpu.memory_space<vmem>> -> memref<1x8x128xf32, #tpu.memory_space<vmem>>
    %dma_wait3A_662 = tpu.memref_squeeze %dma_wait3A_661 : memref<1x8x128xf32, #tpu.memory_space<vmem>> -> memref<8x128xf32, #tpu.memory_space<vmem>>
    tpu.wait_dma2 semaphore(%dma_wait3A_654 : memref<!tpu.dma_semaphore, #tpu.memory_space<semaphore_mem>>) src(%dma_wait3A_662 : memref<8x128xf32, #tpu.memory_space<vmem>>) dst(%dma_wait3A_658 : memref<8x128xf32, #tpu.memory_space<hbm>>)
    %dma_wait3A_663 = arith.constant 199 : i32
    %dma_wait3A_664 = arith.constant 7 : i32
    %dma_wait3A_665 = arith.constant 56 : i32
    %dma_wait3A_666 = arith.constant 0 : i32
    %dma_wait3A_667 = tpu.memref_slice %arg13[%rem3A_362, %dma_wait3A_665, %dma_wait3A_666] : memref<3x64x128xf32, #tpu.memory_space<vmem>> -> memref<1x8x128xf32, #tpu.memory_space<vmem>>
    %dma_wait3A_668 = tpu.memref_squeeze %dma_wait3A_667 : memref<1x8x128xf32, #tpu.memory_space<vmem>> -> memref<8x128xf32, #tpu.memory_space<vmem>>
    %dma_wait3A_669 = arith.constant 0 : i32
    %dma_wait3A_670 = arith.constant 0 : i32
    %dma_wait3A_671 = tpu.memref_slice %arg7[%dma_wait3A_663, %dma_wait3A_664, %add3A, %dma_wait3A_669, %dma_wait3A_670] : memref<200x8x32x8x128xf32, #tpu.memory_space<hbm>> -> memref<1x1x1x8x128xf32, #tpu.memory_space<hbm>>
    %dma_wait3A_672 = tpu.memref_squeeze %dma_wait3A_671 : memref<1x1x1x8x128xf32, #tpu.memory_space<hbm>> -> memref<8x128xf32, #tpu.memory_space<hbm>>
    %dma_wait3A_673 = tpu.memref_slice %arg15[%rem3A_362] : memref<3x!tpu.dma_semaphore, #tpu.memory_space<semaphore_mem>> -> memref<1x!tpu.dma_semaphore, #tpu.memory_space<semaphore_mem>>
    %dma_wait3A_674 = tpu.memref_squeeze %dma_wait3A_673 : memref<1x!tpu.dma_semaphore, #tpu.memory_space<semaphore_mem>> -> memref<!tpu.dma_semaphore, #tpu.memory_space<semaphore_mem>>
    %dma_wait3A_675 = arith.constant 0 : i32
    %dma_wait3A_676 = arith.constant 0 : i32
    %dma_wait3A_677 = tpu.memref_slice %arg7[%dma_wait3A_663, %dma_wait3A_664, %add3A, %dma_wait3A_675, %dma_wait3A_676] : memref<200x8x32x8x128xf32, #tpu.memory_space<hbm>> -> memref<1x1x1x8x128xf32, #tpu.memory_space<hbm>>
    %dma_wait3A_678 = tpu.memref_squeeze %dma_wait3A_677 : memref<1x1x1x8x128xf32, #tpu.memory_space<hbm>> -> memref<8x128xf32, #tpu.memory_space<hbm>>
    %dma_wait3A_679 = arith.constant 56 : i32
    %dma_wait3A_680 = arith.constant 0 : i32
    %dma_wait3A_681 = tpu.memref_slice %arg13[%rem3A_362, %dma_wait3A_679, %dma_wait3A_680] : memref<3x64x128xf32, #tpu.memory_space<vmem>> -> memref<1x8x128xf32, #tpu.memory_space<vmem>>
    %dma_wait3A_682 = tpu.memref_squeeze %dma_wait3A_681 : memref<1x8x128xf32, #tpu.memory_space<vmem>> -> memref<8x128xf32, #tpu.memory_space<vmem>>
    tpu.wait_dma2 semaphore(%dma_wait3A_674 : memref<!tpu.dma_semaphore, #tpu.memory_space<semaphore_mem>>) src(%dma_wait3A_682 : memref<8x128xf32, #tpu.memory_space<vmem>>) dst(%dma_wait3A_678 : memref<8x128xf32, #tpu.memory_space<hbm>>)
    return
  }
}

</mosaic_0001>

<sc_bundles>
// kernel: kernel.3.cloned.1.call-start
scs
__scs_entry_jumppad:
0x0: {  	(pc) =	sbr.rel $0x88, $3  }
0x1: {  	(tag) =	ssettag $0x0;
	lr =	simm.s32 $0x1  }
0x2: {  	[smem:$0x3F9E] =	sst lr;
	_ =	strace $0xD0000000  }
0x3: {  	_ = 	snop  }
0x4: {  	_ = 	snop  }
0x5: {  	_ = 	snop  }
0x6: {  	_ = 	snop  }
0x7: {  	_ = 	snop  }
__scs_overlays_trampoline_lowered:
0x8: {  	[smem:$0x3FAD] =	sst s0  }
0x9: {  	[smem:$0x3FAE] =	sst s1  }
0xa: {  	[smem:$0x3FAF] =	sst s2  }
0xb: {  	[smem:$0x3FB0] =	sst s3  }
0xc: {  	[smem:$0x3FB1] =	sst s4  }
0xd: {  	[smem:$0x3FB2] =	sst s5  }
0xe: {  	[smem:$0x3FB3] =	sst s6  }
0xf: {  	[smem:$0x3FB4] =	sst s7  }
0x10: {  	[smem:$0x3FB5] =	sst s8  }
0x11: {  	[smem:$0x3FB6] =	sst s9;
	s0 =	simm.s32 @!p0 $0x0  }
0x12: {  	s1 =	sld [smem:$0x3F9C];
	s0 =	simm.s32 @p0 $0x1  }
0x13: {  	[smem:$0x3FB7] =	sst s0;
	s0 =	simm.s32 @!p1 $0x0  }
0x14: {  	s2 =	sld [smem:$0x3F9B];
	s0 =	simm.s32 @p1 $0x1  }
0x15: {  	[smem:$0x3FB8] =	sst s0;
	s0 =	simm.s32 @!p2 $0x0  }
0x16: {  	s3 =	sld [smem:$0x3FDB];
	s0 =	simm.s32 @p2 $0x1  }
0x17: {  	s4 =	simm.s32 $0x1BF5;
	[smem:$0x3FBA] =	sst s0  }
0x18: {  	s0 =	sld [smem:$0x3F9D];
	_ =	swait.ge [sflag:s4], $0x0  }
0x19: {  	s7 =	sld [smem:$0x3F9E]  }
0x1a: {  	s8 =	sadd.s32 $0xFFFFE003, lr  }
0x1b: {  	s9 =	sadd.s32 $0xFFFFFEF7, lr;
	s5 =	simm.s32 $0xFFFFFFFF;
	p2 =	slt.u32 s8, $0xFFFFF086  }
0x1c: {  	p1 =	slt.u32 s9, $0xF7A;
	s5 =	simm.s32 @!p2 $0x0  }
0x1d: {  	s5 =	simm.s32 @p1 $0x1;
	p0 =	seq.s32 s7, s2  }
0x1e: {  	s7 =	smul.u32 @!p0 $0xF7A, s2;
	p2 =	seq.s32 @!p0 s5, $0x0  }
0x1f: {  	s9 =	smul.u32 $0xF7A, s1;
	s8 =	simm.s32 @!p0 $0x1BF5;
	p2 =	por !p2, p0  }
0x20: {  	[sflag:s8] =	ssyncset.s32 @!p0 $0xFFFFF086;
	s6 =	sadd.s32 @!p0 s3, s7;
	s7 =	simm.s32 @!p0 $0x108  }
0x21: {  	s3 =	sadd.s32 s3, s9;
	s6 =	sadd.s32 @!p0 $0x88, s6;
	s7 =	simm.s32 @p2 $0x1082  }
0x22: {  	[simem:s7], [sflag:s8] =	dma.local @!p0 [hbm:s6], $0xF7A  }
0x23: {  	s9 =	sor.u32 $0xD0000000, s2;
	s6 =	simm.s32 $0x108;
	_ =	swait.ge @!p0 [sflag:s8], $0x0  }
0x24: {  	s3 =	sadd.s32 $0x88, s3;
	s6 =	simm.s32 @!p1 $0x1082;
	[sflag:s4] =	ssyncset.s32 $0xFFFFF086  }
0x25: {  	[simem:s6], [sflag:s4] =	dma.local [hbm:s3], $0xF7A  }
0x26: {  	[smem:$0x3F9E] =	sst s1;
	(tag) =	ssettag s2;
	_ =	strace s9  }
0x27: {  	s1 =	sld [smem:$0x3FAE]  }
0x28: {  	s2 =	sld [smem:$0x3FAF]  }
0x29: {  	s4 =	sld [smem:$0x3FB1]  }
0x2a: {  	p0 =	seq.s32 s5, $0x0;
	s5 =	sld [smem:$0x3FB2]  }
0x2b: {  	s6 =	sld [smem:$0x3FB3]  }
0x2c: {  	s7 =	sld [smem:$0x3FB4]  }
0x2d: {  	s3 =	simm.s32 $0x108;
	s8 =	sld [smem:$0x3FB5]  }
0x2e: {  	s3 =	simm.s32 @!p0 $0x1082;
	s9 =	sld [smem:$0x3FB6]  }
0x2f: {  	lr =	sadd.s32 s0, s3;
	s0 =	sld [smem:$0x3FAD]  }
0x30: {  	s3 =	sld [smem:$0x3FB0]  }
0x31: {  	[smem:$0x3FB9] =	sst s10  }
0x32: {  	s10 =	sld [smem:$0x3FB7];
	_ =	sdelay $0x3  }
0x33: {  	p0 =	seq.s32 s10, $0x1;
	s10 =	sld [smem:$0x3FB9];
	_ =	sdelay $0x3  }
0x34: {  	[smem:$0x3FB9] =	sst s10  }
0x35: {  	s10 =	sld [smem:$0x3FB8];
	_ =	sdelay $0x3  }
0x36: {  	p1 =	seq.s32 s10, $0x1;
	s10 =	sld [smem:$0x3FB9];
	_ =	sdelay $0x3  }
0x37: {  	[smem:$0x3FB9] =	sst s10  }
0x38: {  	s10 =	sld [smem:$0x3FBA]  }
0x39: {  	_ = 	snop;
	(pc) =	sbr.ind lr, $3  }
0x3a: {  	_ = 	snop  }
0x3b: {  	_ = 	snop  }
0x3c: {  	p2 =	seq.s32 s10, $0x1;
	s10 =	sld [smem:$0x3FB9]  }
0x3d: {  	_ =	shalt  }
0x3e: {  	_ =	shalt  }
0x3f: {  	_ =	shalt  }
0x40: {  	_ =	shalt  }
0x41: {  	_ =	shalt  }
0x42: {  	_ =	shalt  }
0x43: {  	_ =	shalt  }
0x44: {  	_ =	shalt  }
0x45: {  	_ =	shalt  }
0x46: {  	_ =	shalt  }
0x47: {  	_ =	shalt  }
0x48: {  	_ =	shalt  }
0x49: {  	_ =	shalt  }
0x4a: {  	_ =	shalt  }
0x4b: {  	_ =	shalt  }
0x4c: {  	_ =	shalt  }
0x4d: {  	_ =	shalt  }
0x4e: {  	_ =	shalt  }
0x4f: {  	_ =	shalt  }
0x50: {  	_ =	shalt  }
0x51: {  	_ =	shalt  }
0x52: {  	_ =	shalt  }
0x53: {  	_ =	shalt  }
0x54: {  	_ =	shalt  }
0x55: {  	_ =	shalt  }
0x56: {  	_ =	shalt  }
0x57: {  	_ =	shalt  }
0x58: {  	_ =	shalt  }
0x59: {  	_ =	shalt  }
0x5a: {  	_ =	shalt  }
0x5b: {  	_ =	shalt  }
0x5c: {  	_ =	shalt  }
0x5d: {  	_ =	shalt  }
0x5e: {  	_ =	shalt  }
0x5f: {  	_ =	shalt  }
0x60: {  	_ =	shalt  }
0x61: {  	_ =	shalt  }
0x62: {  	_ =	shalt  }
0x63: {  	_ =	shalt  }
0x64: {  	_ =	shalt  }
0x65: {  	_ =	shalt  }
0x66: {  	_ =	shalt  }
0x67: {  	_ =	shalt  }
0x68: {  	_ =	shalt  }
0x69: {  	_ =	shalt  }
0x6a: {  	_ =	shalt  }
0x6b: {  	_ =	shalt  }
0x6c: {  	_ =	shalt  }
0x6d: {  	_ =	shalt  }
0x6e: {  	_ =	shalt  }
0x6f: {  	_ =	shalt  }
0x70: {  	_ =	shalt  }
0x71: {  	_ =	shalt  }
0x72: {  	_ =	shalt  }
0x73: {  	_ =	shalt  }
0x74: {  	_ =	shalt  }
0x75: {  	_ =	shalt  }
0x76: {  	_ =	shalt  }
0x77: {  	_ =	shalt  }
0x78: {  	_ =	shalt  }
0x79: {  	_ =	shalt  }
0x7a: {  	_ =	shalt  }
0x7b: {  	_ =	shalt  }
0x7c: {  	_ =	shalt  }
0x7d: {  	_ =	shalt  }
0x7e: {  	_ =	shalt  }
0x7f: {  	_ =	shalt  }
0x80: {  	_ =	shalt  }
0x81: {  	_ =	shalt  }
0x82: {  	_ =	shalt  }
0x83: {  	_ =	shalt  }
0x84: {  	_ =	shalt  }
0x85: {  	_ =	shalt  }
0x86: {  	_ =	shalt  }
0x87: {  	_ =	shalt  }
.Lfunc_end0:
.L_simem_size_0:
called_computation_lowered:
.L_overlay_start_0:
0x88: {  	s2 =	sld [smem:$0x3FD9]  }
0x89: {  	s3 =	sld [smem:$0x3FFE];
	_ =	sdelay $0x1  }
0x8a: {  	s1 =	srdreg.scid  }
0x8b: {  	s0 =	sand.u32 $0x1, s1  }
0x8c: {  	s14 =	sshll.u32 s0, $0xA;
	s2 =	sadd.s32 s3, s2  }
0x8d: {  	s2 =	sadd.s32 s2, s14  }
0x8e: {  	[smem:$0x3FC5] =	sst s2  }
0x8f: {  	_ = 	snop  }
0x90: {  	s2 =	sld [smem:$0x3FD0];
	_ =	sdelay $0x2  }
0x91: {  	s15 =	simm.s32 $0xA;
	s4 =	simm.s32 $0x10  }
0x92: {  	[smem:s4], [sflag:s15] =	dma.local [hbm:s2], $0x1  }
0x93: {  	_ =	swait.eq [sflag:s15], $0x1  }
0x94: {  	s16 =	sld [smem:$0x10];
	[sflag:s15] =	ssyncset.done $0x0  }
0x95: {  	s17 =	sld [smem:$0x11];
	[sflag:s15] =	ssyncadd.s32 $0xFFFFFFFF  }
0x96: {  	s18 =	sld [smem:$0x12];
	(tm) =	ssettm $0x1  }
0x97: {  	s5 =	sld [smem:$0x3FFB];
	_ =	sdelay $0x3  }
0x98: {  	_ =	strace s5  }
0x99: {  	s5 =	sld [smem:$0x3FFC];
	_ =	sdelay $0x3  }
0x9a: {  	_ =	strace s5  }
0x9b: {  	s5 =	sld [smem:$0x3FFD];
	_ =	sdelay $0x3  }
0x9c: {  	_ =	strace s5  }
0x9d: {  	_ =	strace $0x8FFFFFFF  }
0x9e: {  	s19 =	sld [smem:$0x3FDB];
	_ =	sdelay $0x1  }
0x9f: {  	s6 =	simm.s32 $_scs_section_size  }
0xa0: {  	s7 =	simm.s32 $_size__tile_overlayer_lowered;
	s8 =	simm.s32 $_tile_overlayer_lowered  }
0xa1: {  	s22 =	simm.s32 $0x1BFF;
	s21 =	sshll.u32 s8, $0x1;
	s5 =	sadd.s32 s6, s19  }
0xa2: {  	s9 =	simm.s32 $0x0;
	s20 =	sshll.u32 s7, $0x1;
	s7 =	sadd.s32 s21, s5  }
0xa3: {  	[timem:s9], [sflag:s22] =	dma.local [hbm:s7], s20  }
0xa4: {  	_ =	swait.ge [sflag:s22], s20  }
0xa5: {  	s6 =	ssub.s32 $0x0, s20;
	[sflag:s22] =	ssyncset.done $0x0  }
0xa6: {  	[sflag:s22] =	ssyncadd.s32 s6;
	_ =	sdelay $0x1  }
0xa7: {  	s23 =	simm.s32 $0x1B8B  }
0xa8: {  	_ =	swait.ge [sflag:s23], $0x1  }
0xa9: {  	[sflag:s23] =	ssyncset.done $0x0  }
0xaa: {  	s25 =	simm.s32 $0x1B8E;
	s24 =	sld [smem:$0x3FFE];
	[sflag:s23] =	ssyncadd.s32 $0xFFFFFFFF  }
0xab: {  	s26 =	simm.s32 $execute0_lowered;
	[smem:$0x3FD2] =	sst s25  }
0xac: {  	s7 =	sshll.u32 s26, $0x1;
	_ =	strace $0x80000046;
	[dreg:$0x1] =	wrdreg $0xFFFFFFFF  }
0xad: {  	s28 =	simm.s32 $_size_execute0_lowered;
	s5 =	sadd.s32 s5, s7;
	[dreg:$0x0] =	wrdreg $0x0  }
0xae: {  	s7 =	sshll.u32 s28, $0x1;
	[dreg:$0x2] =	wrdreg s5  }
0xaf: {  	[dreg:$0x3] =	wrdreg s7  }
0xb0: {  	[dreg:$0x4] =	wrdreg $0xC0  }
0xb1: {  	_ =	task [dreg:s9], $0x5FFFF  }
0xb2: {  	[dreg:$0x1] =	wrdreg $0xFFFFFFFF  }
0xb3: {  	[dreg:$0x0] =	wrdreg $0x60  }
0xb4: {  	[dreg:$0x2] =	wrdreg s24  }
0xb5: {  	[dreg:$0x3] =	wrdreg s16  }
0xb6: {  	[dreg:$0x4] =	wrdreg s17  }
0xb7: {  	[dreg:$0x5] =	wrdreg s18  }
0xb8: {  	[dreg:$0x6] =	wrdreg $0x9  }
0xb9: {  	_ =	task.clear_ibuf [dreg:s9], $0x7FFFF;
	_ =	strace $0x90000046  }
0xba: {  	s29 =	simm.s32 $0x9;
	_ =	strace $0x80000048  }
0xbb: {  	_ =	swait.ge [sflag:s29], $0x1  }
0xbc: {  	[sflag:s29] =	ssyncadd.s32 $0xFFFFFFFF  }
0xbd: {  	_ =	strace $0x90000048  }
0xbe: {  	_ =	sfence  }
0xbf: {  	s30 =	sld [smem:$0x0];
	_ =	sdelay $0x2  }
0xc0: {  	s31 =	sshll.u32 s1, $0xD;
	s1 =	sshrl.u32 s1, $0x2  }
0xc1: {  	s3 =	sand.u32 $0x4000, s31;
	s1 =	sadd.s32 s1, s30  }
0xc2: {  	s0 =	sor.u32 s3, s0;
	s1 =	sshll.u32 s1, $0x11  }
0xc3: {  	s0 =	sor.u32 s1, s0  }
0xc4: {  	s0 =	sadd.s32 $0x8F2B, s0  }
0xc5: {  	[sflag:s0] =	ssyncadd.remote.s32 $0x1  }
0xc6: {  	_ =	sfence.sel $0xFFFF  }
0xc7: {  	[dreg:$0x0] =	wrdreg $0xFFFFFFFF;
	(pc) =	sbr.abs _section_cstart, $3  }
0xc8: {  	[dreg:$0x1] =	wrdreg $0xFFFFFFFF  }
0xc9: {  	_ =	task.clear_ibuf [dreg:s9], $0x2FFFF;
	_ =	strace $0x9FFFFFFF  }
0xca: {  	(tm) =	ssettm $0x7FFFFFFF  }
0xcb: {  	_ =	shalt  }
tec
execute0_lowered:
.L_overlay_start_1:
0x0: {  	(tag) =	ssettag $0x1  }
0x1: {  	v0 =	vimm.s32 $0x14131211;
	v1 =	vimm.s32 $0x18171615;
	v2 =	vimm.s32 $0x1C1B1A19  }
0x2: {  	v3 =	vimm.s32 $0x1F1E1D;
	vm0 =	vcmask $0x1F10;
	v4 =	vimm.s32 $0x15141312  }
0x3: {  	v5 =	vimm.s32 $0x1D1C1B1A;
	v6 =	vimm.s32 $0x1001F1E;
	v7 =	vimm.s32 $0x16151413  }
0x4: {  	v8 =	vimm.s32 $0x1A191817;
	v9 =	vimm.s32 $0x1E1D1C1B;
	v10 =	vimm.s32 $0x201001F  }
0x5: {  	v11 =	vimm.s32 $0x3020100;
	v12 =	vimm.s32 $0x1F1E1D1C;
	v33 =	vimm.s32 $0x17161514  }
0x6: {  	v13 =	vimm.s32 $0x5040302;
	v14 =	vimm.s32 $0x6050403;
	v15 =	vimm.s32 $0x32107654  }
0x7: {  	v37 =	vimm.s32 $0x43218765;
	vm12 =	vcmask $0x2F10;
	v38 =	vimm.s32 $0xB0A0908  }
0x8: {  	vm1 =	vcmask $0x3F30;
	vm13 =	vcmask $0x300;
	v42 =	vimm.s32 $0x787  }
0x9: {  	v43 =	vimm.s32 $0x807;
	v44 =	vimm.s32 $0x887;
	v16 =	vimm.s32 $0xF87  }
0xa: {  	v17 =	vimm.s32 $0x7;
	v18 =	vimm.s32 $0x87;
	v19 =	vimm.s32 $0x107  }
0xb: {  	v20 =	vimm.s32 $0x187;
	v21 =	vimm.s32 $0x207;
	v22 =	vimm.s32 $0x287  }
0xc: {  	v23 =	vimm.s32 $0x307;
	v24 =	vimm.s32 $0x387;
	v25 =	vimm.s32 $0x407  }
0xd: {  	v26 =	vimm.s32 $0x487;
	v27 =	vimm.s32 $0x507;
	v28 =	vimm.s32 $0x587  }
0xe: {  	v29 =	vimm.s32 $0x607;
	v30 =	vimm.s32 $0x687;
	v31 =	vimm.s32 $0x707  }
0xf: {  	vm14 =	vcmask $0x704;
	vm15 =	vcmask $0xB08;
	vm4 =	vcmask $0xF0C  }
0x10: {  	vm5 =	vcmask $0x1310;
	vm6 =	vcmask $0x1714;
	vm7 =	vcmask $0x1B18  }
0x11: {  	vm8 =	vcmask $0x1F1C;
	vm9 =	vcmask $0x2320;
	vm10 =	vcmask $0x2724  }
0x12: {  	vm11 =	vcmask $0x2B28;
	v0 =	vunpack.c.0.s8.s32 v0;
	v1 =	vunpack.c.0.s8.s32 v1  }
0x13: {  	v2 =	vunpack.c.0.s8.s32 v2;
	v3 =	vunpack.c.0.s8.s32 v3;
	v32 =	vunpack.c.0.s8.s32 v4  }
0x14: {  	v4 =	vimm.s32 $0x19181716;
	v5 =	vunpack.c.0.s8.s32 v5;
	v6 =	vunpack.c.0.s8.s32 v6  }
0x15: {  	v7 =	vunpack.c.0.s8.s32 v7;
	v8 =	vunpack.c.0.s8.s32 v8;
	v9 =	vunpack.c.0.s8.s32 v9  }
0x16: {  	v10 =	vunpack.c.0.s8.s32 v10;
	v11 =	vunpack.c.0.s8.s32 v11;
	v12 =	vunpack.c.0.s8.s32 v12  }
0x17: {  	v13 =	vunpack.c.0.s8.s32 v13;
	v34 =	vunpack.c.0.s8.s32 v14;
	v14 =	vunpack.c.l.s4.s8 v15  }
0x18: {  	v15 =	vimm.s32 $0xF07;
	v16 =	vsel vm13, $0x800, v16;
	v17 =	vsel vm13, $0x880, v17  }
0x19: {  	v18 =	vsel vm13, $0x900, v18;
	v19 =	vsel vm13, $0x980, v19;
	v20 =	vsel vm13, $0xA00, v20  }
0x1a: {  	v21 =	vsel vm13, $0xA80, v21;
	v22 =	vsel vm13, $0xB00, v22;
	v23 =	vsel vm13, $0xB80, v23  }
0x1b: {  	v24 =	vsel vm13, $0xC00, v24;
	v25 =	vsel vm13, $0xC80, v25;
	v26 =	vsel vm13, $0xD00, v26  }
0x1c: {  	v27 =	vsel vm13, $0xD80, v27;
	v28 =	vsel vm13, $0xE00, v28;
	v29 =	vsel vm13, $0xE80, v29  }
0x1d: {  	v30 =	vsel vm13, $0xF00, v30;
	v31 =	vsel vm13, $0xF80, v31;
	v4 =	vunpack.c.0.s8.s32 v4  }
0x1e: {  	v15 =	vsel vm13, $0x780, v15;
	v16 =	vsel vm14, $0x881, v16;
	v17 =	vsel vm14, $0x901, v17  }
0x1f: {  	v18 =	vsel vm14, $0x981, v18;
	v19 =	vsel vm14, $0xA01, v19;
	v20 =	vsel vm14, $0xA81, v20  }
0x20: {  	v21 =	vsel vm14, $0xB01, v21;
	v22 =	vsel vm14, $0xB81, v22;
	v23 =	vsel vm14, $0xC01, v23  }
0x21: {  	v24 =	vsel vm14, $0xC81, v24;
	v25 =	vsel vm14, $0xD01, v25;
	v26 =	vsel vm14, $0xD81, v26  }
0x22: {  	v27 =	vsel vm14, $0xE01, v27;
	v28 =	vsel vm14, $0xE81, v28;
	v29 =	vsel vm14, $0xF01, v29  }
0x23: {  	v30 =	vsel vm14, $0xF81, v30;
	v31 =	vsel vm14, $0x1, v31;
	v35 =	vsel vm0, v1, v0  }
0x24: {  	v56 =	vsel vm0, v3, v2;
	v59 =	vsel vm0, v6, v5;
	v61 =	vsel vm0, v8, v7  }
0x25: {  	v62 =	vsel vm0, v10, v9;
	v48 =	vsel vm0, v11, v12;
	v0 =	vunpack.c.0.s8.s32 v33  }
0x26: {  	v7 =	vimm.s32 $0x1B1A1918;
	v11 =	vimm.s32 $0x4030201;
	v50 =	vsel vm0, v2, v1  }
0x27: {  	v54 =	vsel vm0, v13, v6;
	v51 =	vsel vm0, v34, v10;
	v36 =	vunpack.c.0.s8.s32 v14  }
0x28: {  	v52 =	vsel vm0, v9, v8;
	v1 =	vunpack.c.l.s4.s8 v37;
	v2 =	vunpack.c.0.s8.s32 v38  }
0x29: {  	v8 =	vimm.s32 $0xE0D0C0B;
	v9 =	vimm.s32 $0xC07;
	v13 =	vimm.s32 $0xE07  }
0x2a: {  	v14 =	vimm.s32 $0xE87;
	v15 =	vsel vm14, $0x801, v15;
	v16 =	vsel vm15, $0x902, v16  }
0x2b: {  	v17 =	vsel vm15, $0x982, v17;
	v18 =	vsel vm15, $0xA02, v18;
	v19 =	vsel vm15, $0xA82, v19  }
0x2c: {  	v20 =	vsel vm15, $0xB02, v20;
	v21 =	vsel vm15, $0xB82, v21;
	v22 =	vsel vm15, $0xC02, v22  }
0x2d: {  	v23 =	vsel vm15, $0xC82, v23;
	v24 =	vsel vm15, $0xD02, v24;
	v25 =	vsel vm15, $0xD82, v25  }
0x2e: {  	v26 =	vsel vm15, $0xE02, v26;
	v27 =	vsel vm15, $0xE82, v27;
	v28 =	vsel vm15, $0xF02, v28  }
0x2f: {  	v29 =	vsel vm15, $0xF82, v29;
	v30 =	vsel vm15, $0x2, v30;
	v31 =	vsel vm15, $0x82, v31  }
0x30: {  	v58 =	vsel vm0, v4, v32;
	v7 =	vunpack.c.0.s8.s32 v7;
	v11 =	vunpack.c.0.s8.s32 v11  }
0x31: {  	v60 =	vsel vm0, v5, v4;
	v4 =	vimm.s32 $0x54329876;
	v5 =	vimm.s32 $0x6543A987  }
0x32: {  	v8 =	vunpack.c.0.s8.s32 v8;
	v9 =	vsel vm13, $0x480, v9;
	v13 =	vsel vm13, $0x680, v13  }
0x33: {  	v14 =	vsel vm13, $0x700, v14;
	v15 =	vsel vm15, $0x882, v15;
	v16 =	vsel vm4, $0x983, v16  }
0x34: {  	v17 =	vsel vm4, $0xA03, v17;
	v18 =	vsel vm4, $0xA83, v18;
	v19 =	vsel vm4, $0xB03, v19  }
0x35: {  	v20 =	vsel vm4, $0xB83, v20;
	v21 =	vsel vm4, $0xC03, v21;
	v22 =	vsel vm4, $0xC83, v22  }
0x36: {  	v23 =	vsel vm4, $0xD03, v23;
	v24 =	vsel vm4, $0xD83, v24;
	v25 =	vsel vm4, $0xE03, v25  }
0x37: {  	v26 =	vsel vm4, $0xE83, v26;
	v27 =	vsel vm4, $0xF03, v27;
	v28 =	vsel vm4, $0xF83, v28  }
0x38: {  	v29 =	vsel vm4, $0x3, v29;
	v30 =	vsel vm4, $0x83, v30;
	v31 =	vsel vm4, $0x103, v31  }
0x39: {  	v51 =	vcombine.low v52, v51;
	v61 =	vcombine.low v61, v62;
	v1 =	vunpack.c.0.s8.s32 v1  }
0x3a: {  	v4 =	vunpack.c.l.s4.s8 v4;
	v5 =	vunpack.c.l.s4.s8 v5;
	v9 =	vsel vm14, $0x501, v9  }
0x3b: {  	v13 =	vsel vm14, $0x701, v13;
	v14 =	vsel vm14, $0x781, v14;
	v15 =	vsel vm4, $0x903, v15  }
0x3c: {  	v16 =	vsel vm5, $0xA04, v16;
	v17 =	vsel vm5, $0xA84, v17;
	v18 =	vsel vm5, $0xB04, v18  }
0x3d: {  	v19 =	vsel vm5, $0xB84, v19;
	v20 =	vsel vm5, $0xC04, v20;
	v21 =	vsel vm5, $0xC84, v21  }
0x3e: {  	v22 =	vsel vm5, $0xD04, v22;
	v23 =	vsel vm5, $0xD84, v23;
	v24 =	vsel vm5, $0xE04, v24  }
0x3f: {  	v25 =	vsel vm5, $0xE84, v25;
	v26 =	vsel vm5, $0xF04, v26;
	v27 =	vsel vm5, $0xF84, v27  }
0x40: {  	v28 =	vsel vm5, $0x4, v28;
	v29 =	vsel vm5, $0x84, v29;
	v30 =	vsel vm5, $0x104, v30  }
0x41: {  	v31 =	vsel vm5, $0x184, v31;
	v57 =	vsel vm0, v7, v0;
	v49 =	vsel vm0, v11, v3  }
0x42: {  	v53 =	vsel vm0, v12, v7;
	v0 =	vand.u32 $0xF, v36;
	v7 =	vimm.s32 $0xC0B0A09  }
0x43: {  	v11 =	vimm.s32 $0xD07;
	v9 =	vsel vm15, $0x582, v9;
	v13 =	vsel vm15, $0x782, v13  }
0x44: {  	v14 =	vsel vm15, $0x802, v14;
	v15 =	vsel vm5, $0x984, v15;
	v16 =	vsel vm6, $0xA85, v16  }
0x45: {  	v17 =	vsel vm6, $0xB05, v17;
	v18 =	vsel vm6, $0xB85, v18;
	v19 =	vsel vm6, $0xC05, v19  }
0x46: {  	v20 =	vsel vm6, $0xC85, v20;
	v21 =	vsel vm6, $0xD05, v21;
	v22 =	vsel vm6, $0xD85, v22  }
0x47: {  	v23 =	vsel vm6, $0xE05, v23;
	v24 =	vsel vm6, $0xE85, v24;
	v25 =	vsel vm6, $0xF05, v25  }
0x48: {  	v26 =	vsel vm6, $0xF85, v26;
	v27 =	vsel vm6, $0x5, v27;
	v28 =	vsel vm6, $0x85, v28  }
0x49: {  	v29 =	vsel vm6, $0x105, v29;
	v30 =	vsel vm6, $0x185, v30;
	v31 =	vsel vm6, $0x205, v31  }
0x4a: {  	v0 =	vsel vm12, v0, v12;
	v1 =	vand.u32 $0xF, v1;
	v4 =	vunpack.c.0.s8.s32 v4  }
0x4b: {  	v5 =	vunpack.c.0.s8.s32 v5;
	v11 =	vsel vm13, $0x580, v11;
	v12 =	vimm.s32 $0xD87  }
0x4c: {  	v9 =	vsel vm4, $0x603, v9;
	v13 =	vsel vm4, $0x803, v13;
	v14 =	vsel vm4, $0x883, v14  }
0x4d: {  	v15 =	vsel vm6, $0xA05, v15;
	v16 =	vsel vm7, $0xB06, v16;
	v17 =	vsel vm7, $0xB86, v17  }
0x4e: {  	v18 =	vsel vm7, $0xC06, v18;
	v19 =	vsel vm7, $0xC86, v19;
	v20 =	vsel vm7, $0xD06, v20  }
0x4f: {  	v21 =	vsel vm7, $0xD86, v21;
	v22 =	vsel vm7, $0xE06, v22;
	v23 =	vsel vm7, $0xE86, v23  }
0x50: {  	v24 =	vsel vm7, $0xF06, v24;
	v25 =	vsel vm7, $0xF86, v25;
	v26 =	vsel vm7, $0x6, v26  }
0x51: {  	v27 =	vsel vm7, $0x86, v27;
	v28 =	vsel vm7, $0x106, v28;
	v29 =	vsel vm7, $0x186, v29  }
0x52: {  	v30 =	vsel vm7, $0x206, v30;
	v31 =	vsel vm7, $0x286, v31;
	v49 =	vcombine.low v50, v49  }
0x53: {  	v50 =	vcombine.low v60, v54;
	v1 =	vsel vm12, v1, v3;
	v3 =	vunpack.c.0.s8.s32 v7  }
0x54: {  	v7 =	vimm.s32 $0xD0C0B0A;
	v32 =	vsel vm1, v2, v0;
	v0 =	vsel vm13, $0x0, v42  }
0x55: {  	v2 =	vsel vm13, $0x100, v44;
	v12 =	vsel vm13, $0x600, v12;
	v11 =	vsel vm14, $0x601, v11  }
0x56: {  	v9 =	vsel vm5, $0x684, v9;
	v13 =	vsel vm5, $0x884, v13;
	v14 =	vsel vm5, $0x904, v14  }
0x57: {  	v15 =	vsel vm7, $0xA86, v15;
	v16 =	vsel vm8, $0xB87, v16;
	v17 =	vsel vm8, $0xC07, v17  }
0x58: {  	v18 =	vsel vm8, $0xC87, v18;
	v19 =	vsel vm8, $0xD07, v19;
	v20 =	vsel vm8, $0xD87, v20  }
0x59: {  	v21 =	vsel vm8, $0xE07, v21;
	v22 =	vsel vm8, $0xE87, v22;
	v23 =	vsel vm8, $0xF07, v23  }
0x5a: {  	v24 =	vsel vm8, $0xF87, v24;
	v25 =	vsel vm8, $0x7, v25;
	v26 =	vsel vm8, $0x87, v26  }
0x5b: {  	v27 =	vsel vm8, $0x107, v27;
	v28 =	vsel vm8, $0x187, v28;
	v29 =	vsel vm8, $0x207, v29  }
0x5c: {  	v30 =	vsel vm8, $0x287, v30;
	v31 =	vsel vm8, $0x307, v31;
	v4 =	vand.u32 $0xF, v4  }
0x5d: {  	v7 =	vunpack.c.0.s8.s32 v7;
	v5 =	vand.u32 $0xF, v5;
	v0 =	vsel vm14, $0x81, v0  }
0x5e: {  	v2 =	vsel vm14, $0x181, v2;
	v12 =	vsel vm14, $0x681, v12;
	v11 =	vsel vm15, $0x682, v11  }
0x5f: {  	v9 =	vsel vm6, $0x705, v9;
	v13 =	vsel vm6, $0x905, v13;
	v14 =	vsel vm6, $0x985, v14  }
0x60: {  	v15 =	vsel vm8, $0xB07, v15;
	v16 =	vsel vm9, $0xC00, v16;
	v17 =	vsel vm9, $0xC80, v17  }
0x61: {  	v18 =	vsel vm9, $0xD00, v18;
	v19 =	vsel vm9, $0xD80, v19;
	v20 =	vsel vm9, $0xE00, v20  }
0x62: {  	v21 =	vsel vm9, $0xE80, v21;
	v22 =	vsel vm9, $0xF00, v22;
	v23 =	vsel vm9, $0xF80, v23  }
0x63: {  	v24 =	vsel vm9, $0x0, v24;
	v25 =	vsel vm9, $0x80, v25;
	v26 =	vsel vm9, $0x100, v26  }
0x64: {  	v27 =	vsel vm9, $0x180, v27;
	v28 =	vsel vm9, $0x200, v28;
	v29 =	vsel vm9, $0x280, v29  }
0x65: {  	v30 =	vsel vm9, $0x300, v30;
	v31 =	vsel vm9, $0x380, v31;
	v4 =	vsel vm12, v4, v6  }
0x66: {  	v5 =	vsel vm12, v5, v10;
	v39 =	vsel vm1, v3, v1;
	v1 =	vsel vm13, $0x80, v43  }
0x67: {  	v3 =	vimm.s32 $0x907;
	v6 =	vimm.s32 $0xA87;
	v10 =	vimm.s32 $0xC87  }
0x68: {  	v0 =	vsel vm15, $0x102, v0;
	v2 =	vsel vm15, $0x202, v2;
	v12 =	vsel vm15, $0x702, v12  }
0x69: {  	v11 =	vsel vm4, $0x703, v11;
	v9 =	vsel vm7, $0x786, v9;
	v13 =	vsel vm7, $0x986, v13  }
0x6a: {  	v14 =	vsel vm7, $0xA06, v14;
	v15 =	vsel vm9, $0xB80, v15;
	v16 =	vsel vm10, $0xC81, v16  }
0x6b: {  	v17 =	vsel vm10, $0xD01, v17;
	v18 =	vsel vm10, $0xD81, v18;
	v19 =	vsel vm10, $0xE01, v19  }
0x6c: {  	v20 =	vsel vm10, $0xE81, v20;
	v21 =	vsel vm10, $0xF01, v21;
	v22 =	vsel vm10, $0xF81, v22  }
0x6d: {  	v23 =	vsel vm10, $0x1, v23;
	v24 =	vsel vm10, $0x81, v24;
	v25 =	vsel vm10, $0x101, v25  }
0x6e: {  	v26 =	vsel vm10, $0x181, v26;
	v27 =	vsel vm10, $0x201, v27;
	v28 =	vsel vm10, $0x281, v28  }
0x6f: {  	v29 =	vsel vm10, $0x301, v29;
	v30 =	vsel vm10, $0x381, v30;
	v31 =	vsel vm10, $0x401, v31  }
0x70: {  	vm12 =	vcmask $0x2F2C;
	v40 =	vsel vm1, v7, v4;
	v41 =	vsel vm1, v8, v5  }
0x71: {  	v4 =	vimm.s32 $0x987;
	v3 =	vsel vm13, $0x180, v3;
	v5 =	vimm.s32 $0xA07  }
0x72: {  	v7 =	vimm.s32 $0xB07;
	v6 =	vsel vm13, $0x300, v6;
	v8 =	vimm.s32 $0xB87  }
0x73: {  	v10 =	vsel vm13, $0x500, v10;
	v1 =	vsel vm14, $0x101, v1;
	v0 =	vsel vm4, $0x183, v0  }
0x74: {  	v2 =	vsel vm4, $0x283, v2;
	v12 =	vsel vm4, $0x783, v12;
	v11 =	vsel vm5, $0x784, v11  }
0x75: {  	v9 =	vsel vm8, $0x807, v9;
	v13 =	vsel vm8, $0xA07, v13;
	v14 =	vsel vm8, $0xA87, v14  }
0x76: {  	v15 =	vsel vm10, $0xC01, v15;
	v16 =	vsel vm11, $0xD02, v16;
	v17 =	vsel vm11, $0xD82, v17  }
0x77: {  	v18 =	vsel vm11, $0xE02, v18;
	v19 =	vsel vm11, $0xE82, v19;
	v20 =	vsel vm11, $0xF02, v20  }
0x78: {  	v21 =	vsel vm11, $0xF82, v21;
	v22 =	vsel vm11, $0x2, v22;
	v23 =	vsel vm11, $0x82, v23  }
0x79: {  	v24 =	vsel vm11, $0x102, v24;
	v25 =	vsel vm11, $0x182, v25;
	v26 =	vsel vm11, $0x202, v26  }
0x7a: {  	v27 =	vsel vm11, $0x282, v27;
	v28 =	vsel vm11, $0x302, v28;
	v29 =	vsel vm11, $0x382, v29  }
0x7b: {  	v30 =	vsel vm11, $0x402, v30;
	v31 =	vsel vm11, $0x482, v31;
	v4 =	vsel vm13, $0x200, v4  }
0x7c: {  	v5 =	vsel vm13, $0x280, v5;
	v7 =	vsel vm13, $0x380, v7;
	v8 =	vsel vm13, $0x400, v8  }
0x7d: {  	v3 =	vsel vm14, $0x201, v3;
	v6 =	vsel vm14, $0x381, v6;
	v10 =	vsel vm14, $0x581, v10  }
0x7e: {  	v1 =	vsel vm15, $0x182, v1;
	v0 =	vsel vm5, $0x204, v0;
	v2 =	vsel vm5, $0x304, v2  }
0x7f: {  	v12 =	vsel vm5, $0x804, v12;
	v11 =	vsel vm6, $0x805, v11;
	v9 =	vsel vm9, $0x880, v9  }
0x80: {  	v13 =	vsel vm9, $0xA80, v13;
	v14 =	vsel vm9, $0xB00, v14;
	v15 =	vsel vm11, $0xC82, v15  }
0x81: {  	v16 =	vsel vm12, $0xD83, v16;
	v17 =	vsel vm12, $0xE03, v17;
	v18 =	vsel vm12, $0xE83, v18  }
0x82: {  	v19 =	vsel vm12, $0xF03, v19;
	v20 =	vsel vm12, $0xF83, v20;
	v21 =	vsel vm12, $0x3, v21  }
0x83: {  	v22 =	vsel vm12, $0x83, v22;
	v23 =	vsel vm12, $0x103, v23;
	v24 =	vsel vm12, $0x183, v24  }
0x84: {  	v25 =	vsel vm12, $0x203, v25;
	v26 =	vsel vm12, $0x283, v26;
	v27 =	vsel vm12, $0x303, v27  }
0x85: {  	v28 =	vsel vm12, $0x383, v28;
	v29 =	vsel vm12, $0x403, v29;
	v30 =	vsel vm12, $0x483, v30  }
0x86: {  	v31 =	vsel vm12, $0x503, v31;
	vm13 =	vcmask $0x3330;
	v4 =	vsel vm14, $0x281, v4  }
0x87: {  	v5 =	vsel vm14, $0x301, v5;
	v7 =	vsel vm14, $0x401, v7;
	v8 =	vsel vm14, $0x481, v8  }
0x88: {  	v3 =	vsel vm15, $0x282, v3;
	v6 =	vsel vm15, $0x402, v6;
	v10 =	vsel vm15, $0x602, v10  }
0x89: {  	v1 =	vsel vm4, $0x203, v1;
	v0 =	vsel vm6, $0x285, v0;
	v2 =	vsel vm6, $0x385, v2  }
0x8a: {  	v12 =	vsel vm6, $0x885, v12;
	v11 =	vsel vm7, $0x886, v11;
	v9 =	vsel vm10, $0x901, v9  }
0x8b: {  	v13 =	vsel vm10, $0xB01, v13;
	v14 =	vsel vm10, $0xB81, v14;
	v15 =	vsel vm12, $0xD03, v15  }
0x8c: {  	v16 =	vsel vm13, $0xE04, v16;
	v17 =	vsel vm13, $0xE84, v17;
	v18 =	vsel vm13, $0xF04, v18  }
0x8d: {  	v19 =	vsel vm13, $0xF84, v19;
	v20 =	vsel vm13, $0x4, v20;
	v21 =	vsel vm13, $0x84, v21  }
0x8e: {  	v22 =	vsel vm13, $0x104, v22;
	v23 =	vsel vm13, $0x184, v23;
	v24 =	vsel vm13, $0x204, v24  }
0x8f: {  	v25 =	vsel vm13, $0x284, v25;
	v26 =	vsel vm13, $0x304, v26;
	v27 =	vsel vm13, $0x384, v27  }
0x90: {  	v28 =	vsel vm13, $0x404, v28;
	v29 =	vsel vm13, $0x484, v29;
	v30 =	vsel vm13, $0x504, v30  }
0x91: {  	v31 =	vsel vm13, $0x584, v31;
	vm14 =	vcmask $0x3734;
	v4 =	vsel vm15, $0x302, v4  }
0x92: {  	v5 =	vsel vm15, $0x382, v5;
	v7 =	vsel vm15, $0x482, v7;
	v8 =	vsel vm15, $0x502, v8  }
0x93: {  	v3 =	vsel vm4, $0x303, v3;
	v6 =	vsel vm4, $0x483, v6;
	v10 =	vsel vm4, $0x683, v10  }
0x94: {  	v1 =	vsel vm5, $0x284, v1;
	v0 =	vsel vm7, $0x306, v0;
	v2 =	vsel vm7, $0x406, v2  }
0x95: {  	v12 =	vsel vm7, $0x906, v12;
	v11 =	vsel vm8, $0x907, v11;
	v9 =	vsel vm11, $0x982, v9  }
0x96: {  	v13 =	vsel vm11, $0xB82, v13;
	v14 =	vsel vm11, $0xC02, v14;
	v15 =	vsel vm13, $0xD84, v15  }
0x97: {  	v16 =	vsel vm14, $0xE85, v16;
	v17 =	vsel vm14, $0xF05, v17;
	v18 =	vsel vm14, $0xF85, v18  }
0x98: {  	v19 =	vsel vm14, $0x5, v19;
	v20 =	vsel vm14, $0x85, v20;
	v21 =	vsel vm14, $0x105, v21  }
0x99: {  	v22 =	vsel vm14, $0x185, v22;
	v23 =	vsel vm14, $0x205, v23;
	v24 =	vsel vm14, $0x285, v24  }
0x9a: {  	v25 =	vsel vm14, $0x305, v25;
	v26 =	vsel vm14, $0x385, v26;
	v27 =	vsel vm14, $0x405, v27  }
0x9b: {  	v28 =	vsel vm14, $0x485, v28;
	v29 =	vsel vm14, $0x505, v29;
	v30 =	vsel vm14, $0x585, v30  }
0x9c: {  	v31 =	vsel vm14, $0x605, v31;
	vm15 =	vcmask $0x3B38;
	v4 =	vsel vm4, $0x383, v4  }
0x9d: {  	v5 =	vsel vm4, $0x403, v5;
	v7 =	vsel vm4, $0x503, v7;
	v8 =	vsel vm4, $0x583, v8  }
0x9e: {  	v3 =	vsel vm5, $0x384, v3;
	v6 =	vsel vm5, $0x504, v6;
	v10 =	vsel vm5, $0x704, v10  }
0x9f: {  	v1 =	vsel vm6, $0x305, v1;
	v0 =	vsel vm8, $0x387, v0;
	v2 =	vsel vm8, $0x487, v2  }
0xa0: {  	v12 =	vsel vm8, $0x987, v12;
	v11 =	vsel vm9, $0x980, v11;
	v9 =	vsel vm12, $0xA03, v9  }
0xa1: {  	v13 =	vsel vm12, $0xC03, v13;
	v14 =	vsel vm12, $0xC83, v14;
	v15 =	vsel vm14, $0xE05, v15  }
0xa2: {  	v16 =	vsel vm15, $0xF06, v16;
	v17 =	vsel vm15, $0xF86, v17;
	v18 =	vsel vm15, $0x6, v18  }
0xa3: {  	[tilespmem:$0x1FC10] =	vst v39;
	v45 =	vsel vm15, $0x86, v19;
	v46 =	vsel vm15, $0x106, v20;
	v21 =	vsel vm15, $0x186, v21  }
0xa4: {  	[tilespmem:$0x1FC20] =	vst v40;
	v47 =	vsel vm15, $0x206, v22;
	v38 =	vsel vm15, $0x286, v23;
	v39 =	vsel vm15, $0x306, v24  }
0xa5: {  	[tilespmem:$0x1FC30] =	vst v41;
	v40 =	vsel vm15, $0x386, v25;
	v41 =	vsel vm15, $0x406, v26;
	v42 =	vsel vm15, $0x486, v27  }
0xa6: {  	v43 =	vsel vm15, $0x506, v28;
	v44 =	vsel vm15, $0x586, v29;
	v4 =	vsel vm5, $0x404, v4  }
0xa7: {  	v5 =	vsel vm5, $0x484, v5;
	v7 =	vsel vm5, $0x584, v7;
	v8 =	vsel vm5, $0x604, v8  }
0xa8: {  	v3 =	vsel vm6, $0x405, v3;
	v6 =	vsel vm6, $0x585, v6;
	v10 =	vsel vm6, $0x785, v10  }
0xa9: {  	v1 =	vsel vm7, $0x386, v1;
	v0 =	vsel vm9, $0x400, v0;
	v2 =	vsel vm9, $0x500, v2  }
0xaa: {  	v12 =	vsel vm9, $0xA00, v12;
	v11 =	vsel vm10, $0xA01, v11;
	v9 =	vsel vm13, $0xA84, v9;
	[tilespmem:$0x1FC40] =	vst v45  }
0xab: {  	v13 =	vsel vm13, $0xC84, v13;
	v14 =	vsel vm13, $0xD04, v14;
	v15 =	vsel vm15, $0xE86, v15;
	[tilespmem:$0x1FC50] =	vst v46  }
0xac: {  	[tilespmem:$0x1FC60] =	vst v47;
	v45 =	vsel vm15, $0x606, v30;
	v46 =	vsel vm15, $0x686, v31;
	v47 =	vimm.s32 $0x76543210  }
0xad: {  	v31 =	vcombine.low v57, v48;
	v57 =	vcombine.low v58, v59;
	v4 =	vsel vm6, $0x485, v4  }
0xae: {  	v5 =	vsel vm6, $0x505, v5;
	v7 =	vsel vm6, $0x605, v7;
	v8 =	vsel vm6, $0x685, v8  }
0xaf: {  	[tilespmem:$0x1FD00] =	vst v49;
	v3 =	vsel vm7, $0x486, v3;
	v6 =	vsel vm7, $0x606, v6;
	v10 =	vsel vm7, $0x806, v10  }
0xb0: {  	[tilespmem:$0x1FD10] =	vst v50;
	v1 =	vsel vm8, $0x407, v1;
	v0 =	vsel vm10, $0x481, v0;
	v2 =	vsel vm10, $0x581, v2  }
0xb1: {  	[tilespmem:$0x1FC70] =	vst v38;
	v12 =	vsel vm10, $0xA81, v12;
	v11 =	vsel vm11, $0xA82, v11;
	v9 =	vsel vm14, $0xB05, v9  }
0xb2: {  	[tilespmem:$0x1FC80] =	vst v39;
	v13 =	vsel vm14, $0xD05, v13;
	v14 =	vsel vm14, $0xD85, v14;
	v4 =	vsel vm7, $0x506, v4  }
0xb3: {  	[tilespmem:$0x1FC90] =	vst v40;
	v5 =	vsel vm7, $0x586, v5;
	v7 =	vsel vm7, $0x686, v7;
	v8 =	vsel vm7, $0x706, v8  }
0xb4: {  	[tilespmem:$0x1FCA0] =	vst v41;
	v3 =	vsel vm8, $0x507, v3;
	v6 =	vsel vm8, $0x687, v6;
	v10 =	vsel vm8, $0x887, v10  }
0xb5: {  	[tilespmem:$0x1FCB0] =	vst v42;
	v1 =	vsel vm9, $0x480, v1;
	v0 =	vsel vm11, $0x502, v0;
	v2 =	vsel vm11, $0x602, v2  }
0xb6: {  	s2 =	rddreg [dreg:$0x0];
	[tilespmem:$0x1FCC0] =	vst v43;
	v12 =	vsel vm11, $0xB02, v12;
	v11 =	vsel vm12, $0xB03, v11;
	v9 =	vsel vm15, $0xB86, v9  }
0xb7: {  	s0 =	rddreg [dreg:$0x1];
	[tilespmem:$0x1FCD0] =	vst v44;
	v13 =	vsel vm15, $0xD86, v13;
	v14 =	vsel vm15, $0xE06, v14;
	v4 =	vsel vm8, $0x587, v4  }
0xb8: {  	s1 =	rddreg [dreg:$0x2];
	s5 =	simm.s32 $0x0;
	[tilespmem:$0x1FCE0] =	vst v45;
	v5 =	vsel vm8, $0x607, v5;
	v7 =	vsel vm8, $0x707, v7;
	v8 =	vsel vm8, $0x787, v8  }
0xb9: {  	[smem:$0x7FF] =	sst s5;
	[tilespmem:$0x1FCF0] =	vst v46;
	v3 =	vsel vm9, $0x580, v3;
	v6 =	vsel vm9, $0x700, v6;
	v10 =	vsel vm9, $0x900, v10  }
0xba: {  	s7 =	rddreg [dreg:$0x3];
	_ =	strace $0x80000047;
	[tilespmem:$0x1FD20] =	vst v51;
	v1 =	vsel vm10, $0x501, v1;
	v0 =	vsel vm12, $0x583, v0;
	v2 =	vsel vm12, $0x683, v2  }
0xbb: {  	[tilespmem:$0x1FD80] =	vst v57;
	v12 =	vsel vm12, $0xB83, v12;
	v11 =	vsel vm13, $0xB84, v11;
	v4 =	vsel vm9, $0x600, v4  }
0xbc: {  	[tilespmem:$0x1FDB0] =	vst v61;
	v5 =	vsel vm9, $0x680, v5;
	v7 =	vsel vm9, $0x780, v7;
	v8 =	vsel vm9, $0x800, v8  }
0xbd: {  	[tilespmem:$0x1FDE0] =	vst v32;
	v3 =	vsel vm10, $0x601, v3;
	v6 =	vsel vm10, $0x781, v6;
	v10 =	vsel vm10, $0x981, v10  }
0xbe: {  	[tilespmem:$0x1FEE0] =	vst v15;
	v1 =	vsel vm11, $0x582, v1;
	v0 =	vsel vm13, $0x604, v0;
	v2 =	vsel vm13, $0x704, v2  }
0xbf: {  	[tilespmem:$0x1FEF0] =	vst v16;
	v12 =	vsel vm13, $0xC04, v12;
	v11 =	vsel vm14, $0xC05, v11;
	v4 =	vsel vm10, $0x681, v4  }
0xc0: {  	[tilespmem:$0x1FF00] =	vst v17;
	v5 =	vsel vm10, $0x701, v5;
	v7 =	vsel vm10, $0x801, v7;
	v8 =	vsel vm10, $0x881, v8  }
0xc1: {  	[tilespmem:$0x1FF10] =	vst v18;
	v3 =	vsel vm11, $0x682, v3;
	v6 =	vsel vm11, $0x802, v6;
	v10 =	vsel vm11, $0xA02, v10  }
0xc2: {  	[tilespmem:$0x1FF20] =	vst v21;
	v1 =	vsel vm12, $0x603, v1;
	v0 =	vsel vm14, $0x685, v0;
	v2 =	vsel vm14, $0x785, v2  }
0xc3: {  	[tilespmem:$0x1FFE0] =	vst v31;
	v12 =	vsel vm14, $0xC85, v12;
	v11 =	vsel vm15, $0xC86, v11;
	v4 =	vsel vm11, $0x702, v4  }
0xc4: {  	[tilespmem:$0x1FE80] =	vst v9;
	v5 =	vsel vm11, $0x782, v5;
	v7 =	vsel vm11, $0x882, v7;
	v8 =	vsel vm11, $0x902, v8  }
0xc5: {  	[tilespmem:$0x1FEC0] =	vst v13;
	v3 =	vsel vm12, $0x703, v3;
	v6 =	vsel vm12, $0x883, v6;
	v10 =	vsel vm12, $0xA83, v10  }
0xc6: {  	[tilespmem:$0x1FED0] =	vst v14;
	v1 =	vsel vm13, $0x684, v1;
	v33 =	vsel vm15, $0x706, v0;
	v55 =	vsel vm15, $0x806, v2  }
0xc7: {  	v12 =	vsel vm15, $0xD06, v12;
	v0 =	vunpack.c.l.s4.s8 v47;
	[tilespmem:$0x1FEA0] =	vst v11;
	v4 =	vsel vm12, $0x783, v4  }
0xc8: {  	v5 =	vsel vm12, $0x803, v5;
	v7 =	vsel vm12, $0x903, v7;
	v8 =	vsel vm12, $0x983, v8;
	[tilespmem:$0x1FDF0] =	vst v33  }
0xc9: {  	v3 =	vsel vm13, $0x784, v3;
	v6 =	vsel vm13, $0x904, v6;
	v1 =	vsel vm14, $0x705, v1;
	[tilespmem:$0x1FE10] =	vst v55  }
0xca: {  	v10 =	vsel vm13, $0xB04, v10;
	[tilespmem:$0x1FEB0] =	vst v12;
	v3 =	vsel vm14, $0x805, v3;
	v34 =	vsel vm15, $0x786, v1  }
0xcb: {  	v4 =	vsel vm13, $0x804, v4;
	v6 =	vsel vm14, $0x985, v6;
	v36 =	vsel vm15, $0x886, v3;
	[tilespmem:$0x1FE00] =	vst v34  }
0xcc: {  	v5 =	vsel vm13, $0x884, v5;
	v10 =	vsel vm14, $0xB85, v10;
	v6 =	vsel vm15, $0xA06, v6;
	[tilespmem:$0x1FE20] =	vst v36  }
0xcd: {  	v7 =	vsel vm13, $0x984, v7;
	v4 =	vsel vm14, $0x885, v4;
	v10 =	vsel vm15, $0xC06, v10;
	[tilespmem:$0x1FE50] =	vst v6  }
0xce: {  	v8 =	vsel vm13, $0xA04, v8;
	v5 =	vsel vm14, $0x905, v5;
	v37 =	vsel vm15, $0x906, v4;
	[tilespmem:$0x1FE90] =	vst v10  }
0xcf: {  	v0 =	vunpack.c.0.s8.s32 v0;
	v7 =	vsel vm14, $0xA05, v7;
	v5 =	vsel vm15, $0x986, v5;
	[tilespmem:$0x1FE30] =	vst v37  }
0xd0: {  	v8 =	vsel vm14, $0xA85, v8;
	v63 =	vsel vm15, $0xA86, v7;
	[tilespmem:$0x1FE40] =	vst v5  }
0xd1: {  	v8 =	vsel vm15, $0xB06, v8;
	v0 =	vcombine.low v53, v0;
	[tilespmem:$0x1FE60] =	vst v63  }
0xd2: {  	v3 =	vimm.s32 $0xA9876543;
	v4 =	vlaneseq.u32;
	[tilespmem:$0x1FE70] =	vst v8  }
0xd3: {  	v54 =	vunpack.c.l.s4.s8 v3;
	v3 =	vadd.s32 $0xD, v4;
	[tilespmem:$0x1FD30] =	vst v0  }
0xd4: {  	v19 =	vadd.s32 $0x1, v4;
	[tilespmem:$0x1FD40] =	vst v3  }
0xd5: {  	v20 =	vadd.s32 $0x2, v4;
	[tilespmem:$0x1FF30] =	vst v19  }
0xd6: {  	v22 =	vadd.s32 $0x3, v4;
	[tilespmem:$0x1FF40] =	vst v20  }
0xd7: {  	v23 =	vadd.s32 $0x4, v4;
	[tilespmem:$0x1FF50] =	vst v22  }
0xd8: {  	v24 =	vadd.s32 $0x5, v4;
	[tilespmem:$0x1FF60] =	vst v23  }
0xd9: {  	v25 =	vadd.s32 $0x6, v4;
	[tilespmem:$0x1FF70] =	vst v24  }
0xda: {  	v26 =	vadd.s32 $0x7, v4;
	[tilespmem:$0x1FF80] =	vst v25  }
0xdb: {  	v48 =	vimm.s32 $0x87654321;
	v27 =	vadd.s32 $0x8, v4;
	[tilespmem:$0x1FF90] =	vst v26  }
0xdc: {  	v1 =	vunpack.c.l.s4.s8 v48;
	v28 =	vadd.s32 $0x9, v4;
	[tilespmem:$0x1FFA0] =	vst v27  }
0xdd: {  	s3 =	srdreg.scid;
	s4 =	stileid.u32;
	v52 =	vimm.s32 $0x98765432;
	v29 =	vadd.s32 $0xA, v4;
	[tilespmem:$0x1FFB0] =	vst v28  }
0xde: {  	s3 =	sand.u32 $0x1, s3;
	s4 =	sshll.u32 s4, $0x1;
	v2 =	vunpack.c.l.s4.s8 v52;
	v1 =	vunpack.c.0.s8.s32 v1;
	v30 =	vadd.s32 $0xB, v4;
	[tilespmem:$0x1FFC0] =	vst v29  }
0xdf: {  	s8 =	sadd.s32 $0x1313800, s2;
	s4 =	sor.u32 s3, s4;
	v60 =	vadd.s32 $0xC, v4;
	v3 =	vcombine.low v35, v56;
	[tilespmem:$0x1FFD0] =	vst v30  }
0xe0: {  	s29 =	sadd.s32 $0x1000, s7;
	s30 =	sadd.s32 $0x2000, s7;
	s6 =	sshll.u32 s4, $0x4;
	v2 =	vunpack.c.0.s8.s32 v2;
	v1 =	vand.u32 $0xF, v1;
	[tilespmem:$0x1FFF0] =	vst v60  }
0xe1: {  	s6 =	sadd.s32 s6, s2;
	s2 =	sadd.s32 $0xF42E00, s2;
	[dreg:$0x5] =	wrdreg s8;
	v0 =	vunpack.c.0.s8.s32 v54;
	v1 =	vcombine.low v56, v1;
	v56 =	vadd.s32 $0xE, v4;
	[tilespmem:$0x1FD50] =	vst v3  }
0xe2: {  	s31 =	sadd.s32 $0x3000, s7;
	s28 =	sadd.s32 $0xA00, s6;
	[dreg:$0x6] =	wrdreg s2;
	v58 =	vand.u32 $0xF, v2;
	[tilespmem:$0x1FD70] =	vst v56  }
0xe3: {  	s13 =	sadd.s32 $0x4000, s7;
	s3 =	ssub.s32 $0x2, s3;
	[dreg:$0x7] =	wrdreg s28;
	v0 =	vand.u32 $0xF, v0;
	[tilespmem:$0x1FD60] =	vst v1;
	v1 =	vcombine.low v59, v58;
	v59 =	vadd.s32 $0xF, v4  }
0xe4: {  	s14 =	sadd.s32 $0x5000, s7;
	s26 =	sshrl.u32 s3, $0x1;
	[dreg:$0x8] =	wrdreg s29;
	v0 =	vcombine.low v62, v0;
	v62 =	vor.u32 $0x10, v4;
	[tilespmem:$0x1FDA0] =	vst v59  }
0xe5: {  	s15 =	sadd.s32 $0x6000, s7;
	s2 =	ssub.s32 s3, s26;
	[dreg:$0x9] =	wrdreg s30;
	[tilespmem:$0x1FDD0] =	vst v62  }
0xe6: {  	s16 =	sadd.s32 $0x7000, s7;
	[dreg:$0xa] =	wrdreg s31;
	s2 =	smax.u32 s2, $0x1;
	[tilespmem:$0x1FD90] =	vst v1  }
0xe7: {  	s9 =	sshll.u32 s4, $0xA;
	s4 =	simm.s32 $0x0;
	[dreg:$0xb] =	wrdreg s2;
	[tilespmem:$0x1FDC0] =	vst v0  }
.LBB2_1:
0xe8: {  	[dreg:$0xc] =	wrdreg s4  }
0xe9: {  	s2 =	rddreg [dreg:$0x7];
	s24 =	simm.s32 $0x7  }
0xea: {  	[tilespmem:s5], [sflag:$0x7] =	stream.linear.gather [hbm4b:s2+s5], $0x80, $0x38;
	[tilespmem:$0x12180] =	vst v63  }
0xeb: {  	s3 =	simm.s32 $0x80;
	s26 =	simm.s32 $0x180;
	_ =	swait.ge [sflag:s24], $0x80  }
0xec: {  	s31 =	simm.s32 $0x3180;
	s28 =	simm.s32 $0x9180;
	[sflag:s24] =	ssyncset.done $0x0  }
0xed: {  	s30 =	simm.s32 $0x0;
	s25 =	rddreg [dreg:$0x5];
	[sflag:s24] =	ssyncadd.s32 $0xFFFFFF80  }
0xee: {  	[tilespmem:s26], [sflag:$0x1] =	stream.indirect.gather [hbm4b:s25+s3], $0x20, s5, s3, $0xb8;
	[tilespmem:$0x12180] =	vst v63  }
0xef: {  	s29 =	rddreg [dreg:$0x6];
	s25 =	simm.s32 $0xE100;
	s26 =	simm.s32 $0x6180  }
0xf0: {  	[tilespmem:s31], [sflag:$0x1] =	stream.indirect.gather [hbm4b:s29+s3], $0x20, s5, s3, $0xb8;
	[tilespmem:$0x12180] =	vst v63  }
.LBB2_2:
0xf1: {  	s29 =	sadd.s32 $0x1, s30  }
0xf2: {  	s2 =	sand.u32 $0xFF, s29  }
0xf3: {  	s2 =	smul.u32 $0xAB, s2;
	_ =	sdelay $0x1  }
0xf4: {  	s2 =	sshrl.u32 s2, $0x9  }
0xf5: {  	s2 =	smul.u32 $0x3, s2;
	_ =	sdelay $0x1  }
0xf6: {  	s2 =	ssub.s32 s29, s2  }
0xf7: {  	p0 =	slt.u32 s30, $0x2;
	s2 =	sand.u32 $0xFF, s2  }
0xf8: {  	s3 =	sadd.s32 @!p0 $0x4, s2  }
0xf9: {  	_ =	swait.ge @!p0 [sflag:s3], $0x400  }
0xfa: {  	[sflag:s3] =	ssyncset.done @!p0 $0x0  }
0xfb: {  	[sflag:s3] =	ssyncadd.s32 @!p0 $0xFFFFFC00  }
0xfc: {  	_ =	swait.ge @!p0 [sflag:s3], $0x400  }
0xfd: {  	[sflag:s3] =	ssyncset.done @!p0 $0x0  }
0xfe: {  	[sflag:s3] =	ssyncadd.s32 @!p0 $0xFFFFFC00  }
0xff: {  	_ =	swait.ge @!p0 [sflag:s3], $0x400  }
0x100: {  	[sflag:s3] =	ssyncset.done @!p0 $0x0  }
0x101: {  	[sflag:s3] =	ssyncadd.s32 @!p0 $0xFFFFFC00  }
0x102: {  	_ =	swait.ge @!p0 [sflag:s3], $0x400  }
0x103: {  	[sflag:s3] =	ssyncset.done @!p0 $0x0  }
0x104: {  	[sflag:s3] =	ssyncadd.s32 @!p0 $0xFFFFFC00  }
0x105: {  	_ =	swait.ge @!p0 [sflag:s3], $0x400  }
0x106: {  	[sflag:s3] =	ssyncset.done @!p0 $0x0  }
0x107: {  	[sflag:s3] =	ssyncadd.s32 @!p0 $0xFFFFFC00  }
0x108: {  	_ =	swait.ge @!p0 [sflag:s3], $0x400  }
0x109: {  	[sflag:s3] =	ssyncset.done @!p0 $0x0  }
0x10a: {  	[sflag:s3] =	ssyncadd.s32 @!p0 $0xFFFFFC00  }
0x10b: {  	_ =	swait.ge @!p0 [sflag:s3], $0x400  }
0x10c: {  	[sflag:s3] =	ssyncset.done @!p0 $0x0  }
0x10d: {  	[sflag:s3] =	ssyncadd.s32 @!p0 $0xFFFFFC00  }
0x10e: {  	_ =	swait.ge @!p0 [sflag:s3], $0x400  }
0x10f: {  	[sflag:s3] =	ssyncset.done @!p0 $0x0  }
0x110: {  	[sflag:s3] =	ssyncadd.s32 @!p0 $0xFFFFFC00  }
0x111: {  	_ =	swait.ge @!p0 [sflag:s3], $0x400  }
0x112: {  	[sflag:s3] =	ssyncset.done @!p0 $0x0  }
0x113: {  	[sflag:s3] =	ssyncadd.s32 @!p0 $0xFFFFFC00  }
0x114: {  	_ =	swait.ge @!p0 [sflag:s3], $0x400  }
0x115: {  	[sflag:s3] =	ssyncset.done @!p0 $0x0  }
0x116: {  	[sflag:s3] =	ssyncadd.s32 @!p0 $0xFFFFFC00  }
0x117: {  	_ =	swait.ge @!p0 [sflag:s3], $0x400  }
0x118: {  	[sflag:s3] =	ssyncset.done @!p0 $0x0  }
0x119: {  	[sflag:s3] =	ssyncadd.s32 @!p0 $0xFFFFFC00  }
0x11a: {  	_ =	swait.ge @!p0 [sflag:s3], $0x400  }
0x11b: {  	[sflag:s3] =	ssyncset.done @!p0 $0x0  }
0x11c: {  	[sflag:s3] =	ssyncadd.s32 @!p0 $0xFFFFFC00  }
0x11d: {  	_ =	swait.ge @!p0 [sflag:s3], $0x400  }
0x11e: {  	[sflag:s3] =	ssyncset.done @!p0 $0x0  }
0x11f: {  	[sflag:s3] =	ssyncadd.s32 @!p0 $0xFFFFFC00  }
0x120: {  	_ =	swait.ge @!p0 [sflag:s3], $0x400  }
0x121: {  	[sflag:s3] =	ssyncset.done @!p0 $0x0  }
0x122: {  	[sflag:s3] =	ssyncadd.s32 @!p0 $0xFFFFFC00  }
0x123: {  	_ =	swait.ge @!p0 [sflag:s3], $0x400  }
0x124: {  	[sflag:s3] =	ssyncset.done @!p0 $0x0  }
0x125: {  	[sflag:s3] =	ssyncadd.s32 @!p0 $0xFFFFFC00  }
0x126: {  	p1 =	seq.s32 @!p0 s30, $0xC7;
	_ =	swait.ge @!p0 [sflag:s3], $0x400  }
0x127: {  	p1 =	por p0, !p1;
	[sflag:s3] =	ssyncset.done @!p0 $0x0  }
0x128: {  	s6 =	rddreg @p1 [dreg:$0x7];
	[sflag:s3] =	ssyncadd.s32 @!p0 $0xFFFFFC00;
	s3 =	sshll.u32 @p1 s29, $0x9  }
0x129: {  	s4 =	sshll.u32 @p1 s2, $0x7;
	s3 =	sadd.s32 @p1 s3, s6;
	s6 =	simm.s32 @p1 $0x7  }
0x12a: {  	[tilespmem:s4], [sflag:$0x7] =	stream.linear.gather @p1 [hbm4b:s3+s5], $0x80, $0x38;
	[tilespmem:$0x12180] =	vst v63  }
0x12b: {  	s20 =	smul.u32 $0xAB, s30;
	s8 =	simm.s32 @p1 $0x80;
	_ =	swait.ge @p1 [sflag:s6], $0x80  }
0x12c: {  	s3 =	sshll.u32 @p1 s2, $0xC;
	s2 =	sadd.s32 @p1 $0x1, s2;
	[sflag:s6] =	ssyncset.done @p1 $0x0  }
0x12d: {  	s7 =	rddreg @p1 [dreg:$0x5];
	[sflag:s6] =	ssyncadd.s32 @p1 $0xFFFFFF80;
	s6 =	sor.u32 @p1 $0x180, s3  }
0x12e: {  	[tilespmem:s6], [sflag:s2] =	stream.indirect.gather @p1 [hbm4b:s7+s8], $0x20, s4, s8, $0xb8;
	[tilespmem:$0x12180] =	vst v63  }
0x12f: {  	s21 =	smulhi.u32 $0xAAAAAAAB, s30;
	s3 =	sadd.s32 @p1 $0x3180, s3;
	s6 =	rddreg @p1 [dreg:$0x6]  }
0x130: {  	[tilespmem:s3], [sflag:s2] =	stream.indirect.gather @p1 [hbm4b:s6+s8], $0x20, s4, s8, $0xb8;
	[tilespmem:$0x12180] =	vst v63  }
0x131: {  	s22 =	sshrl.u32 s21, $0x1;
	s2 =	sshrl.u32 s20, $0x9  }
0x132: {  	s24 =	smul.u32 $0xFFFE8000, s22;
	s2 =	sand.u32 $0x7F, s2  }
0x133: {  	s2 =	smul.u32 $0x3, s2;
	_ =	sdelay $0x1  }
0x134: {  	s4 =	sshra.s32 s24, $0x2;
	s2 =	ssub.s32 s30, s2  }
0x135: {  	s10 =	sadd.s32 s4, s25;
	s7 =	sand.u32 $0xFF, s2  }
0x136: {  	v1 =	vmov s10;
	s10 =	simm.s32 $0x0;
	s2 =	smul.u32 $0xFFFF4000, s22;
	s23 =	sadd.s32 $0x1, s7  }
0x137: {  	s21 =	sshll.u32 s7, $0xC;
	s18 =	sshll.u32 s7, $0xD;
	_ =	swait.ge [sflag:s23], $0x1000  }
0x138: {  	s2 =	sshra.s32 s2, $0x2;
	s22 =	sor.u32 $0x180, s21;
	s8 =	sadd.s32 $0x6180, s21  }
0x139: {  	s19 =	sadd.s32 $0x9180, s21;
	s17 =	sadd.s32 $0xC180, s18;
	s31 =	sadd.s32 $0xD180, s18  }
0x13a: {  	s24 =	sadd.s32 $0xC580, s18;
	s3 =	sadd.s32 $0xD580, s18;
	[sflag:s23] =	ssyncset.done $0x0  }
0x13b: {  	s4 =	sadd.s32 $0xC980, s18;
	s6 =	sadd.s32 $0xCD80, s18;
	[sflag:s23] =	ssyncadd.s32 $0xFFFFF000  }
0x13c: {  	s20 =	sadd.s32 $0xDD80, s18;
	s11 =	sadd.s32 s2, s26;
	_ =	swait.ge [sflag:s23], $0x1000  }
0x13d: {  	s12 =	sadd.s32 s2, s28;
	s2 =	sadd.s32 $0xD980, s18;
	[sflag:s23] =	ssyncset.done $0x0  }
0x13e: {  	s18 =	simm.s32 $0x0;
	v35 =	vmov s11;
	v2 =	vmov s12;
	[sflag:s23] =	ssyncadd.s32 $0xFFFFF000;
	s23 =	sadd.s32 $0x3180, s21  }
.LBB2_3:
0x13f: {  	v3 =	vor.u32 s18, v4  }
0x140: {  	v7 =	vshll.u32 v3, $0x5  }
0x141: {  	v0 =	vor.u32 v4, v7;
	_ =	sdelay $0x3  }
0x142: {  	v3 =	vand.u32 $0x78, v3  }
0x143: {  	[tilespmem:$0x1F9C0] =	vst v0;
	v4 =	vor.u32 v33, v3;
	v0 =	vld.idx.msk [tilespmem:v0+s22+$0x0], $0xffff  }
0x144: {  	v19 =	vor.u32 v19, v7;
	_ =	sdelay $0x3  }
0x145: {  	[tilespmem:v4+s8+$0x0] =	vst.idx.msk $0xffff, v0  }
0x146: {  	v37 =	vor.u32 v34, v3;
	[tilespmem:$0x1F9F0] =	vst v0;
	v0 =	vld.idx.msk [tilespmem:v19+s22+$0x0], $0xffff  }
0x147: {  	v38 =	vor.u32 v20, v7;
	_ =	sdelay $0x3  }
0x148: {  	[tilespmem:v37+s8+$0x0] =	vst.idx.msk $0xffff, v0  }
0x149: {  	v39 =	vor.u32 v55, v3;
	[tilespmem:$0x1FA00] =	vst v0;
	v0 =	vld.idx.msk [tilespmem:v38+s22+$0x0], $0xffff  }
0x14a: {  	v40 =	vor.u32 v22, v7;
	[tilespmem:$0x1F9D0] =	vst v4;
	v4 =	vld [tilespmem:$0x1FE20];
	_ =	sdelay $0x3  }
0x14b: {  	[tilespmem:v39+s8+$0x0] =	vst.idx.msk $0xffff, v0  }
0x14c: {  	v41 =	vor.u32 v4, v3;
	[tilespmem:$0x1FA10] =	vst v0;
	v0 =	vld.idx.msk [tilespmem:v40+s22+$0x0], $0xffff  }
0x14d: {  	v42 =	vor.u32 v23, v7;
	v4 =	vld [tilespmem:$0x1FE30];
	_ =	sdelay $0x3  }
0x14e: {  	[tilespmem:v41+s8+$0x0] =	vst.idx.msk $0xffff, v0  }
0x14f: {  	v43 =	vor.u32 v4, v3;
	[tilespmem:$0x1FA50] =	vst v0;
	v0 =	vld.idx.msk [tilespmem:v42+s22+$0x0], $0xffff  }
0x150: {  	v44 =	vor.u32 v24, v7;
	_ =	sdelay $0x3  }
0x151: {  	[tilespmem:v43+s8+$0x0] =	vst.idx.msk $0xffff, v0  }
0x152: {  	v45 =	vor.u32 v5, v3;
	[tilespmem:$0x1FA20] =	vst v0;
	v0 =	vld.idx.msk [tilespmem:v44+s22+$0x0], $0xffff  }
0x153: {  	v46 =	vor.u32 v25, v7;
	_ =	sdelay $0x3  }
0x154: {  	[tilespmem:v45+s8+$0x0] =	vst.idx.msk $0xffff, v0  }
0x155: {  	v47 =	vor.u32 v6, v3;
	[tilespmem:$0x1FA30] =	vst v0;
	v0 =	vld.idx.msk [tilespmem:v46+s22+$0x0], $0xffff  }
0x156: {  	v48 =	vor.u32 v26, v7;
	_ =	sdelay $0x3  }
0x157: {  	[tilespmem:v47+s8+$0x0] =	vst.idx.msk $0xffff, v0  }
0x158: {  	v49 =	vor.u32 v63, v3;
	[tilespmem:$0x1FA40] =	vst v0;
	v0 =	vld.idx.msk [tilespmem:v48+s22+$0x0], $0xffff  }
0x159: {  	v50 =	vor.u32 v27, v7;
	_ =	sdelay $0x3  }
0x15a: {  	[tilespmem:v49+s8+$0x0] =	vst.idx.msk $0xffff, v0  }
0x15b: {  	v51 =	vor.u32 v8, v3;
	[tilespmem:$0x1FA60] =	vst v0;
	v0 =	vld.idx.msk [tilespmem:v50+s22+$0x0], $0xffff  }
0x15c: {  	v52 =	vor.u32 v28, v7;
	_ =	sdelay $0x3  }
0x15d: {  	v4 =	vld [tilespmem:$0x1FD40];
	[tilespmem:v51+s8+$0x0] =	vst.idx.msk $0xffff, v0  }
0x15e: {  	v53 =	vor.u32 v9, v3;
	[tilespmem:$0x1FA70] =	vst v0;
	v0 =	vld.idx.msk [tilespmem:v52+s22+$0x0], $0xffff  }
0x15f: {  	v54 =	vor.u32 v29, v7;
	_ =	sdelay $0x3  }
0x160: {  	v58 =	vor.u32 v60, v7;
	v60 =	vor.u32 v4, v7;
	v4 =	vld [tilespmem:$0x1FD70];
	[tilespmem:v53+s8+$0x0] =	vst.idx.msk $0xffff, v0  }
0x161: {  	v55 =	vor.u32 v10, v3;
	[tilespmem:$0x1FA80] =	vst v0;
	v0 =	vld.idx.msk [tilespmem:v54+s22+$0x0], $0xffff  }
0x162: {  	v56 =	vor.u32 v30, v7;
	_ =	sdelay $0x3  }
0x163: {  	v62 =	vor.u32 v4, v7;
	v4 =	vld [tilespmem:$0x1FDA0];
	[tilespmem:v55+s8+$0x0] =	vst.idx.msk $0xffff, v0  }
0x164: {  	v57 =	vor.u32 v11, v3;
	[tilespmem:$0x1FA90] =	vst v0;
	v0 =	vld.idx.msk [tilespmem:v56+s22+$0x0], $0xffff;
	_ =	sdelay $0x4  }
0x165: {  	v27 =	vor.u32 v4, v7;
	v4 =	vld [tilespmem:$0x1FDD0];
	[tilespmem:v57+s8+$0x0] =	vst.idx.msk $0xffff, v0  }
0x166: {  	v59 =	vor.u32 v12, v3;
	[tilespmem:$0x1FAA0] =	vst v0;
	v0 =	vld.idx.msk [tilespmem:v58+s22+$0x0], $0xffff;
	_ =	sdelay $0x4  }
0x167: {  	v24 =	vor.u32 v4, v7;
	v4 =	vld [tilespmem:$0x1FD50];
	[tilespmem:v59+s8+$0x0] =	vst.idx.msk $0xffff, v0  }
0x168: {  	v61 =	vor.u32 v13, v3;
	[tilespmem:$0x1FAB0] =	vst v0;
	v0 =	vld.idx.msk [tilespmem:v60+s22+$0x0], $0xffff;
	_ =	sdelay $0x4  }
0x169: {  	v22 =	vor.u32 v4, v7;
	v4 =	vld [tilespmem:$0x1FD80];
	[tilespmem:v61+s8+$0x0] =	vst.idx.msk $0xffff, v0  }
0x16a: {  	v63 =	vor.u32 v14, v3;
	[tilespmem:$0x1FAC0] =	vst v0;
	v0 =	vld.idx.msk [tilespmem:v62+s22+$0x0], $0xffff;
	_ =	sdelay $0x4  }
0x16b: {  	v20 =	vor.u32 v4, v7;
	v4 =	vld [tilespmem:$0x1FDB0];
	[tilespmem:v63+s8+$0x0] =	vst.idx.msk $0xffff, v0  }
0x16c: {  	v25 =	vor.u32 v15, v3;
	[tilespmem:$0x1FAD0] =	vst v0;
	v0 =	vld.idx.msk [tilespmem:v27+s22+$0x0], $0xffff;
	_ =	sdelay $0x3  }
0x16d: {  	[tilespmem:$0x1F9E0] =	vst v19;
	v19 =	vor.u32 v17, v3  }
0x16e: {  	v17 =	vor.u32 v18, v3;
	v18 =	vor.u32 v4, v7;
	v4 =	vld [tilespmem:$0x1FC40];
	[tilespmem:v25+s8+$0x0] =	vst.idx.msk $0xffff, v0  }
0x16f: {  	v23 =	vor.u32 v16, v3;
	[tilespmem:$0x1FAE0] =	vst v0;
	v0 =	vld.idx.msk [tilespmem:v24+s22+$0x0], $0xffff;
	_ =	sdelay $0x4  }
0x170: {  	v15 =	vor.u32 v4, v3;
	v4 =	vld [tilespmem:$0x1FC50];
	[tilespmem:v23+s8+$0x0] =	vst.idx.msk $0xffff, v0  }
0x171: {  	[tilespmem:$0x1FAF0] =	vst v0;
	v0 =	vld.idx.msk [tilespmem:v22+s22+$0x0], $0xffff;
	_ =	sdelay $0x4  }
0x172: {  	v13 =	vor.u32 v4, v3;
	v4 =	vld [tilespmem:$0x1FD00];
	[tilespmem:v19+s8+$0x0] =	vst.idx.msk $0xffff, v0  }
0x173: {  	[tilespmem:$0x1FB00] =	vst v0;
	v0 =	vld.idx.msk [tilespmem:v20+s22+$0x0], $0xffff;
	_ =	sdelay $0x4  }
0x174: {  	v14 =	vor.u32 v4, v7;
	v4 =	vld [tilespmem:$0x1FD10];
	[tilespmem:v17+s8+$0x0] =	vst.idx.msk $0xffff, v0  }
0x175: {  	[tilespmem:$0x1FB10] =	vst v0;
	v0 =	vld.idx.msk [tilespmem:v18+s22+$0x0], $0xffff  }
0x176: {  	v16 =	vor.u32 v31, v7;
	_ =	sdelay $0x3  }
0x177: {  	v12 =	vor.u32 v4, v7;
	v4 =	vld [tilespmem:$0x1FC60];
	[tilespmem:v15+s8+$0x0] =	vst.idx.msk $0xffff, v0  }
0x178: {  	[tilespmem:$0x1FB20] =	vst v0;
	v0 =	vld.idx.msk [tilespmem:v16+s22+$0x0], $0xffff;
	_ =	sdelay $0x3  }
0x179: {  	v9 =	vor.u32 v4, v3;
	v4 =	vld [tilespmem:$0x1FD20]  }
0x17a: {  	[tilespmem:v13+s8+$0x0] =	vst.idx.msk $0xffff, v0  }
0x17b: {  	v11 =	vor.u32 v21, v3;
	[tilespmem:$0x1FB30] =	vst v0;
	v0 =	vld.idx.msk [tilespmem:v14+s22+$0x0], $0xffff;
	_ =	sdelay $0x2  }
0x17c: {  	v8 =	vor.u32 v4, v7;
	v4 =	vld [tilespmem:$0x1FC70];
	_ =	sdelay $0x1  }
0x17d: {  	[tilespmem:v11+s8+$0x0] =	vst.idx.msk $0xffff, v0  }
0x17e: {  	[tilespmem:$0x1FB40] =	vst v0;
	v0 =	vld.idx.msk [tilespmem:v12+s22+$0x0], $0xffff;
	_ =	sdelay $0x1  }
0x17f: {  	v6 =	vor.u32 v4, v3;
	v4 =	vld [tilespmem:$0x1FD30];
	_ =	sdelay $0x2  }
0x180: {  	[tilespmem:v9+s8+$0x0] =	vst.idx.msk $0xffff, v0  }
0x181: {  	[tilespmem:$0x1FB50] =	vst v0;
	v0 =	vld.idx.msk [tilespmem:v8+s22+$0x0], $0xffff  }
0x182: {  	v5 =	vor.u32 v4, v7;
	v4 =	vld [tilespmem:$0x1FC80]  }
0x183: {  	v10 =	vld [tilespmem:$0x1FD60];
	_ =	sdelay $0x2  }
0x184: {  	[tilespmem:v6+s8+$0x0] =	vst.idx.msk $0xffff, v0  }
0x185: {  	v4 =	vor.u32 v4, v3;
	[tilespmem:$0x1FB60] =	vst v0;
	v0 =	vld.idx.msk [tilespmem:v5+s22+$0x0], $0xffff  }
0x186: {  	v21 =	vld [tilespmem:$0x1FC90];
	v10 =	vor.u32 v10, v7  }
0x187: {  	v26 =	vld [tilespmem:$0x1FD90];
	_ =	sdelay $0x2  }
0x188: {  	[tilespmem:v4+s8+$0x0] =	vst.idx.msk $0xffff, v0  }
0x189: {  	v21 =	vor.u32 v21, v3;
	[tilespmem:$0x1FB70] =	vst v0;
	v0 =	vld.idx.msk [tilespmem:v10+s22+$0x0], $0xffff  }
0x18a: {  	v28 =	vld [tilespmem:$0x1FCA0];
	v26 =	vor.u32 v26, v7  }
0x18b: {  	v29 =	vld [tilespmem:$0x1FDC0];
	_ =	sdelay $0x1  }
0x18c: {  	v30 =	vld [tilespmem:$0x1FCB0]  }
0x18d: {  	[tilespmem:v21+s8+$0x0] =	vst.idx.msk $0xffff, v0  }
0x18e: {  	v28 =	vor.u32 v28, v3;
	[tilespmem:$0x1FB80] =	vst v0;
	v0 =	vld.idx.msk [tilespmem:v26+s22+$0x0], $0xffff  }
0x18f: {  	v29 =	vor.u32 v29, v7;
	_ =	sdelay $0x1  }
0x190: {  	v34 =	vor.u32 v30, v3;
	v30 =	vld [tilespmem:$0x1FCC0];
	_ =	sdelay $0x1  }
0x191: {  	[tilespmem:v28+s8+$0x0] =	vst.idx.msk $0xffff, v0  }
0x192: {  	v33 =	vld.idx.msk [tilespmem:v29+s22+$0x0], $0xffff  }
0x193: {  	[tilespmem:$0x1FB90] =	vst v0;
	v0 =	vor.u32 v32, v7  }
0x194: {  	v31 =	vor.u32 v30, v3;
	v30 =	vld [tilespmem:$0x1FC10];
	_ =	sdelay $0x2  }
0x195: {  	[tilespmem:v34+s8+$0x0] =	vst.idx.msk $0xffff, v33  }
0x196: {  	v32 =	vld.idx.msk [tilespmem:v0+s22+$0x0], $0xffff  }
0x197: {  	[tilespmem:$0x1FBA0] =	vst v0;
	v0 =	vor.u32 v30, v7;
	v30 =	vld [tilespmem:$0x1FCD0];
	_ =	sdelay $0x4  }
0x198: {  	[tilespmem:v31+s8+$0x0] =	vst.idx.msk $0xffff, v32;
	v36 =	vor.u32 v30, v3;
	v30 =	vld [tilespmem:$0x1FC20]  }
0x199: {  	[tilespmem:$0x1FBB0] =	vst v31;
	v31 =	vld.idx.msk [tilespmem:v0+s22+$0x0], $0xffff;
	_ =	sdelay $0x2  }
0x19a: {  	[tilespmem:$0x1FBC0] =	vst v0  }
0x19b: {  	[tilespmem:$0x1FBD0] =	vst v36;
	v0 =	vor.u32 v30, v7  }
0x19c: {  	[tilespmem:v36+s8+$0x0] =	vst.idx.msk $0xffff, v31;
	v36 =	vld [tilespmem:$0x1FCE0];
	_ =	sdelay $0x3  }
0x19d: {  	v30 =	vld.idx.msk [tilespmem:v0+s22+$0x0], $0xffff  }
0x19e: {  	[tilespmem:$0x1FBE0] =	vst v0;
	v0 =	vor.u32 v36, v3;
	v36 =	vld [tilespmem:$0x1FC30];
	_ =	sdelay $0x4  }
0x19f: {  	v36 =	vor.u32 v36, v7;
	v7 =	vld [tilespmem:$0x1FCF0];
	_ =	sdelay $0x3  }
0x1a0: {  	[tilespmem:v0+s8+$0x0] =	vst.idx.msk $0xffff, v30  }
0x1a1: {  	v7 =	vor.u32 v7, v3;
	v3 =	vld.idx.msk [tilespmem:v36+s22+$0x0], $0xffff;
	_ =	sdelay $0x3  }
0x1a2: {  	[tilespmem:$0x1FC00] =	vst v7  }
0x1a3: {  	[tilespmem:v7+s8+$0x0] =	vst.idx.msk $0xffff, v3;
	v7 =	vld [tilespmem:$0x1F9C0];
	_ =	sdelay $0x4  }
0x1a4: {  	[tilespmem:$0x1FBF0] =	vst v36;
	v36 =	vld [tilespmem:$0x1F9D0];
	_ =	sdelay $0x2  }
0x1a5: {  	v7 =	vld.idx.msk [tilespmem:v7+s23+$0x0], $0xffff;
	_ =	sdelay $0x4  }
0x1a6: {  	[tilespmem:v36+s19+$0x0] =	vst.idx.msk $0xffff, v7;
	v36 =	vld [tilespmem:$0x1F9E0];
	_ =	sdelay $0x7  }
0x1a7: {  	v36 =	vld.idx.msk [tilespmem:v36+s23+$0x0], $0xffff;
	_ =	sdelay $0x4  }
0x1a8: {  	[tilespmem:v37+s19+$0x0] =	vst.idx.msk $0xffff, v36  }
0x1a9: {  	v37 =	vld.idx.msk [tilespmem:v38+s23+$0x0], $0xffff;
	_ =	sdelay $0x4  }
0x1aa: {  	[tilespmem:v39+s19+$0x0] =	vst.idx.msk $0xffff, v37  }
0x1ab: {  	v38 =	vld.idx.msk [tilespmem:v40+s23+$0x0], $0xffff;
	_ =	sdelay $0x4  }
0x1ac: {  	[tilespmem:v41+s19+$0x0] =	vst.idx.msk $0xffff, v38  }
0x1ad: {  	v39 =	vld.idx.msk [tilespmem:v42+s23+$0x0], $0xffff;
	_ =	sdelay $0x4  }
0x1ae: {  	[tilespmem:v43+s19+$0x0] =	vst.idx.msk $0xffff, v39  }
0x1af: {  	v40 =	vld.idx.msk [tilespmem:v44+s23+$0x0], $0xffff;
	_ =	sdelay $0x4  }
0x1b0: {  	[tilespmem:v45+s19+$0x0] =	vst.idx.msk $0xffff, v40  }
0x1b1: {  	v41 =	vld.idx.msk [tilespmem:v46+s23+$0x0], $0xffff;
	_ =	sdelay $0x4  }
0x1b2: {  	[tilespmem:v47+s19+$0x0] =	vst.idx.msk $0xffff, v41  }
0x1b3: {  	v42 =	vld.idx.msk [tilespmem:v48+s23+$0x0], $0xffff;
	_ =	sdelay $0x4  }
0x1b4: {  	[tilespmem:v49+s19+$0x0] =	vst.idx.msk $0xffff, v42  }
0x1b5: {  	v43 =	vld.idx.msk [tilespmem:v50+s23+$0x0], $0xffff;
	_ =	sdelay $0x4  }
0x1b6: {  	[tilespmem:v51+s19+$0x0] =	vst.idx.msk $0xffff, v43  }
0x1b7: {  	v44 =	vld.idx.msk [tilespmem:v52+s23+$0x0], $0xffff;
	_ =	sdelay $0x4  }
0x1b8: {  	[tilespmem:v53+s19+$0x0] =	vst.idx.msk $0xffff, v44  }
0x1b9: {  	v45 =	vld.idx.msk [tilespmem:v54+s23+$0x0], $0xffff;
	_ =	sdelay $0x4  }
0x1ba: {  	[tilespmem:v55+s19+$0x0] =	vst.idx.msk $0xffff, v45  }
0x1bb: {  	v46 =	vld.idx.msk [tilespmem:v56+s23+$0x0], $0xffff;
	_ =	sdelay $0x4  }
0x1bc: {  	[tilespmem:v57+s19+$0x0] =	vst.idx.msk $0xffff, v46  }
0x1bd: {  	v47 =	vld.idx.msk [tilespmem:v58+s23+$0x0], $0xffff;
	_ =	sdelay $0x4  }
0x1be: {  	[tilespmem:v59+s19+$0x0] =	vst.idx.msk $0xffff, v47  }
0x1bf: {  	v59 =	vld.idx.msk [tilespmem:v60+s23+$0x0], $0xffff;
	_ =	sdelay $0x4  }
0x1c0: {  	[tilespmem:v61+s19+$0x0] =	vst.idx.msk $0xffff, v59  }
0x1c1: {  	v49 =	vld.idx.msk [tilespmem:v62+s23+$0x0], $0xffff;
	_ =	sdelay $0x4  }
0x1c2: {  	[tilespmem:v63+s19+$0x0] =	vst.idx.msk $0xffff, v49  }
0x1c3: {  	v27 =	vld.idx.msk [tilespmem:v27+s23+$0x0], $0xffff;
	_ =	sdelay $0x4  }
0x1c4: {  	[tilespmem:v25+s19+$0x0] =	vst.idx.msk $0xffff, v27  }
0x1c5: {  	v24 =	vld.idx.msk [tilespmem:v24+s23+$0x0], $0xffff;
	_ =	sdelay $0x4  }
0x1c6: {  	[tilespmem:v23+s19+$0x0] =	vst.idx.msk $0xffff, v24  }
0x1c7: {  	v22 =	vld.idx.msk [tilespmem:v22+s23+$0x0], $0xffff;
	_ =	sdelay $0x4  }
0x1c8: {  	[tilespmem:v19+s19+$0x0] =	vst.idx.msk $0xffff, v22  }
0x1c9: {  	v19 =	vld.idx.msk [tilespmem:v20+s23+$0x0], $0xffff;
	_ =	sdelay $0x4  }
0x1ca: {  	[tilespmem:v17+s19+$0x0] =	vst.idx.msk $0xffff, v19  }
0x1cb: {  	v17 =	vld.idx.msk [tilespmem:v18+s23+$0x0], $0xffff;
	_ =	sdelay $0x4  }
0x1cc: {  	[tilespmem:v15+s19+$0x0] =	vst.idx.msk $0xffff, v17  }
0x1cd: {  	v15 =	vld.idx.msk [tilespmem:v16+s23+$0x0], $0xffff;
	_ =	sdelay $0x4  }
0x1ce: {  	[tilespmem:v13+s19+$0x0] =	vst.idx.msk $0xffff, v15  }
0x1cf: {  	v13 =	vld.idx.msk [tilespmem:v14+s23+$0x0], $0xffff;
	_ =	sdelay $0x4  }
0x1d0: {  	[tilespmem:v11+s19+$0x0] =	vst.idx.msk $0xffff, v13  }
0x1d1: {  	v11 =	vld.idx.msk [tilespmem:v12+s23+$0x0], $0xffff;
	_ =	sdelay $0x4  }
0x1d2: {  	[tilespmem:v9+s19+$0x0] =	vst.idx.msk $0xffff, v11  }
0x1d3: {  	v8 =	vld.idx.msk [tilespmem:v8+s23+$0x0], $0xffff;
	_ =	sdelay $0x3  }
0x1d4: {  	v14 =	vld [tilespmem:$0x1FA30]  }
0x1d5: {  	[tilespmem:v6+s19+$0x0] =	vst.idx.msk $0xffff, v8;
	v6 =	vld [tilespmem:$0x1FA00]  }
0x1d6: {  	v5 =	vld.idx.msk [tilespmem:v5+s23+$0x0], $0xffff  }
0x1d7: {  	v16 =	vld [tilespmem:$0x1FA40]  }
0x1d8: {  	v9 =	vld [tilespmem:$0x1FA10];
	_ =	sdelay $0x1  }
0x1d9: {  	v12 =	vld [tilespmem:$0x1FA20]  }
0x1da: {  	v14 =	vmul.f32 v14, v14;
	v6 =	vmul.f32 v6, v6;
	[tilespmem:v4+s19+$0x0] =	vst.idx.msk $0xffff, v5;
	v4 =	vld [tilespmem:$0x1F9F0];
	_ =	sdelay $0x1  }
0x1db: {  	v16 =	vmul.f32 v16, v16;
	v9 =	vmul.f32 v9, v9;
	v6 =	vadd.f32 v14, v6;
	v14 =	vld [tilespmem:$0x1FA70];
	_ =	sdelay $0x1  }
0x1dc: {  	v9 =	vadd.f32 v16, v9;
	v16 =	vld [tilespmem:$0x1FA80]  }
0x1dd: {  	v12 =	vmul.f32 v12, v12;
	v4 =	vmul.f32 v4, v4  }
0x1de: {  	v18 =	vld [tilespmem:$0x1FA60]  }
0x1df: {  	v14 =	vmul.f32 v14, v14;
	v4 =	vadd.f32 v12, v4;
	v12 =	vld [tilespmem:$0x1FA50];
	_ =	sdelay $0x1  }
0x1e0: {  	v16 =	vmul.f32 v16, v16;
	v4 =	vadd.f32 v14, v4;
	v14 =	vld [tilespmem:$0x1FAA0];
	_ =	sdelay $0x1  }
0x1e1: {  	v6 =	vadd.f32 v16, v6;
	v16 =	vld [tilespmem:$0x1FAB0]  }
0x1e2: {  	v18 =	vmul.f32 v18, v18;
	v12 =	vmul.f32 v12, v12;
	_ =	sdelay $0x1  }
0x1e3: {  	v12 =	vadd.f32 v18, v12;
	v14 =	vmul.f32 v14, v14;
	_ =	sdelay $0x1  }
0x1e4: {  	v16 =	vmul.f32 v16, v16;
	v12 =	vadd.f32 v14, v12;
	v14 =	vld [tilespmem:$0x1FAC0];
	_ =	sdelay $0x1  }
0x1e5: {  	v4 =	vadd.f32 v16, v4;
	v16 =	vld [tilespmem:$0x1FAE0];
	_ =	sdelay $0x2  }
0x1e6: {  	v18 =	vld [tilespmem:$0x1FA90];
	v14 =	vmul.f32 v14, v14  }
0x1e7: {  	v20 =	vld [tilespmem:$0x1FAD0]  }
0x1e8: {  	v16 =	vmul.f32 v16, v16;
	v6 =	vadd.f32 v14, v6;
	v14 =	vld [tilespmem:$0x1FB00]  }
0x1e9: {  	v10 =	vld.idx.msk [tilespmem:v10+s23+$0x0], $0xffff  }
0x1ea: {  	v12 =	vadd.f32 v16, v12;
	v16 =	vld [tilespmem:$0x1FB10]  }
0x1eb: {  	v18 =	vmul.f32 v18, v18;
	_ =	sdelay $0x1  }
0x1ec: {  	v20 =	vmul.f32 v20, v20;
	v9 =	vadd.f32 v18, v9;
	v14 =	vmul.f32 v14, v14  }
0x1ed: {  	[tilespmem:v21+s19+$0x0] =	vst.idx.msk $0xffff, v10;
	v21 =	vld [tilespmem:$0x1FAF0]  }
0x1ee: {  	v9 =	vadd.f32 v20, v9;
	v16 =	vmul.f32 v16, v16;
	v6 =	vadd.f32 v14, v6;
	v14 =	vld [tilespmem:$0x1FB20];
	_ =	sdelay $0x1  }
0x1ef: {  	v9 =	vadd.f32 v16, v9;
	v16 =	vld [tilespmem:$0x1FB30];
	_ =	sdelay $0x2  }
0x1f0: {  	v21 =	vmul.f32 v21, v21;
	v14 =	vmul.f32 v14, v14;
	_ =	sdelay $0x1  }
0x1f1: {  	v4 =	vadd.f32 v21, v4;
	v16 =	vmul.f32 v16, v16;
	v12 =	vadd.f32 v14, v12;
	v14 =	vld [tilespmem:$0x1FB50];
	_ =	sdelay $0x1  }
0x1f2: {  	v4 =	vadd.f32 v16, v4;
	v16 =	vld [tilespmem:$0x1FB70];
	_ =	sdelay $0x2  }
0x1f3: {  	v20 =	vld [tilespmem:$0x1FB40];
	v14 =	vmul.f32 v14, v14  }
0x1f4: {  	v23 =	vld [tilespmem:$0x1FB60]  }
0x1f5: {  	v16 =	vmul.f32 v16, v16;
	v9 =	vadd.f32 v14, v9;
	v14 =	vld [tilespmem:$0x1FB80];
	_ =	sdelay $0x1  }
0x1f6: {  	v4 =	vadd.f32 v16, v4;
	v16 =	vld [tilespmem:$0x1FB90]  }
0x1f7: {  	v18 =	vld.idx.msk [tilespmem:v26+s23+$0x0], $0xffff;
	v20 =	vmul.f32 v20, v20  }
0x1f8: {  	v23 =	vmul.f32 v23, v23  }
0x1f9: {  	v6 =	vadd.f32 v20, v6;
	v14 =	vmul.f32 v14, v14  }
0x1fa: {  	v20 =	vmul.f32 v33, v33;
	v12 =	vadd.f32 v23, v12  }
0x1fb: {  	v16 =	vmul.f32 v16, v16;
	v6 =	vadd.f32 v14, v6;
	v14 =	vmul.f32 v32, v32  }
0x1fc: {  	v3 =	vmul.f32 v3, v3;
	[tilespmem:v28+s19+$0x0] =	vst.idx.msk $0xffff, v18;
	v12 =	vadd.f32 v20, v12;
	v20 =	vld [tilespmem:$0x1FBA0]  }
0x1fd: {  	v9 =	vadd.f32 v16, v9;
	v4 =	vadd.f32 v14, v4;
	v14 =	vmul.f32 v30, v30  }
0x1fe: {  	v21 =	vld.idx.msk [tilespmem:v29+s23+$0x0], $0xffff  }
0x1ff: {  	v3 =	vadd.f32 v3, v12;
	v12 =	vmul.f32 v37, v37;
	v9 =	vadd.f32 v14, v9;
	_ =	sdelay $0x1  }
0x200: {  	v9 =	vadd.f32 v12, v9;
	v12 =	vld [tilespmem:$0x1FBB0];
	_ =	sdelay $0x1  }
0x201: {  	[tilespmem:v34+s19+$0x0] =	vst.idx.msk $0xffff, v21  }
0x202: {  	v20 =	vld.idx.msk [tilespmem:v20+s23+$0x0], $0xffff  }
0x203: {  	v16 =	vmul.f32 v31, v31  }
0x204: {  	v7 =	vmul.f32 v7, v7  }
0x205: {  	v6 =	vadd.f32 v16, v6  }
0x206: {  	v16 =	vmul.f32 v36, v36;
	v4 =	vadd.f32 v7, v4;
	v7 =	vmul.f32 v38, v38  }
0x207: {  	[tilespmem:v12+s19+$0x0] =	vst.idx.msk $0xffff, v20;
	v12 =	vmul.f32 v39, v39  }
0x208: {  	v6 =	vadd.f32 v16, v6;
	v16 =	vld [tilespmem:$0x1FBC0];
	v3 =	vadd.f32 v7, v3;
	v7 =	vmul.f32 v40, v40  }
0x209: {  	v14 =	vmul.f32 v41, v41;
	v4 =	vadd.f32 v12, v4;
	v12 =	vmul.f32 v42, v42  }
0x20a: {  	v6 =	vadd.f32 v7, v6  }
0x20b: {  	v7 =	vadd.f32 v14, v9;
	v3 =	vadd.f32 v12, v3;
	v12 =	vmul.f32 v45, v45;
	_ =	sdelay $0x1  }
0x20c: {  	v7 =	vadd.f32 v12, v7;
	v12 =	vld [tilespmem:$0x1FBD0];
	_ =	sdelay $0x2  }
0x20d: {  	v23 =	vmul.f32 v43, v43;
	v9 =	vmul.f32 v44, v44;
	v16 =	vld.idx.msk [tilespmem:v16+s23+$0x0], $0xffff  }
0x20e: {  	v14 =	vmul.f32 v47, v47  }
0x20f: {  	v6 =	vadd.f32 v9, v6;
	v9 =	vmul.f32 v46, v46;
	v4 =	vadd.f32 v23, v4;
	_ =	sdelay $0x1  }
0x210: {  	v3 =	vadd.f32 v9, v3;
	v4 =	vadd.f32 v14, v4  }
0x211: {  	v9 =	vmul.f32 v49, v49;
	v14 =	vld [tilespmem:$0x1FBE0];
	[tilespmem:v12+s19+$0x0] =	vst.idx.msk $0xffff, v16;
	v12 =	vmul.f32 v59, v59  }
0x212: {  	v23 =	vmul.f32 v24, v24  }
0x213: {  	v7 =	vadd.f32 v9, v7;
	v9 =	vmul.f32 v22, v22;
	v6 =	vadd.f32 v12, v6;
	_ =	sdelay $0x1  }
0x214: {  	v4 =	vadd.f32 v23, v4;
	v6 =	vadd.f32 v9, v6;
	v9 =	vmul.f32 v15, v15;
	_ =	sdelay $0x1  }
0x215: {  	v4 =	vadd.f32 v9, v4;
	v9 =	vmul.f32 v11, v11;
	v11 =	vld [tilespmem:$0x1FBF0];
	_ =	sdelay $0x1  }
0x216: {  	v14 =	vld.idx.msk [tilespmem:v14+s23+$0x0], $0xffff  }
0x217: {  	v12 =	vmul.f32 v27, v27;
	_ =	sdelay $0x1  }
0x218: {  	v3 =	vadd.f32 v12, v3;
	v12 =	vmul.f32 v17, v17  }
0x219: {  	v19 =	vmul.f32 v19, v19  }
0x21a: {  	v3 =	vadd.f32 v12, v3;
	[tilespmem:v0+s19+$0x0] =	vst.idx.msk $0xffff, v14;
	v12 =	vmul.f32 v13, v13  }
0x21b: {  	v8 =	vmul.f32 v8, v8;
	v7 =	vadd.f32 v19, v7;
	v11 =	vld.idx.msk [tilespmem:v11+s23+$0x0], $0xffff  }
0x21c: {  	v5 =	vmul.f32 v5, v5;
	v10 =	vmul.f32 v10, v10;
	v6 =	vadd.f32 v12, v6  }
0x21d: {  	v7 =	vadd.f32 v9, v7;
	v3 =	vadd.f32 v8, v3;
	v8 =	vmul.f32 v18, v18  }
0x21e: {  	v4 =	vadd.f32 v5, v4;
	v5 =	vadd.f32 v10, v6;
	v6 =	vmul.f32 v21, v21  }
0x21f: {  	v9 =	vmul.f32 v16, v16;
	v7 =	vadd.f32 v8, v7;
	v8 =	vmul.f32 v20, v20  }
0x220: {  	v3 =	vadd.f32 v6, v3;
	v6 =	vmul.f32 v14, v14;
	v10 =	vmul.f32 v11, v11  }
0x221: {  	v4 =	vadd.f32 v8, v4;
	v5 =	vadd.f32 v9, v5  }
0x222: {  	v6 =	vadd.f32 v6, v7;
	v3 =	vadd.f32 v10, v3;
	_ =	sdelay $0x1  }
0x223: {  	v4 =	vadd.f32 v5, v4;
	v3 =	vadd.f32 v3, v6;
	_ =	sdelay $0x1  }
0x224: {  	v3 =	vadd.f32 v3, v4;
	_ =	sdelay $0x1  }
0x225: {  	v4 =	vshrl.u32 v3, $0x1;
	v5 =	vmul.f32 $5.000000000e-01, v3  }
0x226: {  	v4 =	vsub.s32 $0x5F3759DF, v4  }
0x227: {  	v6 =	vmul.f32 v4, v5;
	_ =	sdelay $0x1  }
0x228: {  	v6 =	vmul.f32 v4, v6;
	_ =	sdelay $0x1  }
0x229: {  	v6 =	vsub.f32 $1.500000000e+00, v6;
	_ =	sdelay $0x1  }
0x22a: {  	v4 =	vmul.f32 v4, v6;
	v6 =	vld [tilespmem:$0x1FC00];
	_ =	sdelay $0x4  }
0x22b: {  	v5 =	vmul.f32 v4, v5;
	_ =	sdelay $0x1  }
0x22c: {  	v5 =	vmul.f32 v5, v4  }
0x22d: {  	s11 =	sshra.s32 s10, $0x2;
	[tilespmem:v6+s19+$0x0] =	vst.idx.msk $0xffff, v11  }
0x22e: {  	v5 =	vsub.f32 $1.500000000e+00, v5;
	v6 =	vld.idx.msk [tilespmem:v35+s11+$0x0 ss:$0x1], $0xffff;
	_ =	sdelay $0x1  }
0x22f: {  	v4 =	vmul.f32 v5, v4  }
0x230: {  	vm0 =	vlt.f32 v3, $1.000000020e-16  }
0x231: {  	v3 =	vsel vm0, $0x4CBEBC20, v4  }
0x232: {  	v4 =	vmul.f32 v3, v6;
	_ =	sdelay $0x1  }
0x233: {  	[tilespmem:v1+s11+$0xFFFFE080 ss:$0x1] =	vst.idx.msk $0xffff, v4  }
0x234: {  	v4 =	vld.idx.msk [tilespmem:v2+s11+$0x0 ss:$0x1], $0xffff;
	_ =	sdelay $0x4  }
0x235: {  	v4 =	vmul.f32 v3, v4;
	_ =	sdelay $0x1  }
0x236: {  	[tilespmem:v1+s11+$0xFFFFF080 ss:$0x1] =	vst.idx.msk $0xffff, v4  }
0x237: {  	v4 =	vld.idx.msk [tilespmem:v35+s11+$0x80 ss:$0x1], $0xffff;
	_ =	sdelay $0x4  }
0x238: {  	v4 =	vmul.f32 v3, v4;
	_ =	sdelay $0x1  }
0x239: {  	[tilespmem:v1+s11+$0xFFFFE100 ss:$0x1] =	vst.idx.msk $0xffff, v4  }
0x23a: {  	v4 =	vld.idx.msk [tilespmem:v2+s11+$0x80 ss:$0x1], $0xffff;
	_ =	sdelay $0x4  }
0x23b: {  	v4 =	vmul.f32 v3, v4;
	_ =	sdelay $0x1  }
0x23c: {  	[tilespmem:v1+s11+$0xFFFFF100 ss:$0x1] =	vst.idx.msk $0xffff, v4  }
0x23d: {  	v4 =	vld.idx.msk [tilespmem:v35+s11+$0x100 ss:$0x1], $0xffff;
	_ =	sdelay $0x4  }
0x23e: {  	v4 =	vmul.f32 v3, v4;
	_ =	sdelay $0x1  }
0x23f: {  	[tilespmem:v1+s11+$0xFFFFE180 ss:$0x1] =	vst.idx.msk $0xffff, v4  }
0x240: {  	v4 =	vld.idx.msk [tilespmem:v2+s11+$0x100 ss:$0x1], $0xffff;
	_ =	sdelay $0x4  }
0x241: {  	v4 =	vmul.f32 v3, v4;
	_ =	sdelay $0x1  }
0x242: {  	[tilespmem:v1+s11+$0xFFFFF180 ss:$0x1] =	vst.idx.msk $0xffff, v4  }
0x243: {  	v4 =	vld.idx.msk [tilespmem:v35+s11+$0x180 ss:$0x1], $0xffff;
	_ =	sdelay $0x4  }
0x244: {  	v4 =	vmul.f32 v3, v4;
	_ =	sdelay $0x1  }
0x245: {  	[tilespmem:v1+s11+$0xFFFFE200 ss:$0x1] =	vst.idx.msk $0xffff, v4  }
0x246: {  	v4 =	vld.idx.msk [tilespmem:v2+s11+$0x180 ss:$0x1], $0xffff;
	_ =	sdelay $0x4  }
0x247: {  	v4 =	vmul.f32 v3, v4;
	_ =	sdelay $0x1  }
0x248: {  	[tilespmem:v1+s11+$0xFFFFF200 ss:$0x1] =	vst.idx.msk $0xffff, v4  }
0x249: {  	v4 =	vld.idx.msk [tilespmem:v35+s11+$0x200 ss:$0x1], $0xffff;
	_ =	sdelay $0x4  }
0x24a: {  	v4 =	vmul.f32 v4, v3;
	_ =	sdelay $0x1  }
0x24b: {  	[tilespmem:v1+s11+$0xFFFFE280 ss:$0x1] =	vst.idx.msk $0xffff, v4  }
0x24c: {  	v4 =	vld.idx.msk [tilespmem:v2+s11+$0x200 ss:$0x1], $0xffff;
	_ =	sdelay $0x4  }
0x24d: {  	v4 =	vmul.f32 v4, v3;
	_ =	sdelay $0x1  }
0x24e: {  	[tilespmem:v1+s11+$0xFFFFF280 ss:$0x1] =	vst.idx.msk $0xffff, v4  }
0x24f: {  	v4 =	vld.idx.msk [tilespmem:v35+s11+$0x280 ss:$0x1], $0xffff;
	_ =	sdelay $0x4  }
0x250: {  	v4 =	vmul.f32 v4, v3;
	_ =	sdelay $0x1  }
0x251: {  	[tilespmem:v1+s11+$0xFFFFE300 ss:$0x1] =	vst.idx.msk $0xffff, v4  }
0x252: {  	v4 =	vld.idx.msk [tilespmem:v2+s11+$0x280 ss:$0x1], $0xffff;
	_ =	sdelay $0x4  }
0x253: {  	v4 =	vmul.f32 v4, v3;
	_ =	sdelay $0x1  }
0x254: {  	[tilespmem:v1+s11+$0xFFFFF300 ss:$0x1] =	vst.idx.msk $0xffff, v4  }
0x255: {  	v4 =	vld.idx.msk [tilespmem:v35+s11+$0x300 ss:$0x1], $0xffff;
	_ =	sdelay $0x4  }
0x256: {  	v4 =	vmul.f32 v4, v3;
	_ =	sdelay $0x1  }
0x257: {  	[tilespmem:v1+s11+$0xFFFFE380 ss:$0x1] =	vst.idx.msk $0xffff, v4  }
0x258: {  	v4 =	vld.idx.msk [tilespmem:v2+s11+$0x300 ss:$0x1], $0xffff;
	_ =	sdelay $0x4  }
0x259: {  	v4 =	vmul.f32 v4, v3;
	_ =	sdelay $0x1  }
0x25a: {  	[tilespmem:v1+s11+$0xFFFFF380 ss:$0x1] =	vst.idx.msk $0xffff, v4  }
0x25b: {  	v4 =	vld.idx.msk [tilespmem:v35+s11+$0x380 ss:$0x1], $0xffff;
	_ =	sdelay $0x4  }
0x25c: {  	v4 =	vmul.f32 v4, v3;
	_ =	sdelay $0x1  }
0x25d: {  	[tilespmem:v1+s11+$0xFFFFE400 ss:$0x1] =	vst.idx.msk $0xffff, v4  }
0x25e: {  	v4 =	vld.idx.msk [tilespmem:v2+s11+$0x380 ss:$0x1], $0xffff;
	_ =	sdelay $0x4  }
0x25f: {  	v4 =	vmul.f32 v4, v3;
	_ =	sdelay $0x1  }
0x260: {  	[tilespmem:v1+s11+$0xFFFFF400 ss:$0x1] =	vst.idx.msk $0xffff, v4  }
0x261: {  	v4 =	vld.idx.msk [tilespmem:v35+s11+$0x400 ss:$0x1], $0xffff;
	_ =	sdelay $0x4  }
0x262: {  	v4 =	vmul.f32 v4, v3;
	_ =	sdelay $0x1  }
0x263: {  	[tilespmem:v1+s11+$0xFFFFE480 ss:$0x1] =	vst.idx.msk $0xffff, v4  }
0x264: {  	v4 =	vld.idx.msk [tilespmem:v2+s11+$0x400 ss:$0x1], $0xffff;
	_ =	sdelay $0x4  }
0x265: {  	v4 =	vmul.f32 v4, v3;
	_ =	sdelay $0x1  }
0x266: {  	[tilespmem:v1+s11+$0xFFFFF480 ss:$0x1] =	vst.idx.msk $0xffff, v4  }
0x267: {  	v4 =	vld.idx.msk [tilespmem:v35+s11+$0x480 ss:$0x1], $0xffff;
	_ =	sdelay $0x4  }
0x268: {  	v4 =	vmul.f32 v4, v3;
	_ =	sdelay $0x1  }
0x269: {  	[tilespmem:v1+s11+$0xFFFFE500 ss:$0x1] =	vst.idx.msk $0xffff, v4  }
0x26a: {  	v4 =	vld.idx.msk [tilespmem:v2+s11+$0x480 ss:$0x1], $0xffff;
	_ =	sdelay $0x4  }
0x26b: {  	v4 =	vmul.f32 v4, v3;
	_ =	sdelay $0x1  }
0x26c: {  	[tilespmem:v1+s11+$0xFFFFF500 ss:$0x1] =	vst.idx.msk $0xffff, v4  }
0x26d: {  	v4 =	vld.idx.msk [tilespmem:v35+s11+$0x500 ss:$0x1], $0xffff;
	_ =	sdelay $0x4  }
0x26e: {  	v4 =	vmul.f32 v4, v3;
	_ =	sdelay $0x1  }
0x26f: {  	[tilespmem:v1+s11+$0xFFFFE580 ss:$0x1] =	vst.idx.msk $0xffff, v4  }
0x270: {  	v4 =	vld.idx.msk [tilespmem:v2+s11+$0x500 ss:$0x1], $0xffff;
	_ =	sdelay $0x4  }
0x271: {  	v4 =	vmul.f32 v4, v3;
	_ =	sdelay $0x1  }
0x272: {  	[tilespmem:v1+s11+$0xFFFFF580 ss:$0x1] =	vst.idx.msk $0xffff, v4  }
0x273: {  	v4 =	vld.idx.msk [tilespmem:v35+s11+$0x580 ss:$0x1], $0xffff;
	_ =	sdelay $0x4  }
0x274: {  	v4 =	vmul.f32 v4, v3;
	_ =	sdelay $0x1  }
0x275: {  	[tilespmem:v1+s11+$0xFFFFE600 ss:$0x1] =	vst.idx.msk $0xffff, v4  }
0x276: {  	v4 =	vld.idx.msk [tilespmem:v2+s11+$0x580 ss:$0x1], $0xffff;
	_ =	sdelay $0x4  }
0x277: {  	v4 =	vmul.f32 v4, v3;
	_ =	sdelay $0x1  }
0x278: {  	[tilespmem:v1+s11+$0xFFFFF600 ss:$0x1] =	vst.idx.msk $0xffff, v4  }
0x279: {  	v4 =	vld.idx.msk [tilespmem:v35+s11+$0x600 ss:$0x1], $0xffff;
	_ =	sdelay $0x4  }
0x27a: {  	v4 =	vmul.f32 v4, v3;
	_ =	sdelay $0x1  }
0x27b: {  	[tilespmem:v1+s11+$0xFFFFE680 ss:$0x1] =	vst.idx.msk $0xffff, v4  }
0x27c: {  	v4 =	vld.idx.msk [tilespmem:v2+s11+$0x600 ss:$0x1], $0xffff;
	_ =	sdelay $0x4  }
0x27d: {  	v4 =	vmul.f32 v4, v3;
	_ =	sdelay $0x1  }
0x27e: {  	[tilespmem:v1+s11+$0xFFFFF680 ss:$0x1] =	vst.idx.msk $0xffff, v4  }
0x27f: {  	v4 =	vld.idx.msk [tilespmem:v35+s11+$0x680 ss:$0x1], $0xffff;
	_ =	sdelay $0x4  }
0x280: {  	v4 =	vmul.f32 v4, v3;
	_ =	sdelay $0x1  }
0x281: {  	[tilespmem:v1+s11+$0xFFFFE700 ss:$0x1] =	vst.idx.msk $0xffff, v4  }
0x282: {  	v4 =	vld.idx.msk [tilespmem:v2+s11+$0x680 ss:$0x1], $0xffff;
	_ =	sdelay $0x4  }
0x283: {  	v4 =	vmul.f32 v4, v3;
	_ =	sdelay $0x1  }
0x284: {  	[tilespmem:v1+s11+$0xFFFFF700 ss:$0x1] =	vst.idx.msk $0xffff, v4  }
0x285: {  	v4 =	vld.idx.msk [tilespmem:v35+s11+$0x700 ss:$0x1], $0xffff;
	_ =	sdelay $0x4  }
0x286: {  	v4 =	vmul.f32 v4, v3;
	_ =	sdelay $0x1  }
0x287: {  	[tilespmem:v1+s11+$0xFFFFE780 ss:$0x1] =	vst.idx.msk $0xffff, v4  }
0x288: {  	v4 =	vld.idx.msk [tilespmem:v2+s11+$0x700 ss:$0x1], $0xffff;
	_ =	sdelay $0x4  }
0x289: {  	v4 =	vmul.f32 v4, v3;
	_ =	sdelay $0x1  }
0x28a: {  	[tilespmem:v1+s11+$0xFFFFF780 ss:$0x1] =	vst.idx.msk $0xffff, v4  }
0x28b: {  	v4 =	vld.idx.msk [tilespmem:v35+s11+$0x780 ss:$0x1], $0xffff;
	_ =	sdelay $0x4  }
0x28c: {  	v4 =	vmul.f32 v4, v3;
	_ =	sdelay $0x1  }
0x28d: {  	[tilespmem:v1+s11+$0xFFFFE800 ss:$0x1] =	vst.idx.msk $0xffff, v4  }
0x28e: {  	v4 =	vld.idx.msk [tilespmem:v2+s11+$0x780 ss:$0x1], $0xffff;
	_ =	sdelay $0x4  }
0x28f: {  	v4 =	vmul.f32 v4, v3;
	_ =	sdelay $0x1  }
0x290: {  	[tilespmem:v1+s11+$0xFFFFF800 ss:$0x1] =	vst.idx.msk $0xffff, v4  }
0x291: {  	v4 =	vld.idx.msk [tilespmem:v35+s11+$0x800 ss:$0x1], $0xffff;
	_ =	sdelay $0x4  }
0x292: {  	v4 =	vmul.f32 v4, v3;
	_ =	sdelay $0x1  }
0x293: {  	[tilespmem:v1+s11+$0xFFFFE880 ss:$0x1] =	vst.idx.msk $0xffff, v4  }
0x294: {  	v4 =	vld.idx.msk [tilespmem:v2+s11+$0x800 ss:$0x1], $0xffff;
	_ =	sdelay $0x4  }
0x295: {  	v4 =	vmul.f32 v4, v3;
	_ =	sdelay $0x1  }
0x296: {  	[tilespmem:v1+s11+$0xFFFFF880 ss:$0x1] =	vst.idx.msk $0xffff, v4  }
0x297: {  	v4 =	vld.idx.msk [tilespmem:v35+s11+$0x880 ss:$0x1], $0xffff;
	_ =	sdelay $0x4  }
0x298: {  	v4 =	vmul.f32 v4, v3;
	_ =	sdelay $0x1  }
0x299: {  	[tilespmem:v1+s11+$0xFFFFE900 ss:$0x1] =	vst.idx.msk $0xffff, v4  }
0x29a: {  	v4 =	vld.idx.msk [tilespmem:v2+s11+$0x880 ss:$0x1], $0xffff;
	_ =	sdelay $0x4  }
0x29b: {  	v4 =	vmul.f32 v4, v3;
	_ =	sdelay $0x1  }
0x29c: {  	[tilespmem:v1+s11+$0xFFFFF900 ss:$0x1] =	vst.idx.msk $0xffff, v4  }
0x29d: {  	v4 =	vld.idx.msk [tilespmem:v35+s11+$0x900 ss:$0x1], $0xffff;
	_ =	sdelay $0x4  }
0x29e: {  	v4 =	vmul.f32 v4, v3;
	_ =	sdelay $0x1  }
0x29f: {  	[tilespmem:v1+s11+$0xFFFFE980 ss:$0x1] =	vst.idx.msk $0xffff, v4  }
0x2a0: {  	v4 =	vld.idx.msk [tilespmem:v2+s11+$0x900 ss:$0x1], $0xffff;
	_ =	sdelay $0x4  }
0x2a1: {  	v4 =	vmul.f32 v4, v3;
	_ =	sdelay $0x1  }
0x2a2: {  	[tilespmem:v1+s11+$0xFFFFF980 ss:$0x1] =	vst.idx.msk $0xffff, v4  }
0x2a3: {  	v4 =	vld.idx.msk [tilespmem:v35+s11+$0x980 ss:$0x1], $0xffff;
	_ =	sdelay $0x4  }
0x2a4: {  	v4 =	vmul.f32 v4, v3;
	_ =	sdelay $0x1  }
0x2a5: {  	[tilespmem:v1+s11+$0xFFFFEA00 ss:$0x1] =	vst.idx.msk $0xffff, v4  }
0x2a6: {  	v4 =	vld.idx.msk [tilespmem:v2+s11+$0x980 ss:$0x1], $0xffff;
	_ =	sdelay $0x4  }
0x2a7: {  	v4 =	vmul.f32 v4, v3;
	_ =	sdelay $0x1  }
0x2a8: {  	[tilespmem:v1+s11+$0xFFFFFA00 ss:$0x1] =	vst.idx.msk $0xffff, v4  }
0x2a9: {  	v4 =	vld.idx.msk [tilespmem:v35+s11+$0xA00 ss:$0x1], $0xffff;
	_ =	sdelay $0x4  }
0x2aa: {  	v4 =	vmul.f32 v4, v3;
	_ =	sdelay $0x1  }
0x2ab: {  	[tilespmem:v1+s11+$0xFFFFEA80 ss:$0x1] =	vst.idx.msk $0xffff, v4  }
0x2ac: {  	v4 =	vld.idx.msk [tilespmem:v2+s11+$0xA00 ss:$0x1], $0xffff;
	_ =	sdelay $0x4  }
0x2ad: {  	v4 =	vmul.f32 v4, v3;
	_ =	sdelay $0x1  }
0x2ae: {  	[tilespmem:v1+s11+$0xFFFFFA80 ss:$0x1] =	vst.idx.msk $0xffff, v4  }
0x2af: {  	v4 =	vld.idx.msk [tilespmem:v35+s11+$0xA80 ss:$0x1], $0xffff;
	_ =	sdelay $0x4  }
0x2b0: {  	v4 =	vmul.f32 v4, v3;
	_ =	sdelay $0x1  }
0x2b1: {  	[tilespmem:v1+s11+$0xFFFFEB00 ss:$0x1] =	vst.idx.msk $0xffff, v4  }
0x2b2: {  	v4 =	vld.idx.msk [tilespmem:v2+s11+$0xA80 ss:$0x1], $0xffff;
	_ =	sdelay $0x4  }
0x2b3: {  	v4 =	vmul.f32 v4, v3;
	_ =	sdelay $0x1  }
0x2b4: {  	[tilespmem:v1+s11+$0xFFFFFB00 ss:$0x1] =	vst.idx.msk $0xffff, v4  }
0x2b5: {  	v4 =	vld.idx.msk [tilespmem:v35+s11+$0xB00 ss:$0x1], $0xffff;
	_ =	sdelay $0x4  }
0x2b6: {  	v4 =	vmul.f32 v4, v3;
	_ =	sdelay $0x1  }
0x2b7: {  	[tilespmem:v1+s11+$0xFFFFEB80 ss:$0x1] =	vst.idx.msk $0xffff, v4  }
0x2b8: {  	v4 =	vld.idx.msk [tilespmem:v2+s11+$0xB00 ss:$0x1], $0xffff;
	_ =	sdelay $0x4  }
0x2b9: {  	v4 =	vmul.f32 v4, v3;
	_ =	sdelay $0x1  }
0x2ba: {  	[tilespmem:v1+s11+$0xFFFFFB80 ss:$0x1] =	vst.idx.msk $0xffff, v4  }
0x2bb: {  	v4 =	vld.idx.msk [tilespmem:v35+s11+$0xB80 ss:$0x1], $0xffff;
	_ =	sdelay $0x4  }
0x2bc: {  	v4 =	vmul.f32 v4, v3;
	_ =	sdelay $0x1  }
0x2bd: {  	[tilespmem:v1+s11+$0xFFFFEC00 ss:$0x1] =	vst.idx.msk $0xffff, v4  }
0x2be: {  	v4 =	vld.idx.msk [tilespmem:v2+s11+$0xB80 ss:$0x1], $0xffff;
	_ =	sdelay $0x4  }
0x2bf: {  	v4 =	vmul.f32 v4, v3;
	_ =	sdelay $0x1  }
0x2c0: {  	[tilespmem:v1+s11+$0xFFFFFC00 ss:$0x1] =	vst.idx.msk $0xffff, v4  }
0x2c1: {  	v4 =	vld.idx.msk [tilespmem:v35+s11+$0xC00 ss:$0x1], $0xffff;
	_ =	sdelay $0x4  }
0x2c2: {  	v4 =	vmul.f32 v4, v3;
	_ =	sdelay $0x1  }
0x2c3: {  	[tilespmem:v1+s11+$0xFFFFEC80 ss:$0x1] =	vst.idx.msk $0xffff, v4  }
0x2c4: {  	v4 =	vld.idx.msk [tilespmem:v2+s11+$0xC00 ss:$0x1], $0xffff;
	_ =	sdelay $0x4  }
0x2c5: {  	v4 =	vmul.f32 v4, v3;
	_ =	sdelay $0x1  }
0x2c6: {  	[tilespmem:v1+s11+$0xFFFFFC80 ss:$0x1] =	vst.idx.msk $0xffff, v4  }
0x2c7: {  	v4 =	vld.idx.msk [tilespmem:v35+s11+$0xC80 ss:$0x1], $0xffff;
	_ =	sdelay $0x4  }
0x2c8: {  	v4 =	vmul.f32 v4, v3;
	_ =	sdelay $0x1  }
0x2c9: {  	[tilespmem:v1+s11+$0xFFFFED00 ss:$0x1] =	vst.idx.msk $0xffff, v4  }
0x2ca: {  	v4 =	vld.idx.msk [tilespmem:v2+s11+$0xC80 ss:$0x1], $0xffff;
	_ =	sdelay $0x4  }
0x2cb: {  	v4 =	vmul.f32 v4, v3;
	_ =	sdelay $0x1  }
0x2cc: {  	[tilespmem:v1+s11+$0xFFFFFD00 ss:$0x1] =	vst.idx.msk $0xffff, v4  }
0x2cd: {  	v4 =	vld.idx.msk [tilespmem:v35+s11+$0xD00 ss:$0x1], $0xffff;
	_ =	sdelay $0x4  }
0x2ce: {  	v4 =	vmul.f32 v4, v3;
	_ =	sdelay $0x1  }
0x2cf: {  	[tilespmem:v1+s11+$0xFFFFED80 ss:$0x1] =	vst.idx.msk $0xffff, v4  }
0x2d0: {  	v4 =	vld.idx.msk [tilespmem:v2+s11+$0xD00 ss:$0x1], $0xffff;
	_ =	sdelay $0x4  }
0x2d1: {  	v4 =	vmul.f32 v4, v3;
	_ =	sdelay $0x1  }
0x2d2: {  	[tilespmem:v1+s11+$0xFFFFFD80 ss:$0x1] =	vst.idx.msk $0xffff, v4  }
0x2d3: {  	v4 =	vld.idx.msk [tilespmem:v35+s11+$0xD80 ss:$0x1], $0xffff;
	_ =	sdelay $0x4  }
0x2d4: {  	v4 =	vmul.f32 v4, v3;
	_ =	sdelay $0x1  }
0x2d5: {  	[tilespmem:v1+s11+$0xFFFFEE00 ss:$0x1] =	vst.idx.msk $0xffff, v4  }
0x2d6: {  	v4 =	vld.idx.msk [tilespmem:v2+s11+$0xD80 ss:$0x1], $0xffff;
	_ =	sdelay $0x4  }
0x2d7: {  	v4 =	vmul.f32 v4, v3;
	_ =	sdelay $0x1  }
0x2d8: {  	[tilespmem:v1+s11+$0xFFFFFE00 ss:$0x1] =	vst.idx.msk $0xffff, v4  }
0x2d9: {  	v4 =	vld.idx.msk [tilespmem:v35+s11+$0xE00 ss:$0x1], $0xffff;
	_ =	sdelay $0x4  }
0x2da: {  	v4 =	vmul.f32 v4, v3;
	_ =	sdelay $0x1  }
0x2db: {  	[tilespmem:v1+s11+$0xFFFFEE80 ss:$0x1] =	vst.idx.msk $0xffff, v4  }
0x2dc: {  	v4 =	vld.idx.msk [tilespmem:v2+s11+$0xE00 ss:$0x1], $0xffff;
	_ =	sdelay $0x4  }
0x2dd: {  	v4 =	vmul.f32 v4, v3;
	_ =	sdelay $0x1  }
0x2de: {  	[tilespmem:v1+s11+$0xFFFFFE80 ss:$0x1] =	vst.idx.msk $0xffff, v4  }
0x2df: {  	v4 =	vld.idx.msk [tilespmem:v35+s11+$0xE80 ss:$0x1], $0xffff;
	_ =	sdelay $0x4  }
0x2e0: {  	v4 =	vmul.f32 v4, v3;
	_ =	sdelay $0x1  }
0x2e1: {  	[tilespmem:v1+s11+$0xFFFFEF00 ss:$0x1] =	vst.idx.msk $0xffff, v4  }
0x2e2: {  	v4 =	vld.idx.msk [tilespmem:v2+s11+$0xE80 ss:$0x1], $0xffff;
	_ =	sdelay $0x3  }
0x2e3: {  	v55 =	vld [tilespmem:$0x1FE10]  }
0x2e4: {  	v60 =	vld [tilespmem:$0x1FFF0];
	v4 =	vmul.f32 v4, v3  }
0x2e5: {  	v63 =	vld [tilespmem:$0x1FE60]  }
0x2e6: {  	v25 =	vld [tilespmem:$0x1FF80];
	[tilespmem:v1+s11+$0xFFFFFF00 ss:$0x1] =	vst.idx.msk $0xffff, v4  }
0x2e7: {  	v4 =	vld.idx.msk [tilespmem:v35+s11+$0xF00 ss:$0x1], $0xffff  }
0x2e8: {  	v26 =	vld [tilespmem:$0x1FF90]  }
0x2e9: {  	v28 =	vld [tilespmem:$0x1FFB0]  }
0x2ea: {  	v29 =	vld [tilespmem:$0x1FFC0]  }
0x2eb: {  	v33 =	vld [tilespmem:$0x1FDF0]  }
0x2ec: {  	v34 =	vld [tilespmem:$0x1FE00];
	v4 =	vmul.f32 v4, v3  }
0x2ed: {  	v31 =	vld [tilespmem:$0x1FFE0]  }
0x2ee: {  	v32 =	vld [tilespmem:$0x1FDE0];
	[tilespmem:v1+s11+$0xFFFFEF80 ss:$0x1] =	vst.idx.msk $0xffff, v4  }
0x2ef: {  	v4 =	vld.idx.msk [tilespmem:v2+s11+$0xF00 ss:$0x1], $0xffff  }
0x2f0: {  	v30 =	vld [tilespmem:$0x1FFD0]  }
0x2f1: {  	v24 =	vld [tilespmem:$0x1FF70]  }
0x2f2: {  	v22 =	vld [tilespmem:$0x1FF50]  }
0x2f3: {  	v23 =	vld [tilespmem:$0x1FF60]  }
0x2f4: {  	v19 =	vld [tilespmem:$0x1FF30];
	v4 =	vmul.f32 v4, v3  }
0x2f5: {  	v27 =	vld [tilespmem:$0x1FFA0]  }
0x2f6: {  	v17 =	vld [tilespmem:$0x1FF00];
	[tilespmem:v1+s11+$0xFFFFFF80 ss:$0x1] =	vst.idx.msk $0xffff, v4  }
0x2f7: {  	v4 =	vld.idx.msk [tilespmem:v35+s11+$0xF80 ss:$0x1], $0xffff  }
0x2f8: {  	v15 =	vld [tilespmem:$0x1FEE0]  }
0x2f9: {  	v13 =	vld [tilespmem:$0x1FEC0]  }
0x2fa: {  	v12 =	vld [tilespmem:$0x1FEB0]  }
0x2fb: {  	v18 =	vld [tilespmem:$0x1FF10]  }
0x2fc: {  	v16 =	vld [tilespmem:$0x1FEF0];
	v4 =	vmul.f32 v4, v3  }
0x2fd: {  	v21 =	vld [tilespmem:$0x1FF20]  }
0x2fe: {  	v20 =	vld [tilespmem:$0x1FF40];
	[tilespmem:v1+s11+$0xFFFFF000 ss:$0x1] =	vst.idx.msk $0xffff, v4  }
0x2ff: {  	v4 =	vld.idx.msk [tilespmem:v2+s11+$0xF80 ss:$0x1], $0xffff  }
0x300: {  	v14 =	vld [tilespmem:$0x1FED0]  }
0x301: {  	p0 =	sne.s32 s10, $0x1C0;
	v8 =	vld [tilespmem:$0x1FE70]  }
.Ltmp0:
0x302: {  	v9 =	vld [tilespmem:$0x1FE80];
	(pc) =	sbr.rel @p0 .LBB2_3-.Ltmp0, $4  }
0x303: {  	v10 =	vld [tilespmem:$0x1FE90]  }
0x304: {  	v11 =	vld [tilespmem:$0x1FEA0];
	v3 =	vmul.f32 v4, v3  }
0x305: {  	v5 =	vld [tilespmem:$0x1FE40]  }
0x306: {  	s18 =	sadd.s32 $0x10, s18;
	s10 =	sadd.s32 $0x40, s10;
	v6 =	vld [tilespmem:$0x1FE50];
	v4 =	vlaneseq.u32;
	[tilespmem:v1+s11+$0x0 ss:$0x1] =	vst.idx.msk $0xffff, v3  }
0x307: {  	s10 =	sshll.u32 s30, $0x11  }
0x308: {  	s10 =	sor.u32 s9, s10  }
0x309: {  	s10 =	sshrl.u32 s10, $0x3  }
0x30a: {  	s7 =	sadd.s32 $0x4, s7;
	s11 =	sadd.s32 s0, s10  }
0x30b: {  	[hbm4b:s11+s5] =	stream.linear.scatter [tilespmem:s8], [sflag:s7], $0x400, $0x38;
	[tilespmem:$0x12180] =	vst v63  }
0x30c: {  	s18 =	sadd.s32 s1, s10;
	s22 =	sor.u32 $0x1000, s10  }
0x30d: {  	[hbm4b:s18+s5] =	stream.linear.scatter [tilespmem:s19], [sflag:s7], $0x400, $0x38;
	[tilespmem:$0x12180] =	vst v63  }
0x30e: {  	s12 =	sadd.s32 $0x6580, s21;
	s23 =	sadd.s32 s0, s22  }
0x30f: {  	[hbm4b:s23+s5] =	stream.linear.scatter [tilespmem:s12], [sflag:s7], $0x400, $0x38;
	[tilespmem:$0x12180] =	vst v63  }
0x310: {  	s8 =	sadd.s32 s1, s22;
	s18 =	sadd.s32 $0x9580, s21;
	s19 =	sor.u32 $0x2000, s10  }
0x311: {  	[hbm4b:s8+s5] =	stream.linear.scatter [tilespmem:s18], [sflag:s7], $0x400, $0x38;
	[tilespmem:$0x12180] =	vst v63  }
0x312: {  	s22 =	sadd.s32 s0, s19;
	s23 =	sadd.s32 $0x6980, s21  }
0x313: {  	[hbm4b:s22+s5] =	stream.linear.scatter [tilespmem:s23], [sflag:s7], $0x400, $0x38;
	[tilespmem:$0x12180] =	vst v63  }
0x314: {  	s8 =	sadd.s32 s1, s19;
	s18 =	sadd.s32 $0x9980, s21;
	s19 =	sor.u32 $0x3000, s10  }
0x315: {  	[hbm4b:s8+s5] =	stream.linear.scatter [tilespmem:s18], [sflag:s7], $0x400, $0x38;
	[tilespmem:$0x12180] =	vst v63  }
0x316: {  	s10 =	sadd.s32 s0, s19;
	s22 =	sadd.s32 $0x6D80, s21  }
0x317: {  	[hbm4b:s10+s5] =	stream.linear.scatter [tilespmem:s22], [sflag:s7], $0x400, $0x38;
	[tilespmem:$0x12180] =	vst v63  }
0x318: {  	s11 =	sshll.u32 s30, $0x12;
	s23 =	sadd.s32 $0x9D80, s21;
	s8 =	sadd.s32 s1, s19  }
0x319: {  	[hbm4b:s8+s5] =	stream.linear.scatter [tilespmem:s23], [sflag:s7], $0x400, $0x38;
	[tilespmem:$0x12180] =	vst v63  }
0x31a: {  	s8 =	sor.u32 s9, s11  }
0x31b: {  	s12 =	rddreg [dreg:$0x3];
	s8 =	sshrl.u32 s8, $0x3  }
0x31c: {  	s18 =	rddreg [dreg:$0x8];
	s10 =	sadd.s32 s12, s8  }
0x31d: {  	[hbm4b:s10+s5] =	stream.linear.scatter [tilespmem:s17], [sflag:s7], $0x400, $0x38;
	[tilespmem:$0x12180] =	vst v63  }
0x31e: {  	s19 =	rddreg [dreg:$0x9];
	s10 =	sadd.s32 s8, s18  }
0x31f: {  	[hbm4b:s10+s5] =	stream.linear.scatter [tilespmem:s24], [sflag:s7], $0x400, $0x38;
	[tilespmem:$0x12180] =	vst v63  }
0x320: {  	s21 =	rddreg [dreg:$0xa];
	s10 =	sadd.s32 s8, s19  }
0x321: {  	[hbm4b:s10+s5] =	stream.linear.scatter [tilespmem:s4], [sflag:s7], $0x400, $0x38;
	[tilespmem:$0x12180] =	vst v63  }
0x322: {  	s4 =	sadd.s32 s8, s21  }
0x323: {  	[hbm4b:s4+s5] =	stream.linear.scatter [tilespmem:s6], [sflag:s7], $0x400, $0x38;
	[tilespmem:$0x12180] =	vst v63  }
0x324: {  	s22 =	sadd.s32 s8, s13  }
0x325: {  	[hbm4b:s22+s5] =	stream.linear.scatter [tilespmem:s31], [sflag:s7], $0x400, $0x38;
	[tilespmem:$0x12180] =	vst v63  }
0x326: {  	p0 =	sne.s32 s29, $0xC8;
	s23 =	sadd.s32 s8, s14  }
0x327: {  	[hbm4b:s23+s5] =	stream.linear.scatter [tilespmem:s3], [sflag:s7], $0x400, $0x38;
	[tilespmem:$0x12180] =	vst v63  }
.Ltmp1:
0x328: {  	_ = 	snop;
	(pc) =	sbr.rel @p0 .LBB2_2-.Ltmp1, $4  }
0x329: {  	s25 =	sadd.s32 $0x2000, s25;
	s26 =	sadd.s32 $0x1000, s26;
	s24 =	sadd.s32 s8, s15  }
0x32a: {  	[hbm4b:s24+s5] =	stream.linear.scatter [tilespmem:s2], [sflag:s7], $0x400, $0x38;
	[tilespmem:$0x12180] =	vst v63  }
0x32b: {  	s28 =	sadd.s32 $0x1000, s28;
	s30 =	smov.u32 s29;
	s31 =	sadd.s32 s8, s16  }
0x32c: {  	[hbm4b:s31+s5] =	stream.linear.scatter [tilespmem:s20], [sflag:s7], $0x400, $0x38;
	[tilespmem:$0x12180] =	vst v63  }
0x32d: {  	s2 =	simm.s32 $0x4  }
0x32e: {  	_ =	swait.ge [sflag:s2], $0x400  }
0x32f: {  	[sflag:s2] =	ssyncset.done $0x0  }
0x330: {  	[sflag:s2] =	ssyncadd.s32 $0xFFFFFC00  }
0x331: {  	_ =	swait.ge [sflag:s2], $0x400  }
0x332: {  	[sflag:s2] =	ssyncset.done $0x0  }
0x333: {  	[sflag:s2] =	ssyncadd.s32 $0xFFFFFC00  }
0x334: {  	_ =	swait.ge [sflag:s2], $0x400  }
0x335: {  	[sflag:s2] =	ssyncset.done $0x0  }
0x336: {  	[sflag:s2] =	ssyncadd.s32 $0xFFFFFC00  }
0x337: {  	_ =	swait.ge [sflag:s2], $0x400  }
0x338: {  	[sflag:s2] =	ssyncset.done $0x0  }
0x339: {  	[sflag:s2] =	ssyncadd.s32 $0xFFFFFC00  }
0x33a: {  	_ =	swait.ge [sflag:s2], $0x400  }
0x33b: {  	[sflag:s2] =	ssyncset.done $0x0  }
0x33c: {  	[sflag:s2] =	ssyncadd.s32 $0xFFFFFC00  }
0x33d: {  	_ =	swait.ge [sflag:s2], $0x400  }
0x33e: {  	[sflag:s2] =	ssyncset.done $0x0  }
0x33f: {  	[sflag:s2] =	ssyncadd.s32 $0xFFFFFC00  }
0x340: {  	_ =	swait.ge [sflag:s2], $0x400  }
0x341: {  	[sflag:s2] =	ssyncset.done $0x0  }
0x342: {  	[sflag:s2] =	ssyncadd.s32 $0xFFFFFC00  }
0x343: {  	_ =	swait.ge [sflag:s2], $0x400  }
0x344: {  	[sflag:s2] =	ssyncset.done $0x0  }
0x345: {  	[sflag:s2] =	ssyncadd.s32 $0xFFFFFC00  }
0x346: {  	_ =	swait.ge [sflag:s2], $0x400  }
0x347: {  	[sflag:s2] =	ssyncset.done $0x0  }
0x348: {  	[sflag:s2] =	ssyncadd.s32 $0xFFFFFC00  }
0x349: {  	_ =	swait.ge [sflag:s2], $0x400  }
0x34a: {  	[sflag:s2] =	ssyncset.done $0x0  }
0x34b: {  	[sflag:s2] =	ssyncadd.s32 $0xFFFFFC00  }
0x34c: {  	_ =	swait.ge [sflag:s2], $0x400  }
0x34d: {  	[sflag:s2] =	ssyncset.done $0x0  }
0x34e: {  	[sflag:s2] =	ssyncadd.s32 $0xFFFFFC00  }
0x34f: {  	_ =	swait.ge [sflag:s2], $0x400  }
0x350: {  	[sflag:s2] =	ssyncset.done $0x0  }
0x351: {  	[sflag:s2] =	ssyncadd.s32 $0xFFFFFC00  }
0x352: {  	_ =	swait.ge [sflag:s2], $0x400  }
0x353: {  	[sflag:s2] =	ssyncset.done $0x0  }
0x354: {  	[sflag:s2] =	ssyncadd.s32 $0xFFFFFC00  }
0x355: {  	_ =	swait.ge [sflag:s2], $0x400  }
0x356: {  	[sflag:s2] =	ssyncset.done $0x0  }
0x357: {  	[sflag:s2] =	ssyncadd.s32 $0xFFFFFC00  }
0x358: {  	_ =	swait.ge [sflag:s2], $0x400  }
0x359: {  	[sflag:s2] =	ssyncset.done $0x0  }
0x35a: {  	[sflag:s2] =	ssyncadd.s32 $0xFFFFFC00  }
0x35b: {  	_ =	swait.ge [sflag:s2], $0x400  }
0x35c: {  	[sflag:s2] =	ssyncset.done $0x0  }
0x35d: {  	s3 =	simm.s32 $0x5;
	[sflag:s2] =	ssyncadd.s32 $0xFFFFFC00  }
0x35e: {  	_ =	swait.ge [sflag:s3], $0x400  }
0x35f: {  	[sflag:s3] =	ssyncset.done $0x0  }
0x360: {  	[sflag:s3] =	ssyncadd.s32 $0xFFFFFC00  }
0x361: {  	_ =	swait.ge [sflag:s3], $0x400  }
0x362: {  	[sflag:s3] =	ssyncset.done $0x0  }
0x363: {  	[sflag:s3] =	ssyncadd.s32 $0xFFFFFC00  }
0x364: {  	_ =	swait.ge [sflag:s3], $0x400  }
0x365: {  	[sflag:s3] =	ssyncset.done $0x0  }
0x366: {  	[sflag:s3] =	ssyncadd.s32 $0xFFFFFC00  }
0x367: {  	_ =	swait.ge [sflag:s3], $0x400  }
0x368: {  	[sflag:s3] =	ssyncset.done $0x0  }
0x369: {  	[sflag:s3] =	ssyncadd.s32 $0xFFFFFC00  }
0x36a: {  	_ =	swait.ge [sflag:s3], $0x400  }
0x36b: {  	[sflag:s3] =	ssyncset.done $0x0  }
0x36c: {  	[sflag:s3] =	ssyncadd.s32 $0xFFFFFC00  }
0x36d: {  	_ =	swait.ge [sflag:s3], $0x400  }
0x36e: {  	[sflag:s3] =	ssyncset.done $0x0  }
0x36f: {  	[sflag:s3] =	ssyncadd.s32 $0xFFFFFC00  }
0x370: {  	_ =	swait.ge [sflag:s3], $0x400  }
0x371: {  	[sflag:s3] =	ssyncset.done $0x0  }
0x372: {  	[sflag:s3] =	ssyncadd.s32 $0xFFFFFC00  }
0x373: {  	_ =	swait.ge [sflag:s3], $0x400  }
0x374: {  	[sflag:s3] =	ssyncset.done $0x0  }
0x375: {  	[sflag:s3] =	ssyncadd.s32 $0xFFFFFC00  }
0x376: {  	_ =	swait.ge [sflag:s3], $0x400  }
0x377: {  	[sflag:s3] =	ssyncset.done $0x0  }
0x378: {  	[sflag:s3] =	ssyncadd.s32 $0xFFFFFC00  }
0x379: {  	_ =	swait.ge [sflag:s3], $0x400  }
0x37a: {  	[sflag:s3] =	ssyncset.done $0x0  }
0x37b: {  	[sflag:s3] =	ssyncadd.s32 $0xFFFFFC00  }
0x37c: {  	_ =	swait.ge [sflag:s3], $0x400  }
0x37d: {  	[sflag:s3] =	ssyncset.done $0x0  }
0x37e: {  	[sflag:s3] =	ssyncadd.s32 $0xFFFFFC00  }
0x37f: {  	_ =	swait.ge [sflag:s3], $0x400  }
0x380: {  	[sflag:s3] =	ssyncset.done $0x0  }
0x381: {  	[sflag:s3] =	ssyncadd.s32 $0xFFFFFC00  }
0x382: {  	_ =	swait.ge [sflag:s3], $0x400  }
0x383: {  	[sflag:s3] =	ssyncset.done $0x0  }
0x384: {  	[sflag:s3] =	ssyncadd.s32 $0xFFFFFC00  }
0x385: {  	_ =	swait.ge [sflag:s3], $0x400  }
0x386: {  	[sflag:s3] =	ssyncset.done $0x0  }
0x387: {  	[sflag:s3] =	ssyncadd.s32 $0xFFFFFC00  }
0x388: {  	_ =	swait.ge [sflag:s3], $0x400  }
0x389: {  	[sflag:s3] =	ssyncset.done $0x0  }
0x38a: {  	[sflag:s3] =	ssyncadd.s32 $0xFFFFFC00  }
0x38b: {  	_ =	swait.ge [sflag:s3], $0x400  }
0x38c: {  	s4 =	rddreg [dreg:$0xc]  }
0x38d: {  	s31 =	rddreg [dreg:$0xb];
	s4 =	sadd.s32 $0x1, s4  }
0x38e: {  	p0 =	sne.s32 s4, s31  }
.Ltmp2:
0x38f: {  	_ = 	snop;
	(pc) =	sbr.rel @p0 .LBB2_1-.Ltmp2, $3  }
0x390: {  	_ =	sdelay $0x1  }
0x391: {  	[sflag:s3] =	ssyncset.done $0x0  }
0x392: {  	[sflag:s3] =	ssyncadd.s32 $0xFFFFFC00  }
0x393: {  	_ =	sfence.sel $0x180000  }
0x394: {  	[bflag:$0x0] =	sbarrier.arrive $0xFFFF  }
0x395: {  	_ =	strace $0x90000047  }
0x396: {  	s0 =	stileid.u32;
	[bflag:$0x2] =	sbarrier.arrive $0xFFFF  }
0x397: {  	p0 =	sne.s32 s0, $0x0;
	s0 =	rddreg [dreg:$0x4]  }
0x398: {  	s0 =	sadd.s32 @!p0 $0x100000, s0  }
0x399: {  	[sflag:s0] =	ssyncadd.tile.s32 @!p0 $0x1;
	_ =	shalt  }
.Lfunc_end2:
_tile_overlayer_lowered:
.L_overlay_start_2:
0x39a: {  	(tag) =	ssettag $0x2  }
0x39b: {  	s0 =	rddreg [dreg:$0x0];
	s2 =	stileid.u32  }
0x39c: {  	s1 =	rddreg [dreg:$0x1];
	p0 =	sne.s32 s2, $0x0  }
0x39d: {  	s3 =	rddreg [dreg:$0x2];
	[bflag:$0x3] =	sbarrier.arrive $0xFFFF;
	s2 =	simm.s32 @!p0 $0x1C07  }
0x39e: {  	[timem:s3], [sflag:s2] =	dma.local @!p0 [hbm:s0], s1  }
0x39f: {  	s0 =	simm.s32 @!p0 $0x7  }
0x3a0: {  	_ =	swait.ge @!p0 [sflag:s0], s1  }
0x3a1: {  	s1 =	ssub.s32 @!p0 $0x0, s1;
	[sflag:s0] =	ssyncset.done @!p0 $0x0  }
0x3a2: {  	[sflag:s0] =	ssyncadd.s32 @!p0 s1  }
0x3a3: {  	[bflag:$0x3] =	sbarrier.arrive $0xFFFF  }
0x3a4: {  	_ =	shalt  }

</sc_bundles>
